<compile_context>
chip_gen: v7x
topology: tpu7x:2x2x1
jax: 0.10.2.dev20260603
libtpu: 0.0.44.dev20260713+nightly
codegen_flags: <defaults>
</compile_context>

<pallas_src>
import functools

import jax
import jax.numpy as jnp
from jax import lax
from jax.experimental import pallas as pl
from jax.experimental.pallas import tpu as pltpu
from jax.experimental.pallas import tpu_sc as plsc

H = 8
F = 16
HF = H * F
DW = 16
NEG_SLOPE = 0.01

_NC = 2
_NS = 16
_NW = _NC * _NS



def _stage_a_body(x_ref, aer_ref, rexp_ref, i8_ref, o_ref, ot_ref):
    x = x_ref[...]
    er = jnp.dot(x, aer_ref[...], preferred_element_type=jnp.float32)
    e = jnp.where(er >= 0, er, er * NEG_SLOPE)
    ee = jnp.exp(e)
    ee128 = jnp.dot(ee, rexp_ref[...], preferred_element_type=jnp.float32)
    o_ref[...] = ee128 * x
    ot_ref[...] = lax.dot_general(
        i8_ref[...], ee, (((1,), (1,)), ((), ())),
        preferred_element_type=jnp.float32)


def _stage_a(feat, aer, rexp, i8, block_e, blk0, nblk):
    ep = nblk * block_e
    return pl.pallas_call(
        _stage_a_body,
        grid=(nblk,),
        in_specs=[
            pl.BlockSpec((block_e, HF), lambda i: (i + blk0, 0)),
            pl.BlockSpec((HF, H), lambda i: (0, 0)),
            pl.BlockSpec((H, HF), lambda i: (0, 0)),
            pl.BlockSpec((H, H), lambda i: (0, 0)),
        ],
        out_specs=[
            pl.BlockSpec((block_e, HF), lambda i: (i, 0)),
            pl.BlockSpec((H, block_e), lambda i: (0, i)),
        ],
        out_shape=[
            jax.ShapeDtypeStruct((ep, HF), jnp.float32),
            jax.ShapeDtypeStruct((H, ep), jnp.float32),
        ],
    )(feat, aer, rexp, i8)



def _stage_b(w, eet, dst, e0, n_pad, init):
    ep = w.shape[0]
    EW = ep // _NW
    C = 80
    NCH = EW // C
    RPS = n_pad // _NS
    ZR = 32
    NZ = RPS // ZR

    mesh = plsc.VectorSubcoreMesh(core_axis_name="c", subcore_axis_name="s")

    @functools.partial(
        pl.kernel,
        mesh=mesh,
        out_type=[
            jax.ShapeDtypeStruct((_NC * n_pad, HF), jnp.float32),
            jax.ShapeDtypeStruct((_NC * n_pad, DW), jnp.float32),
        ],
        compiler_params=pltpu.CompilerParams(
            use_tc_tiling_on_sc=False, needs_layout_passes=False),
        scratch_types=[
            pltpu.VMEM((C, HF), jnp.float32),
            pltpu.VMEM((C, HF), jnp.float32),
            pltpu.VMEM((C,), jnp.int32),
            pltpu.VMEM((C,), jnp.int32),
            pltpu.VMEM((H, C), jnp.float32),
            pltpu.VMEM((H, C), jnp.float32),
            pltpu.VMEM((C, DW), jnp.float32),
            pltpu.VMEM((C, DW), jnp.float32),
            pltpu.SemaphoreType.DMA,
            pltpu.SemaphoreType.DMA,
            pltpu.SemaphoreType.DMA,
            pltpu.SemaphoreType.DMA,
            pltpu.VMEM((ZR, HF), jnp.float32),
            pltpu.VMEM_SHARED((n_pad, HF), jnp.float32),
            pltpu.VMEM_SHARED((n_pad, DW), jnp.float32),
        ],
    )
    def body(*refs):
        if init is None:
            (w_hbm, eet_hbm, dst_hbm, outw_hbm, outd_hbm,
             wv0, wv1, dv0, dv1, ev0, ev1, db0, db1, seml0, seml1,
             sems0, sems1, zbuf, accw, accd) = refs
        else:
            (w_hbm, eet_hbm, dst_hbm, initw_hbm, initd_hbm,
             outw_hbm, outd_hbm,
             wv0, wv1, dv0, dv1, ev0, ev1, db0, db1, seml0, seml1,
             sems0, sems1, zbuf, accw, accd) = refs
        cid = lax.axis_index("c")
        sid = lax.axis_index("s")
        wid = cid * _NS + sid
        rb = sid * RPS
        ob = cid * n_pad + rb
        zero = jnp.zeros((16,), jnp.float32)
        ebase = wid * EW
        bufs = ((wv0, dv0, ev0, db0, seml0, sems0),
                (wv1, dv1, ev1, db1, seml1, sems1))
        lanes = lax.iota(jnp.int32, 16)

        def load(t, b):
            wvb, dvb, evb, dbb, semlb, semsb = bufs[b]
            off = ebase + t * C
            pltpu.async_copy(w_hbm.at[pl.ds(off, C)], wvb, semlb)
            pltpu.async_copy(dst_hbm.at[pl.ds(e0 + off, C)], dvb, semlb)
            pltpu.async_copy(eet_hbm.at[:, pl.ds(off, C)], evb, semlb)

        load(0, 0)

        def dbfill(k, carry):
            db0[k, pl.ds(0, 16)] = zero
            db1[k, pl.ds(0, 16)] = zero
            return carry

        lax.fori_loop(0, C, dbfill, 0)

        if init is None:
            def zfill(k, carry):
                i = k // (HF // 16)
                j = k - i * (HF // 16)
                zbuf[i, pl.ds(j * 16, 16)] = zero
                return carry

            lax.fori_loop(0, ZR * (HF // 16), zfill, 0)
            for q in range(NZ):
                pltpu.sync_copy(zbuf, accw.at[pl.ds(rb + q * ZR, ZR)])
            for q in range(RPS // C):
                pltpu.sync_copy(db0, accd.at[pl.ds(rb + q * C, C)])
        else:
            pltpu.sync_copy(initw_hbm.at[pl.ds(ob, RPS)],
                            accw.at[pl.ds(rb, RPS)])
            pltpu.sync_copy(initd_hbm.at[pl.ds(ob, RPS)],
                            accd.at[pl.ds(rb, RPS)])
        plsc.subcore_barrier()

        def wait_load(t, b):
            wvb, dvb, evb, dbb, semlb, semsb = bufs[b]
            off = ebase + t * C
            pltpu.make_async_copy(w_hbm.at[pl.ds(off, C)], wvb, semlb).wait()
            pltpu.make_async_copy(dst_hbm.at[pl.ds(e0 + off, C)], dvb, semlb).wait()
            pltpu.make_async_copy(eet_hbm.at[:, pl.ds(off, C)], evb, semlb).wait()

        def step(t, b):
            @pl.when(t + 1 < NCH)
            def _():
                load(t + 1, 1 - b)

            wait_load(t, b)
            wvb, dvb, evb, dbb, semlb, semsb = bufs[b]
            for h in range(H):
                for g in range(C // 16):
                    v = evb[h, pl.ds(g * 16, 16)]
                    plsc.store_scatter(
                        dbb, [g * 16 + lanes, jnp.full((16,), h, jnp.int32)], v)
            pltpu.sync_copy(wvb, accw.at[dvb], add=True)
            pltpu.sync_copy(dbb, accd.at[dvb], add=True)

        def pair(i, carry):
            t = 2 * i
            step(t, 0)

            @pl.when(t + 1 < NCH)
            def _():
                step(t + 1, 1)

            return carry

        lax.fori_loop(0, (NCH + 1) // 2, pair, 0)
        plsc.subcore_barrier()

        pltpu.sync_copy(accw.at[pl.ds(rb, RPS)], outw_hbm.at[pl.ds(ob, RPS)])
        pltpu.sync_copy(accd.at[pl.ds(rb, RPS)], outd_hbm.at[pl.ds(ob, RPS)])

    args = (w, eet, dst) if init is None else (w, eet, dst, init[0], init[1])
    return body(*args)



def _stage_c_body(s_ref, d_ref, rexp_ref, o_ref):
    s = s_ref[0] + s_ref[1]
    den = d_ref[0, :, 0:H] + d_ref[1, :, 0:H]
    dinv = 1.0 / jnp.maximum(den, 1e-9)
    d128 = jnp.dot(dinv, rexp_ref[...], preferred_element_type=jnp.float32)
    v = s * d128
    o_ref[...] = jnp.where(v > 0, v, jnp.exp(v) - 1.0)


def _stage_c(partsw, partsd, rexp, n_nodes, block_n):
    return pl.pallas_call(
        _stage_c_body,
        grid=(n_nodes // block_n,),
        in_specs=[
            pl.BlockSpec((_NC, block_n, HF), lambda i: (0, i, 0)),
            pl.BlockSpec((_NC, block_n, DW), lambda i: (0, i, 0)),
            pl.BlockSpec((H, HF), lambda i: (0, 0)),
        ],
        out_specs=pl.BlockSpec((block_n, HF), lambda i: (i, 0)),
        out_shape=jax.ShapeDtypeStruct((n_nodes, HF), jnp.float32),
    )(partsw, partsd, rexp)



def kernel(feat, attn_r, metapath_idx):
    E = feat.shape[0]
    n_nodes = 10000
    dst = metapath_idx[:, 0].astype(jnp.int32)

    ar = attn_r.reshape(H, F).astype(jnp.float32)
    eye = jnp.eye(H, dtype=jnp.float32)
    aer = (eye[:, :, None] * ar[:, None, :]).transpose(0, 2, 1).reshape(HF, H)
    rexp = jnp.kron(eye, jnp.ones((1, F), jnp.float32))

    n_pad = 10240
    be = 6400
    nblk1 = 20
    nblk2 = (E // be) - nblk1
    e1 = nblk1 * be

    w1, t1 = _stage_a(feat, aer, rexp, eye, be, 0, nblk1)
    w2, t2 = _stage_a(feat, aer, rexp, eye, be, nblk1, nblk2)
    p1 = _stage_b(w1, t1, dst, 0, n_pad, None)
    p2 = _stage_b(w2, t2, dst, e1, n_pad, p1)
    return _stage_c(p2[0].reshape(_NC, n_pad, HF), p2[1].reshape(_NC, n_pad, DW),
                    rexp, n_nodes, block_n=400)

# --- scband reference (transcript-rebuilt; emitter-appended) ---
"""Pipeline reference for scband-magnn-attn-intra-5308579578456 (READ-ONLY COPY).

The authoritative reference and input builder live on the scoring server;
editing this copy changes nothing except your own understanding.
"""

import jax, jax.numpy as jnp
import numpy as np

N = 10000   # number of destination nodes
E = 320000  # number of metapath instances (edges)
H = 8       # num_heads
F = 16      # out_feats
NEG_SLOPE = 0.01

def setup_inputs(seed: int = 0) -> dict:
    key = jax.random.key(seed)
    k1, k2, k3 = jax.random.split(key, 3)
    feat = jax.random.normal(k1, (E, H * F), dtype=jnp.float32)
    metapath_idx = jax.random.randint(k2, (E, 3), 0, N, dtype=jnp.int32)
    # learned parameter attn_r, xavier-normal-ish init
    attn_r = jax.random.normal(k3, (1, H, F), dtype=jnp.float32) * 0.1
    return {"feat": feat, "attn_r": attn_r, "metapath_idx": metapath_idx}

def reference(feat, attn_r, metapath_idx):
    # dropout layers are identity (p=0.0 / eval mode)
    h = feat.reshape(-1, H, F)                              # [E, H, F]
    er = jnp.sum(h * attn_r, axis=-1, keepdims=True)        # [E, H, 1]
    e = jax.nn.leaky_relu(er, negative_slope=NEG_SLOPE)     # [E, H, 1]
    dst = metapath_idx[:, 0]                                # [E]
    # edge softmax grouped by destination node (numerically stable, as in dgl)
    emax = jax.ops.segment_max(e, dst, num_segments=N)      # [N, H, 1]
    emax = jnp.where(jnp.isfinite(emax), emax, 0.0)
    ee = jnp.exp(e - emax[dst])                             # [E, H, 1]
    denom = jax.ops.segment_sum(ee, dst, num_segments=N)    # [N, H, 1]
    a = ee / jnp.maximum(denom[dst], 1e-9)                  # [E, H, 1]
    # message: u_mul_e then sum-reduce to dst nodes
    out = jax.ops.segment_sum(h * a, dst, num_segments=N)   # [N, H, F]
    out = jax.nn.elu(out)
    return out.reshape(N, H * F)

if __name__ == "__main__":
    import jax
    _d = setup_inputs()
    print(jax.jit(kernel)(*tuple(_d.values())))

</pallas_src>

<mosaic_0001>
#map = affine_map<(d0, d1) -> (0, 0)>
#map1 = affine_map<(d0, d1) -> (0)>
module attributes {stable_mosaic.version = 14 : i64} {
  func.func @body(%arg0: i32, %arg1: i32, %arg2: memref<128000x128xf32, #tpu.memory_space<hbm>>, %arg3: memref<8x128000xf32, #tpu.memory_space<hbm>>, %arg4: memref<320000xi32, #tpu.memory_space<hbm>>, %arg5: memref<20480x128xf32, #tpu.memory_space<hbm>>, %arg6: memref<20480x16xf32, #tpu.memory_space<hbm>>, %arg7: memref<80x128xf32, #tpu.memory_space<vmem>>, %arg8: memref<80x128xf32, #tpu.memory_space<vmem>>, %arg9: memref<80xi32, #tpu.memory_space<vmem>>, %arg10: memref<80xi32, #tpu.memory_space<vmem>>, %arg11: memref<8x80xf32, #tpu.memory_space<vmem>>, %arg12: memref<8x80xf32, #tpu.memory_space<vmem>>, %arg13: memref<80x16xf32, #tpu.memory_space<vmem>>, %arg14: memref<80x16xf32, #tpu.memory_space<vmem>>, %arg15: memref<!tpu.dma_semaphore, #tpu.memory_space<semaphore_mem>>, %arg16: memref<!tpu.dma_semaphore, #tpu.memory_space<semaphore_mem>>, %arg17: memref<!tpu.dma_semaphore, #tpu.memory_space<semaphore_mem>>, %arg18: memref<!tpu.dma_semaphore, #tpu.memory_space<semaphore_mem>>, %arg19: memref<32x128xf32, #tpu.memory_space<vmem>>, %arg20: memref<10240x128xf32, #tpu.memory_space<vmem_shared>>, %arg21: memref<10240x16xf32, #tpu.memory_space<vmem_shared>>) attributes {dimension_semantics = [#tpu.dimension_semantics<core_parallel>, #tpu.dimension_semantics<subcore_parallel>], iteration_bounds = array<i64: 2, 16>, scalar_prefetch = 0 : i64, scratch_operands = 15 : i64, tpu.core_type = #tpu.core_type<sc_vector_subcore>, window_params = [{transform_indices = #map}, {transform_indices = #map}, {transform_indices = #map1}, {transform_indices = #map}, {transform_indices = #map}]} {
    %mul3A = arith.constant 16 : i32
    %mul3A_0 = arith.muli %arg0, %mul3A : i32
    %add3A = arith.addi %mul3A_0, %arg1 : i32
    %mul3A_1 = arith.constant 640 : i32
    %mul3A_2 = arith.muli %arg1, %mul3A_1 : i32
    %mul3A_3 = arith.constant 10240 : i32
    %mul3A_4 = arith.muli %arg0, %mul3A_3 : i32
    %add3A_5 = arith.addi %mul3A_4, %mul3A_2 : i32
    %broadcast_in_dim3A = arith.constant 0.000000e+00 : f32
    %broadcast_in_dim3A_6 = vector.broadcast %broadcast_in_dim3A : f32 to vector<16xf32>
    %mul3A_7 = arith.constant 4000 : i32
    %mul3A_8 = arith.muli %add3A, %mul3A_7 : i32
    %iota3A = tpu.iota {dimensions = array<i32: 0>} : vector<16xi32>
    %add3A_9 = arith.constant 0 : i32
    %add3A_10 = arith.addi %mul3A_8, %add3A_9 : i32
    %dma_start3A = arith.constant 0 : i32
    %dma_start3A_11 = tpu.memref_slice %arg2[%add3A_10, %dma_start3A] : memref<128000x128xf32, #tpu.memory_space<hbm>> -> memref<80x128xf32, #tpu.memory_space<hbm>>
    %dma_start3A_12 = arith.constant 0 : i32
    %dma_start3A_13 = tpu.memref_slice %arg2[%add3A_10, %dma_start3A_12] : memref<128000x128xf32, #tpu.memory_space<hbm>> -> memref<80x128xf32, #tpu.memory_space<hbm>>
    tpu.enqueue_dma source(%dma_start3A_13 : memref<80x128xf32, #tpu.memory_space<hbm>>) target(%arg7 : memref<80x128xf32, #tpu.memory_space<vmem>>) target_semaphore(%arg15 : memref<!tpu.dma_semaphore, #tpu.memory_space<semaphore_mem>>)
    %add3A_14 = arith.constant 0 : i32
    %add3A_15 = arith.addi %add3A_14, %add3A_10 : i32
    %dma_start3A_16 = tpu.memref_slice %arg4[%add3A_15] : memref<320000xi32, #tpu.memory_space<hbm>> -> memref<80xi32, #tpu.memory_space<hbm>>
    %dma_start3A_17 = tpu.memref_slice %arg4[%add3A_15] : memref<320000xi32, #tpu.memory_space<hbm>> -> memref<80xi32, #tpu.memory_space<hbm>>
    tpu.enqueue_dma source(%dma_start3A_17 : memref<80xi32, #tpu.memory_space<hbm>>) target(%arg9 : memref<80xi32, #tpu.memory_space<vmem>>) target_semaphore(%arg15 : memref<!tpu.dma_semaphore, #tpu.memory_space<semaphore_mem>>)
    %dma_start3A_18 = arith.constant 0 : i32
    %dma_start3A_19 = tpu.memref_slice %arg3[%dma_start3A_18, %add3A_10] : memref<8x128000xf32, #tpu.memory_space<hbm>> -> memref<8x80xf32, #tpu.memory_space<hbm>>
    %dma_start3A_20 = arith.constant 0 : i32
    %dma_start3A_21 = tpu.memref_slice %arg3[%dma_start3A_20, %add3A_10] : memref<8x128000xf32, #tpu.memory_space<hbm>> -> memref<8x80xf32, #tpu.memory_space<hbm>>
    tpu.enqueue_dma source(%dma_start3A_21 : memref<8x80xf32, #tpu.memory_space<hbm>>) target(%arg11 : memref<8x80xf32, #tpu.memory_space<vmem>>) target_semaphore(%arg15 : memref<!tpu.dma_semaphore, #tpu.memory_space<semaphore_mem>>)
    %scan3A = arith.constant 0 : i32
    %scan3A_22 = arith.constant 0 : i32
    %scan3A_23 = arith.constant 80 : i32
    %scan3A_24 = arith.addi %scan3A_22, %scan3A_23 : i32
    %scan3A_25 = arith.constant 1 : i32
    scf.for %scan3A_96 = %scan3A_22 to %scan3A_24 step %scan3A_25  : i32 {
      %swap3A = arith.index_cast %scan3A_96 : i32 to index
      %swap3A_97 = arith.constant 0 : index
      %swap3A_98 = tpu.vector_load %arg13[%swap3A, %swap3A_97] {strides = array<i32>} : memref<80x16xf32, #tpu.memory_space<vmem>>, vector<16xf32>,
      tpu.vector_store %arg13[%swap3A, %swap3A_97], %broadcast_in_dim3A_6 {strides = array<i32>} : memref<80x16xf32, #tpu.memory_space<vmem>>, vector<16xf32>,
      %swap3A_99 = arith.index_cast %scan3A_96 : i32 to index
      %swap3A_100 = arith.constant 0 : index
      %swap3A_101 = tpu.vector_load %arg14[%swap3A_99, %swap3A_100] {strides = array<i32>} : memref<80x16xf32, #tpu.memory_space<vmem>>, vector<16xf32>,
      tpu.vector_store %arg14[%swap3A_99, %swap3A_100], %broadcast_in_dim3A_6 {strides = array<i32>} : memref<80x16xf32, #tpu.memory_space<vmem>>, vector<16xf32>,
    }
    %scan3A_26 = arith.constant 80 : i32
    %scan3A_27 = arith.constant 0 : i32
    %scan3A_28 = arith.constant 0 : i32
    %scan3A_29 = arith.constant 256 : i32
    %scan3A_30 = arith.addi %scan3A_28, %scan3A_29 : i32
    %scan3A_31 = arith.constant 1 : i32
    scf.for %scan3A_96 = %scan3A_28 to %scan3A_30 step %scan3A_31  : i32 {
      %jit3A = arith.constant 8 : i32
      %div3A = arith.divsi %scan3A_96, %jit3A : i32
      %sign3A = arith.constant 0 : i32
      %sign3A_97 = arith.cmpi sgt, %scan3A_96, %sign3A : i32
      %sign3A_98 = arith.extui %sign3A_97 : i1 to i32
      %sign3A_99 = arith.constant 0 : i32
      %sign3A_100 = arith.cmpi slt, %scan3A_96, %sign3A_99 : i32
      %sign3A_101 = arith.extui %sign3A_100 : i1 to i32
      %sign3A_102 = arith.subi %sign3A_98, %sign3A_101 : i32
      %sign3A_103 = arith.constant 0 : i32
      %sign3A_104 = arith.cmpi sgt, %jit3A, %sign3A_103 : i32
      %sign3A_105 = arith.extui %sign3A_104 : i1 to i32
      %sign3A_106 = arith.constant 0 : i32
      %sign3A_107 = arith.cmpi slt, %jit3A, %sign3A_106 : i32
      %sign3A_108 = arith.extui %sign3A_107 : i1 to i32
      %sign3A_109 = arith.subi %sign3A_105, %sign3A_108 : i32
      %ne3A = arith.cmpi ne, %sign3A_102, %sign3A_109 : i32
      %rem3A = arith.remsi %scan3A_96, %jit3A : i32
      %ne3A_110 = arith.constant 0 : i32
      %ne3A_111 = arith.cmpi ne, %rem3A, %ne3A_110 : i32
      %and3A = arith.andi %ne3A, %ne3A_111 : i1
      %sub3A = arith.constant 1 : i32
      %sub3A_112 = arith.subi %div3A, %sub3A : i32
      %select_n3A = arith.select %and3A, %sub3A_112, %div3A : i32
      %mul3A_113 = arith.constant 8 : i32
      %mul3A_114 = arith.muli %select_n3A, %mul3A_113 : i32
      %sub3A_115 = arith.subi %scan3A_96, %mul3A_114 : i32
      %mul3A_116 = arith.constant 16 : i32
      %mul3A_117 = arith.muli %sub3A_115, %mul3A_116 : i32
      %swap3A = arith.index_cast %select_n3A : i32 to index
      %swap3A_118 = arith.index_cast %mul3A_117 : i32 to index
      %swap3A_119 = tpu.vector_load %arg19[%swap3A, %swap3A_118] {strides = array<i32>} : memref<32x128xf32, #tpu.memory_space<vmem>>, vector<16xf32>,
      tpu.vector_store %arg19[%swap3A, %swap3A_118], %broadcast_in_dim3A_6 {strides = array<i32>} : memref<32x128xf32, #tpu.memory_space<vmem>>, vector<16xf32>,
    }
    %scan3A_32 = arith.constant 256 : i32
    %add3A_33 = arith.constant 0 : i32
    %add3A_34 = arith.addi %mul3A_2, %add3A_33 : i32
    "tpu.region"() ({
      %run_scoped3A = tpu.sem_alloc : memref<!tpu.dma_semaphore, #tpu.memory_space<semaphore_mem>>
      %dma_start3A_96 = arith.constant 0 : i32
      %dma_start3A_97 = tpu.memref_slice %arg20[%add3A_34, %dma_start3A_96] : memref<10240x128xf32, #tpu.memory_space<vmem_shared>> -> memref<32x128xf32, #tpu.memory_space<vmem_shared>>
      %dma_start3A_98 = arith.constant 0 : i32
      %dma_start3A_99 = tpu.memref_slice %arg20[%add3A_34, %dma_start3A_98] : memref<10240x128xf32, #tpu.memory_space<vmem_shared>> -> memref<32x128xf32, #tpu.memory_space<vmem_shared>>
      tpu.enqueue_dma source(%arg19 : memref<32x128xf32, #tpu.memory_space<vmem>>) target(%dma_start3A_99 : memref<32x128xf32, #tpu.memory_space<vmem_shared>>) target_semaphore(%run_scoped3A : memref<!tpu.dma_semaphore, #tpu.memory_space<semaphore_mem>>)
      %dma_wait3A = arith.constant 0 : i32
      %dma_wait3A_100 = tpu.memref_slice %arg20[%add3A_34, %dma_wait3A] : memref<10240x128xf32, #tpu.memory_space<vmem_shared>> -> memref<32x128xf32, #tpu.memory_space<vmem_shared>>
      %dma_wait3A_101 = arith.constant 0 : i32
      %dma_wait3A_102 = tpu.memref_slice %arg20[%add3A_34, %dma_wait3A_101] : memref<10240x128xf32, #tpu.memory_space<vmem_shared>> -> memref<32x128xf32, #tpu.memory_space<vmem_shared>>
      tpu.wait_dma2 semaphore(%run_scoped3A : memref<!tpu.dma_semaphore, #tpu.memory_space<semaphore_mem>>) src(%arg19 : memref<32x128xf32, #tpu.memory_space<vmem>>) dst(%dma_wait3A_102 : memref<32x128xf32, #tpu.memory_space<vmem_shared>>)
      tpu.yield
    }) : () -> ()
    %add3A_35 = arith.constant 32 : i32
    %add3A_36 = arith.addi %mul3A_2, %add3A_35 : i32
    "tpu.region"() ({
      %run_scoped3A = tpu.sem_alloc : memref<!tpu.dma_semaphore, #tpu.memory_space<semaphore_mem>>
      %dma_start3A_96 = arith.constant 0 : i32
      %dma_start3A_97 = tpu.memref_slice %arg20[%add3A_36, %dma_start3A_96] : memref<10240x128xf32, #tpu.memory_space<vmem_shared>> -> memref<32x128xf32, #tpu.memory_space<vmem_shared>>
      %dma_start3A_98 = arith.constant 0 : i32
      %dma_start3A_99 = tpu.memref_slice %arg20[%add3A_36, %dma_start3A_98] : memref<10240x128xf32, #tpu.memory_space<vmem_shared>> -> memref<32x128xf32, #tpu.memory_space<vmem_shared>>
      tpu.enqueue_dma source(%arg19 : memref<32x128xf32, #tpu.memory_space<vmem>>) target(%dma_start3A_99 : memref<32x128xf32, #tpu.memory_space<vmem_shared>>) target_semaphore(%run_scoped3A : memref<!tpu.dma_semaphore, #tpu.memory_space<semaphore_mem>>)
      %dma_wait3A = arith.constant 0 : i32
      %dma_wait3A_100 = tpu.memref_slice %arg20[%add3A_36, %dma_wait3A] : memref<10240x128xf32, #tpu.memory_space<vmem_shared>> -> memref<32x128xf32, #tpu.memory_space<vmem_shared>>
      %dma_wait3A_101 = arith.constant 0 : i32
      %dma_wait3A_102 = tpu.memref_slice %arg20[%add3A_36, %dma_wait3A_101] : memref<10240x128xf32, #tpu.memory_space<vmem_shared>> -> memref<32x128xf32, #tpu.memory_space<vmem_shared>>
      tpu.wait_dma2 semaphore(%run_scoped3A : memref<!tpu.dma_semaphore, #tpu.memory_space<semaphore_mem>>) src(%arg19 : memref<32x128xf32, #tpu.memory_space<vmem>>) dst(%dma_wait3A_102 : memref<32x128xf32, #tpu.memory_space<vmem_shared>>)
      tpu.yield
    }) : () -> ()
    %add3A_37 = arith.constant 64 : i32
    %add3A_38 = arith.addi %mul3A_2, %add3A_37 : i32
    "tpu.region"() ({
      %run_scoped3A = tpu.sem_alloc : memref<!tpu.dma_semaphore, #tpu.memory_space<semaphore_mem>>
      %dma_start3A_96 = arith.constant 0 : i32
      %dma_start3A_97 = tpu.memref_slice %arg20[%add3A_38, %dma_start3A_96] : memref<10240x128xf32, #tpu.memory_space<vmem_shared>> -> memref<32x128xf32, #tpu.memory_space<vmem_shared>>
      %dma_start3A_98 = arith.constant 0 : i32
      %dma_start3A_99 = tpu.memref_slice %arg20[%add3A_38, %dma_start3A_98] : memref<10240x128xf32, #tpu.memory_space<vmem_shared>> -> memref<32x128xf32, #tpu.memory_space<vmem_shared>>
      tpu.enqueue_dma source(%arg19 : memref<32x128xf32, #tpu.memory_space<vmem>>) target(%dma_start3A_99 : memref<32x128xf32, #tpu.memory_space<vmem_shared>>) target_semaphore(%run_scoped3A : memref<!tpu.dma_semaphore, #tpu.memory_space<semaphore_mem>>)
      %dma_wait3A = arith.constant 0 : i32
      %dma_wait3A_100 = tpu.memref_slice %arg20[%add3A_38, %dma_wait3A] : memref<10240x128xf32, #tpu.memory_space<vmem_shared>> -> memref<32x128xf32, #tpu.memory_space<vmem_shared>>
      %dma_wait3A_101 = arith.constant 0 : i32
      %dma_wait3A_102 = tpu.memref_slice %arg20[%add3A_38, %dma_wait3A_101] : memref<10240x128xf32, #tpu.memory_space<vmem_shared>> -> memref<32x128xf32, #tpu.memory_space<vmem_shared>>
      tpu.wait_dma2 semaphore(%run_scoped3A : memref<!tpu.dma_semaphore, #tpu.memory_space<semaphore_mem>>) src(%arg19 : memref<32x128xf32, #tpu.memory_space<vmem>>) dst(%dma_wait3A_102 : memref<32x128xf32, #tpu.memory_space<vmem_shared>>)
      tpu.yield
    }) : () -> ()
    %add3A_39 = arith.constant 96 : i32
    %add3A_40 = arith.addi %mul3A_2, %add3A_39 : i32
    "tpu.region"() ({
      %run_scoped3A = tpu.sem_alloc : memref<!tpu.dma_semaphore, #tpu.memory_space<semaphore_mem>>
      %dma_start3A_96 = arith.constant 0 : i32
      %dma_start3A_97 = tpu.memref_slice %arg20[%add3A_40, %dma_start3A_96] : memref<10240x128xf32, #tpu.memory_space<vmem_shared>> -> memref<32x128xf32, #tpu.memory_space<vmem_shared>>
      %dma_start3A_98 = arith.constant 0 : i32
      %dma_start3A_99 = tpu.memref_slice %arg20[%add3A_40, %dma_start3A_98] : memref<10240x128xf32, #tpu.memory_space<vmem_shared>> -> memref<32x128xf32, #tpu.memory_space<vmem_shared>>
      tpu.enqueue_dma source(%arg19 : memref<32x128xf32, #tpu.memory_space<vmem>>) target(%dma_start3A_99 : memref<32x128xf32, #tpu.memory_space<vmem_shared>>) target_semaphore(%run_scoped3A : memref<!tpu.dma_semaphore, #tpu.memory_space<semaphore_mem>>)
      %dma_wait3A = arith.constant 0 : i32
      %dma_wait3A_100 = tpu.memref_slice %arg20[%add3A_40, %dma_wait3A] : memref<10240x128xf32, #tpu.memory_space<vmem_shared>> -> memref<32x128xf32, #tpu.memory_space<vmem_shared>>
      %dma_wait3A_101 = arith.constant 0 : i32
      %dma_wait3A_102 = tpu.memref_slice %arg20[%add3A_40, %dma_wait3A_101] : memref<10240x128xf32, #tpu.memory_space<vmem_shared>> -> memref<32x128xf32, #tpu.memory_space<vmem_shared>>
      tpu.wait_dma2 semaphore(%run_scoped3A : memref<!tpu.dma_semaphore, #tpu.memory_space<semaphore_mem>>) src(%arg19 : memref<32x128xf32, #tpu.memory_space<vmem>>) dst(%dma_wait3A_102 : memref<32x128xf32, #tpu.memory_space<vmem_shared>>)
      tpu.yield
    }) : () -> ()
    %add3A_41 = arith.constant 128 : i32
    %add3A_42 = arith.addi %mul3A_2, %add3A_41 : i32
    "tpu.region"() ({
      %run_scoped3A = tpu.sem_alloc : memref<!tpu.dma_semaphore, #tpu.memory_space<semaphore_mem>>
      %dma_start3A_96 = arith.constant 0 : i32
      %dma_start3A_97 = tpu.memref_slice %arg20[%add3A_42, %dma_start3A_96] : memref<10240x128xf32, #tpu.memory_space<vmem_shared>> -> memref<32x128xf32, #tpu.memory_space<vmem_shared>>
      %dma_start3A_98 = arith.constant 0 : i32
      %dma_start3A_99 = tpu.memref_slice %arg20[%add3A_42, %dma_start3A_98] : memref<10240x128xf32, #tpu.memory_space<vmem_shared>> -> memref<32x128xf32, #tpu.memory_space<vmem_shared>>
      tpu.enqueue_dma source(%arg19 : memref<32x128xf32, #tpu.memory_space<vmem>>) target(%dma_start3A_99 : memref<32x128xf32, #tpu.memory_space<vmem_shared>>) target_semaphore(%run_scoped3A : memref<!tpu.dma_semaphore, #tpu.memory_space<semaphore_mem>>)
      %dma_wait3A = arith.constant 0 : i32
      %dma_wait3A_100 = tpu.memref_slice %arg20[%add3A_42, %dma_wait3A] : memref<10240x128xf32, #tpu.memory_space<vmem_shared>> -> memref<32x128xf32, #tpu.memory_space<vmem_shared>>
      %dma_wait3A_101 = arith.constant 0 : i32
      %dma_wait3A_102 = tpu.memref_slice %arg20[%add3A_42, %dma_wait3A_101] : memref<10240x128xf32, #tpu.memory_space<vmem_shared>> -> memref<32x128xf32, #tpu.memory_space<vmem_shared>>
      tpu.wait_dma2 semaphore(%run_scoped3A : memref<!tpu.dma_semaphore, #tpu.memory_space<semaphore_mem>>) src(%arg19 : memref<32x128xf32, #tpu.memory_space<vmem>>) dst(%dma_wait3A_102 : memref<32x128xf32, #tpu.memory_space<vmem_shared>>)
      tpu.yield
    }) : () -> ()
    %add3A_43 = arith.constant 160 : i32
    %add3A_44 = arith.addi %mul3A_2, %add3A_43 : i32
    "tpu.region"() ({
      %run_scoped3A = tpu.sem_alloc : memref<!tpu.dma_semaphore, #tpu.memory_space<semaphore_mem>>
      %dma_start3A_96 = arith.constant 0 : i32
      %dma_start3A_97 = tpu.memref_slice %arg20[%add3A_44, %dma_start3A_96] : memref<10240x128xf32, #tpu.memory_space<vmem_shared>> -> memref<32x128xf32, #tpu.memory_space<vmem_shared>>
      %dma_start3A_98 = arith.constant 0 : i32
      %dma_start3A_99 = tpu.memref_slice %arg20[%add3A_44, %dma_start3A_98] : memref<10240x128xf32, #tpu.memory_space<vmem_shared>> -> memref<32x128xf32, #tpu.memory_space<vmem_shared>>
      tpu.enqueue_dma source(%arg19 : memref<32x128xf32, #tpu.memory_space<vmem>>) target(%dma_start3A_99 : memref<32x128xf32, #tpu.memory_space<vmem_shared>>) target_semaphore(%run_scoped3A : memref<!tpu.dma_semaphore, #tpu.memory_space<semaphore_mem>>)
      %dma_wait3A = arith.constant 0 : i32
      %dma_wait3A_100 = tpu.memref_slice %arg20[%add3A_44, %dma_wait3A] : memref<10240x128xf32, #tpu.memory_space<vmem_shared>> -> memref<32x128xf32, #tpu.memory_space<vmem_shared>>
      %dma_wait3A_101 = arith.constant 0 : i32
      %dma_wait3A_102 = tpu.memref_slice %arg20[%add3A_44, %dma_wait3A_101] : memref<10240x128xf32, #tpu.memory_space<vmem_shared>> -> memref<32x128xf32, #tpu.memory_space<vmem_shared>>
      tpu.wait_dma2 semaphore(%run_scoped3A : memref<!tpu.dma_semaphore, #tpu.memory_space<semaphore_mem>>) src(%arg19 : memref<32x128xf32, #tpu.memory_space<vmem>>) dst(%dma_wait3A_102 : memref<32x128xf32, #tpu.memory_space<vmem_shared>>)
      tpu.yield
    }) : () -> ()
    %add3A_45 = arith.constant 192 : i32
    %add3A_46 = arith.addi %mul3A_2, %add3A_45 : i32
    "tpu.region"() ({
      %run_scoped3A = tpu.sem_alloc : memref<!tpu.dma_semaphore, #tpu.memory_space<semaphore_mem>>
      %dma_start3A_96 = arith.constant 0 : i32
      %dma_start3A_97 = tpu.memref_slice %arg20[%add3A_46, %dma_start3A_96] : memref<10240x128xf32, #tpu.memory_space<vmem_shared>> -> memref<32x128xf32, #tpu.memory_space<vmem_shared>>
      %dma_start3A_98 = arith.constant 0 : i32
      %dma_start3A_99 = tpu.memref_slice %arg20[%add3A_46, %dma_start3A_98] : memref<10240x128xf32, #tpu.memory_space<vmem_shared>> -> memref<32x128xf32, #tpu.memory_space<vmem_shared>>
      tpu.enqueue_dma source(%arg19 : memref<32x128xf32, #tpu.memory_space<vmem>>) target(%dma_start3A_99 : memref<32x128xf32, #tpu.memory_space<vmem_shared>>) target_semaphore(%run_scoped3A : memref<!tpu.dma_semaphore, #tpu.memory_space<semaphore_mem>>)
      %dma_wait3A = arith.constant 0 : i32
      %dma_wait3A_100 = tpu.memref_slice %arg20[%add3A_46, %dma_wait3A] : memref<10240x128xf32, #tpu.memory_space<vmem_shared>> -> memref<32x128xf32, #tpu.memory_space<vmem_shared>>
      %dma_wait3A_101 = arith.constant 0 : i32
      %dma_wait3A_102 = tpu.memref_slice %arg20[%add3A_46, %dma_wait3A_101] : memref<10240x128xf32, #tpu.memory_space<vmem_shared>> -> memref<32x128xf32, #tpu.memory_space<vmem_shared>>
      tpu.wait_dma2 semaphore(%run_scoped3A : memref<!tpu.dma_semaphore, #tpu.memory_space<semaphore_mem>>) src(%arg19 : memref<32x128xf32, #tpu.memory_space<vmem>>) dst(%dma_wait3A_102 : memref<32x128xf32, #tpu.memory_space<vmem_shared>>)
      tpu.yield
    }) : () -> ()
    %add3A_47 = arith.constant 224 : i32
    %add3A_48 = arith.addi %mul3A_2, %add3A_47 : i32
    "tpu.region"() ({
      %run_scoped3A = tpu.sem_alloc : memref<!tpu.dma_semaphore, #tpu.memory_space<semaphore_mem>>
      %dma_start3A_96 = arith.constant 0 : i32
      %dma_start3A_97 = tpu.memref_slice %arg20[%add3A_48, %dma_start3A_96] : memref<10240x128xf32, #tpu.memory_space<vmem_shared>> -> memref<32x128xf32, #tpu.memory_space<vmem_shared>>
      %dma_start3A_98 = arith.constant 0 : i32
      %dma_start3A_99 = tpu.memref_slice %arg20[%add3A_48, %dma_start3A_98] : memref<10240x128xf32, #tpu.memory_space<vmem_shared>> -> memref<32x128xf32, #tpu.memory_space<vmem_shared>>
      tpu.enqueue_dma source(%arg19 : memref<32x128xf32, #tpu.memory_space<vmem>>) target(%dma_start3A_99 : memref<32x128xf32, #tpu.memory_space<vmem_shared>>) target_semaphore(%run_scoped3A : memref<!tpu.dma_semaphore, #tpu.memory_space<semaphore_mem>>)
      %dma_wait3A = arith.constant 0 : i32
      %dma_wait3A_100 = tpu.memref_slice %arg20[%add3A_48, %dma_wait3A] : memref<10240x128xf32, #tpu.memory_space<vmem_shared>> -> memref<32x128xf32, #tpu.memory_space<vmem_shared>>
      %dma_wait3A_101 = arith.constant 0 : i32
      %dma_wait3A_102 = tpu.memref_slice %arg20[%add3A_48, %dma_wait3A_101] : memref<10240x128xf32, #tpu.memory_space<vmem_shared>> -> memref<32x128xf32, #tpu.memory_space<vmem_shared>>
      tpu.wait_dma2 semaphore(%run_scoped3A : memref<!tpu.dma_semaphore, #tpu.memory_space<semaphore_mem>>) src(%arg19 : memref<32x128xf32, #tpu.memory_space<vmem>>) dst(%dma_wait3A_102 : memref<32x128xf32, #tpu.memory_space<vmem_shared>>)
      tpu.yield
    }) : () -> ()
    %add3A_49 = arith.constant 256 : i32
    %add3A_50 = arith.addi %mul3A_2, %add3A_49 : i32
    "tpu.region"() ({
      %run_scoped3A = tpu.sem_alloc : memref<!tpu.dma_semaphore, #tpu.memory_space<semaphore_mem>>
      %dma_start3A_96 = arith.constant 0 : i32
      %dma_start3A_97 = tpu.memref_slice %arg20[%add3A_50, %dma_start3A_96] : memref<10240x128xf32, #tpu.memory_space<vmem_shared>> -> memref<32x128xf32, #tpu.memory_space<vmem_shared>>
      %dma_start3A_98 = arith.constant 0 : i32
      %dma_start3A_99 = tpu.memref_slice %arg20[%add3A_50, %dma_start3A_98] : memref<10240x128xf32, #tpu.memory_space<vmem_shared>> -> memref<32x128xf32, #tpu.memory_space<vmem_shared>>
      tpu.enqueue_dma source(%arg19 : memref<32x128xf32, #tpu.memory_space<vmem>>) target(%dma_start3A_99 : memref<32x128xf32, #tpu.memory_space<vmem_shared>>) target_semaphore(%run_scoped3A : memref<!tpu.dma_semaphore, #tpu.memory_space<semaphore_mem>>)
      %dma_wait3A = arith.constant 0 : i32
      %dma_wait3A_100 = tpu.memref_slice %arg20[%add3A_50, %dma_wait3A] : memref<10240x128xf32, #tpu.memory_space<vmem_shared>> -> memref<32x128xf32, #tpu.memory_space<vmem_shared>>
      %dma_wait3A_101 = arith.constant 0 : i32
      %dma_wait3A_102 = tpu.memref_slice %arg20[%add3A_50, %dma_wait3A_101] : memref<10240x128xf32, #tpu.memory_space<vmem_shared>> -> memref<32x128xf32, #tpu.memory_space<vmem_shared>>
      tpu.wait_dma2 semaphore(%run_scoped3A : memref<!tpu.dma_semaphore, #tpu.memory_space<semaphore_mem>>) src(%arg19 : memref<32x128xf32, #tpu.memory_space<vmem>>) dst(%dma_wait3A_102 : memref<32x128xf32, #tpu.memory_space<vmem_shared>>)
      tpu.yield
    }) : () -> ()
    %add3A_51 = arith.constant 288 : i32
    %add3A_52 = arith.addi %mul3A_2, %add3A_51 : i32
    "tpu.region"() ({
      %run_scoped3A = tpu.sem_alloc : memref<!tpu.dma_semaphore, #tpu.memory_space<semaphore_mem>>
      %dma_start3A_96 = arith.constant 0 : i32
      %dma_start3A_97 = tpu.memref_slice %arg20[%add3A_52, %dma_start3A_96] : memref<10240x128xf32, #tpu.memory_space<vmem_shared>> -> memref<32x128xf32, #tpu.memory_space<vmem_shared>>
      %dma_start3A_98 = arith.constant 0 : i32
      %dma_start3A_99 = tpu.memref_slice %arg20[%add3A_52, %dma_start3A_98] : memref<10240x128xf32, #tpu.memory_space<vmem_shared>> -> memref<32x128xf32, #tpu.memory_space<vmem_shared>>
      tpu.enqueue_dma source(%arg19 : memref<32x128xf32, #tpu.memory_space<vmem>>) target(%dma_start3A_99 : memref<32x128xf32, #tpu.memory_space<vmem_shared>>) target_semaphore(%run_scoped3A : memref<!tpu.dma_semaphore, #tpu.memory_space<semaphore_mem>>)
      %dma_wait3A = arith.constant 0 : i32
      %dma_wait3A_100 = tpu.memref_slice %arg20[%add3A_52, %dma_wait3A] : memref<10240x128xf32, #tpu.memory_space<vmem_shared>> -> memref<32x128xf32, #tpu.memory_space<vmem_shared>>
      %dma_wait3A_101 = arith.constant 0 : i32
      %dma_wait3A_102 = tpu.memref_slice %arg20[%add3A_52, %dma_wait3A_101] : memref<10240x128xf32, #tpu.memory_space<vmem_shared>> -> memref<32x128xf32, #tpu.memory_space<vmem_shared>>
      tpu.wait_dma2 semaphore(%run_scoped3A : memref<!tpu.dma_semaphore, #tpu.memory_space<semaphore_mem>>) src(%arg19 : memref<32x128xf32, #tpu.memory_space<vmem>>) dst(%dma_wait3A_102 : memref<32x128xf32, #tpu.memory_space<vmem_shared>>)
      tpu.yield
    }) : () -> ()
    %add3A_53 = arith.constant 320 : i32
    %add3A_54 = arith.addi %mul3A_2, %add3A_53 : i32
    "tpu.region"() ({
      %run_scoped3A = tpu.sem_alloc : memref<!tpu.dma_semaphore, #tpu.memory_space<semaphore_mem>>
      %dma_start3A_96 = arith.constant 0 : i32
      %dma_start3A_97 = tpu.memref_slice %arg20[%add3A_54, %dma_start3A_96] : memref<10240x128xf32, #tpu.memory_space<vmem_shared>> -> memref<32x128xf32, #tpu.memory_space<vmem_shared>>
      %dma_start3A_98 = arith.constant 0 : i32
      %dma_start3A_99 = tpu.memref_slice %arg20[%add3A_54, %dma_start3A_98] : memref<10240x128xf32, #tpu.memory_space<vmem_shared>> -> memref<32x128xf32, #tpu.memory_space<vmem_shared>>
      tpu.enqueue_dma source(%arg19 : memref<32x128xf32, #tpu.memory_space<vmem>>) target(%dma_start3A_99 : memref<32x128xf32, #tpu.memory_space<vmem_shared>>) target_semaphore(%run_scoped3A : memref<!tpu.dma_semaphore, #tpu.memory_space<semaphore_mem>>)
      %dma_wait3A = arith.constant 0 : i32
      %dma_wait3A_100 = tpu.memref_slice %arg20[%add3A_54, %dma_wait3A] : memref<10240x128xf32, #tpu.memory_space<vmem_shared>> -> memref<32x128xf32, #tpu.memory_space<vmem_shared>>
      %dma_wait3A_101 = arith.constant 0 : i32
      %dma_wait3A_102 = tpu.memref_slice %arg20[%add3A_54, %dma_wait3A_101] : memref<10240x128xf32, #tpu.memory_space<vmem_shared>> -> memref<32x128xf32, #tpu.memory_space<vmem_shared>>
      tpu.wait_dma2 semaphore(%run_scoped3A : memref<!tpu.dma_semaphore, #tpu.memory_space<semaphore_mem>>) src(%arg19 : memref<32x128xf32, #tpu.memory_space<vmem>>) dst(%dma_wait3A_102 : memref<32x128xf32, #tpu.memory_space<vmem_shared>>)
      tpu.yield
    }) : () -> ()
    %add3A_55 = arith.constant 352 : i32
    %add3A_56 = arith.addi %mul3A_2, %add3A_55 : i32
    "tpu.region"() ({
      %run_scoped3A = tpu.sem_alloc : memref<!tpu.dma_semaphore, #tpu.memory_space<semaphore_mem>>
      %dma_start3A_96 = arith.constant 0 : i32
      %dma_start3A_97 = tpu.memref_slice %arg20[%add3A_56, %dma_start3A_96] : memref<10240x128xf32, #tpu.memory_space<vmem_shared>> -> memref<32x128xf32, #tpu.memory_space<vmem_shared>>
      %dma_start3A_98 = arith.constant 0 : i32
      %dma_start3A_99 = tpu.memref_slice %arg20[%add3A_56, %dma_start3A_98] : memref<10240x128xf32, #tpu.memory_space<vmem_shared>> -> memref<32x128xf32, #tpu.memory_space<vmem_shared>>
      tpu.enqueue_dma source(%arg19 : memref<32x128xf32, #tpu.memory_space<vmem>>) target(%dma_start3A_99 : memref<32x128xf32, #tpu.memory_space<vmem_shared>>) target_semaphore(%run_scoped3A : memref<!tpu.dma_semaphore, #tpu.memory_space<semaphore_mem>>)
      %dma_wait3A = arith.constant 0 : i32
      %dma_wait3A_100 = tpu.memref_slice %arg20[%add3A_56, %dma_wait3A] : memref<10240x128xf32, #tpu.memory_space<vmem_shared>> -> memref<32x128xf32, #tpu.memory_space<vmem_shared>>
      %dma_wait3A_101 = arith.constant 0 : i32
      %dma_wait3A_102 = tpu.memref_slice %arg20[%add3A_56, %dma_wait3A_101] : memref<10240x128xf32, #tpu.memory_space<vmem_shared>> -> memref<32x128xf32, #tpu.memory_space<vmem_shared>>
      tpu.wait_dma2 semaphore(%run_scoped3A : memref<!tpu.dma_semaphore, #tpu.memory_space<semaphore_mem>>) src(%arg19 : memref<32x128xf32, #tpu.memory_space<vmem>>) dst(%dma_wait3A_102 : memref<32x128xf32, #tpu.memory_space<vmem_shared>>)
      tpu.yield
    }) : () -> ()
    %add3A_57 = arith.constant 384 : i32
    %add3A_58 = arith.addi %mul3A_2, %add3A_57 : i32
    "tpu.region"() ({
      %run_scoped3A = tpu.sem_alloc : memref<!tpu.dma_semaphore, #tpu.memory_space<semaphore_mem>>
      %dma_start3A_96 = arith.constant 0 : i32
      %dma_start3A_97 = tpu.memref_slice %arg20[%add3A_58, %dma_start3A_96] : memref<10240x128xf32, #tpu.memory_space<vmem_shared>> -> memref<32x128xf32, #tpu.memory_space<vmem_shared>>
      %dma_start3A_98 = arith.constant 0 : i32
      %dma_start3A_99 = tpu.memref_slice %arg20[%add3A_58, %dma_start3A_98] : memref<10240x128xf32, #tpu.memory_space<vmem_shared>> -> memref<32x128xf32, #tpu.memory_space<vmem_shared>>
      tpu.enqueue_dma source(%arg19 : memref<32x128xf32, #tpu.memory_space<vmem>>) target(%dma_start3A_99 : memref<32x128xf32, #tpu.memory_space<vmem_shared>>) target_semaphore(%run_scoped3A : memref<!tpu.dma_semaphore, #tpu.memory_space<semaphore_mem>>)
      %dma_wait3A = arith.constant 0 : i32
      %dma_wait3A_100 = tpu.memref_slice %arg20[%add3A_58, %dma_wait3A] : memref<10240x128xf32, #tpu.memory_space<vmem_shared>> -> memref<32x128xf32, #tpu.memory_space<vmem_shared>>
      %dma_wait3A_101 = arith.constant 0 : i32
      %dma_wait3A_102 = tpu.memref_slice %arg20[%add3A_58, %dma_wait3A_101] : memref<10240x128xf32, #tpu.memory_space<vmem_shared>> -> memref<32x128xf32, #tpu.memory_space<vmem_shared>>
      tpu.wait_dma2 semaphore(%run_scoped3A : memref<!tpu.dma_semaphore, #tpu.memory_space<semaphore_mem>>) src(%arg19 : memref<32x128xf32, #tpu.memory_space<vmem>>) dst(%dma_wait3A_102 : memref<32x128xf32, #tpu.memory_space<vmem_shared>>)
      tpu.yield
    }) : () -> ()
    %add3A_59 = arith.constant 416 : i32
    %add3A_60 = arith.addi %mul3A_2, %add3A_59 : i32
    "tpu.region"() ({
      %run_scoped3A = tpu.sem_alloc : memref<!tpu.dma_semaphore, #tpu.memory_space<semaphore_mem>>
      %dma_start3A_96 = arith.constant 0 : i32
      %dma_start3A_97 = tpu.memref_slice %arg20[%add3A_60, %dma_start3A_96] : memref<10240x128xf32, #tpu.memory_space<vmem_shared>> -> memref<32x128xf32, #tpu.memory_space<vmem_shared>>
      %dma_start3A_98 = arith.constant 0 : i32
      %dma_start3A_99 = tpu.memref_slice %arg20[%add3A_60, %dma_start3A_98] : memref<10240x128xf32, #tpu.memory_space<vmem_shared>> -> memref<32x128xf32, #tpu.memory_space<vmem_shared>>
      tpu.enqueue_dma source(%arg19 : memref<32x128xf32, #tpu.memory_space<vmem>>) target(%dma_start3A_99 : memref<32x128xf32, #tpu.memory_space<vmem_shared>>) target_semaphore(%run_scoped3A : memref<!tpu.dma_semaphore, #tpu.memory_space<semaphore_mem>>)
      %dma_wait3A = arith.constant 0 : i32
      %dma_wait3A_100 = tpu.memref_slice %arg20[%add3A_60, %dma_wait3A] : memref<10240x128xf32, #tpu.memory_space<vmem_shared>> -> memref<32x128xf32, #tpu.memory_space<vmem_shared>>
      %dma_wait3A_101 = arith.constant 0 : i32
      %dma_wait3A_102 = tpu.memref_slice %arg20[%add3A_60, %dma_wait3A_101] : memref<10240x128xf32, #tpu.memory_space<vmem_shared>> -> memref<32x128xf32, #tpu.memory_space<vmem_shared>>
      tpu.wait_dma2 semaphore(%run_scoped3A : memref<!tpu.dma_semaphore, #tpu.memory_space<semaphore_mem>>) src(%arg19 : memref<32x128xf32, #tpu.memory_space<vmem>>) dst(%dma_wait3A_102 : memref<32x128xf32, #tpu.memory_space<vmem_shared>>)
      tpu.yield
    }) : () -> ()
    %add3A_61 = arith.constant 448 : i32
    %add3A_62 = arith.addi %mul3A_2, %add3A_61 : i32
    "tpu.region"() ({
      %run_scoped3A = tpu.sem_alloc : memref<!tpu.dma_semaphore, #tpu.memory_space<semaphore_mem>>
      %dma_start3A_96 = arith.constant 0 : i32
      %dma_start3A_97 = tpu.memref_slice %arg20[%add3A_62, %dma_start3A_96] : memref<10240x128xf32, #tpu.memory_space<vmem_shared>> -> memref<32x128xf32, #tpu.memory_space<vmem_shared>>
      %dma_start3A_98 = arith.constant 0 : i32
      %dma_start3A_99 = tpu.memref_slice %arg20[%add3A_62, %dma_start3A_98] : memref<10240x128xf32, #tpu.memory_space<vmem_shared>> -> memref<32x128xf32, #tpu.memory_space<vmem_shared>>
      tpu.enqueue_dma source(%arg19 : memref<32x128xf32, #tpu.memory_space<vmem>>) target(%dma_start3A_99 : memref<32x128xf32, #tpu.memory_space<vmem_shared>>) target_semaphore(%run_scoped3A : memref<!tpu.dma_semaphore, #tpu.memory_space<semaphore_mem>>)
      %dma_wait3A = arith.constant 0 : i32
      %dma_wait3A_100 = tpu.memref_slice %arg20[%add3A_62, %dma_wait3A] : memref<10240x128xf32, #tpu.memory_space<vmem_shared>> -> memref<32x128xf32, #tpu.memory_space<vmem_shared>>
      %dma_wait3A_101 = arith.constant 0 : i32
      %dma_wait3A_102 = tpu.memref_slice %arg20[%add3A_62, %dma_wait3A_101] : memref<10240x128xf32, #tpu.memory_space<vmem_shared>> -> memref<32x128xf32, #tpu.memory_space<vmem_shared>>
      tpu.wait_dma2 semaphore(%run_scoped3A : memref<!tpu.dma_semaphore, #tpu.memory_space<semaphore_mem>>) src(%arg19 : memref<32x128xf32, #tpu.memory_space<vmem>>) dst(%dma_wait3A_102 : memref<32x128xf32, #tpu.memory_space<vmem_shared>>)
      tpu.yield
    }) : () -> ()
    %add3A_63 = arith.constant 480 : i32
    %add3A_64 = arith.addi %mul3A_2, %add3A_63 : i32
    "tpu.region"() ({
      %run_scoped3A = tpu.sem_alloc : memref<!tpu.dma_semaphore, #tpu.memory_space<semaphore_mem>>
      %dma_start3A_96 = arith.constant 0 : i32
      %dma_start3A_97 = tpu.memref_slice %arg20[%add3A_64, %dma_start3A_96] : memref<10240x128xf32, #tpu.memory_space<vmem_shared>> -> memref<32x128xf32, #tpu.memory_space<vmem_shared>>
      %dma_start3A_98 = arith.constant 0 : i32
      %dma_start3A_99 = tpu.memref_slice %arg20[%add3A_64, %dma_start3A_98] : memref<10240x128xf32, #tpu.memory_space<vmem_shared>> -> memref<32x128xf32, #tpu.memory_space<vmem_shared>>
      tpu.enqueue_dma source(%arg19 : memref<32x128xf32, #tpu.memory_space<vmem>>) target(%dma_start3A_99 : memref<32x128xf32, #tpu.memory_space<vmem_shared>>) target_semaphore(%run_scoped3A : memref<!tpu.dma_semaphore, #tpu.memory_space<semaphore_mem>>)
      %dma_wait3A = arith.constant 0 : i32
      %dma_wait3A_100 = tpu.memref_slice %arg20[%add3A_64, %dma_wait3A] : memref<10240x128xf32, #tpu.memory_space<vmem_shared>> -> memref<32x128xf32, #tpu.memory_space<vmem_shared>>
      %dma_wait3A_101 = arith.constant 0 : i32
      %dma_wait3A_102 = tpu.memref_slice %arg20[%add3A_64, %dma_wait3A_101] : memref<10240x128xf32, #tpu.memory_space<vmem_shared>> -> memref<32x128xf32, #tpu.memory_space<vmem_shared>>
      tpu.wait_dma2 semaphore(%run_scoped3A : memref<!tpu.dma_semaphore, #tpu.memory_space<semaphore_mem>>) src(%arg19 : memref<32x128xf32, #tpu.memory_space<vmem>>) dst(%dma_wait3A_102 : memref<32x128xf32, #tpu.memory_space<vmem_shared>>)
      tpu.yield
    }) : () -> ()
    %add3A_65 = arith.constant 512 : i32
    %add3A_66 = arith.addi %mul3A_2, %add3A_65 : i32
    "tpu.region"() ({
      %run_scoped3A = tpu.sem_alloc : memref<!tpu.dma_semaphore, #tpu.memory_space<semaphore_mem>>
      %dma_start3A_96 = arith.constant 0 : i32
      %dma_start3A_97 = tpu.memref_slice %arg20[%add3A_66, %dma_start3A_96] : memref<10240x128xf32, #tpu.memory_space<vmem_shared>> -> memref<32x128xf32, #tpu.memory_space<vmem_shared>>
      %dma_start3A_98 = arith.constant 0 : i32
      %dma_start3A_99 = tpu.memref_slice %arg20[%add3A_66, %dma_start3A_98] : memref<10240x128xf32, #tpu.memory_space<vmem_shared>> -> memref<32x128xf32, #tpu.memory_space<vmem_shared>>
      tpu.enqueue_dma source(%arg19 : memref<32x128xf32, #tpu.memory_space<vmem>>) target(%dma_start3A_99 : memref<32x128xf32, #tpu.memory_space<vmem_shared>>) target_semaphore(%run_scoped3A : memref<!tpu.dma_semaphore, #tpu.memory_space<semaphore_mem>>)
      %dma_wait3A = arith.constant 0 : i32
      %dma_wait3A_100 = tpu.memref_slice %arg20[%add3A_66, %dma_wait3A] : memref<10240x128xf32, #tpu.memory_space<vmem_shared>> -> memref<32x128xf32, #tpu.memory_space<vmem_shared>>
      %dma_wait3A_101 = arith.constant 0 : i32
      %dma_wait3A_102 = tpu.memref_slice %arg20[%add3A_66, %dma_wait3A_101] : memref<10240x128xf32, #tpu.memory_space<vmem_shared>> -> memref<32x128xf32, #tpu.memory_space<vmem_shared>>
      tpu.wait_dma2 semaphore(%run_scoped3A : memref<!tpu.dma_semaphore, #tpu.memory_space<semaphore_mem>>) src(%arg19 : memref<32x128xf32, #tpu.memory_space<vmem>>) dst(%dma_wait3A_102 : memref<32x128xf32, #tpu.memory_space<vmem_shared>>)
      tpu.yield
    }) : () -> ()
    %add3A_67 = arith.constant 544 : i32
    %add3A_68 = arith.addi %mul3A_2, %add3A_67 : i32
    "tpu.region"() ({
      %run_scoped3A = tpu.sem_alloc : memref<!tpu.dma_semaphore, #tpu.memory_space<semaphore_mem>>
      %dma_start3A_96 = arith.constant 0 : i32
      %dma_start3A_97 = tpu.memref_slice %arg20[%add3A_68, %dma_start3A_96] : memref<10240x128xf32, #tpu.memory_space<vmem_shared>> -> memref<32x128xf32, #tpu.memory_space<vmem_shared>>
      %dma_start3A_98 = arith.constant 0 : i32
      %dma_start3A_99 = tpu.memref_slice %arg20[%add3A_68, %dma_start3A_98] : memref<10240x128xf32, #tpu.memory_space<vmem_shared>> -> memref<32x128xf32, #tpu.memory_space<vmem_shared>>
      tpu.enqueue_dma source(%arg19 : memref<32x128xf32, #tpu.memory_space<vmem>>) target(%dma_start3A_99 : memref<32x128xf32, #tpu.memory_space<vmem_shared>>) target_semaphore(%run_scoped3A : memref<!tpu.dma_semaphore, #tpu.memory_space<semaphore_mem>>)
      %dma_wait3A = arith.constant 0 : i32
      %dma_wait3A_100 = tpu.memref_slice %arg20[%add3A_68, %dma_wait3A] : memref<10240x128xf32, #tpu.memory_space<vmem_shared>> -> memref<32x128xf32, #tpu.memory_space<vmem_shared>>
      %dma_wait3A_101 = arith.constant 0 : i32
      %dma_wait3A_102 = tpu.memref_slice %arg20[%add3A_68, %dma_wait3A_101] : memref<10240x128xf32, #tpu.memory_space<vmem_shared>> -> memref<32x128xf32, #tpu.memory_space<vmem_shared>>
      tpu.wait_dma2 semaphore(%run_scoped3A : memref<!tpu.dma_semaphore, #tpu.memory_space<semaphore_mem>>) src(%arg19 : memref<32x128xf32, #tpu.memory_space<vmem>>) dst(%dma_wait3A_102 : memref<32x128xf32, #tpu.memory_space<vmem_shared>>)
      tpu.yield
    }) : () -> ()
    %add3A_69 = arith.constant 576 : i32
    %add3A_70 = arith.addi %mul3A_2, %add3A_69 : i32
    "tpu.region"() ({
      %run_scoped3A = tpu.sem_alloc : memref<!tpu.dma_semaphore, #tpu.memory_space<semaphore_mem>>
      %dma_start3A_96 = arith.constant 0 : i32
      %dma_start3A_97 = tpu.memref_slice %arg20[%add3A_70, %dma_start3A_96] : memref<10240x128xf32, #tpu.memory_space<vmem_shared>> -> memref<32x128xf32, #tpu.memory_space<vmem_shared>>
      %dma_start3A_98 = arith.constant 0 : i32
      %dma_start3A_99 = tpu.memref_slice %arg20[%add3A_70, %dma_start3A_98] : memref<10240x128xf32, #tpu.memory_space<vmem_shared>> -> memref<32x128xf32, #tpu.memory_space<vmem_shared>>
      tpu.enqueue_dma source(%arg19 : memref<32x128xf32, #tpu.memory_space<vmem>>) target(%dma_start3A_99 : memref<32x128xf32, #tpu.memory_space<vmem_shared>>) target_semaphore(%run_scoped3A : memref<!tpu.dma_semaphore, #tpu.memory_space<semaphore_mem>>)
      %dma_wait3A = arith.constant 0 : i32
      %dma_wait3A_100 = tpu.memref_slice %arg20[%add3A_70, %dma_wait3A] : memref<10240x128xf32, #tpu.memory_space<vmem_shared>> -> memref<32x128xf32, #tpu.memory_space<vmem_shared>>
      %dma_wait3A_101 = arith.constant 0 : i32
      %dma_wait3A_102 = tpu.memref_slice %arg20[%add3A_70, %dma_wait3A_101] : memref<10240x128xf32, #tpu.memory_space<vmem_shared>> -> memref<32x128xf32, #tpu.memory_space<vmem_shared>>
      tpu.wait_dma2 semaphore(%run_scoped3A : memref<!tpu.dma_semaphore, #tpu.memory_space<semaphore_mem>>) src(%arg19 : memref<32x128xf32, #tpu.memory_space<vmem>>) dst(%dma_wait3A_102 : memref<32x128xf32, #tpu.memory_space<vmem_shared>>)
      tpu.yield
    }) : () -> ()
    %add3A_71 = arith.constant 608 : i32
    %add3A_72 = arith.addi %mul3A_2, %add3A_71 : i32
    "tpu.region"() ({
      %run_scoped3A = tpu.sem_alloc : memref<!tpu.dma_semaphore, #tpu.memory_space<semaphore_mem>>
      %dma_start3A_96 = arith.constant 0 : i32
      %dma_start3A_97 = tpu.memref_slice %arg20[%add3A_72, %dma_start3A_96] : memref<10240x128xf32, #tpu.memory_space<vmem_shared>> -> memref<32x128xf32, #tpu.memory_space<vmem_shared>>
      %dma_start3A_98 = arith.constant 0 : i32
      %dma_start3A_99 = tpu.memref_slice %arg20[%add3A_72, %dma_start3A_98] : memref<10240x128xf32, #tpu.memory_space<vmem_shared>> -> memref<32x128xf32, #tpu.memory_space<vmem_shared>>
      tpu.enqueue_dma source(%arg19 : memref<32x128xf32, #tpu.memory_space<vmem>>) target(%dma_start3A_99 : memref<32x128xf32, #tpu.memory_space<vmem_shared>>) target_semaphore(%run_scoped3A : memref<!tpu.dma_semaphore, #tpu.memory_space<semaphore_mem>>)
      %dma_wait3A = arith.constant 0 : i32
      %dma_wait3A_100 = tpu.memref_slice %arg20[%add3A_72, %dma_wait3A] : memref<10240x128xf32, #tpu.memory_space<vmem_shared>> -> memref<32x128xf32, #tpu.memory_space<vmem_shared>>
      %dma_wait3A_101 = arith.constant 0 : i32
      %dma_wait3A_102 = tpu.memref_slice %arg20[%add3A_72, %dma_wait3A_101] : memref<10240x128xf32, #tpu.memory_space<vmem_shared>> -> memref<32x128xf32, #tpu.memory_space<vmem_shared>>
      tpu.wait_dma2 semaphore(%run_scoped3A : memref<!tpu.dma_semaphore, #tpu.memory_space<semaphore_mem>>) src(%arg19 : memref<32x128xf32, #tpu.memory_space<vmem>>) dst(%dma_wait3A_102 : memref<32x128xf32, #tpu.memory_space<vmem_shared>>)
      tpu.yield
    }) : () -> ()
    %add3A_73 = arith.constant 0 : i32
    %add3A_74 = arith.addi %mul3A_2, %add3A_73 : i32
    "tpu.region"() ({
      %run_scoped3A = tpu.sem_alloc : memref<!tpu.dma_semaphore, #tpu.memory_space<semaphore_mem>>
      %dma_start3A_96 = arith.constant 0 : i32
      %dma_start3A_97 = tpu.memref_slice %arg21[%add3A_74, %dma_start3A_96] : memref<10240x16xf32, #tpu.memory_space<vmem_shared>> -> memref<80x16xf32, #tpu.memory_space<vmem_shared>>
      %dma_start3A_98 = arith.constant 0 : i32
      %dma_start3A_99 = tpu.memref_slice %arg21[%add3A_74, %dma_start3A_98] : memref<10240x16xf32, #tpu.memory_space<vmem_shared>> -> memref<80x16xf32, #tpu.memory_space<vmem_shared>>
      tpu.enqueue_dma source(%arg13 : memref<80x16xf32, #tpu.memory_space<vmem>>) target(%dma_start3A_99 : memref<80x16xf32, #tpu.memory_space<vmem_shared>>) target_semaphore(%run_scoped3A : memref<!tpu.dma_semaphore, #tpu.memory_space<semaphore_mem>>)
      %dma_wait3A = arith.constant 0 : i32
      %dma_wait3A_100 = tpu.memref_slice %arg21[%add3A_74, %dma_wait3A] : memref<10240x16xf32, #tpu.memory_space<vmem_shared>> -> memref<80x16xf32, #tpu.memory_space<vmem_shared>>
      %dma_wait3A_101 = arith.constant 0 : i32
      %dma_wait3A_102 = tpu.memref_slice %arg21[%add3A_74, %dma_wait3A_101] : memref<10240x16xf32, #tpu.memory_space<vmem_shared>> -> memref<80x16xf32, #tpu.memory_space<vmem_shared>>
      tpu.wait_dma2 semaphore(%run_scoped3A : memref<!tpu.dma_semaphore, #tpu.memory_space<semaphore_mem>>) src(%arg13 : memref<80x16xf32, #tpu.memory_space<vmem>>) dst(%dma_wait3A_102 : memref<80x16xf32, #tpu.memory_space<vmem_shared>>)
      tpu.yield
    }) : () -> ()
    %add3A_75 = arith.constant 80 : i32
    %add3A_76 = arith.addi %mul3A_2, %add3A_75 : i32
    "tpu.region"() ({
      %run_scoped3A = tpu.sem_alloc : memref<!tpu.dma_semaphore, #tpu.memory_space<semaphore_mem>>
      %dma_start3A_96 = arith.constant 0 : i32
      %dma_start3A_97 = tpu.memref_slice %arg21[%add3A_76, %dma_start3A_96] : memref<10240x16xf32, #tpu.memory_space<vmem_shared>> -> memref<80x16xf32, #tpu.memory_space<vmem_shared>>
      %dma_start3A_98 = arith.constant 0 : i32
      %dma_start3A_99 = tpu.memref_slice %arg21[%add3A_76, %dma_start3A_98] : memref<10240x16xf32, #tpu.memory_space<vmem_shared>> -> memref<80x16xf32, #tpu.memory_space<vmem_shared>>
      tpu.enqueue_dma source(%arg13 : memref<80x16xf32, #tpu.memory_space<vmem>>) target(%dma_start3A_99 : memref<80x16xf32, #tpu.memory_space<vmem_shared>>) target_semaphore(%run_scoped3A : memref<!tpu.dma_semaphore, #tpu.memory_space<semaphore_mem>>)
      %dma_wait3A = arith.constant 0 : i32
      %dma_wait3A_100 = tpu.memref_slice %arg21[%add3A_76, %dma_wait3A] : memref<10240x16xf32, #tpu.memory_space<vmem_shared>> -> memref<80x16xf32, #tpu.memory_space<vmem_shared>>
      %dma_wait3A_101 = arith.constant 0 : i32
      %dma_wait3A_102 = tpu.memref_slice %arg21[%add3A_76, %dma_wait3A_101] : memref<10240x16xf32, #tpu.memory_space<vmem_shared>> -> memref<80x16xf32, #tpu.memory_space<vmem_shared>>
      tpu.wait_dma2 semaphore(%run_scoped3A : memref<!tpu.dma_semaphore, #tpu.memory_space<semaphore_mem>>) src(%arg13 : memref<80x16xf32, #tpu.memory_space<vmem>>) dst(%dma_wait3A_102 : memref<80x16xf32, #tpu.memory_space<vmem_shared>>)
      tpu.yield
    }) : () -> ()
    %add3A_77 = arith.constant 160 : i32
    %add3A_78 = arith.addi %mul3A_2, %add3A_77 : i32
    "tpu.region"() ({
      %run_scoped3A = tpu.sem_alloc : memref<!tpu.dma_semaphore, #tpu.memory_space<semaphore_mem>>
      %dma_start3A_96 = arith.constant 0 : i32
      %dma_start3A_97 = tpu.memref_slice %arg21[%add3A_78, %dma_start3A_96] : memref<10240x16xf32, #tpu.memory_space<vmem_shared>> -> memref<80x16xf32, #tpu.memory_space<vmem_shared>>
      %dma_start3A_98 = arith.constant 0 : i32
      %dma_start3A_99 = tpu.memref_slice %arg21[%add3A_78, %dma_start3A_98] : memref<10240x16xf32, #tpu.memory_space<vmem_shared>> -> memref<80x16xf32, #tpu.memory_space<vmem_shared>>
      tpu.enqueue_dma source(%arg13 : memref<80x16xf32, #tpu.memory_space<vmem>>) target(%dma_start3A_99 : memref<80x16xf32, #tpu.memory_space<vmem_shared>>) target_semaphore(%run_scoped3A : memref<!tpu.dma_semaphore, #tpu.memory_space<semaphore_mem>>)
      %dma_wait3A = arith.constant 0 : i32
      %dma_wait3A_100 = tpu.memref_slice %arg21[%add3A_78, %dma_wait3A] : memref<10240x16xf32, #tpu.memory_space<vmem_shared>> -> memref<80x16xf32, #tpu.memory_space<vmem_shared>>
      %dma_wait3A_101 = arith.constant 0 : i32
      %dma_wait3A_102 = tpu.memref_slice %arg21[%add3A_78, %dma_wait3A_101] : memref<10240x16xf32, #tpu.memory_space<vmem_shared>> -> memref<80x16xf32, #tpu.memory_space<vmem_shared>>
      tpu.wait_dma2 semaphore(%run_scoped3A : memref<!tpu.dma_semaphore, #tpu.memory_space<semaphore_mem>>) src(%arg13 : memref<80x16xf32, #tpu.memory_space<vmem>>) dst(%dma_wait3A_102 : memref<80x16xf32, #tpu.memory_space<vmem_shared>>)
      tpu.yield
    }) : () -> ()
    %add3A_79 = arith.constant 240 : i32
    %add3A_80 = arith.addi %mul3A_2, %add3A_79 : i32
    "tpu.region"() ({
      %run_scoped3A = tpu.sem_alloc : memref<!tpu.dma_semaphore, #tpu.memory_space<semaphore_mem>>
      %dma_start3A_96 = arith.constant 0 : i32
      %dma_start3A_97 = tpu.memref_slice %arg21[%add3A_80, %dma_start3A_96] : memref<10240x16xf32, #tpu.memory_space<vmem_shared>> -> memref<80x16xf32, #tpu.memory_space<vmem_shared>>
      %dma_start3A_98 = arith.constant 0 : i32
      %dma_start3A_99 = tpu.memref_slice %arg21[%add3A_80, %dma_start3A_98] : memref<10240x16xf32, #tpu.memory_space<vmem_shared>> -> memref<80x16xf32, #tpu.memory_space<vmem_shared>>
      tpu.enqueue_dma source(%arg13 : memref<80x16xf32, #tpu.memory_space<vmem>>) target(%dma_start3A_99 : memref<80x16xf32, #tpu.memory_space<vmem_shared>>) target_semaphore(%run_scoped3A : memref<!tpu.dma_semaphore, #tpu.memory_space<semaphore_mem>>)
      %dma_wait3A = arith.constant 0 : i32
      %dma_wait3A_100 = tpu.memref_slice %arg21[%add3A_80, %dma_wait3A] : memref<10240x16xf32, #tpu.memory_space<vmem_shared>> -> memref<80x16xf32, #tpu.memory_space<vmem_shared>>
      %dma_wait3A_101 = arith.constant 0 : i32
      %dma_wait3A_102 = tpu.memref_slice %arg21[%add3A_80, %dma_wait3A_101] : memref<10240x16xf32, #tpu.memory_space<vmem_shared>> -> memref<80x16xf32, #tpu.memory_space<vmem_shared>>
      tpu.wait_dma2 semaphore(%run_scoped3A : memref<!tpu.dma_semaphore, #tpu.memory_space<semaphore_mem>>) src(%arg13 : memref<80x16xf32, #tpu.memory_space<vmem>>) dst(%dma_wait3A_102 : memref<80x16xf32, #tpu.memory_space<vmem_shared>>)
      tpu.yield
    }) : () -> ()
    %add3A_81 = arith.constant 320 : i32
    %add3A_82 = arith.addi %mul3A_2, %add3A_81 : i32
    "tpu.region"() ({
      %run_scoped3A = tpu.sem_alloc : memref<!tpu.dma_semaphore, #tpu.memory_space<semaphore_mem>>
      %dma_start3A_96 = arith.constant 0 : i32
      %dma_start3A_97 = tpu.memref_slice %arg21[%add3A_82, %dma_start3A_96] : memref<10240x16xf32, #tpu.memory_space<vmem_shared>> -> memref<80x16xf32, #tpu.memory_space<vmem_shared>>
      %dma_start3A_98 = arith.constant 0 : i32
      %dma_start3A_99 = tpu.memref_slice %arg21[%add3A_82, %dma_start3A_98] : memref<10240x16xf32, #tpu.memory_space<vmem_shared>> -> memref<80x16xf32, #tpu.memory_space<vmem_shared>>
      tpu.enqueue_dma source(%arg13 : memref<80x16xf32, #tpu.memory_space<vmem>>) target(%dma_start3A_99 : memref<80x16xf32, #tpu.memory_space<vmem_shared>>) target_semaphore(%run_scoped3A : memref<!tpu.dma_semaphore, #tpu.memory_space<semaphore_mem>>)
      %dma_wait3A = arith.constant 0 : i32
      %dma_wait3A_100 = tpu.memref_slice %arg21[%add3A_82, %dma_wait3A] : memref<10240x16xf32, #tpu.memory_space<vmem_shared>> -> memref<80x16xf32, #tpu.memory_space<vmem_shared>>
      %dma_wait3A_101 = arith.constant 0 : i32
      %dma_wait3A_102 = tpu.memref_slice %arg21[%add3A_82, %dma_wait3A_101] : memref<10240x16xf32, #tpu.memory_space<vmem_shared>> -> memref<80x16xf32, #tpu.memory_space<vmem_shared>>
      tpu.wait_dma2 semaphore(%run_scoped3A : memref<!tpu.dma_semaphore, #tpu.memory_space<semaphore_mem>>) src(%arg13 : memref<80x16xf32, #tpu.memory_space<vmem>>) dst(%dma_wait3A_102 : memref<80x16xf32, #tpu.memory_space<vmem_shared>>)
      tpu.yield
    }) : () -> ()
    %add3A_83 = arith.constant 400 : i32
    %add3A_84 = arith.addi %mul3A_2, %add3A_83 : i32
    "tpu.region"() ({
      %run_scoped3A = tpu.sem_alloc : memref<!tpu.dma_semaphore, #tpu.memory_space<semaphore_mem>>
      %dma_start3A_96 = arith.constant 0 : i32
      %dma_start3A_97 = tpu.memref_slice %arg21[%add3A_84, %dma_start3A_96] : memref<10240x16xf32, #tpu.memory_space<vmem_shared>> -> memref<80x16xf32, #tpu.memory_space<vmem_shared>>
      %dma_start3A_98 = arith.constant 0 : i32
      %dma_start3A_99 = tpu.memref_slice %arg21[%add3A_84, %dma_start3A_98] : memref<10240x16xf32, #tpu.memory_space<vmem_shared>> -> memref<80x16xf32, #tpu.memory_space<vmem_shared>>
      tpu.enqueue_dma source(%arg13 : memref<80x16xf32, #tpu.memory_space<vmem>>) target(%dma_start3A_99 : memref<80x16xf32, #tpu.memory_space<vmem_shared>>) target_semaphore(%run_scoped3A : memref<!tpu.dma_semaphore, #tpu.memory_space<semaphore_mem>>)
      %dma_wait3A = arith.constant 0 : i32
      %dma_wait3A_100 = tpu.memref_slice %arg21[%add3A_84, %dma_wait3A] : memref<10240x16xf32, #tpu.memory_space<vmem_shared>> -> memref<80x16xf32, #tpu.memory_space<vmem_shared>>
      %dma_wait3A_101 = arith.constant 0 : i32
      %dma_wait3A_102 = tpu.memref_slice %arg21[%add3A_84, %dma_wait3A_101] : memref<10240x16xf32, #tpu.memory_space<vmem_shared>> -> memref<80x16xf32, #tpu.memory_space<vmem_shared>>
      tpu.wait_dma2 semaphore(%run_scoped3A : memref<!tpu.dma_semaphore, #tpu.memory_space<semaphore_mem>>) src(%arg13 : memref<80x16xf32, #tpu.memory_space<vmem>>) dst(%dma_wait3A_102 : memref<80x16xf32, #tpu.memory_space<vmem_shared>>)
      tpu.yield
    }) : () -> ()
    %add3A_85 = arith.constant 480 : i32
    %add3A_86 = arith.addi %mul3A_2, %add3A_85 : i32
    "tpu.region"() ({
      %run_scoped3A = tpu.sem_alloc : memref<!tpu.dma_semaphore, #tpu.memory_space<semaphore_mem>>
      %dma_start3A_96 = arith.constant 0 : i32
      %dma_start3A_97 = tpu.memref_slice %arg21[%add3A_86, %dma_start3A_96] : memref<10240x16xf32, #tpu.memory_space<vmem_shared>> -> memref<80x16xf32, #tpu.memory_space<vmem_shared>>
      %dma_start3A_98 = arith.constant 0 : i32
      %dma_start3A_99 = tpu.memref_slice %arg21[%add3A_86, %dma_start3A_98] : memref<10240x16xf32, #tpu.memory_space<vmem_shared>> -> memref<80x16xf32, #tpu.memory_space<vmem_shared>>
      tpu.enqueue_dma source(%arg13 : memref<80x16xf32, #tpu.memory_space<vmem>>) target(%dma_start3A_99 : memref<80x16xf32, #tpu.memory_space<vmem_shared>>) target_semaphore(%run_scoped3A : memref<!tpu.dma_semaphore, #tpu.memory_space<semaphore_mem>>)
      %dma_wait3A = arith.constant 0 : i32
      %dma_wait3A_100 = tpu.memref_slice %arg21[%add3A_86, %dma_wait3A] : memref<10240x16xf32, #tpu.memory_space<vmem_shared>> -> memref<80x16xf32, #tpu.memory_space<vmem_shared>>
      %dma_wait3A_101 = arith.constant 0 : i32
      %dma_wait3A_102 = tpu.memref_slice %arg21[%add3A_86, %dma_wait3A_101] : memref<10240x16xf32, #tpu.memory_space<vmem_shared>> -> memref<80x16xf32, #tpu.memory_space<vmem_shared>>
      tpu.wait_dma2 semaphore(%run_scoped3A : memref<!tpu.dma_semaphore, #tpu.memory_space<semaphore_mem>>) src(%arg13 : memref<80x16xf32, #tpu.memory_space<vmem>>) dst(%dma_wait3A_102 : memref<80x16xf32, #tpu.memory_space<vmem_shared>>)
      tpu.yield
    }) : () -> ()
    %add3A_87 = arith.constant 560 : i32
    %add3A_88 = arith.addi %mul3A_2, %add3A_87 : i32
    "tpu.region"() ({
      %run_scoped3A = tpu.sem_alloc : memref<!tpu.dma_semaphore, #tpu.memory_space<semaphore_mem>>
      %dma_start3A_96 = arith.constant 0 : i32
      %dma_start3A_97 = tpu.memref_slice %arg21[%add3A_88, %dma_start3A_96] : memref<10240x16xf32, #tpu.memory_space<vmem_shared>> -> memref<80x16xf32, #tpu.memory_space<vmem_shared>>
      %dma_start3A_98 = arith.constant 0 : i32
      %dma_start3A_99 = tpu.memref_slice %arg21[%add3A_88, %dma_start3A_98] : memref<10240x16xf32, #tpu.memory_space<vmem_shared>> -> memref<80x16xf32, #tpu.memory_space<vmem_shared>>
      tpu.enqueue_dma source(%arg13 : memref<80x16xf32, #tpu.memory_space<vmem>>) target(%dma_start3A_99 : memref<80x16xf32, #tpu.memory_space<vmem_shared>>) target_semaphore(%run_scoped3A : memref<!tpu.dma_semaphore, #tpu.memory_space<semaphore_mem>>)
      %dma_wait3A = arith.constant 0 : i32
      %dma_wait3A_100 = tpu.memref_slice %arg21[%add3A_88, %dma_wait3A] : memref<10240x16xf32, #tpu.memory_space<vmem_shared>> -> memref<80x16xf32, #tpu.memory_space<vmem_shared>>
      %dma_wait3A_101 = arith.constant 0 : i32
      %dma_wait3A_102 = tpu.memref_slice %arg21[%add3A_88, %dma_wait3A_101] : memref<10240x16xf32, #tpu.memory_space<vmem_shared>> -> memref<80x16xf32, #tpu.memory_space<vmem_shared>>
      tpu.wait_dma2 semaphore(%run_scoped3A : memref<!tpu.dma_semaphore, #tpu.memory_space<semaphore_mem>>) src(%arg13 : memref<80x16xf32, #tpu.memory_space<vmem>>) dst(%dma_wait3A_102 : memref<80x16xf32, #tpu.memory_space<vmem_shared>>)
      tpu.yield
    }) : () -> ()
    %barrier3A = arith.constant 0 : index
    tpu.barrier barrier_id(%barrier3A)
    %scan3A_89 = arith.constant 0 : i32
    %scan3A_90 = arith.constant 0 : i32
    %scan3A_91 = arith.constant 25 : i32
    %scan3A_92 = arith.addi %scan3A_90, %scan3A_91 : i32
    %scan3A_93 = arith.constant 1 : i32
    scf.for %scan3A_96 = %scan3A_90 to %scan3A_92 step %scan3A_93  : i32 {
      %mul3A_97 = arith.constant 2 : i32
      %mul3A_98 = arith.muli %mul3A_97, %scan3A_96 : i32
      %add3A_99 = arith.constant 1 : i32
      %add3A_100 = arith.addi %mul3A_98, %add3A_99 : i32
      %lt3A = arith.constant 50 : i32
      %lt3A_101 = arith.cmpi slt, %add3A_100, %lt3A : i32
      %convert_element_type3A = arith.extui %lt3A_101 : i1 to i32
      %cond3A = arith.constant 0 : i32
      %cond3A_102 = arith.cmpi ne, %convert_element_type3A, %cond3A : i32
      scf.if %cond3A_102 {
        %add3A_483 = arith.constant 1 : i32
        %add3A_484 = arith.addi %mul3A_98, %add3A_483 : i32
        %mul3A_485 = arith.constant 80 : i32
        %mul3A_486 = arith.muli %add3A_484, %mul3A_485 : i32
        %add3A_487 = arith.addi %mul3A_8, %mul3A_486 : i32
        %dma_start3A_488 = arith.constant 0 : i32
        %dma_start3A_489 = tpu.memref_slice %arg2[%add3A_487, %dma_start3A_488] : memref<128000x128xf32, #tpu.memory_space<hbm>> -> memref<80x128xf32, #tpu.memory_space<hbm>>
        %dma_start3A_490 = arith.constant 0 : i32
        %dma_start3A_491 = tpu.memref_slice %arg2[%add3A_487, %dma_start3A_490] : memref<128000x128xf32, #tpu.memory_space<hbm>> -> memref<80x128xf32, #tpu.memory_space<hbm>>
        tpu.enqueue_dma source(%dma_start3A_491 : memref<80x128xf32, #tpu.memory_space<hbm>>) target(%arg8 : memref<80x128xf32, #tpu.memory_space<vmem>>) target_semaphore(%arg16 : memref<!tpu.dma_semaphore, #tpu.memory_space<semaphore_mem>>)
        %add3A_492 = arith.constant 0 : i32
        %add3A_493 = arith.addi %add3A_492, %add3A_487 : i32
        %dma_start3A_494 = tpu.memref_slice %arg4[%add3A_493] : memref<320000xi32, #tpu.memory_space<hbm>> -> memref<80xi32, #tpu.memory_space<hbm>>
        %dma_start3A_495 = tpu.memref_slice %arg4[%add3A_493] : memref<320000xi32, #tpu.memory_space<hbm>> -> memref<80xi32, #tpu.memory_space<hbm>>
        tpu.enqueue_dma source(%dma_start3A_495 : memref<80xi32, #tpu.memory_space<hbm>>) target(%arg10 : memref<80xi32, #tpu.memory_space<vmem>>) target_semaphore(%arg16 : memref<!tpu.dma_semaphore, #tpu.memory_space<semaphore_mem>>)
        %dma_start3A_496 = arith.constant 0 : i32
        %dma_start3A_497 = tpu.memref_slice %arg3[%dma_start3A_496, %add3A_487] : memref<8x128000xf32, #tpu.memory_space<hbm>> -> memref<8x80xf32, #tpu.memory_space<hbm>>
        %dma_start3A_498 = arith.constant 0 : i32
        %dma_start3A_499 = tpu.memref_slice %arg3[%dma_start3A_498, %add3A_487] : memref<8x128000xf32, #tpu.memory_space<hbm>> -> memref<8x80xf32, #tpu.memory_space<hbm>>
        tpu.enqueue_dma source(%dma_start3A_499 : memref<8x80xf32, #tpu.memory_space<hbm>>) target(%arg12 : memref<8x80xf32, #tpu.memory_space<vmem>>) target_semaphore(%arg16 : memref<!tpu.dma_semaphore, #tpu.memory_space<semaphore_mem>>)
      } else {
      }
      %mul3A_103 = arith.constant 80 : i32
      %mul3A_104 = arith.muli %mul3A_98, %mul3A_103 : i32
      %add3A_105 = arith.addi %mul3A_8, %mul3A_104 : i32
      %dma_wait3A = arith.constant 0 : i32
      %dma_wait3A_106 = tpu.memref_slice %arg2[%add3A_105, %dma_wait3A] : memref<128000x128xf32, #tpu.memory_space<hbm>> -> memref<80x128xf32, #tpu.memory_space<hbm>>
      %dma_wait3A_107 = arith.constant 0 : i32
      %dma_wait3A_108 = tpu.memref_slice %arg2[%add3A_105, %dma_wait3A_107] : memref<128000x128xf32, #tpu.memory_space<hbm>> -> memref<80x128xf32, #tpu.memory_space<hbm>>
      tpu.wait_dma2 semaphore(%arg15 : memref<!tpu.dma_semaphore, #tpu.memory_space<semaphore_mem>>) src(%dma_wait3A_108 : memref<80x128xf32, #tpu.memory_space<hbm>>) dst(%arg7 : memref<80x128xf32, #tpu.memory_space<vmem>>)
      %add3A_109 = arith.constant 0 : i32
      %add3A_110 = arith.addi %add3A_109, %add3A_105 : i32
      %dma_wait3A_111 = tpu.memref_slice %arg4[%add3A_110] : memref<320000xi32, #tpu.memory_space<hbm>> -> memref<80xi32, #tpu.memory_space<hbm>>
      %dma_wait3A_112 = tpu.memref_slice %arg4[%add3A_110] : memref<320000xi32, #tpu.memory_space<hbm>> -> memref<80xi32, #tpu.memory_space<hbm>>
      tpu.wait_dma2 semaphore(%arg15 : memref<!tpu.dma_semaphore, #tpu.memory_space<semaphore_mem>>) src(%dma_wait3A_112 : memref<80xi32, #tpu.memory_space<hbm>>) dst(%arg9 : memref<80xi32, #tpu.memory_space<vmem>>)
      %dma_wait3A_113 = arith.constant 0 : i32
      %dma_wait3A_114 = tpu.memref_slice %arg3[%dma_wait3A_113, %add3A_105] : memref<8x128000xf32, #tpu.memory_space<hbm>> -> memref<8x80xf32, #tpu.memory_space<hbm>>
      %dma_wait3A_115 = arith.constant 0 : i32
      %dma_wait3A_116 = tpu.memref_slice %arg3[%dma_wait3A_115, %add3A_105] : memref<8x128000xf32, #tpu.memory_space<hbm>> -> memref<8x80xf32, #tpu.memory_space<hbm>>
      tpu.wait_dma2 semaphore(%arg15 : memref<!tpu.dma_semaphore, #tpu.memory_space<semaphore_mem>>) src(%dma_wait3A_116 : memref<8x80xf32, #tpu.memory_space<hbm>>) dst(%arg11 : memref<8x80xf32, #tpu.memory_space<vmem>>)
      %get3A = arith.constant 0 : i32
      %get3A_117 = arith.index_cast %get3A : i32 to index
      %get3A_118 = arith.constant 0 : index
      %get3A_119 = tpu.vector_load %arg11[%get3A_117, %get3A_118] {strides = array<i32>} : memref<8x80xf32, #tpu.memory_space<vmem>>, vector<16xf32>,
      %add3A_120 = arith.constant 0 : i32
      %add3A_121 = vector.broadcast %add3A_120 : i32 to vector<16xi32>
      %add3A_122 = arith.addi %add3A_121, %iota3A : vector<16xi32>
      %broadcast_in_dim3A_123 = arith.constant 0 : i32
      %broadcast_in_dim3A_124 = vector.broadcast %broadcast_in_dim3A_123 : i32 to vector<16xi32>
      tpu.vector_store_idx %arg13[%add3A_122, %broadcast_in_dim3A_124], %get3A_119 : memref<80x16xf32, #tpu.memory_space<vmem>>[vector<16xi32>, vector<16xi32>], vector<16xf32>,
      %get3A_125 = arith.constant 0 : i32
      %get3A_126 = arith.index_cast %get3A_125 : i32 to index
      %get3A_127 = arith.constant 16 : index
      %get3A_128 = tpu.vector_load %arg11[%get3A_126, %get3A_127] {strides = array<i32>} : memref<8x80xf32, #tpu.memory_space<vmem>>, vector<16xf32>,
      %add3A_129 = arith.constant 16 : i32
      %add3A_130 = vector.broadcast %add3A_129 : i32 to vector<16xi32>
      %add3A_131 = arith.addi %add3A_130, %iota3A : vector<16xi32>
      %broadcast_in_dim3A_132 = arith.constant 0 : i32
      %broadcast_in_dim3A_133 = vector.broadcast %broadcast_in_dim3A_132 : i32 to vector<16xi32>
      tpu.vector_store_idx %arg13[%add3A_131, %broadcast_in_dim3A_133], %get3A_128 : memref<80x16xf32, #tpu.memory_space<vmem>>[vector<16xi32>, vector<16xi32>], vector<16xf32>,
      %get3A_134 = arith.constant 0 : i32
      %get3A_135 = arith.index_cast %get3A_134 : i32 to index
      %get3A_136 = arith.constant 32 : index
      %get3A_137 = tpu.vector_load %arg11[%get3A_135, %get3A_136] {strides = array<i32>} : memref<8x80xf32, #tpu.memory_space<vmem>>, vector<16xf32>,
      %add3A_138 = arith.constant 32 : i32
      %add3A_139 = vector.broadcast %add3A_138 : i32 to vector<16xi32>
      %add3A_140 = arith.addi %add3A_139, %iota3A : vector<16xi32>
      %broadcast_in_dim3A_141 = arith.constant 0 : i32
      %broadcast_in_dim3A_142 = vector.broadcast %broadcast_in_dim3A_141 : i32 to vector<16xi32>
      tpu.vector_store_idx %arg13[%add3A_140, %broadcast_in_dim3A_142], %get3A_137 : memref<80x16xf32, #tpu.memory_space<vmem>>[vector<16xi32>, vector<16xi32>], vector<16xf32>,
      %get3A_143 = arith.constant 0 : i32
      %get3A_144 = arith.index_cast %get3A_143 : i32 to index
      %get3A_145 = arith.constant 48 : index
      %get3A_146 = tpu.vector_load %arg11[%get3A_144, %get3A_145] {strides = array<i32>} : memref<8x80xf32, #tpu.memory_space<vmem>>, vector<16xf32>,
      %add3A_147 = arith.constant 48 : i32
      %add3A_148 = vector.broadcast %add3A_147 : i32 to vector<16xi32>
      %add3A_149 = arith.addi %add3A_148, %iota3A : vector<16xi32>
      %broadcast_in_dim3A_150 = arith.constant 0 : i32
      %broadcast_in_dim3A_151 = vector.broadcast %broadcast_in_dim3A_150 : i32 to vector<16xi32>
      tpu.vector_store_idx %arg13[%add3A_149, %broadcast_in_dim3A_151], %get3A_146 : memref<80x16xf32, #tpu.memory_space<vmem>>[vector<16xi32>, vector<16xi32>], vector<16xf32>,
      %get3A_152 = arith.constant 0 : i32
      %get3A_153 = arith.index_cast %get3A_152 : i32 to index
      %get3A_154 = arith.constant 64 : index
      %get3A_155 = tpu.vector_load %arg11[%get3A_153, %get3A_154] {strides = array<i32>} : memref<8x80xf32, #tpu.memory_space<vmem>>, vector<16xf32>,
      %add3A_156 = arith.constant 64 : i32
      %add3A_157 = vector.broadcast %add3A_156 : i32 to vector<16xi32>
      %add3A_158 = arith.addi %add3A_157, %iota3A : vector<16xi32>
      %broadcast_in_dim3A_159 = arith.constant 0 : i32
      %broadcast_in_dim3A_160 = vector.broadcast %broadcast_in_dim3A_159 : i32 to vector<16xi32>
      tpu.vector_store_idx %arg13[%add3A_158, %broadcast_in_dim3A_160], %get3A_155 : memref<80x16xf32, #tpu.memory_space<vmem>>[vector<16xi32>, vector<16xi32>], vector<16xf32>,
      %get3A_161 = arith.constant 1 : i32
      %get3A_162 = arith.index_cast %get3A_161 : i32 to index
      %get3A_163 = arith.constant 0 : index
      %get3A_164 = tpu.vector_load %arg11[%get3A_162, %get3A_163] {strides = array<i32>} : memref<8x80xf32, #tpu.memory_space<vmem>>, vector<16xf32>,
      %add3A_165 = arith.constant 0 : i32
      %add3A_166 = vector.broadcast %add3A_165 : i32 to vector<16xi32>
      %add3A_167 = arith.addi %add3A_166, %iota3A : vector<16xi32>
      %broadcast_in_dim3A_168 = arith.constant 1 : i32
      %broadcast_in_dim3A_169 = vector.broadcast %broadcast_in_dim3A_168 : i32 to vector<16xi32>
      tpu.vector_store_idx %arg13[%add3A_167, %broadcast_in_dim3A_169], %get3A_164 : memref<80x16xf32, #tpu.memory_space<vmem>>[vector<16xi32>, vector<16xi32>], vector<16xf32>,
      %get3A_170 = arith.constant 1 : i32
      %get3A_171 = arith.index_cast %get3A_170 : i32 to index
      %get3A_172 = arith.constant 16 : index
      %get3A_173 = tpu.vector_load %arg11[%get3A_171, %get3A_172] {strides = array<i32>} : memref<8x80xf32, #tpu.memory_space<vmem>>, vector<16xf32>,
      %add3A_174 = arith.constant 16 : i32
      %add3A_175 = vector.broadcast %add3A_174 : i32 to vector<16xi32>
      %add3A_176 = arith.addi %add3A_175, %iota3A : vector<16xi32>
      %broadcast_in_dim3A_177 = arith.constant 1 : i32
      %broadcast_in_dim3A_178 = vector.broadcast %broadcast_in_dim3A_177 : i32 to vector<16xi32>
      tpu.vector_store_idx %arg13[%add3A_176, %broadcast_in_dim3A_178], %get3A_173 : memref<80x16xf32, #tpu.memory_space<vmem>>[vector<16xi32>, vector<16xi32>], vector<16xf32>,
      %get3A_179 = arith.constant 1 : i32
      %get3A_180 = arith.index_cast %get3A_179 : i32 to index
      %get3A_181 = arith.constant 32 : index
      %get3A_182 = tpu.vector_load %arg11[%get3A_180, %get3A_181] {strides = array<i32>} : memref<8x80xf32, #tpu.memory_space<vmem>>, vector<16xf32>,
      %add3A_183 = arith.constant 32 : i32
      %add3A_184 = vector.broadcast %add3A_183 : i32 to vector<16xi32>
      %add3A_185 = arith.addi %add3A_184, %iota3A : vector<16xi32>
      %broadcast_in_dim3A_186 = arith.constant 1 : i32
      %broadcast_in_dim3A_187 = vector.broadcast %broadcast_in_dim3A_186 : i32 to vector<16xi32>
      tpu.vector_store_idx %arg13[%add3A_185, %broadcast_in_dim3A_187], %get3A_182 : memref<80x16xf32, #tpu.memory_space<vmem>>[vector<16xi32>, vector<16xi32>], vector<16xf32>,
      %get3A_188 = arith.constant 1 : i32
      %get3A_189 = arith.index_cast %get3A_188 : i32 to index
      %get3A_190 = arith.constant 48 : index
      %get3A_191 = tpu.vector_load %arg11[%get3A_189, %get3A_190] {strides = array<i32>} : memref<8x80xf32, #tpu.memory_space<vmem>>, vector<16xf32>,
      %add3A_192 = arith.constant 48 : i32
      %add3A_193 = vector.broadcast %add3A_192 : i32 to vector<16xi32>
      %add3A_194 = arith.addi %add3A_193, %iota3A : vector<16xi32>
      %broadcast_in_dim3A_195 = arith.constant 1 : i32
      %broadcast_in_dim3A_196 = vector.broadcast %broadcast_in_dim3A_195 : i32 to vector<16xi32>
      tpu.vector_store_idx %arg13[%add3A_194, %broadcast_in_dim3A_196], %get3A_191 : memref<80x16xf32, #tpu.memory_space<vmem>>[vector<16xi32>, vector<16xi32>], vector<16xf32>,
      %get3A_197 = arith.constant 1 : i32
      %get3A_198 = arith.index_cast %get3A_197 : i32 to index
      %get3A_199 = arith.constant 64 : index
      %get3A_200 = tpu.vector_load %arg11[%get3A_198, %get3A_199] {strides = array<i32>} : memref<8x80xf32, #tpu.memory_space<vmem>>, vector<16xf32>,
      %add3A_201 = arith.constant 64 : i32
      %add3A_202 = vector.broadcast %add3A_201 : i32 to vector<16xi32>
      %add3A_203 = arith.addi %add3A_202, %iota3A : vector<16xi32>
      %broadcast_in_dim3A_204 = arith.constant 1 : i32
      %broadcast_in_dim3A_205 = vector.broadcast %broadcast_in_dim3A_204 : i32 to vector<16xi32>
      tpu.vector_store_idx %arg13[%add3A_203, %broadcast_in_dim3A_205], %get3A_200 : memref<80x16xf32, #tpu.memory_space<vmem>>[vector<16xi32>, vector<16xi32>], vector<16xf32>,
      %get3A_206 = arith.constant 2 : i32
      %get3A_207 = arith.index_cast %get3A_206 : i32 to index
      %get3A_208 = arith.constant 0 : index
      %get3A_209 = tpu.vector_load %arg11[%get3A_207, %get3A_208] {strides = array<i32>} : memref<8x80xf32, #tpu.memory_space<vmem>>, vector<16xf32>,
      %add3A_210 = arith.constant 0 : i32
      %add3A_211 = vector.broadcast %add3A_210 : i32 to vector<16xi32>
      %add3A_212 = arith.addi %add3A_211, %iota3A : vector<16xi32>
      %broadcast_in_dim3A_213 = arith.constant 2 : i32
      %broadcast_in_dim3A_214 = vector.broadcast %broadcast_in_dim3A_213 : i32 to vector<16xi32>
      tpu.vector_store_idx %arg13[%add3A_212, %broadcast_in_dim3A_214], %get3A_209 : memref<80x16xf32, #tpu.memory_space<vmem>>[vector<16xi32>, vector<16xi32>], vector<16xf32>,
      %get3A_215 = arith.constant 2 : i32
      %get3A_216 = arith.index_cast %get3A_215 : i32 to index
      %get3A_217 = arith.constant 16 : index
      %get3A_218 = tpu.vector_load %arg11[%get3A_216, %get3A_217] {strides = array<i32>} : memref<8x80xf32, #tpu.memory_space<vmem>>, vector<16xf32>,
      %add3A_219 = arith.constant 16 : i32
      %add3A_220 = vector.broadcast %add3A_219 : i32 to vector<16xi32>
      %add3A_221 = arith.addi %add3A_220, %iota3A : vector<16xi32>
      %broadcast_in_dim3A_222 = arith.constant 2 : i32
      %broadcast_in_dim3A_223 = vector.broadcast %broadcast_in_dim3A_222 : i32 to vector<16xi32>
      tpu.vector_store_idx %arg13[%add3A_221, %broadcast_in_dim3A_223], %get3A_218 : memref<80x16xf32, #tpu.memory_space<vmem>>[vector<16xi32>, vector<16xi32>], vector<16xf32>,
      %get3A_224 = arith.constant 2 : i32
      %get3A_225 = arith.index_cast %get3A_224 : i32 to index
      %get3A_226 = arith.constant 32 : index
      %get3A_227 = tpu.vector_load %arg11[%get3A_225, %get3A_226] {strides = array<i32>} : memref<8x80xf32, #tpu.memory_space<vmem>>, vector<16xf32>,
      %add3A_228 = arith.constant 32 : i32
      %add3A_229 = vector.broadcast %add3A_228 : i32 to vector<16xi32>
      %add3A_230 = arith.addi %add3A_229, %iota3A : vector<16xi32>
      %broadcast_in_dim3A_231 = arith.constant 2 : i32
      %broadcast_in_dim3A_232 = vector.broadcast %broadcast_in_dim3A_231 : i32 to vector<16xi32>
      tpu.vector_store_idx %arg13[%add3A_230, %broadcast_in_dim3A_232], %get3A_227 : memref<80x16xf32, #tpu.memory_space<vmem>>[vector<16xi32>, vector<16xi32>], vector<16xf32>,
      %get3A_233 = arith.constant 2 : i32
      %get3A_234 = arith.index_cast %get3A_233 : i32 to index
      %get3A_235 = arith.constant 48 : index
      %get3A_236 = tpu.vector_load %arg11[%get3A_234, %get3A_235] {strides = array<i32>} : memref<8x80xf32, #tpu.memory_space<vmem>>, vector<16xf32>,
      %add3A_237 = arith.constant 48 : i32
      %add3A_238 = vector.broadcast %add3A_237 : i32 to vector<16xi32>
      %add3A_239 = arith.addi %add3A_238, %iota3A : vector<16xi32>
      %broadcast_in_dim3A_240 = arith.constant 2 : i32
      %broadcast_in_dim3A_241 = vector.broadcast %broadcast_in_dim3A_240 : i32 to vector<16xi32>
      tpu.vector_store_idx %arg13[%add3A_239, %broadcast_in_dim3A_241], %get3A_236 : memref<80x16xf32, #tpu.memory_space<vmem>>[vector<16xi32>, vector<16xi32>], vector<16xf32>,
      %get3A_242 = arith.constant 2 : i32
      %get3A_243 = arith.index_cast %get3A_242 : i32 to index
      %get3A_244 = arith.constant 64 : index
      %get3A_245 = tpu.vector_load %arg11[%get3A_243, %get3A_244] {strides = array<i32>} : memref<8x80xf32, #tpu.memory_space<vmem>>, vector<16xf32>,
      %add3A_246 = arith.constant 64 : i32
      %add3A_247 = vector.broadcast %add3A_246 : i32 to vector<16xi32>
      %add3A_248 = arith.addi %add3A_247, %iota3A : vector<16xi32>
      %broadcast_in_dim3A_249 = arith.constant 2 : i32
      %broadcast_in_dim3A_250 = vector.broadcast %broadcast_in_dim3A_249 : i32 to vector<16xi32>
      tpu.vector_store_idx %arg13[%add3A_248, %broadcast_in_dim3A_250], %get3A_245 : memref<80x16xf32, #tpu.memory_space<vmem>>[vector<16xi32>, vector<16xi32>], vector<16xf32>,
      %get3A_251 = arith.constant 3 : i32
      %get3A_252 = arith.index_cast %get3A_251 : i32 to index
      %get3A_253 = arith.constant 0 : index
      %get3A_254 = tpu.vector_load %arg11[%get3A_252, %get3A_253] {strides = array<i32>} : memref<8x80xf32, #tpu.memory_space<vmem>>, vector<16xf32>,
      %add3A_255 = arith.constant 0 : i32
      %add3A_256 = vector.broadcast %add3A_255 : i32 to vector<16xi32>
      %add3A_257 = arith.addi %add3A_256, %iota3A : vector<16xi32>
      %broadcast_in_dim3A_258 = arith.constant 3 : i32
      %broadcast_in_dim3A_259 = vector.broadcast %broadcast_in_dim3A_258 : i32 to vector<16xi32>
      tpu.vector_store_idx %arg13[%add3A_257, %broadcast_in_dim3A_259], %get3A_254 : memref<80x16xf32, #tpu.memory_space<vmem>>[vector<16xi32>, vector<16xi32>], vector<16xf32>,
      %get3A_260 = arith.constant 3 : i32
      %get3A_261 = arith.index_cast %get3A_260 : i32 to index
      %get3A_262 = arith.constant 16 : index
      %get3A_263 = tpu.vector_load %arg11[%get3A_261, %get3A_262] {strides = array<i32>} : memref<8x80xf32, #tpu.memory_space<vmem>>, vector<16xf32>,
      %add3A_264 = arith.constant 16 : i32
      %add3A_265 = vector.broadcast %add3A_264 : i32 to vector<16xi32>
      %add3A_266 = arith.addi %add3A_265, %iota3A : vector<16xi32>
      %broadcast_in_dim3A_267 = arith.constant 3 : i32
      %broadcast_in_dim3A_268 = vector.broadcast %broadcast_in_dim3A_267 : i32 to vector<16xi32>
      tpu.vector_store_idx %arg13[%add3A_266, %broadcast_in_dim3A_268], %get3A_263 : memref<80x16xf32, #tpu.memory_space<vmem>>[vector<16xi32>, vector<16xi32>], vector<16xf32>,
      %get3A_269 = arith.constant 3 : i32
      %get3A_270 = arith.index_cast %get3A_269 : i32 to index
      %get3A_271 = arith.constant 32 : index
      %get3A_272 = tpu.vector_load %arg11[%get3A_270, %get3A_271] {strides = array<i32>} : memref<8x80xf32, #tpu.memory_space<vmem>>, vector<16xf32>,
      %add3A_273 = arith.constant 32 : i32
      %add3A_274 = vector.broadcast %add3A_273 : i32 to vector<16xi32>
      %add3A_275 = arith.addi %add3A_274, %iota3A : vector<16xi32>
      %broadcast_in_dim3A_276 = arith.constant 3 : i32
      %broadcast_in_dim3A_277 = vector.broadcast %broadcast_in_dim3A_276 : i32 to vector<16xi32>
      tpu.vector_store_idx %arg13[%add3A_275, %broadcast_in_dim3A_277], %get3A_272 : memref<80x16xf32, #tpu.memory_space<vmem>>[vector<16xi32>, vector<16xi32>], vector<16xf32>,
      %get3A_278 = arith.constant 3 : i32
      %get3A_279 = arith.index_cast %get3A_278 : i32 to index
      %get3A_280 = arith.constant 48 : index
      %get3A_281 = tpu.vector_load %arg11[%get3A_279, %get3A_280] {strides = array<i32>} : memref<8x80xf32, #tpu.memory_space<vmem>>, vector<16xf32>,
      %add3A_282 = arith.constant 48 : i32
      %add3A_283 = vector.broadcast %add3A_282 : i32 to vector<16xi32>
      %add3A_284 = arith.addi %add3A_283, %iota3A : vector<16xi32>
      %broadcast_in_dim3A_285 = arith.constant 3 : i32
      %broadcast_in_dim3A_286 = vector.broadcast %broadcast_in_dim3A_285 : i32 to vector<16xi32>
      tpu.vector_store_idx %arg13[%add3A_284, %broadcast_in_dim3A_286], %get3A_281 : memref<80x16xf32, #tpu.memory_space<vmem>>[vector<16xi32>, vector<16xi32>], vector<16xf32>,
      %get3A_287 = arith.constant 3 : i32
      %get3A_288 = arith.index_cast %get3A_287 : i32 to index
      %get3A_289 = arith.constant 64 : index
      %get3A_290 = tpu.vector_load %arg11[%get3A_288, %get3A_289] {strides = array<i32>} : memref<8x80xf32, #tpu.memory_space<vmem>>, vector<16xf32>,
      %add3A_291 = arith.constant 64 : i32
      %add3A_292 = vector.broadcast %add3A_291 : i32 to vector<16xi32>
      %add3A_293 = arith.addi %add3A_292, %iota3A : vector<16xi32>
      %broadcast_in_dim3A_294 = arith.constant 3 : i32
      %broadcast_in_dim3A_295 = vector.broadcast %broadcast_in_dim3A_294 : i32 to vector<16xi32>
      tpu.vector_store_idx %arg13[%add3A_293, %broadcast_in_dim3A_295], %get3A_290 : memref<80x16xf32, #tpu.memory_space<vmem>>[vector<16xi32>, vector<16xi32>], vector<16xf32>,
      %get3A_296 = arith.constant 4 : i32
      %get3A_297 = arith.index_cast %get3A_296 : i32 to index
      %get3A_298 = arith.constant 0 : index
      %get3A_299 = tpu.vector_load %arg11[%get3A_297, %get3A_298] {strides = array<i32>} : memref<8x80xf32, #tpu.memory_space<vmem>>, vector<16xf32>,
      %add3A_300 = arith.constant 0 : i32
      %add3A_301 = vector.broadcast %add3A_300 : i32 to vector<16xi32>
      %add3A_302 = arith.addi %add3A_301, %iota3A : vector<16xi32>
      %broadcast_in_dim3A_303 = arith.constant 4 : i32
      %broadcast_in_dim3A_304 = vector.broadcast %broadcast_in_dim3A_303 : i32 to vector<16xi32>
      tpu.vector_store_idx %arg13[%add3A_302, %broadcast_in_dim3A_304], %get3A_299 : memref<80x16xf32, #tpu.memory_space<vmem>>[vector<16xi32>, vector<16xi32>], vector<16xf32>,
      %get3A_305 = arith.constant 4 : i32
      %get3A_306 = arith.index_cast %get3A_305 : i32 to index
      %get3A_307 = arith.constant 16 : index
      %get3A_308 = tpu.vector_load %arg11[%get3A_306, %get3A_307] {strides = array<i32>} : memref<8x80xf32, #tpu.memory_space<vmem>>, vector<16xf32>,
      %add3A_309 = arith.constant 16 : i32
      %add3A_310 = vector.broadcast %add3A_309 : i32 to vector<16xi32>
      %add3A_311 = arith.addi %add3A_310, %iota3A : vector<16xi32>
      %broadcast_in_dim3A_312 = arith.constant 4 : i32
      %broadcast_in_dim3A_313 = vector.broadcast %broadcast_in_dim3A_312 : i32 to vector<16xi32>
      tpu.vector_store_idx %arg13[%add3A_311, %broadcast_in_dim3A_313], %get3A_308 : memref<80x16xf32, #tpu.memory_space<vmem>>[vector<16xi32>, vector<16xi32>], vector<16xf32>,
      %get3A_314 = arith.constant 4 : i32
      %get3A_315 = arith.index_cast %get3A_314 : i32 to index
      %get3A_316 = arith.constant 32 : index
      %get3A_317 = tpu.vector_load %arg11[%get3A_315, %get3A_316] {strides = array<i32>} : memref<8x80xf32, #tpu.memory_space<vmem>>, vector<16xf32>,
      %add3A_318 = arith.constant 32 : i32
      %add3A_319 = vector.broadcast %add3A_318 : i32 to vector<16xi32>
      %add3A_320 = arith.addi %add3A_319, %iota3A : vector<16xi32>
      %broadcast_in_dim3A_321 = arith.constant 4 : i32
      %broadcast_in_dim3A_322 = vector.broadcast %broadcast_in_dim3A_321 : i32 to vector<16xi32>
      tpu.vector_store_idx %arg13[%add3A_320, %broadcast_in_dim3A_322], %get3A_317 : memref<80x16xf32, #tpu.memory_space<vmem>>[vector<16xi32>, vector<16xi32>], vector<16xf32>,
      %get3A_323 = arith.constant 4 : i32
      %get3A_324 = arith.index_cast %get3A_323 : i32 to index
      %get3A_325 = arith.constant 48 : index
      %get3A_326 = tpu.vector_load %arg11[%get3A_324, %get3A_325] {strides = array<i32>} : memref<8x80xf32, #tpu.memory_space<vmem>>, vector<16xf32>,
      %add3A_327 = arith.constant 48 : i32
      %add3A_328 = vector.broadcast %add3A_327 : i32 to vector<16xi32>
      %add3A_329 = arith.addi %add3A_328, %iota3A : vector<16xi32>
      %broadcast_in_dim3A_330 = arith.constant 4 : i32
      %broadcast_in_dim3A_331 = vector.broadcast %broadcast_in_dim3A_330 : i32 to vector<16xi32>
      tpu.vector_store_idx %arg13[%add3A_329, %broadcast_in_dim3A_331], %get3A_326 : memref<80x16xf32, #tpu.memory_space<vmem>>[vector<16xi32>, vector<16xi32>], vector<16xf32>,
      %get3A_332 = arith.constant 4 : i32
      %get3A_333 = arith.index_cast %get3A_332 : i32 to index
      %get3A_334 = arith.constant 64 : index
      %get3A_335 = tpu.vector_load %arg11[%get3A_333, %get3A_334] {strides = array<i32>} : memref<8x80xf32, #tpu.memory_space<vmem>>, vector<16xf32>,
      %add3A_336 = arith.constant 64 : i32
      %add3A_337 = vector.broadcast %add3A_336 : i32 to vector<16xi32>
      %add3A_338 = arith.addi %add3A_337, %iota3A : vector<16xi32>
      %broadcast_in_dim3A_339 = arith.constant 4 : i32
      %broadcast_in_dim3A_340 = vector.broadcast %broadcast_in_dim3A_339 : i32 to vector<16xi32>
      tpu.vector_store_idx %arg13[%add3A_338, %broadcast_in_dim3A_340], %get3A_335 : memref<80x16xf32, #tpu.memory_space<vmem>>[vector<16xi32>, vector<16xi32>], vector<16xf32>,
      %get3A_341 = arith.constant 5 : i32
      %get3A_342 = arith.index_cast %get3A_341 : i32 to index
      %get3A_343 = arith.constant 0 : index
      %get3A_344 = tpu.vector_load %arg11[%get3A_342, %get3A_343] {strides = array<i32>} : memref<8x80xf32, #tpu.memory_space<vmem>>, vector<16xf32>,
      %add3A_345 = arith.constant 0 : i32
      %add3A_346 = vector.broadcast %add3A_345 : i32 to vector<16xi32>
      %add3A_347 = arith.addi %add3A_346, %iota3A : vector<16xi32>
      %broadcast_in_dim3A_348 = arith.constant 5 : i32
      %broadcast_in_dim3A_349 = vector.broadcast %broadcast_in_dim3A_348 : i32 to vector<16xi32>
      tpu.vector_store_idx %arg13[%add3A_347, %broadcast_in_dim3A_349], %get3A_344 : memref<80x16xf32, #tpu.memory_space<vmem>>[vector<16xi32>, vector<16xi32>], vector<16xf32>,
      %get3A_350 = arith.constant 5 : i32
      %get3A_351 = arith.index_cast %get3A_350 : i32 to index
      %get3A_352 = arith.constant 16 : index
      %get3A_353 = tpu.vector_load %arg11[%get3A_351, %get3A_352] {strides = array<i32>} : memref<8x80xf32, #tpu.memory_space<vmem>>, vector<16xf32>,
      %add3A_354 = arith.constant 16 : i32
      %add3A_355 = vector.broadcast %add3A_354 : i32 to vector<16xi32>
      %add3A_356 = arith.addi %add3A_355, %iota3A : vector<16xi32>
      %broadcast_in_dim3A_357 = arith.constant 5 : i32
      %broadcast_in_dim3A_358 = vector.broadcast %broadcast_in_dim3A_357 : i32 to vector<16xi32>
      tpu.vector_store_idx %arg13[%add3A_356, %broadcast_in_dim3A_358], %get3A_353 : memref<80x16xf32, #tpu.memory_space<vmem>>[vector<16xi32>, vector<16xi32>], vector<16xf32>,
      %get3A_359 = arith.constant 5 : i32
      %get3A_360 = arith.index_cast %get3A_359 : i32 to index
      %get3A_361 = arith.constant 32 : index
      %get3A_362 = tpu.vector_load %arg11[%get3A_360, %get3A_361] {strides = array<i32>} : memref<8x80xf32, #tpu.memory_space<vmem>>, vector<16xf32>,
      %add3A_363 = arith.constant 32 : i32
      %add3A_364 = vector.broadcast %add3A_363 : i32 to vector<16xi32>
      %add3A_365 = arith.addi %add3A_364, %iota3A : vector<16xi32>
      %broadcast_in_dim3A_366 = arith.constant 5 : i32
      %broadcast_in_dim3A_367 = vector.broadcast %broadcast_in_dim3A_366 : i32 to vector<16xi32>
      tpu.vector_store_idx %arg13[%add3A_365, %broadcast_in_dim3A_367], %get3A_362 : memref<80x16xf32, #tpu.memory_space<vmem>>[vector<16xi32>, vector<16xi32>], vector<16xf32>,
      %get3A_368 = arith.constant 5 : i32
      %get3A_369 = arith.index_cast %get3A_368 : i32 to index
      %get3A_370 = arith.constant 48 : index
      %get3A_371 = tpu.vector_load %arg11[%get3A_369, %get3A_370] {strides = array<i32>} : memref<8x80xf32, #tpu.memory_space<vmem>>, vector<16xf32>,
      %add3A_372 = arith.constant 48 : i32
      %add3A_373 = vector.broadcast %add3A_372 : i32 to vector<16xi32>
      %add3A_374 = arith.addi %add3A_373, %iota3A : vector<16xi32>
      %broadcast_in_dim3A_375 = arith.constant 5 : i32
      %broadcast_in_dim3A_376 = vector.broadcast %broadcast_in_dim3A_375 : i32 to vector<16xi32>
      tpu.vector_store_idx %arg13[%add3A_374, %broadcast_in_dim3A_376], %get3A_371 : memref<80x16xf32, #tpu.memory_space<vmem>>[vector<16xi32>, vector<16xi32>], vector<16xf32>,
      %get3A_377 = arith.constant 5 : i32
      %get3A_378 = arith.index_cast %get3A_377 : i32 to index
      %get3A_379 = arith.constant 64 : index
      %get3A_380 = tpu.vector_load %arg11[%get3A_378, %get3A_379] {strides = array<i32>} : memref<8x80xf32, #tpu.memory_space<vmem>>, vector<16xf32>,
      %add3A_381 = arith.constant 64 : i32
      %add3A_382 = vector.broadcast %add3A_381 : i32 to vector<16xi32>
      %add3A_383 = arith.addi %add3A_382, %iota3A : vector<16xi32>
      %broadcast_in_dim3A_384 = arith.constant 5 : i32
      %broadcast_in_dim3A_385 = vector.broadcast %broadcast_in_dim3A_384 : i32 to vector<16xi32>
      tpu.vector_store_idx %arg13[%add3A_383, %broadcast_in_dim3A_385], %get3A_380 : memref<80x16xf32, #tpu.memory_space<vmem>>[vector<16xi32>, vector<16xi32>], vector<16xf32>,
      %get3A_386 = arith.constant 6 : i32
      %get3A_387 = arith.index_cast %get3A_386 : i32 to index
      %get3A_388 = arith.constant 0 : index
      %get3A_389 = tpu.vector_load %arg11[%get3A_387, %get3A_388] {strides = array<i32>} : memref<8x80xf32, #tpu.memory_space<vmem>>, vector<16xf32>,
      %add3A_390 = arith.constant 0 : i32
      %add3A_391 = vector.broadcast %add3A_390 : i32 to vector<16xi32>
      %add3A_392 = arith.addi %add3A_391, %iota3A : vector<16xi32>
      %broadcast_in_dim3A_393 = arith.constant 6 : i32
      %broadcast_in_dim3A_394 = vector.broadcast %broadcast_in_dim3A_393 : i32 to vector<16xi32>
      tpu.vector_store_idx %arg13[%add3A_392, %broadcast_in_dim3A_394], %get3A_389 : memref<80x16xf32, #tpu.memory_space<vmem>>[vector<16xi32>, vector<16xi32>], vector<16xf32>,
      %get3A_395 = arith.constant 6 : i32
      %get3A_396 = arith.index_cast %get3A_395 : i32 to index
      %get3A_397 = arith.constant 16 : index
      %get3A_398 = tpu.vector_load %arg11[%get3A_396, %get3A_397] {strides = array<i32>} : memref<8x80xf32, #tpu.memory_space<vmem>>, vector<16xf32>,
      %add3A_399 = arith.constant 16 : i32
      %add3A_400 = vector.broadcast %add3A_399 : i32 to vector<16xi32>
      %add3A_401 = arith.addi %add3A_400, %iota3A : vector<16xi32>
      %broadcast_in_dim3A_402 = arith.constant 6 : i32
      %broadcast_in_dim3A_403 = vector.broadcast %broadcast_in_dim3A_402 : i32 to vector<16xi32>
      tpu.vector_store_idx %arg13[%add3A_401, %broadcast_in_dim3A_403], %get3A_398 : memref<80x16xf32, #tpu.memory_space<vmem>>[vector<16xi32>, vector<16xi32>], vector<16xf32>,
      %get3A_404 = arith.constant 6 : i32
      %get3A_405 = arith.index_cast %get3A_404 : i32 to index
      %get3A_406 = arith.constant 32 : index
      %get3A_407 = tpu.vector_load %arg11[%get3A_405, %get3A_406] {strides = array<i32>} : memref<8x80xf32, #tpu.memory_space<vmem>>, vector<16xf32>,
      %add3A_408 = arith.constant 32 : i32
      %add3A_409 = vector.broadcast %add3A_408 : i32 to vector<16xi32>
      %add3A_410 = arith.addi %add3A_409, %iota3A : vector<16xi32>
      %broadcast_in_dim3A_411 = arith.constant 6 : i32
      %broadcast_in_dim3A_412 = vector.broadcast %broadcast_in_dim3A_411 : i32 to vector<16xi32>
      tpu.vector_store_idx %arg13[%add3A_410, %broadcast_in_dim3A_412], %get3A_407 : memref<80x16xf32, #tpu.memory_space<vmem>>[vector<16xi32>, vector<16xi32>], vector<16xf32>,
      %get3A_413 = arith.constant 6 : i32
      %get3A_414 = arith.index_cast %get3A_413 : i32 to index
      %get3A_415 = arith.constant 48 : index
      %get3A_416 = tpu.vector_load %arg11[%get3A_414, %get3A_415] {strides = array<i32>} : memref<8x80xf32, #tpu.memory_space<vmem>>, vector<16xf32>,
      %add3A_417 = arith.constant 48 : i32
      %add3A_418 = vector.broadcast %add3A_417 : i32 to vector<16xi32>
      %add3A_419 = arith.addi %add3A_418, %iota3A : vector<16xi32>
      %broadcast_in_dim3A_420 = arith.constant 6 : i32
      %broadcast_in_dim3A_421 = vector.broadcast %broadcast_in_dim3A_420 : i32 to vector<16xi32>
      tpu.vector_store_idx %arg13[%add3A_419, %broadcast_in_dim3A_421], %get3A_416 : memref<80x16xf32, #tpu.memory_space<vmem>>[vector<16xi32>, vector<16xi32>], vector<16xf32>,
      %get3A_422 = arith.constant 6 : i32
      %get3A_423 = arith.index_cast %get3A_422 : i32 to index
      %get3A_424 = arith.constant 64 : index
      %get3A_425 = tpu.vector_load %arg11[%get3A_423, %get3A_424] {strides = array<i32>} : memref<8x80xf32, #tpu.memory_space<vmem>>, vector<16xf32>,
      %add3A_426 = arith.constant 64 : i32
      %add3A_427 = vector.broadcast %add3A_426 : i32 to vector<16xi32>
      %add3A_428 = arith.addi %add3A_427, %iota3A : vector<16xi32>
      %broadcast_in_dim3A_429 = arith.constant 6 : i32
      %broadcast_in_dim3A_430 = vector.broadcast %broadcast_in_dim3A_429 : i32 to vector<16xi32>
      tpu.vector_store_idx %arg13[%add3A_428, %broadcast_in_dim3A_430], %get3A_425 : memref<80x16xf32, #tpu.memory_space<vmem>>[vector<16xi32>, vector<16xi32>], vector<16xf32>,
      %get3A_431 = arith.constant 7 : i32
      %get3A_432 = arith.index_cast %get3A_431 : i32 to index
      %get3A_433 = arith.constant 0 : index
      %get3A_434 = tpu.vector_load %arg11[%get3A_432, %get3A_433] {strides = array<i32>} : memref<8x80xf32, #tpu.memory_space<vmem>>, vector<16xf32>,
      %add3A_435 = arith.constant 0 : i32
      %add3A_436 = vector.broadcast %add3A_435 : i32 to vector<16xi32>
      %add3A_437 = arith.addi %add3A_436, %iota3A : vector<16xi32>
      %broadcast_in_dim3A_438 = arith.constant 7 : i32
      %broadcast_in_dim3A_439 = vector.broadcast %broadcast_in_dim3A_438 : i32 to vector<16xi32>
      tpu.vector_store_idx %arg13[%add3A_437, %broadcast_in_dim3A_439], %get3A_434 : memref<80x16xf32, #tpu.memory_space<vmem>>[vector<16xi32>, vector<16xi32>], vector<16xf32>,
      %get3A_440 = arith.constant 7 : i32
      %get3A_441 = arith.index_cast %get3A_440 : i32 to index
      %get3A_442 = arith.constant 16 : index
      %get3A_443 = tpu.vector_load %arg11[%get3A_441, %get3A_442] {strides = array<i32>} : memref<8x80xf32, #tpu.memory_space<vmem>>, vector<16xf32>,
      %add3A_444 = arith.constant 16 : i32
      %add3A_445 = vector.broadcast %add3A_444 : i32 to vector<16xi32>
      %add3A_446 = arith.addi %add3A_445, %iota3A : vector<16xi32>
      %broadcast_in_dim3A_447 = arith.constant 7 : i32
      %broadcast_in_dim3A_448 = vector.broadcast %broadcast_in_dim3A_447 : i32 to vector<16xi32>
      tpu.vector_store_idx %arg13[%add3A_446, %broadcast_in_dim3A_448], %get3A_443 : memref<80x16xf32, #tpu.memory_space<vmem>>[vector<16xi32>, vector<16xi32>], vector<16xf32>,
      %get3A_449 = arith.constant 7 : i32
      %get3A_450 = arith.index_cast %get3A_449 : i32 to index
      %get3A_451 = arith.constant 32 : index
      %get3A_452 = tpu.vector_load %arg11[%get3A_450, %get3A_451] {strides = array<i32>} : memref<8x80xf32, #tpu.memory_space<vmem>>, vector<16xf32>,
      %add3A_453 = arith.constant 32 : i32
      %add3A_454 = vector.broadcast %add3A_453 : i32 to vector<16xi32>
      %add3A_455 = arith.addi %add3A_454, %iota3A : vector<16xi32>
      %broadcast_in_dim3A_456 = arith.constant 7 : i32
      %broadcast_in_dim3A_457 = vector.broadcast %broadcast_in_dim3A_456 : i32 to vector<16xi32>
      tpu.vector_store_idx %arg13[%add3A_455, %broadcast_in_dim3A_457], %get3A_452 : memref<80x16xf32, #tpu.memory_space<vmem>>[vector<16xi32>, vector<16xi32>], vector<16xf32>,
      %get3A_458 = arith.constant 7 : i32
      %get3A_459 = arith.index_cast %get3A_458 : i32 to index
      %get3A_460 = arith.constant 48 : index
      %get3A_461 = tpu.vector_load %arg11[%get3A_459, %get3A_460] {strides = array<i32>} : memref<8x80xf32, #tpu.memory_space<vmem>>, vector<16xf32>,
      %add3A_462 = arith.constant 48 : i32
      %add3A_463 = vector.broadcast %add3A_462 : i32 to vector<16xi32>
      %add3A_464 = arith.addi %add3A_463, %iota3A : vector<16xi32>
      %broadcast_in_dim3A_465 = arith.constant 7 : i32
      %broadcast_in_dim3A_466 = vector.broadcast %broadcast_in_dim3A_465 : i32 to vector<16xi32>
      tpu.vector_store_idx %arg13[%add3A_464, %broadcast_in_dim3A_466], %get3A_461 : memref<80x16xf32, #tpu.memory_space<vmem>>[vector<16xi32>, vector<16xi32>], vector<16xf32>,
      %get3A_467 = arith.constant 7 : i32
      %get3A_468 = arith.index_cast %get3A_467 : i32 to index
      %get3A_469 = arith.constant 64 : index
      %get3A_470 = tpu.vector_load %arg11[%get3A_468, %get3A_469] {strides = array<i32>} : memref<8x80xf32, #tpu.memory_space<vmem>>, vector<16xf32>,
      %add3A_471 = arith.constant 64 : i32
      %add3A_472 = vector.broadcast %add3A_471 : i32 to vector<16xi32>
      %add3A_473 = arith.addi %add3A_472, %iota3A : vector<16xi32>
      %broadcast_in_dim3A_474 = arith.constant 7 : i32
      %broadcast_in_dim3A_475 = vector.broadcast %broadcast_in_dim3A_474 : i32 to vector<16xi32>
      tpu.vector_store_idx %arg13[%add3A_473, %broadcast_in_dim3A_475], %get3A_470 : memref<80x16xf32, #tpu.memory_space<vmem>>[vector<16xi32>, vector<16xi32>], vector<16xf32>,
      "tpu.region"() ({
        %run_scoped3A = tpu.sem_alloc : memref<!tpu.dma_semaphore, #tpu.memory_space<semaphore_mem>>
        %dma_start3A_483 = arith.constant 0 : i32
        %dma_start3A_484 = arith.constant 0 : i32
        %dma_start3A_485 = tpu.memref_slice %arg20[%dma_start3A_483, %dma_start3A_484] : memref<10240x128xf32, #tpu.memory_space<vmem_shared>> -> memref<10240x128xf32, #tpu.memory_space<vmem_shared>>
        tpu.enqueue_indirect_dma source(%arg7 : memref<80x128xf32, #tpu.memory_space<vmem>>) target(%dma_start3A_485 : memref<10240x128xf32, #tpu.memory_space<vmem_shared>>) offsets(%arg9 : memref<80xi32, #tpu.memory_space<vmem>>) semaphore(%run_scoped3A : memref<!tpu.dma_semaphore, #tpu.memory_space<semaphore_mem>>) {add = true}
        %dma_wait3A_486 = arith.constant 0 : i32
        %dma_wait3A_487 = arith.constant 0 : i32
        %dma_wait3A_488 = tpu.memref_slice %arg20[%dma_wait3A_486, %dma_wait3A_487] : memref<10240x128xf32, #tpu.memory_space<vmem_shared>> -> memref<10240x128xf32, #tpu.memory_space<vmem_shared>>
        tpu.wait_indirect_dma semaphore(%run_scoped3A : memref<!tpu.dma_semaphore, #tpu.memory_space<semaphore_mem>>) src(%arg7 : memref<80x128xf32, #tpu.memory_space<vmem>>) dst(%dma_wait3A_488 : memref<10240x128xf32, #tpu.memory_space<vmem_shared>>)
        tpu.yield
      }) : () -> ()
      "tpu.region"() ({
        %run_scoped3A = tpu.sem_alloc : memref<!tpu.dma_semaphore, #tpu.memory_space<semaphore_mem>>
        %dma_start3A_483 = arith.constant 0 : i32
        %dma_start3A_484 = arith.constant 0 : i32
        %dma_start3A_485 = tpu.memref_slice %arg21[%dma_start3A_483, %dma_start3A_484] : memref<10240x16xf32, #tpu.memory_space<vmem_shared>> -> memref<10240x16xf32, #tpu.memory_space<vmem_shared>>
        tpu.enqueue_indirect_dma source(%arg13 : memref<80x16xf32, #tpu.memory_space<vmem>>) target(%dma_start3A_485 : memref<10240x16xf32, #tpu.memory_space<vmem_shared>>) offsets(%arg9 : memref<80xi32, #tpu.memory_space<vmem>>) semaphore(%run_scoped3A : memref<!tpu.dma_semaphore, #tpu.memory_space<semaphore_mem>>) {add = true}
        %dma_wait3A_486 = arith.constant 0 : i32
        %dma_wait3A_487 = arith.constant 0 : i32
        %dma_wait3A_488 = tpu.memref_slice %arg21[%dma_wait3A_486, %dma_wait3A_487] : memref<10240x16xf32, #tpu.memory_space<vmem_shared>> -> memref<10240x16xf32, #tpu.memory_space<vmem_shared>>
        tpu.wait_indirect_dma semaphore(%run_scoped3A : memref<!tpu.dma_semaphore, #tpu.memory_space<semaphore_mem>>) src(%arg13 : memref<80x16xf32, #tpu.memory_space<vmem>>) dst(%dma_wait3A_488 : memref<10240x16xf32, #tpu.memory_space<vmem_shared>>)
        tpu.yield
      }) : () -> ()
      %add3A_476 = arith.constant 1 : i32
      %add3A_477 = arith.addi %mul3A_98, %add3A_476 : i32
      %lt3A_478 = arith.constant 50 : i32
      %lt3A_479 = arith.cmpi slt, %add3A_477, %lt3A_478 : i32
      %convert_element_type3A_480 = arith.extui %lt3A_479 : i1 to i32
      %cond3A_481 = arith.constant 0 : i32
      %cond3A_482 = arith.cmpi ne, %convert_element_type3A_480, %cond3A_481 : i32
      scf.if %cond3A_482 {
        %add3A_483 = arith.constant 1 : i32
        %add3A_484 = arith.addi %mul3A_98, %add3A_483 : i32
        %add3A_485 = arith.constant 1 : i32
        %add3A_486 = arith.addi %add3A_484, %add3A_485 : i32
        %lt3A_487 = arith.constant 50 : i32
        %lt3A_488 = arith.cmpi slt, %add3A_486, %lt3A_487 : i32
        %convert_element_type3A_489 = arith.extui %lt3A_488 : i1 to i32
        %cond3A_490 = arith.constant 0 : i32
        %cond3A_491 = arith.cmpi ne, %convert_element_type3A_489, %cond3A_490 : i32
        scf.if %cond3A_491 {
          %add3A_867 = arith.constant 1 : i32
          %add3A_868 = arith.addi %add3A_484, %add3A_867 : i32
          %mul3A_869 = arith.constant 80 : i32
          %mul3A_870 = arith.muli %add3A_868, %mul3A_869 : i32
          %add3A_871 = arith.addi %mul3A_8, %mul3A_870 : i32
          %dma_start3A_872 = arith.constant 0 : i32
          %dma_start3A_873 = tpu.memref_slice %arg2[%add3A_871, %dma_start3A_872] : memref<128000x128xf32, #tpu.memory_space<hbm>> -> memref<80x128xf32, #tpu.memory_space<hbm>>
          %dma_start3A_874 = arith.constant 0 : i32
          %dma_start3A_875 = tpu.memref_slice %arg2[%add3A_871, %dma_start3A_874] : memref<128000x128xf32, #tpu.memory_space<hbm>> -> memref<80x128xf32, #tpu.memory_space<hbm>>
          tpu.enqueue_dma source(%dma_start3A_875 : memref<80x128xf32, #tpu.memory_space<hbm>>) target(%arg7 : memref<80x128xf32, #tpu.memory_space<vmem>>) target_semaphore(%arg15 : memref<!tpu.dma_semaphore, #tpu.memory_space<semaphore_mem>>)
          %add3A_876 = arith.constant 0 : i32
          %add3A_877 = arith.addi %add3A_876, %add3A_871 : i32
          %dma_start3A_878 = tpu.memref_slice %arg4[%add3A_877] : memref<320000xi32, #tpu.memory_space<hbm>> -> memref<80xi32, #tpu.memory_space<hbm>>
          %dma_start3A_879 = tpu.memref_slice %arg4[%add3A_877] : memref<320000xi32, #tpu.memory_space<hbm>> -> memref<80xi32, #tpu.memory_space<hbm>>
          tpu.enqueue_dma source(%dma_start3A_879 : memref<80xi32, #tpu.memory_space<hbm>>) target(%arg9 : memref<80xi32, #tpu.memory_space<vmem>>) target_semaphore(%arg15 : memref<!tpu.dma_semaphore, #tpu.memory_space<semaphore_mem>>)
          %dma_start3A_880 = arith.constant 0 : i32
          %dma_start3A_881 = tpu.memref_slice %arg3[%dma_start3A_880, %add3A_871] : memref<8x128000xf32, #tpu.memory_space<hbm>> -> memref<8x80xf32, #tpu.memory_space<hbm>>
          %dma_start3A_882 = arith.constant 0 : i32
          %dma_start3A_883 = tpu.memref_slice %arg3[%dma_start3A_882, %add3A_871] : memref<8x128000xf32, #tpu.memory_space<hbm>> -> memref<8x80xf32, #tpu.memory_space<hbm>>
          tpu.enqueue_dma source(%dma_start3A_883 : memref<8x80xf32, #tpu.memory_space<hbm>>) target(%arg11 : memref<8x80xf32, #tpu.memory_space<vmem>>) target_semaphore(%arg15 : memref<!tpu.dma_semaphore, #tpu.memory_space<semaphore_mem>>)
        } else {
        }
        %mul3A_492 = arith.constant 80 : i32
        %mul3A_493 = arith.muli %add3A_484, %mul3A_492 : i32
        %add3A_494 = arith.addi %mul3A_8, %mul3A_493 : i32
        %dma_wait3A_495 = arith.constant 0 : i32
        %dma_wait3A_496 = tpu.memref_slice %arg2[%add3A_494, %dma_wait3A_495] : memref<128000x128xf32, #tpu.memory_space<hbm>> -> memref<80x128xf32, #tpu.memory_space<hbm>>
        %dma_wait3A_497 = arith.constant 0 : i32
        %dma_wait3A_498 = tpu.memref_slice %arg2[%add3A_494, %dma_wait3A_497] : memref<128000x128xf32, #tpu.memory_space<hbm>> -> memref<80x128xf32, #tpu.memory_space<hbm>>
        tpu.wait_dma2 semaphore(%arg16 : memref<!tpu.dma_semaphore, #tpu.memory_space<semaphore_mem>>) src(%dma_wait3A_498 : memref<80x128xf32, #tpu.memory_space<hbm>>) dst(%arg8 : memref<80x128xf32, #tpu.memory_space<vmem>>)
        %add3A_499 = arith.constant 0 : i32
        %add3A_500 = arith.addi %add3A_499, %add3A_494 : i32
        %dma_wait3A_501 = tpu.memref_slice %arg4[%add3A_500] : memref<320000xi32, #tpu.memory_space<hbm>> -> memref<80xi32, #tpu.memory_space<hbm>>
        %dma_wait3A_502 = tpu.memref_slice %arg4[%add3A_500] : memref<320000xi32, #tpu.memory_space<hbm>> -> memref<80xi32, #tpu.memory_space<hbm>>
        tpu.wait_dma2 semaphore(%arg16 : memref<!tpu.dma_semaphore, #tpu.memory_space<semaphore_mem>>) src(%dma_wait3A_502 : memref<80xi32, #tpu.memory_space<hbm>>) dst(%arg10 : memref<80xi32, #tpu.memory_space<vmem>>)
        %dma_wait3A_503 = arith.constant 0 : i32
        %dma_wait3A_504 = tpu.memref_slice %arg3[%dma_wait3A_503, %add3A_494] : memref<8x128000xf32, #tpu.memory_space<hbm>> -> memref<8x80xf32, #tpu.memory_space<hbm>>
        %dma_wait3A_505 = arith.constant 0 : i32
        %dma_wait3A_506 = tpu.memref_slice %arg3[%dma_wait3A_505, %add3A_494] : memref<8x128000xf32, #tpu.memory_space<hbm>> -> memref<8x80xf32, #tpu.memory_space<hbm>>
        tpu.wait_dma2 semaphore(%arg16 : memref<!tpu.dma_semaphore, #tpu.memory_space<semaphore_mem>>) src(%dma_wait3A_506 : memref<8x80xf32, #tpu.memory_space<hbm>>) dst(%arg12 : memref<8x80xf32, #tpu.memory_space<vmem>>)
        %get3A_507 = arith.constant 0 : i32
        %get3A_508 = arith.index_cast %get3A_507 : i32 to index
        %get3A_509 = arith.constant 0 : index
        %get3A_510 = tpu.vector_load %arg12[%get3A_508, %get3A_509] {strides = array<i32>} : memref<8x80xf32, #tpu.memory_space<vmem>>, vector<16xf32>,
        %add3A_511 = arith.constant 0 : i32
        %add3A_512 = vector.broadcast %add3A_511 : i32 to vector<16xi32>
        %add3A_513 = arith.addi %add3A_512, %iota3A : vector<16xi32>
        %broadcast_in_dim3A_514 = arith.constant 0 : i32
        %broadcast_in_dim3A_515 = vector.broadcast %broadcast_in_dim3A_514 : i32 to vector<16xi32>
        tpu.vector_store_idx %arg14[%add3A_513, %broadcast_in_dim3A_515], %get3A_510 : memref<80x16xf32, #tpu.memory_space<vmem>>[vector<16xi32>, vector<16xi32>], vector<16xf32>,
        %get3A_516 = arith.constant 0 : i32
        %get3A_517 = arith.index_cast %get3A_516 : i32 to index
        %get3A_518 = arith.constant 16 : index
        %get3A_519 = tpu.vector_load %arg12[%get3A_517, %get3A_518] {strides = array<i32>} : memref<8x80xf32, #tpu.memory_space<vmem>>, vector<16xf32>,
        %add3A_520 = arith.constant 16 : i32
        %add3A_521 = vector.broadcast %add3A_520 : i32 to vector<16xi32>
        %add3A_522 = arith.addi %add3A_521, %iota3A : vector<16xi32>
        %broadcast_in_dim3A_523 = arith.constant 0 : i32
        %broadcast_in_dim3A_524 = vector.broadcast %broadcast_in_dim3A_523 : i32 to vector<16xi32>
        tpu.vector_store_idx %arg14[%add3A_522, %broadcast_in_dim3A_524], %get3A_519 : memref<80x16xf32, #tpu.memory_space<vmem>>[vector<16xi32>, vector<16xi32>], vector<16xf32>,
        %get3A_525 = arith.constant 0 : i32
        %get3A_526 = arith.index_cast %get3A_525 : i32 to index
        %get3A_527 = arith.constant 32 : index
        %get3A_528 = tpu.vector_load %arg12[%get3A_526, %get3A_527] {strides = array<i32>} : memref<8x80xf32, #tpu.memory_space<vmem>>, vector<16xf32>,
        %add3A_529 = arith.constant 32 : i32
        %add3A_530 = vector.broadcast %add3A_529 : i32 to vector<16xi32>
        %add3A_531 = arith.addi %add3A_530, %iota3A : vector<16xi32>
        %broadcast_in_dim3A_532 = arith.constant 0 : i32
        %broadcast_in_dim3A_533 = vector.broadcast %broadcast_in_dim3A_532 : i32 to vector<16xi32>
        tpu.vector_store_idx %arg14[%add3A_531, %broadcast_in_dim3A_533], %get3A_528 : memref<80x16xf32, #tpu.memory_space<vmem>>[vector<16xi32>, vector<16xi32>], vector<16xf32>,
        %get3A_534 = arith.constant 0 : i32
        %get3A_535 = arith.index_cast %get3A_534 : i32 to index
        %get3A_536 = arith.constant 48 : index
        %get3A_537 = tpu.vector_load %arg12[%get3A_535, %get3A_536] {strides = array<i32>} : memref<8x80xf32, #tpu.memory_space<vmem>>, vector<16xf32>,
        %add3A_538 = arith.constant 48 : i32
        %add3A_539 = vector.broadcast %add3A_538 : i32 to vector<16xi32>
        %add3A_540 = arith.addi %add3A_539, %iota3A : vector<16xi32>
        %broadcast_in_dim3A_541 = arith.constant 0 : i32
        %broadcast_in_dim3A_542 = vector.broadcast %broadcast_in_dim3A_541 : i32 to vector<16xi32>
        tpu.vector_store_idx %arg14[%add3A_540, %broadcast_in_dim3A_542], %get3A_537 : memref<80x16xf32, #tpu.memory_space<vmem>>[vector<16xi32>, vector<16xi32>], vector<16xf32>,
        %get3A_543 = arith.constant 0 : i32
        %get3A_544 = arith.index_cast %get3A_543 : i32 to index
        %get3A_545 = arith.constant 64 : index
        %get3A_546 = tpu.vector_load %arg12[%get3A_544, %get3A_545] {strides = array<i32>} : memref<8x80xf32, #tpu.memory_space<vmem>>, vector<16xf32>,
        %add3A_547 = arith.constant 64 : i32
        %add3A_548 = vector.broadcast %add3A_547 : i32 to vector<16xi32>
        %add3A_549 = arith.addi %add3A_548, %iota3A : vector<16xi32>
        %broadcast_in_dim3A_550 = arith.constant 0 : i32
        %broadcast_in_dim3A_551 = vector.broadcast %broadcast_in_dim3A_550 : i32 to vector<16xi32>
        tpu.vector_store_idx %arg14[%add3A_549, %broadcast_in_dim3A_551], %get3A_546 : memref<80x16xf32, #tpu.memory_space<vmem>>[vector<16xi32>, vector<16xi32>], vector<16xf32>,
        %get3A_552 = arith.constant 1 : i32
        %get3A_553 = arith.index_cast %get3A_552 : i32 to index
        %get3A_554 = arith.constant 0 : index
        %get3A_555 = tpu.vector_load %arg12[%get3A_553, %get3A_554] {strides = array<i32>} : memref<8x80xf32, #tpu.memory_space<vmem>>, vector<16xf32>,
        %add3A_556 = arith.constant 0 : i32
        %add3A_557 = vector.broadcast %add3A_556 : i32 to vector<16xi32>
        %add3A_558 = arith.addi %add3A_557, %iota3A : vector<16xi32>
        %broadcast_in_dim3A_559 = arith.constant 1 : i32
        %broadcast_in_dim3A_560 = vector.broadcast %broadcast_in_dim3A_559 : i32 to vector<16xi32>
        tpu.vector_store_idx %arg14[%add3A_558, %broadcast_in_dim3A_560], %get3A_555 : memref<80x16xf32, #tpu.memory_space<vmem>>[vector<16xi32>, vector<16xi32>], vector<16xf32>,
        %get3A_561 = arith.constant 1 : i32
        %get3A_562 = arith.index_cast %get3A_561 : i32 to index
        %get3A_563 = arith.constant 16 : index
        %get3A_564 = tpu.vector_load %arg12[%get3A_562, %get3A_563] {strides = array<i32>} : memref<8x80xf32, #tpu.memory_space<vmem>>, vector<16xf32>,
        %add3A_565 = arith.constant 16 : i32
        %add3A_566 = vector.broadcast %add3A_565 : i32 to vector<16xi32>
        %add3A_567 = arith.addi %add3A_566, %iota3A : vector<16xi32>
        %broadcast_in_dim3A_568 = arith.constant 1 : i32
        %broadcast_in_dim3A_569 = vector.broadcast %broadcast_in_dim3A_568 : i32 to vector<16xi32>
        tpu.vector_store_idx %arg14[%add3A_567, %broadcast_in_dim3A_569], %get3A_564 : memref<80x16xf32, #tpu.memory_space<vmem>>[vector<16xi32>, vector<16xi32>], vector<16xf32>,
        %get3A_570 = arith.constant 1 : i32
        %get3A_571 = arith.index_cast %get3A_570 : i32 to index
        %get3A_572 = arith.constant 32 : index
        %get3A_573 = tpu.vector_load %arg12[%get3A_571, %get3A_572] {strides = array<i32>} : memref<8x80xf32, #tpu.memory_space<vmem>>, vector<16xf32>,
        %add3A_574 = arith.constant 32 : i32
        %add3A_575 = vector.broadcast %add3A_574 : i32 to vector<16xi32>
        %add3A_576 = arith.addi %add3A_575, %iota3A : vector<16xi32>
        %broadcast_in_dim3A_577 = arith.constant 1 : i32
        %broadcast_in_dim3A_578 = vector.broadcast %broadcast_in_dim3A_577 : i32 to vector<16xi32>
        tpu.vector_store_idx %arg14[%add3A_576, %broadcast_in_dim3A_578], %get3A_573 : memref<80x16xf32, #tpu.memory_space<vmem>>[vector<16xi32>, vector<16xi32>], vector<16xf32>,
        %get3A_579 = arith.constant 1 : i32
        %get3A_580 = arith.index_cast %get3A_579 : i32 to index
        %get3A_581 = arith.constant 48 : index
        %get3A_582 = tpu.vector_load %arg12[%get3A_580, %get3A_581] {strides = array<i32>} : memref<8x80xf32, #tpu.memory_space<vmem>>, vector<16xf32>,
        %add3A_583 = arith.constant 48 : i32
        %add3A_584 = vector.broadcast %add3A_583 : i32 to vector<16xi32>
        %add3A_585 = arith.addi %add3A_584, %iota3A : vector<16xi32>
        %broadcast_in_dim3A_586 = arith.constant 1 : i32
        %broadcast_in_dim3A_587 = vector.broadcast %broadcast_in_dim3A_586 : i32 to vector<16xi32>
        tpu.vector_store_idx %arg14[%add3A_585, %broadcast_in_dim3A_587], %get3A_582 : memref<80x16xf32, #tpu.memory_space<vmem>>[vector<16xi32>, vector<16xi32>], vector<16xf32>,
        %get3A_588 = arith.constant 1 : i32
        %get3A_589 = arith.index_cast %get3A_588 : i32 to index
        %get3A_590 = arith.constant 64 : index
        %get3A_591 = tpu.vector_load %arg12[%get3A_589, %get3A_590] {strides = array<i32>} : memref<8x80xf32, #tpu.memory_space<vmem>>, vector<16xf32>,
        %add3A_592 = arith.constant 64 : i32
        %add3A_593 = vector.broadcast %add3A_592 : i32 to vector<16xi32>
        %add3A_594 = arith.addi %add3A_593, %iota3A : vector<16xi32>
        %broadcast_in_dim3A_595 = arith.constant 1 : i32
        %broadcast_in_dim3A_596 = vector.broadcast %broadcast_in_dim3A_595 : i32 to vector<16xi32>
        tpu.vector_store_idx %arg14[%add3A_594, %broadcast_in_dim3A_596], %get3A_591 : memref<80x16xf32, #tpu.memory_space<vmem>>[vector<16xi32>, vector<16xi32>], vector<16xf32>,
        %get3A_597 = arith.constant 2 : i32
        %get3A_598 = arith.index_cast %get3A_597 : i32 to index
        %get3A_599 = arith.constant 0 : index
        %get3A_600 = tpu.vector_load %arg12[%get3A_598, %get3A_599] {strides = array<i32>} : memref<8x80xf32, #tpu.memory_space<vmem>>, vector<16xf32>,
        %add3A_601 = arith.constant 0 : i32
        %add3A_602 = vector.broadcast %add3A_601 : i32 to vector<16xi32>
        %add3A_603 = arith.addi %add3A_602, %iota3A : vector<16xi32>
        %broadcast_in_dim3A_604 = arith.constant 2 : i32
        %broadcast_in_dim3A_605 = vector.broadcast %broadcast_in_dim3A_604 : i32 to vector<16xi32>
        tpu.vector_store_idx %arg14[%add3A_603, %broadcast_in_dim3A_605], %get3A_600 : memref<80x16xf32, #tpu.memory_space<vmem>>[vector<16xi32>, vector<16xi32>], vector<16xf32>,
        %get3A_606 = arith.constant 2 : i32
        %get3A_607 = arith.index_cast %get3A_606 : i32 to index
        %get3A_608 = arith.constant 16 : index
        %get3A_609 = tpu.vector_load %arg12[%get3A_607, %get3A_608] {strides = array<i32>} : memref<8x80xf32, #tpu.memory_space<vmem>>, vector<16xf32>,
        %add3A_610 = arith.constant 16 : i32
        %add3A_611 = vector.broadcast %add3A_610 : i32 to vector<16xi32>
        %add3A_612 = arith.addi %add3A_611, %iota3A : vector<16xi32>
        %broadcast_in_dim3A_613 = arith.constant 2 : i32
        %broadcast_in_dim3A_614 = vector.broadcast %broadcast_in_dim3A_613 : i32 to vector<16xi32>
        tpu.vector_store_idx %arg14[%add3A_612, %broadcast_in_dim3A_614], %get3A_609 : memref<80x16xf32, #tpu.memory_space<vmem>>[vector<16xi32>, vector<16xi32>], vector<16xf32>,
        %get3A_615 = arith.constant 2 : i32
        %get3A_616 = arith.index_cast %get3A_615 : i32 to index
        %get3A_617 = arith.constant 32 : index
        %get3A_618 = tpu.vector_load %arg12[%get3A_616, %get3A_617] {strides = array<i32>} : memref<8x80xf32, #tpu.memory_space<vmem>>, vector<16xf32>,
        %add3A_619 = arith.constant 32 : i32
        %add3A_620 = vector.broadcast %add3A_619 : i32 to vector<16xi32>
        %add3A_621 = arith.addi %add3A_620, %iota3A : vector<16xi32>
        %broadcast_in_dim3A_622 = arith.constant 2 : i32
        %broadcast_in_dim3A_623 = vector.broadcast %broadcast_in_dim3A_622 : i32 to vector<16xi32>
        tpu.vector_store_idx %arg14[%add3A_621, %broadcast_in_dim3A_623], %get3A_618 : memref<80x16xf32, #tpu.memory_space<vmem>>[vector<16xi32>, vector<16xi32>], vector<16xf32>,
        %get3A_624 = arith.constant 2 : i32
        %get3A_625 = arith.index_cast %get3A_624 : i32 to index
        %get3A_626 = arith.constant 48 : index
        %get3A_627 = tpu.vector_load %arg12[%get3A_625, %get3A_626] {strides = array<i32>} : memref<8x80xf32, #tpu.memory_space<vmem>>, vector<16xf32>,
        %add3A_628 = arith.constant 48 : i32
        %add3A_629 = vector.broadcast %add3A_628 : i32 to vector<16xi32>
        %add3A_630 = arith.addi %add3A_629, %iota3A : vector<16xi32>
        %broadcast_in_dim3A_631 = arith.constant 2 : i32
        %broadcast_in_dim3A_632 = vector.broadcast %broadcast_in_dim3A_631 : i32 to vector<16xi32>
        tpu.vector_store_idx %arg14[%add3A_630, %broadcast_in_dim3A_632], %get3A_627 : memref<80x16xf32, #tpu.memory_space<vmem>>[vector<16xi32>, vector<16xi32>], vector<16xf32>,
        %get3A_633 = arith.constant 2 : i32
        %get3A_634 = arith.index_cast %get3A_633 : i32 to index
        %get3A_635 = arith.constant 64 : index
        %get3A_636 = tpu.vector_load %arg12[%get3A_634, %get3A_635] {strides = array<i32>} : memref<8x80xf32, #tpu.memory_space<vmem>>, vector<16xf32>,
        %add3A_637 = arith.constant 64 : i32
        %add3A_638 = vector.broadcast %add3A_637 : i32 to vector<16xi32>
        %add3A_639 = arith.addi %add3A_638, %iota3A : vector<16xi32>
        %broadcast_in_dim3A_640 = arith.constant 2 : i32
        %broadcast_in_dim3A_641 = vector.broadcast %broadcast_in_dim3A_640 : i32 to vector<16xi32>
        tpu.vector_store_idx %arg14[%add3A_639, %broadcast_in_dim3A_641], %get3A_636 : memref<80x16xf32, #tpu.memory_space<vmem>>[vector<16xi32>, vector<16xi32>], vector<16xf32>,
        %get3A_642 = arith.constant 3 : i32
        %get3A_643 = arith.index_cast %get3A_642 : i32 to index
        %get3A_644 = arith.constant 0 : index
        %get3A_645 = tpu.vector_load %arg12[%get3A_643, %get3A_644] {strides = array<i32>} : memref<8x80xf32, #tpu.memory_space<vmem>>, vector<16xf32>,
        %add3A_646 = arith.constant 0 : i32
        %add3A_647 = vector.broadcast %add3A_646 : i32 to vector<16xi32>
        %add3A_648 = arith.addi %add3A_647, %iota3A : vector<16xi32>
        %broadcast_in_dim3A_649 = arith.constant 3 : i32
        %broadcast_in_dim3A_650 = vector.broadcast %broadcast_in_dim3A_649 : i32 to vector<16xi32>
        tpu.vector_store_idx %arg14[%add3A_648, %broadcast_in_dim3A_650], %get3A_645 : memref<80x16xf32, #tpu.memory_space<vmem>>[vector<16xi32>, vector<16xi32>], vector<16xf32>,
        %get3A_651 = arith.constant 3 : i32
        %get3A_652 = arith.index_cast %get3A_651 : i32 to index
        %get3A_653 = arith.constant 16 : index
        %get3A_654 = tpu.vector_load %arg12[%get3A_652, %get3A_653] {strides = array<i32>} : memref<8x80xf32, #tpu.memory_space<vmem>>, vector<16xf32>,
        %add3A_655 = arith.constant 16 : i32
        %add3A_656 = vector.broadcast %add3A_655 : i32 to vector<16xi32>
        %add3A_657 = arith.addi %add3A_656, %iota3A : vector<16xi32>
        %broadcast_in_dim3A_658 = arith.constant 3 : i32
        %broadcast_in_dim3A_659 = vector.broadcast %broadcast_in_dim3A_658 : i32 to vector<16xi32>
        tpu.vector_store_idx %arg14[%add3A_657, %broadcast_in_dim3A_659], %get3A_654 : memref<80x16xf32, #tpu.memory_space<vmem>>[vector<16xi32>, vector<16xi32>], vector<16xf32>,
        %get3A_660 = arith.constant 3 : i32
        %get3A_661 = arith.index_cast %get3A_660 : i32 to index
        %get3A_662 = arith.constant 32 : index
        %get3A_663 = tpu.vector_load %arg12[%get3A_661, %get3A_662] {strides = array<i32>} : memref<8x80xf32, #tpu.memory_space<vmem>>, vector<16xf32>,
        %add3A_664 = arith.constant 32 : i32
        %add3A_665 = vector.broadcast %add3A_664 : i32 to vector<16xi32>
        %add3A_666 = arith.addi %add3A_665, %iota3A : vector<16xi32>
        %broadcast_in_dim3A_667 = arith.constant 3 : i32
        %broadcast_in_dim3A_668 = vector.broadcast %broadcast_in_dim3A_667 : i32 to vector<16xi32>
        tpu.vector_store_idx %arg14[%add3A_666, %broadcast_in_dim3A_668], %get3A_663 : memref<80x16xf32, #tpu.memory_space<vmem>>[vector<16xi32>, vector<16xi32>], vector<16xf32>,
        %get3A_669 = arith.constant 3 : i32
        %get3A_670 = arith.index_cast %get3A_669 : i32 to index
        %get3A_671 = arith.constant 48 : index
        %get3A_672 = tpu.vector_load %arg12[%get3A_670, %get3A_671] {strides = array<i32>} : memref<8x80xf32, #tpu.memory_space<vmem>>, vector<16xf32>,
        %add3A_673 = arith.constant 48 : i32
        %add3A_674 = vector.broadcast %add3A_673 : i32 to vector<16xi32>
        %add3A_675 = arith.addi %add3A_674, %iota3A : vector<16xi32>
        %broadcast_in_dim3A_676 = arith.constant 3 : i32
        %broadcast_in_dim3A_677 = vector.broadcast %broadcast_in_dim3A_676 : i32 to vector<16xi32>
        tpu.vector_store_idx %arg14[%add3A_675, %broadcast_in_dim3A_677], %get3A_672 : memref<80x16xf32, #tpu.memory_space<vmem>>[vector<16xi32>, vector<16xi32>], vector<16xf32>,
        %get3A_678 = arith.constant 3 : i32
        %get3A_679 = arith.index_cast %get3A_678 : i32 to index
        %get3A_680 = arith.constant 64 : index
        %get3A_681 = tpu.vector_load %arg12[%get3A_679, %get3A_680] {strides = array<i32>} : memref<8x80xf32, #tpu.memory_space<vmem>>, vector<16xf32>,
        %add3A_682 = arith.constant 64 : i32
        %add3A_683 = vector.broadcast %add3A_682 : i32 to vector<16xi32>
        %add3A_684 = arith.addi %add3A_683, %iota3A : vector<16xi32>
        %broadcast_in_dim3A_685 = arith.constant 3 : i32
        %broadcast_in_dim3A_686 = vector.broadcast %broadcast_in_dim3A_685 : i32 to vector<16xi32>
        tpu.vector_store_idx %arg14[%add3A_684, %broadcast_in_dim3A_686], %get3A_681 : memref<80x16xf32, #tpu.memory_space<vmem>>[vector<16xi32>, vector<16xi32>], vector<16xf32>,
        %get3A_687 = arith.constant 4 : i32
        %get3A_688 = arith.index_cast %get3A_687 : i32 to index
        %get3A_689 = arith.constant 0 : index
        %get3A_690 = tpu.vector_load %arg12[%get3A_688, %get3A_689] {strides = array<i32>} : memref<8x80xf32, #tpu.memory_space<vmem>>, vector<16xf32>,
        %add3A_691 = arith.constant 0 : i32
        %add3A_692 = vector.broadcast %add3A_691 : i32 to vector<16xi32>
        %add3A_693 = arith.addi %add3A_692, %iota3A : vector<16xi32>
        %broadcast_in_dim3A_694 = arith.constant 4 : i32
        %broadcast_in_dim3A_695 = vector.broadcast %broadcast_in_dim3A_694 : i32 to vector<16xi32>
        tpu.vector_store_idx %arg14[%add3A_693, %broadcast_in_dim3A_695], %get3A_690 : memref<80x16xf32, #tpu.memory_space<vmem>>[vector<16xi32>, vector<16xi32>], vector<16xf32>,
        %get3A_696 = arith.constant 4 : i32
        %get3A_697 = arith.index_cast %get3A_696 : i32 to index
        %get3A_698 = arith.constant 16 : index
        %get3A_699 = tpu.vector_load %arg12[%get3A_697, %get3A_698] {strides = array<i32>} : memref<8x80xf32, #tpu.memory_space<vmem>>, vector<16xf32>,
        %add3A_700 = arith.constant 16 : i32
        %add3A_701 = vector.broadcast %add3A_700 : i32 to vector<16xi32>
        %add3A_702 = arith.addi %add3A_701, %iota3A : vector<16xi32>
        %broadcast_in_dim3A_703 = arith.constant 4 : i32
        %broadcast_in_dim3A_704 = vector.broadcast %broadcast_in_dim3A_703 : i32 to vector<16xi32>
        tpu.vector_store_idx %arg14[%add3A_702, %broadcast_in_dim3A_704], %get3A_699 : memref<80x16xf32, #tpu.memory_space<vmem>>[vector<16xi32>, vector<16xi32>], vector<16xf32>,
        %get3A_705 = arith.constant 4 : i32
        %get3A_706 = arith.index_cast %get3A_705 : i32 to index
        %get3A_707 = arith.constant 32 : index
        %get3A_708 = tpu.vector_load %arg12[%get3A_706, %get3A_707] {strides = array<i32>} : memref<8x80xf32, #tpu.memory_space<vmem>>, vector<16xf32>,
        %add3A_709 = arith.constant 32 : i32
        %add3A_710 = vector.broadcast %add3A_709 : i32 to vector<16xi32>
        %add3A_711 = arith.addi %add3A_710, %iota3A : vector<16xi32>
        %broadcast_in_dim3A_712 = arith.constant 4 : i32
        %broadcast_in_dim3A_713 = vector.broadcast %broadcast_in_dim3A_712 : i32 to vector<16xi32>
        tpu.vector_store_idx %arg14[%add3A_711, %broadcast_in_dim3A_713], %get3A_708 : memref<80x16xf32, #tpu.memory_space<vmem>>[vector<16xi32>, vector<16xi32>], vector<16xf32>,
        %get3A_714 = arith.constant 4 : i32
        %get3A_715 = arith.index_cast %get3A_714 : i32 to index
        %get3A_716 = arith.constant 48 : index
        %get3A_717 = tpu.vector_load %arg12[%get3A_715, %get3A_716] {strides = array<i32>} : memref<8x80xf32, #tpu.memory_space<vmem>>, vector<16xf32>,
        %add3A_718 = arith.constant 48 : i32
        %add3A_719 = vector.broadcast %add3A_718 : i32 to vector<16xi32>
        %add3A_720 = arith.addi %add3A_719, %iota3A : vector<16xi32>
        %broadcast_in_dim3A_721 = arith.constant 4 : i32
        %broadcast_in_dim3A_722 = vector.broadcast %broadcast_in_dim3A_721 : i32 to vector<16xi32>
        tpu.vector_store_idx %arg14[%add3A_720, %broadcast_in_dim3A_722], %get3A_717 : memref<80x16xf32, #tpu.memory_space<vmem>>[vector<16xi32>, vector<16xi32>], vector<16xf32>,
        %get3A_723 = arith.constant 4 : i32
        %get3A_724 = arith.index_cast %get3A_723 : i32 to index
        %get3A_725 = arith.constant 64 : index
        %get3A_726 = tpu.vector_load %arg12[%get3A_724, %get3A_725] {strides = array<i32>} : memref<8x80xf32, #tpu.memory_space<vmem>>, vector<16xf32>,
        %add3A_727 = arith.constant 64 : i32
        %add3A_728 = vector.broadcast %add3A_727 : i32 to vector<16xi32>
        %add3A_729 = arith.addi %add3A_728, %iota3A : vector<16xi32>
        %broadcast_in_dim3A_730 = arith.constant 4 : i32
        %broadcast_in_dim3A_731 = vector.broadcast %broadcast_in_dim3A_730 : i32 to vector<16xi32>
        tpu.vector_store_idx %arg14[%add3A_729, %broadcast_in_dim3A_731], %get3A_726 : memref<80x16xf32, #tpu.memory_space<vmem>>[vector<16xi32>, vector<16xi32>], vector<16xf32>,
        %get3A_732 = arith.constant 5 : i32
        %get3A_733 = arith.index_cast %get3A_732 : i32 to index
        %get3A_734 = arith.constant 0 : index
        %get3A_735 = tpu.vector_load %arg12[%get3A_733, %get3A_734] {strides = array<i32>} : memref<8x80xf32, #tpu.memory_space<vmem>>, vector<16xf32>,
        %add3A_736 = arith.constant 0 : i32
        %add3A_737 = vector.broadcast %add3A_736 : i32 to vector<16xi32>
        %add3A_738 = arith.addi %add3A_737, %iota3A : vector<16xi32>
        %broadcast_in_dim3A_739 = arith.constant 5 : i32
        %broadcast_in_dim3A_740 = vector.broadcast %broadcast_in_dim3A_739 : i32 to vector<16xi32>
        tpu.vector_store_idx %arg14[%add3A_738, %broadcast_in_dim3A_740], %get3A_735 : memref<80x16xf32, #tpu.memory_space<vmem>>[vector<16xi32>, vector<16xi32>], vector<16xf32>,
        %get3A_741 = arith.constant 5 : i32
        %get3A_742 = arith.index_cast %get3A_741 : i32 to index
        %get3A_743 = arith.constant 16 : index
        %get3A_744 = tpu.vector_load %arg12[%get3A_742, %get3A_743] {strides = array<i32>} : memref<8x80xf32, #tpu.memory_space<vmem>>, vector<16xf32>,
        %add3A_745 = arith.constant 16 : i32
        %add3A_746 = vector.broadcast %add3A_745 : i32 to vector<16xi32>
        %add3A_747 = arith.addi %add3A_746, %iota3A : vector<16xi32>
        %broadcast_in_dim3A_748 = arith.constant 5 : i32
        %broadcast_in_dim3A_749 = vector.broadcast %broadcast_in_dim3A_748 : i32 to vector<16xi32>
        tpu.vector_store_idx %arg14[%add3A_747, %broadcast_in_dim3A_749], %get3A_744 : memref<80x16xf32, #tpu.memory_space<vmem>>[vector<16xi32>, vector<16xi32>], vector<16xf32>,
        %get3A_750 = arith.constant 5 : i32
        %get3A_751 = arith.index_cast %get3A_750 : i32 to index
        %get3A_752 = arith.constant 32 : index
        %get3A_753 = tpu.vector_load %arg12[%get3A_751, %get3A_752] {strides = array<i32>} : memref<8x80xf32, #tpu.memory_space<vmem>>, vector<16xf32>,
        %add3A_754 = arith.constant 32 : i32
        %add3A_755 = vector.broadcast %add3A_754 : i32 to vector<16xi32>
        %add3A_756 = arith.addi %add3A_755, %iota3A : vector<16xi32>
        %broadcast_in_dim3A_757 = arith.constant 5 : i32
        %broadcast_in_dim3A_758 = vector.broadcast %broadcast_in_dim3A_757 : i32 to vector<16xi32>
        tpu.vector_store_idx %arg14[%add3A_756, %broadcast_in_dim3A_758], %get3A_753 : memref<80x16xf32, #tpu.memory_space<vmem>>[vector<16xi32>, vector<16xi32>], vector<16xf32>,
        %get3A_759 = arith.constant 5 : i32
        %get3A_760 = arith.index_cast %get3A_759 : i32 to index
        %get3A_761 = arith.constant 48 : index
        %get3A_762 = tpu.vector_load %arg12[%get3A_760, %get3A_761] {strides = array<i32>} : memref<8x80xf32, #tpu.memory_space<vmem>>, vector<16xf32>,
        %add3A_763 = arith.constant 48 : i32
        %add3A_764 = vector.broadcast %add3A_763 : i32 to vector<16xi32>
        %add3A_765 = arith.addi %add3A_764, %iota3A : vector<16xi32>
        %broadcast_in_dim3A_766 = arith.constant 5 : i32
        %broadcast_in_dim3A_767 = vector.broadcast %broadcast_in_dim3A_766 : i32 to vector<16xi32>
        tpu.vector_store_idx %arg14[%add3A_765, %broadcast_in_dim3A_767], %get3A_762 : memref<80x16xf32, #tpu.memory_space<vmem>>[vector<16xi32>, vector<16xi32>], vector<16xf32>,
        %get3A_768 = arith.constant 5 : i32
        %get3A_769 = arith.index_cast %get3A_768 : i32 to index
        %get3A_770 = arith.constant 64 : index
        %get3A_771 = tpu.vector_load %arg12[%get3A_769, %get3A_770] {strides = array<i32>} : memref<8x80xf32, #tpu.memory_space<vmem>>, vector<16xf32>,
        %add3A_772 = arith.constant 64 : i32
        %add3A_773 = vector.broadcast %add3A_772 : i32 to vector<16xi32>
        %add3A_774 = arith.addi %add3A_773, %iota3A : vector<16xi32>
        %broadcast_in_dim3A_775 = arith.constant 5 : i32
        %broadcast_in_dim3A_776 = vector.broadcast %broadcast_in_dim3A_775 : i32 to vector<16xi32>
        tpu.vector_store_idx %arg14[%add3A_774, %broadcast_in_dim3A_776], %get3A_771 : memref<80x16xf32, #tpu.memory_space<vmem>>[vector<16xi32>, vector<16xi32>], vector<16xf32>,
        %get3A_777 = arith.constant 6 : i32
        %get3A_778 = arith.index_cast %get3A_777 : i32 to index
        %get3A_779 = arith.constant 0 : index
        %get3A_780 = tpu.vector_load %arg12[%get3A_778, %get3A_779] {strides = array<i32>} : memref<8x80xf32, #tpu.memory_space<vmem>>, vector<16xf32>,
        %add3A_781 = arith.constant 0 : i32
        %add3A_782 = vector.broadcast %add3A_781 : i32 to vector<16xi32>
        %add3A_783 = arith.addi %add3A_782, %iota3A : vector<16xi32>
        %broadcast_in_dim3A_784 = arith.constant 6 : i32
        %broadcast_in_dim3A_785 = vector.broadcast %broadcast_in_dim3A_784 : i32 to vector<16xi32>
        tpu.vector_store_idx %arg14[%add3A_783, %broadcast_in_dim3A_785], %get3A_780 : memref<80x16xf32, #tpu.memory_space<vmem>>[vector<16xi32>, vector<16xi32>], vector<16xf32>,
        %get3A_786 = arith.constant 6 : i32
        %get3A_787 = arith.index_cast %get3A_786 : i32 to index
        %get3A_788 = arith.constant 16 : index
        %get3A_789 = tpu.vector_load %arg12[%get3A_787, %get3A_788] {strides = array<i32>} : memref<8x80xf32, #tpu.memory_space<vmem>>, vector<16xf32>,
        %add3A_790 = arith.constant 16 : i32
        %add3A_791 = vector.broadcast %add3A_790 : i32 to vector<16xi32>
        %add3A_792 = arith.addi %add3A_791, %iota3A : vector<16xi32>
        %broadcast_in_dim3A_793 = arith.constant 6 : i32
        %broadcast_in_dim3A_794 = vector.broadcast %broadcast_in_dim3A_793 : i32 to vector<16xi32>
        tpu.vector_store_idx %arg14[%add3A_792, %broadcast_in_dim3A_794], %get3A_789 : memref<80x16xf32, #tpu.memory_space<vmem>>[vector<16xi32>, vector<16xi32>], vector<16xf32>,
        %get3A_795 = arith.constant 6 : i32
        %get3A_796 = arith.index_cast %get3A_795 : i32 to index
        %get3A_797 = arith.constant 32 : index
        %get3A_798 = tpu.vector_load %arg12[%get3A_796, %get3A_797] {strides = array<i32>} : memref<8x80xf32, #tpu.memory_space<vmem>>, vector<16xf32>,
        %add3A_799 = arith.constant 32 : i32
        %add3A_800 = vector.broadcast %add3A_799 : i32 to vector<16xi32>
        %add3A_801 = arith.addi %add3A_800, %iota3A : vector<16xi32>
        %broadcast_in_dim3A_802 = arith.constant 6 : i32
        %broadcast_in_dim3A_803 = vector.broadcast %broadcast_in_dim3A_802 : i32 to vector<16xi32>
        tpu.vector_store_idx %arg14[%add3A_801, %broadcast_in_dim3A_803], %get3A_798 : memref<80x16xf32, #tpu.memory_space<vmem>>[vector<16xi32>, vector<16xi32>], vector<16xf32>,
        %get3A_804 = arith.constant 6 : i32
        %get3A_805 = arith.index_cast %get3A_804 : i32 to index
        %get3A_806 = arith.constant 48 : index
        %get3A_807 = tpu.vector_load %arg12[%get3A_805, %get3A_806] {strides = array<i32>} : memref<8x80xf32, #tpu.memory_space<vmem>>, vector<16xf32>,
        %add3A_808 = arith.constant 48 : i32
        %add3A_809 = vector.broadcast %add3A_808 : i32 to vector<16xi32>
        %add3A_810 = arith.addi %add3A_809, %iota3A : vector<16xi32>
        %broadcast_in_dim3A_811 = arith.constant 6 : i32
        %broadcast_in_dim3A_812 = vector.broadcast %broadcast_in_dim3A_811 : i32 to vector<16xi32>
        tpu.vector_store_idx %arg14[%add3A_810, %broadcast_in_dim3A_812], %get3A_807 : memref<80x16xf32, #tpu.memory_space<vmem>>[vector<16xi32>, vector<16xi32>], vector<16xf32>,
        %get3A_813 = arith.constant 6 : i32
        %get3A_814 = arith.index_cast %get3A_813 : i32 to index
        %get3A_815 = arith.constant 64 : index
        %get3A_816 = tpu.vector_load %arg12[%get3A_814, %get3A_815] {strides = array<i32>} : memref<8x80xf32, #tpu.memory_space<vmem>>, vector<16xf32>,
        %add3A_817 = arith.constant 64 : i32
        %add3A_818 = vector.broadcast %add3A_817 : i32 to vector<16xi32>
        %add3A_819 = arith.addi %add3A_818, %iota3A : vector<16xi32>
        %broadcast_in_dim3A_820 = arith.constant 6 : i32
        %broadcast_in_dim3A_821 = vector.broadcast %broadcast_in_dim3A_820 : i32 to vector<16xi32>
        tpu.vector_store_idx %arg14[%add3A_819, %broadcast_in_dim3A_821], %get3A_816 : memref<80x16xf32, #tpu.memory_space<vmem>>[vector<16xi32>, vector<16xi32>], vector<16xf32>,
        %get3A_822 = arith.constant 7 : i32
        %get3A_823 = arith.index_cast %get3A_822 : i32 to index
        %get3A_824 = arith.constant 0 : index
        %get3A_825 = tpu.vector_load %arg12[%get3A_823, %get3A_824] {strides = array<i32>} : memref<8x80xf32, #tpu.memory_space<vmem>>, vector<16xf32>,
        %add3A_826 = arith.constant 0 : i32
        %add3A_827 = vector.broadcast %add3A_826 : i32 to vector<16xi32>
        %add3A_828 = arith.addi %add3A_827, %iota3A : vector<16xi32>
        %broadcast_in_dim3A_829 = arith.constant 7 : i32
        %broadcast_in_dim3A_830 = vector.broadcast %broadcast_in_dim3A_829 : i32 to vector<16xi32>
        tpu.vector_store_idx %arg14[%add3A_828, %broadcast_in_dim3A_830], %get3A_825 : memref<80x16xf32, #tpu.memory_space<vmem>>[vector<16xi32>, vector<16xi32>], vector<16xf32>,
        %get3A_831 = arith.constant 7 : i32
        %get3A_832 = arith.index_cast %get3A_831 : i32 to index
        %get3A_833 = arith.constant 16 : index
        %get3A_834 = tpu.vector_load %arg12[%get3A_832, %get3A_833] {strides = array<i32>} : memref<8x80xf32, #tpu.memory_space<vmem>>, vector<16xf32>,
        %add3A_835 = arith.constant 16 : i32
        %add3A_836 = vector.broadcast %add3A_835 : i32 to vector<16xi32>
        %add3A_837 = arith.addi %add3A_836, %iota3A : vector<16xi32>
        %broadcast_in_dim3A_838 = arith.constant 7 : i32
        %broadcast_in_dim3A_839 = vector.broadcast %broadcast_in_dim3A_838 : i32 to vector<16xi32>
        tpu.vector_store_idx %arg14[%add3A_837, %broadcast_in_dim3A_839], %get3A_834 : memref<80x16xf32, #tpu.memory_space<vmem>>[vector<16xi32>, vector<16xi32>], vector<16xf32>,
        %get3A_840 = arith.constant 7 : i32
        %get3A_841 = arith.index_cast %get3A_840 : i32 to index
        %get3A_842 = arith.constant 32 : index
        %get3A_843 = tpu.vector_load %arg12[%get3A_841, %get3A_842] {strides = array<i32>} : memref<8x80xf32, #tpu.memory_space<vmem>>, vector<16xf32>,
        %add3A_844 = arith.constant 32 : i32
        %add3A_845 = vector.broadcast %add3A_844 : i32 to vector<16xi32>
        %add3A_846 = arith.addi %add3A_845, %iota3A : vector<16xi32>
        %broadcast_in_dim3A_847 = arith.constant 7 : i32
        %broadcast_in_dim3A_848 = vector.broadcast %broadcast_in_dim3A_847 : i32 to vector<16xi32>
        tpu.vector_store_idx %arg14[%add3A_846, %broadcast_in_dim3A_848], %get3A_843 : memref<80x16xf32, #tpu.memory_space<vmem>>[vector<16xi32>, vector<16xi32>], vector<16xf32>,
        %get3A_849 = arith.constant 7 : i32
        %get3A_850 = arith.index_cast %get3A_849 : i32 to index
        %get3A_851 = arith.constant 48 : index
        %get3A_852 = tpu.vector_load %arg12[%get3A_850, %get3A_851] {strides = array<i32>} : memref<8x80xf32, #tpu.memory_space<vmem>>, vector<16xf32>,
        %add3A_853 = arith.constant 48 : i32
        %add3A_854 = vector.broadcast %add3A_853 : i32 to vector<16xi32>
        %add3A_855 = arith.addi %add3A_854, %iota3A : vector<16xi32>
        %broadcast_in_dim3A_856 = arith.constant 7 : i32
        %broadcast_in_dim3A_857 = vector.broadcast %broadcast_in_dim3A_856 : i32 to vector<16xi32>
        tpu.vector_store_idx %arg14[%add3A_855, %broadcast_in_dim3A_857], %get3A_852 : memref<80x16xf32, #tpu.memory_space<vmem>>[vector<16xi32>, vector<16xi32>], vector<16xf32>,
        %get3A_858 = arith.constant 7 : i32
        %get3A_859 = arith.index_cast %get3A_858 : i32 to index
        %get3A_860 = arith.constant 64 : index
        %get3A_861 = tpu.vector_load %arg12[%get3A_859, %get3A_860] {strides = array<i32>} : memref<8x80xf32, #tpu.memory_space<vmem>>, vector<16xf32>,
        %add3A_862 = arith.constant 64 : i32
        %add3A_863 = vector.broadcast %add3A_862 : i32 to vector<16xi32>
        %add3A_864 = arith.addi %add3A_863, %iota3A : vector<16xi32>
        %broadcast_in_dim3A_865 = arith.constant 7 : i32
        %broadcast_in_dim3A_866 = vector.broadcast %broadcast_in_dim3A_865 : i32 to vector<16xi32>
        tpu.vector_store_idx %arg14[%add3A_864, %broadcast_in_dim3A_866], %get3A_861 : memref<80x16xf32, #tpu.memory_space<vmem>>[vector<16xi32>, vector<16xi32>], vector<16xf32>,
        "tpu.region"() ({
          %run_scoped3A = tpu.sem_alloc : memref<!tpu.dma_semaphore, #tpu.memory_space<semaphore_mem>>
          %dma_start3A_867 = arith.constant 0 : i32
          %dma_start3A_868 = arith.constant 0 : i32
          %dma_start3A_869 = tpu.memref_slice %arg20[%dma_start3A_867, %dma_start3A_868] : memref<10240x128xf32, #tpu.memory_space<vmem_shared>> -> memref<10240x128xf32, #tpu.memory_space<vmem_shared>>
          tpu.enqueue_indirect_dma source(%arg8 : memref<80x128xf32, #tpu.memory_space<vmem>>) target(%dma_start3A_869 : memref<10240x128xf32, #tpu.memory_space<vmem_shared>>) offsets(%arg10 : memref<80xi32, #tpu.memory_space<vmem>>) semaphore(%run_scoped3A : memref<!tpu.dma_semaphore, #tpu.memory_space<semaphore_mem>>) {add = true}
          %dma_wait3A_870 = arith.constant 0 : i32
          %dma_wait3A_871 = arith.constant 0 : i32
          %dma_wait3A_872 = tpu.memref_slice %arg20[%dma_wait3A_870, %dma_wait3A_871] : memref<10240x128xf32, #tpu.memory_space<vmem_shared>> -> memref<10240x128xf32, #tpu.memory_space<vmem_shared>>
          tpu.wait_indirect_dma semaphore(%run_scoped3A : memref<!tpu.dma_semaphore, #tpu.memory_space<semaphore_mem>>) src(%arg8 : memref<80x128xf32, #tpu.memory_space<vmem>>) dst(%dma_wait3A_872 : memref<10240x128xf32, #tpu.memory_space<vmem_shared>>)
          tpu.yield
        }) : () -> ()
        "tpu.region"() ({
          %run_scoped3A = tpu.sem_alloc : memref<!tpu.dma_semaphore, #tpu.memory_space<semaphore_mem>>
          %dma_start3A_867 = arith.constant 0 : i32
          %dma_start3A_868 = arith.constant 0 : i32
          %dma_start3A_869 = tpu.memref_slice %arg21[%dma_start3A_867, %dma_start3A_868] : memref<10240x16xf32, #tpu.memory_space<vmem_shared>> -> memref<10240x16xf32, #tpu.memory_space<vmem_shared>>
          tpu.enqueue_indirect_dma source(%arg14 : memref<80x16xf32, #tpu.memory_space<vmem>>) target(%dma_start3A_869 : memref<10240x16xf32, #tpu.memory_space<vmem_shared>>) offsets(%arg10 : memref<80xi32, #tpu.memory_space<vmem>>) semaphore(%run_scoped3A : memref<!tpu.dma_semaphore, #tpu.memory_space<semaphore_mem>>) {add = true}
          %dma_wait3A_870 = arith.constant 0 : i32
          %dma_wait3A_871 = arith.constant 0 : i32
          %dma_wait3A_872 = tpu.memref_slice %arg21[%dma_wait3A_870, %dma_wait3A_871] : memref<10240x16xf32, #tpu.memory_space<vmem_shared>> -> memref<10240x16xf32, #tpu.memory_space<vmem_shared>>
          tpu.wait_indirect_dma semaphore(%run_scoped3A : memref<!tpu.dma_semaphore, #tpu.memory_space<semaphore_mem>>) src(%arg14 : memref<80x16xf32, #tpu.memory_space<vmem>>) dst(%dma_wait3A_872 : memref<10240x16xf32, #tpu.memory_space<vmem_shared>>)
          tpu.yield
        }) : () -> ()
      } else {
      }
    }
    %scan3A_94 = arith.constant 25 : i32
    %barrier3A_95 = arith.constant 0 : index
    tpu.barrier barrier_id(%barrier3A_95)
    "tpu.region"() ({
      %run_scoped3A = tpu.sem_alloc : memref<!tpu.dma_semaphore, #tpu.memory_space<semaphore_mem>>
      %dma_start3A_96 = arith.constant 0 : i32
      %dma_start3A_97 = tpu.memref_slice %arg5[%add3A_5, %dma_start3A_96] : memref<20480x128xf32, #tpu.memory_space<hbm>> -> memref<640x128xf32, #tpu.memory_space<hbm>>
      %dma_start3A_98 = arith.constant 0 : i32
      %dma_start3A_99 = tpu.memref_slice %arg20[%mul3A_2, %dma_start3A_98] : memref<10240x128xf32, #tpu.memory_space<vmem_shared>> -> memref<640x128xf32, #tpu.memory_space<vmem_shared>>
      tpu.enqueue_dma source(%dma_start3A_99 : memref<640x128xf32, #tpu.memory_space<vmem_shared>>) target(%dma_start3A_97 : memref<640x128xf32, #tpu.memory_space<hbm>>) target_semaphore(%run_scoped3A : memref<!tpu.dma_semaphore, #tpu.memory_space<semaphore_mem>>)
      %dma_wait3A = arith.constant 0 : i32
      %dma_wait3A_100 = tpu.memref_slice %arg5[%add3A_5, %dma_wait3A] : memref<20480x128xf32, #tpu.memory_space<hbm>> -> memref<640x128xf32, #tpu.memory_space<hbm>>
      %dma_wait3A_101 = arith.constant 0 : i32
      %dma_wait3A_102 = tpu.memref_slice %arg20[%mul3A_2, %dma_wait3A_101] : memref<10240x128xf32, #tpu.memory_space<vmem_shared>> -> memref<640x128xf32, #tpu.memory_space<vmem_shared>>
      tpu.wait_dma2 semaphore(%run_scoped3A : memref<!tpu.dma_semaphore, #tpu.memory_space<semaphore_mem>>) src(%dma_wait3A_102 : memref<640x128xf32, #tpu.memory_space<vmem_shared>>) dst(%dma_wait3A_100 : memref<640x128xf32, #tpu.memory_space<hbm>>)
      tpu.yield
    }) : () -> ()
    "tpu.region"() ({
      %run_scoped3A = tpu.sem_alloc : memref<!tpu.dma_semaphore, #tpu.memory_space<semaphore_mem>>
      %dma_start3A_96 = arith.constant 0 : i32
      %dma_start3A_97 = tpu.memref_slice %arg6[%add3A_5, %dma_start3A_96] : memref<20480x16xf32, #tpu.memory_space<hbm>> -> memref<640x16xf32, #tpu.memory_space<hbm>>
      %dma_start3A_98 = arith.constant 0 : i32
      %dma_start3A_99 = tpu.memref_slice %arg21[%mul3A_2, %dma_start3A_98] : memref<10240x16xf32, #tpu.memory_space<vmem_shared>> -> memref<640x16xf32, #tpu.memory_space<vmem_shared>>
      tpu.enqueue_dma source(%dma_start3A_99 : memref<640x16xf32, #tpu.memory_space<vmem_shared>>) target(%dma_start3A_97 : memref<640x16xf32, #tpu.memory_space<hbm>>) target_semaphore(%run_scoped3A : memref<!tpu.dma_semaphore, #tpu.memory_space<semaphore_mem>>)
      %dma_wait3A = arith.constant 0 : i32
      %dma_wait3A_100 = tpu.memref_slice %arg6[%add3A_5, %dma_wait3A] : memref<20480x16xf32, #tpu.memory_space<hbm>> -> memref<640x16xf32, #tpu.memory_space<hbm>>
      %dma_wait3A_101 = arith.constant 0 : i32
      %dma_wait3A_102 = tpu.memref_slice %arg21[%mul3A_2, %dma_wait3A_101] : memref<10240x16xf32, #tpu.memory_space<vmem_shared>> -> memref<640x16xf32, #tpu.memory_space<vmem_shared>>
      tpu.wait_dma2 semaphore(%run_scoped3A : memref<!tpu.dma_semaphore, #tpu.memory_space<semaphore_mem>>) src(%dma_wait3A_102 : memref<640x16xf32, #tpu.memory_space<vmem_shared>>) dst(%dma_wait3A_100 : memref<640x16xf32, #tpu.memory_space<hbm>>)
      tpu.yield
    }) : () -> ()
    return
  }
}

#map = affine_map<(d0, d1) -> (0, 0)>
#map1 = affine_map<(d0, d1) -> (0)>
module attributes {stable_mosaic.version = 14 : i64} {
  func.func @body(%arg0: i32, %arg1: i32, %arg2: memref<192000x128xf32, #tpu.memory_space<hbm>>, %arg3: memref<8x192000xf32, #tpu.memory_space<hbm>>, %arg4: memref<320000xi32, #tpu.memory_space<hbm>>, %arg5: memref<20480x128xf32, #tpu.memory_space<hbm>>, %arg6: memref<20480x16xf32, #tpu.memory_space<hbm>>, %arg7: memref<20480x128xf32, #tpu.memory_space<hbm>>, %arg8: memref<20480x16xf32, #tpu.memory_space<hbm>>, %arg9: memref<80x128xf32, #tpu.memory_space<vmem>>, %arg10: memref<80x128xf32, #tpu.memory_space<vmem>>, %arg11: memref<80xi32, #tpu.memory_space<vmem>>, %arg12: memref<80xi32, #tpu.memory_space<vmem>>, %arg13: memref<8x80xf32, #tpu.memory_space<vmem>>, %arg14: memref<8x80xf32, #tpu.memory_space<vmem>>, %arg15: memref<80x16xf32, #tpu.memory_space<vmem>>, %arg16: memref<80x16xf32, #tpu.memory_space<vmem>>, %arg17: memref<!tpu.dma_semaphore, #tpu.memory_space<semaphore_mem>>, %arg18: memref<!tpu.dma_semaphore, #tpu.memory_space<semaphore_mem>>, %arg19: memref<!tpu.dma_semaphore, #tpu.memory_space<semaphore_mem>>, %arg20: memref<!tpu.dma_semaphore, #tpu.memory_space<semaphore_mem>>, %arg21: memref<32x128xf32, #tpu.memory_space<vmem>>, %arg22: memref<10240x128xf32, #tpu.memory_space<vmem_shared>>, %arg23: memref<10240x16xf32, #tpu.memory_space<vmem_shared>>) attributes {dimension_semantics = [#tpu.dimension_semantics<core_parallel>, #tpu.dimension_semantics<subcore_parallel>], iteration_bounds = array<i64: 2, 16>, scalar_prefetch = 0 : i64, scratch_operands = 15 : i64, tpu.core_type = #tpu.core_type<sc_vector_subcore>, window_params = [{transform_indices = #map}, {transform_indices = #map}, {transform_indices = #map1}, {transform_indices = #map}, {transform_indices = #map}, {transform_indices = #map}, {transform_indices = #map}]} {
    %mul3A = arith.constant 16 : i32
    %mul3A_0 = arith.muli %arg0, %mul3A : i32
    %add3A = arith.addi %mul3A_0, %arg1 : i32
    %mul3A_1 = arith.constant 640 : i32
    %mul3A_2 = arith.muli %arg1, %mul3A_1 : i32
    %mul3A_3 = arith.constant 10240 : i32
    %mul3A_4 = arith.muli %arg0, %mul3A_3 : i32
    %add3A_5 = arith.addi %mul3A_4, %mul3A_2 : i32
    %broadcast_in_dim3A = arith.constant 0.000000e+00 : f32
    %broadcast_in_dim3A_6 = vector.broadcast %broadcast_in_dim3A : f32 to vector<16xf32>
    %mul3A_7 = arith.constant 6000 : i32
    %mul3A_8 = arith.muli %add3A, %mul3A_7 : i32
    %iota3A = tpu.iota {dimensions = array<i32: 0>} : vector<16xi32>
    %add3A_9 = arith.constant 0 : i32
    %add3A_10 = arith.addi %mul3A_8, %add3A_9 : i32
    %dma_start3A = arith.constant 0 : i32
    %dma_start3A_11 = tpu.memref_slice %arg2[%add3A_10, %dma_start3A] : memref<192000x128xf32, #tpu.memory_space<hbm>> -> memref<80x128xf32, #tpu.memory_space<hbm>>
    %dma_start3A_12 = arith.constant 0 : i32
    %dma_start3A_13 = tpu.memref_slice %arg2[%add3A_10, %dma_start3A_12] : memref<192000x128xf32, #tpu.memory_space<hbm>> -> memref<80x128xf32, #tpu.memory_space<hbm>>
    tpu.enqueue_dma source(%dma_start3A_13 : memref<80x128xf32, #tpu.memory_space<hbm>>) target(%arg9 : memref<80x128xf32, #tpu.memory_space<vmem>>) target_semaphore(%arg17 : memref<!tpu.dma_semaphore, #tpu.memory_space<semaphore_mem>>)
    %add3A_14 = arith.constant 128000 : i32
    %add3A_15 = arith.addi %add3A_14, %add3A_10 : i32
    %dma_start3A_16 = tpu.memref_slice %arg4[%add3A_15] : memref<320000xi32, #tpu.memory_space<hbm>> -> memref<80xi32, #tpu.memory_space<hbm>>
    %dma_start3A_17 = tpu.memref_slice %arg4[%add3A_15] : memref<320000xi32, #tpu.memory_space<hbm>> -> memref<80xi32, #tpu.memory_space<hbm>>
    tpu.enqueue_dma source(%dma_start3A_17 : memref<80xi32, #tpu.memory_space<hbm>>) target(%arg11 : memref<80xi32, #tpu.memory_space<vmem>>) target_semaphore(%arg17 : memref<!tpu.dma_semaphore, #tpu.memory_space<semaphore_mem>>)
    %dma_start3A_18 = arith.constant 0 : i32
    %dma_start3A_19 = tpu.memref_slice %arg3[%dma_start3A_18, %add3A_10] : memref<8x192000xf32, #tpu.memory_space<hbm>> -> memref<8x80xf32, #tpu.memory_space<hbm>>
    %dma_start3A_20 = arith.constant 0 : i32
    %dma_start3A_21 = tpu.memref_slice %arg3[%dma_start3A_20, %add3A_10] : memref<8x192000xf32, #tpu.memory_space<hbm>> -> memref<8x80xf32, #tpu.memory_space<hbm>>
    tpu.enqueue_dma source(%dma_start3A_21 : memref<8x80xf32, #tpu.memory_space<hbm>>) target(%arg13 : memref<8x80xf32, #tpu.memory_space<vmem>>) target_semaphore(%arg17 : memref<!tpu.dma_semaphore, #tpu.memory_space<semaphore_mem>>)
    %scan3A = arith.constant 0 : i32
    %scan3A_22 = arith.constant 0 : i32
    %scan3A_23 = arith.constant 80 : i32
    %scan3A_24 = arith.addi %scan3A_22, %scan3A_23 : i32
    %scan3A_25 = arith.constant 1 : i32
    scf.for %scan3A_34 = %scan3A_22 to %scan3A_24 step %scan3A_25  : i32 {
      %swap3A = arith.index_cast %scan3A_34 : i32 to index
      %swap3A_35 = arith.constant 0 : index
      %swap3A_36 = tpu.vector_load %arg15[%swap3A, %swap3A_35] {strides = array<i32>} : memref<80x16xf32, #tpu.memory_space<vmem>>, vector<16xf32>,
      tpu.vector_store %arg15[%swap3A, %swap3A_35], %broadcast_in_dim3A_6 {strides = array<i32>} : memref<80x16xf32, #tpu.memory_space<vmem>>, vector<16xf32>,
      %swap3A_37 = arith.index_cast %scan3A_34 : i32 to index
      %swap3A_38 = arith.constant 0 : index
      %swap3A_39 = tpu.vector_load %arg16[%swap3A_37, %swap3A_38] {strides = array<i32>} : memref<80x16xf32, #tpu.memory_space<vmem>>, vector<16xf32>,
      tpu.vector_store %arg16[%swap3A_37, %swap3A_38], %broadcast_in_dim3A_6 {strides = array<i32>} : memref<80x16xf32, #tpu.memory_space<vmem>>, vector<16xf32>,
    }
    %scan3A_26 = arith.constant 80 : i32
    "tpu.region"() ({
      %run_scoped3A = tpu.sem_alloc : memref<!tpu.dma_semaphore, #tpu.memory_space<semaphore_mem>>
      %dma_start3A_34 = arith.constant 0 : i32
      %dma_start3A_35 = tpu.memref_slice %arg22[%mul3A_2, %dma_start3A_34] : memref<10240x128xf32, #tpu.memory_space<vmem_shared>> -> memref<640x128xf32, #tpu.memory_space<vmem_shared>>
      %dma_start3A_36 = arith.constant 0 : i32
      %dma_start3A_37 = tpu.memref_slice %arg5[%add3A_5, %dma_start3A_36] : memref<20480x128xf32, #tpu.memory_space<hbm>> -> memref<640x128xf32, #tpu.memory_space<hbm>>
      tpu.enqueue_dma source(%dma_start3A_37 : memref<640x128xf32, #tpu.memory_space<hbm>>) target(%dma_start3A_35 : memref<640x128xf32, #tpu.memory_space<vmem_shared>>) target_semaphore(%run_scoped3A : memref<!tpu.dma_semaphore, #tpu.memory_space<semaphore_mem>>)
      %dma_wait3A = arith.constant 0 : i32
      %dma_wait3A_38 = tpu.memref_slice %arg22[%mul3A_2, %dma_wait3A] : memref<10240x128xf32, #tpu.memory_space<vmem_shared>> -> memref<640x128xf32, #tpu.memory_space<vmem_shared>>
      %dma_wait3A_39 = arith.constant 0 : i32
      %dma_wait3A_40 = tpu.memref_slice %arg5[%add3A_5, %dma_wait3A_39] : memref<20480x128xf32, #tpu.memory_space<hbm>> -> memref<640x128xf32, #tpu.memory_space<hbm>>
      tpu.wait_dma2 semaphore(%run_scoped3A : memref<!tpu.dma_semaphore, #tpu.memory_space<semaphore_mem>>) src(%dma_wait3A_40 : memref<640x128xf32, #tpu.memory_space<hbm>>) dst(%dma_wait3A_38 : memref<640x128xf32, #tpu.memory_space<vmem_shared>>)
      tpu.yield
    }) : () -> ()
    "tpu.region"() ({
      %run_scoped3A = tpu.sem_alloc : memref<!tpu.dma_semaphore, #tpu.memory_space<semaphore_mem>>
      %dma_start3A_34 = arith.constant 0 : i32
      %dma_start3A_35 = tpu.memref_slice %arg23[%mul3A_2, %dma_start3A_34] : memref<10240x16xf32, #tpu.memory_space<vmem_shared>> -> memref<640x16xf32, #tpu.memory_space<vmem_shared>>
      %dma_start3A_36 = arith.constant 0 : i32
      %dma_start3A_37 = tpu.memref_slice %arg6[%add3A_5, %dma_start3A_36] : memref<20480x16xf32, #tpu.memory_space<hbm>> -> memref<640x16xf32, #tpu.memory_space<hbm>>
      tpu.enqueue_dma source(%dma_start3A_37 : memref<640x16xf32, #tpu.memory_space<hbm>>) target(%dma_start3A_35 : memref<640x16xf32, #tpu.memory_space<vmem_shared>>) target_semaphore(%run_scoped3A : memref<!tpu.dma_semaphore, #tpu.memory_space<semaphore_mem>>)
      %dma_wait3A = arith.constant 0 : i32
      %dma_wait3A_38 = tpu.memref_slice %arg23[%mul3A_2, %dma_wait3A] : memref<10240x16xf32, #tpu.memory_space<vmem_shared>> -> memref<640x16xf32, #tpu.memory_space<vmem_shared>>
      %dma_wait3A_39 = arith.constant 0 : i32
      %dma_wait3A_40 = tpu.memref_slice %arg6[%add3A_5, %dma_wait3A_39] : memref<20480x16xf32, #tpu.memory_space<hbm>> -> memref<640x16xf32, #tpu.memory_space<hbm>>
      tpu.wait_dma2 semaphore(%run_scoped3A : memref<!tpu.dma_semaphore, #tpu.memory_space<semaphore_mem>>) src(%dma_wait3A_40 : memref<640x16xf32, #tpu.memory_space<hbm>>) dst(%dma_wait3A_38 : memref<640x16xf32, #tpu.memory_space<vmem_shared>>)
      tpu.yield
    }) : () -> ()
    %barrier3A = arith.constant 0 : index
    tpu.barrier barrier_id(%barrier3A)
    %scan3A_27 = arith.constant 0 : i32
    %scan3A_28 = arith.constant 0 : i32
    %scan3A_29 = arith.constant 38 : i32
    %scan3A_30 = arith.addi %scan3A_28, %scan3A_29 : i32
    %scan3A_31 = arith.constant 1 : i32
    scf.for %scan3A_34 = %scan3A_28 to %scan3A_30 step %scan3A_31  : i32 {
      %mul3A_35 = arith.constant 2 : i32
      %mul3A_36 = arith.muli %mul3A_35, %scan3A_34 : i32
      %add3A_37 = arith.constant 1 : i32
      %add3A_38 = arith.addi %mul3A_36, %add3A_37 : i32
      %lt3A = arith.constant 75 : i32
      %lt3A_39 = arith.cmpi slt, %add3A_38, %lt3A : i32
      %convert_element_type3A = arith.extui %lt3A_39 : i1 to i32
      %cond3A = arith.constant 0 : i32
      %cond3A_40 = arith.cmpi ne, %convert_element_type3A, %cond3A : i32
      scf.if %cond3A_40 {
        %add3A_421 = arith.constant 1 : i32
        %add3A_422 = arith.addi %mul3A_36, %add3A_421 : i32
        %mul3A_423 = arith.constant 80 : i32
        %mul3A_424 = arith.muli %add3A_422, %mul3A_423 : i32
        %add3A_425 = arith.addi %mul3A_8, %mul3A_424 : i32
        %dma_start3A_426 = arith.constant 0 : i32
        %dma_start3A_427 = tpu.memref_slice %arg2[%add3A_425, %dma_start3A_426] : memref<192000x128xf32, #tpu.memory_space<hbm>> -> memref<80x128xf32, #tpu.memory_space<hbm>>
        %dma_start3A_428 = arith.constant 0 : i32
        %dma_start3A_429 = tpu.memref_slice %arg2[%add3A_425, %dma_start3A_428] : memref<192000x128xf32, #tpu.memory_space<hbm>> -> memref<80x128xf32, #tpu.memory_space<hbm>>
        tpu.enqueue_dma source(%dma_start3A_429 : memref<80x128xf32, #tpu.memory_space<hbm>>) target(%arg10 : memref<80x128xf32, #tpu.memory_space<vmem>>) target_semaphore(%arg18 : memref<!tpu.dma_semaphore, #tpu.memory_space<semaphore_mem>>)
        %add3A_430 = arith.constant 128000 : i32
        %add3A_431 = arith.addi %add3A_430, %add3A_425 : i32
        %dma_start3A_432 = tpu.memref_slice %arg4[%add3A_431] : memref<320000xi32, #tpu.memory_space<hbm>> -> memref<80xi32, #tpu.memory_space<hbm>>
        %dma_start3A_433 = tpu.memref_slice %arg4[%add3A_431] : memref<320000xi32, #tpu.memory_space<hbm>> -> memref<80xi32, #tpu.memory_space<hbm>>
        tpu.enqueue_dma source(%dma_start3A_433 : memref<80xi32, #tpu.memory_space<hbm>>) target(%arg12 : memref<80xi32, #tpu.memory_space<vmem>>) target_semaphore(%arg18 : memref<!tpu.dma_semaphore, #tpu.memory_space<semaphore_mem>>)
        %dma_start3A_434 = arith.constant 0 : i32
        %dma_start3A_435 = tpu.memref_slice %arg3[%dma_start3A_434, %add3A_425] : memref<8x192000xf32, #tpu.memory_space<hbm>> -> memref<8x80xf32, #tpu.memory_space<hbm>>
        %dma_start3A_436 = arith.constant 0 : i32
        %dma_start3A_437 = tpu.memref_slice %arg3[%dma_start3A_436, %add3A_425] : memref<8x192000xf32, #tpu.memory_space<hbm>> -> memref<8x80xf32, #tpu.memory_space<hbm>>
        tpu.enqueue_dma source(%dma_start3A_437 : memref<8x80xf32, #tpu.memory_space<hbm>>) target(%arg14 : memref<8x80xf32, #tpu.memory_space<vmem>>) target_semaphore(%arg18 : memref<!tpu.dma_semaphore, #tpu.memory_space<semaphore_mem>>)
      } else {
      }
      %mul3A_41 = arith.constant 80 : i32
      %mul3A_42 = arith.muli %mul3A_36, %mul3A_41 : i32
      %add3A_43 = arith.addi %mul3A_8, %mul3A_42 : i32
      %dma_wait3A = arith.constant 0 : i32
      %dma_wait3A_44 = tpu.memref_slice %arg2[%add3A_43, %dma_wait3A] : memref<192000x128xf32, #tpu.memory_space<hbm>> -> memref<80x128xf32, #tpu.memory_space<hbm>>
      %dma_wait3A_45 = arith.constant 0 : i32
      %dma_wait3A_46 = tpu.memref_slice %arg2[%add3A_43, %dma_wait3A_45] : memref<192000x128xf32, #tpu.memory_space<hbm>> -> memref<80x128xf32, #tpu.memory_space<hbm>>
      tpu.wait_dma2 semaphore(%arg17 : memref<!tpu.dma_semaphore, #tpu.memory_space<semaphore_mem>>) src(%dma_wait3A_46 : memref<80x128xf32, #tpu.memory_space<hbm>>) dst(%arg9 : memref<80x128xf32, #tpu.memory_space<vmem>>)
      %add3A_47 = arith.constant 128000 : i32
      %add3A_48 = arith.addi %add3A_47, %add3A_43 : i32
      %dma_wait3A_49 = tpu.memref_slice %arg4[%add3A_48] : memref<320000xi32, #tpu.memory_space<hbm>> -> memref<80xi32, #tpu.memory_space<hbm>>
      %dma_wait3A_50 = tpu.memref_slice %arg4[%add3A_48] : memref<320000xi32, #tpu.memory_space<hbm>> -> memref<80xi32, #tpu.memory_space<hbm>>
      tpu.wait_dma2 semaphore(%arg17 : memref<!tpu.dma_semaphore, #tpu.memory_space<semaphore_mem>>) src(%dma_wait3A_50 : memref<80xi32, #tpu.memory_space<hbm>>) dst(%arg11 : memref<80xi32, #tpu.memory_space<vmem>>)
      %dma_wait3A_51 = arith.constant 0 : i32
      %dma_wait3A_52 = tpu.memref_slice %arg3[%dma_wait3A_51, %add3A_43] : memref<8x192000xf32, #tpu.memory_space<hbm>> -> memref<8x80xf32, #tpu.memory_space<hbm>>
      %dma_wait3A_53 = arith.constant 0 : i32
      %dma_wait3A_54 = tpu.memref_slice %arg3[%dma_wait3A_53, %add3A_43] : memref<8x192000xf32, #tpu.memory_space<hbm>> -> memref<8x80xf32, #tpu.memory_space<hbm>>
      tpu.wait_dma2 semaphore(%arg17 : memref<!tpu.dma_semaphore, #tpu.memory_space<semaphore_mem>>) src(%dma_wait3A_54 : memref<8x80xf32, #tpu.memory_space<hbm>>) dst(%arg13 : memref<8x80xf32, #tpu.memory_space<vmem>>)
      %get3A = arith.constant 0 : i32
      %get3A_55 = arith.index_cast %get3A : i32 to index
      %get3A_56 = arith.constant 0 : index
      %get3A_57 = tpu.vector_load %arg13[%get3A_55, %get3A_56] {strides = array<i32>} : memref<8x80xf32, #tpu.memory_space<vmem>>, vector<16xf32>,
      %add3A_58 = arith.constant 0 : i32
      %add3A_59 = vector.broadcast %add3A_58 : i32 to vector<16xi32>
      %add3A_60 = arith.addi %add3A_59, %iota3A : vector<16xi32>
      %broadcast_in_dim3A_61 = arith.constant 0 : i32
      %broadcast_in_dim3A_62 = vector.broadcast %broadcast_in_dim3A_61 : i32 to vector<16xi32>
      tpu.vector_store_idx %arg15[%add3A_60, %broadcast_in_dim3A_62], %get3A_57 : memref<80x16xf32, #tpu.memory_space<vmem>>[vector<16xi32>, vector<16xi32>], vector<16xf32>,
      %get3A_63 = arith.constant 0 : i32
      %get3A_64 = arith.index_cast %get3A_63 : i32 to index
      %get3A_65 = arith.constant 16 : index
      %get3A_66 = tpu.vector_load %arg13[%get3A_64, %get3A_65] {strides = array<i32>} : memref<8x80xf32, #tpu.memory_space<vmem>>, vector<16xf32>,
      %add3A_67 = arith.constant 16 : i32
      %add3A_68 = vector.broadcast %add3A_67 : i32 to vector<16xi32>
      %add3A_69 = arith.addi %add3A_68, %iota3A : vector<16xi32>
      %broadcast_in_dim3A_70 = arith.constant 0 : i32
      %broadcast_in_dim3A_71 = vector.broadcast %broadcast_in_dim3A_70 : i32 to vector<16xi32>
      tpu.vector_store_idx %arg15[%add3A_69, %broadcast_in_dim3A_71], %get3A_66 : memref<80x16xf32, #tpu.memory_space<vmem>>[vector<16xi32>, vector<16xi32>], vector<16xf32>,
      %get3A_72 = arith.constant 0 : i32
      %get3A_73 = arith.index_cast %get3A_72 : i32 to index
      %get3A_74 = arith.constant 32 : index
      %get3A_75 = tpu.vector_load %arg13[%get3A_73, %get3A_74] {strides = array<i32>} : memref<8x80xf32, #tpu.memory_space<vmem>>, vector<16xf32>,
      %add3A_76 = arith.constant 32 : i32
      %add3A_77 = vector.broadcast %add3A_76 : i32 to vector<16xi32>
      %add3A_78 = arith.addi %add3A_77, %iota3A : vector<16xi32>
      %broadcast_in_dim3A_79 = arith.constant 0 : i32
      %broadcast_in_dim3A_80 = vector.broadcast %broadcast_in_dim3A_79 : i32 to vector<16xi32>
      tpu.vector_store_idx %arg15[%add3A_78, %broadcast_in_dim3A_80], %get3A_75 : memref<80x16xf32, #tpu.memory_space<vmem>>[vector<16xi32>, vector<16xi32>], vector<16xf32>,
      %get3A_81 = arith.constant 0 : i32
      %get3A_82 = arith.index_cast %get3A_81 : i32 to index
      %get3A_83 = arith.constant 48 : index
      %get3A_84 = tpu.vector_load %arg13[%get3A_82, %get3A_83] {strides = array<i32>} : memref<8x80xf32, #tpu.memory_space<vmem>>, vector<16xf32>,
      %add3A_85 = arith.constant 48 : i32
      %add3A_86 = vector.broadcast %add3A_85 : i32 to vector<16xi32>
      %add3A_87 = arith.addi %add3A_86, %iota3A : vector<16xi32>
      %broadcast_in_dim3A_88 = arith.constant 0 : i32
      %broadcast_in_dim3A_89 = vector.broadcast %broadcast_in_dim3A_88 : i32 to vector<16xi32>
      tpu.vector_store_idx %arg15[%add3A_87, %broadcast_in_dim3A_89], %get3A_84 : memref<80x16xf32, #tpu.memory_space<vmem>>[vector<16xi32>, vector<16xi32>], vector<16xf32>,
      %get3A_90 = arith.constant 0 : i32
      %get3A_91 = arith.index_cast %get3A_90 : i32 to index
      %get3A_92 = arith.constant 64 : index
      %get3A_93 = tpu.vector_load %arg13[%get3A_91, %get3A_92] {strides = array<i32>} : memref<8x80xf32, #tpu.memory_space<vmem>>, vector<16xf32>,
      %add3A_94 = arith.constant 64 : i32
      %add3A_95 = vector.broadcast %add3A_94 : i32 to vector<16xi32>
      %add3A_96 = arith.addi %add3A_95, %iota3A : vector<16xi32>
      %broadcast_in_dim3A_97 = arith.constant 0 : i32
      %broadcast_in_dim3A_98 = vector.broadcast %broadcast_in_dim3A_97 : i32 to vector<16xi32>
      tpu.vector_store_idx %arg15[%add3A_96, %broadcast_in_dim3A_98], %get3A_93 : memref<80x16xf32, #tpu.memory_space<vmem>>[vector<16xi32>, vector<16xi32>], vector<16xf32>,
      %get3A_99 = arith.constant 1 : i32
      %get3A_100 = arith.index_cast %get3A_99 : i32 to index
      %get3A_101 = arith.constant 0 : index
      %get3A_102 = tpu.vector_load %arg13[%get3A_100, %get3A_101] {strides = array<i32>} : memref<8x80xf32, #tpu.memory_space<vmem>>, vector<16xf32>,
      %add3A_103 = arith.constant 0 : i32
      %add3A_104 = vector.broadcast %add3A_103 : i32 to vector<16xi32>
      %add3A_105 = arith.addi %add3A_104, %iota3A : vector<16xi32>
      %broadcast_in_dim3A_106 = arith.constant 1 : i32
      %broadcast_in_dim3A_107 = vector.broadcast %broadcast_in_dim3A_106 : i32 to vector<16xi32>
      tpu.vector_store_idx %arg15[%add3A_105, %broadcast_in_dim3A_107], %get3A_102 : memref<80x16xf32, #tpu.memory_space<vmem>>[vector<16xi32>, vector<16xi32>], vector<16xf32>,
      %get3A_108 = arith.constant 1 : i32
      %get3A_109 = arith.index_cast %get3A_108 : i32 to index
      %get3A_110 = arith.constant 16 : index
      %get3A_111 = tpu.vector_load %arg13[%get3A_109, %get3A_110] {strides = array<i32>} : memref<8x80xf32, #tpu.memory_space<vmem>>, vector<16xf32>,
      %add3A_112 = arith.constant 16 : i32
      %add3A_113 = vector.broadcast %add3A_112 : i32 to vector<16xi32>
      %add3A_114 = arith.addi %add3A_113, %iota3A : vector<16xi32>
      %broadcast_in_dim3A_115 = arith.constant 1 : i32
      %broadcast_in_dim3A_116 = vector.broadcast %broadcast_in_dim3A_115 : i32 to vector<16xi32>
      tpu.vector_store_idx %arg15[%add3A_114, %broadcast_in_dim3A_116], %get3A_111 : memref<80x16xf32, #tpu.memory_space<vmem>>[vector<16xi32>, vector<16xi32>], vector<16xf32>,
      %get3A_117 = arith.constant 1 : i32
      %get3A_118 = arith.index_cast %get3A_117 : i32 to index
      %get3A_119 = arith.constant 32 : index
      %get3A_120 = tpu.vector_load %arg13[%get3A_118, %get3A_119] {strides = array<i32>} : memref<8x80xf32, #tpu.memory_space<vmem>>, vector<16xf32>,
      %add3A_121 = arith.constant 32 : i32
      %add3A_122 = vector.broadcast %add3A_121 : i32 to vector<16xi32>
      %add3A_123 = arith.addi %add3A_122, %iota3A : vector<16xi32>
      %broadcast_in_dim3A_124 = arith.constant 1 : i32
      %broadcast_in_dim3A_125 = vector.broadcast %broadcast_in_dim3A_124 : i32 to vector<16xi32>
      tpu.vector_store_idx %arg15[%add3A_123, %broadcast_in_dim3A_125], %get3A_120 : memref<80x16xf32, #tpu.memory_space<vmem>>[vector<16xi32>, vector<16xi32>], vector<16xf32>,
      %get3A_126 = arith.constant 1 : i32
      %get3A_127 = arith.index_cast %get3A_126 : i32 to index
      %get3A_128 = arith.constant 48 : index
      %get3A_129 = tpu.vector_load %arg13[%get3A_127, %get3A_128] {strides = array<i32>} : memref<8x80xf32, #tpu.memory_space<vmem>>, vector<16xf32>,
      %add3A_130 = arith.constant 48 : i32
      %add3A_131 = vector.broadcast %add3A_130 : i32 to vector<16xi32>
      %add3A_132 = arith.addi %add3A_131, %iota3A : vector<16xi32>
      %broadcast_in_dim3A_133 = arith.constant 1 : i32
      %broadcast_in_dim3A_134 = vector.broadcast %broadcast_in_dim3A_133 : i32 to vector<16xi32>
      tpu.vector_store_idx %arg15[%add3A_132, %broadcast_in_dim3A_134], %get3A_129 : memref<80x16xf32, #tpu.memory_space<vmem>>[vector<16xi32>, vector<16xi32>], vector<16xf32>,
      %get3A_135 = arith.constant 1 : i32
      %get3A_136 = arith.index_cast %get3A_135 : i32 to index
      %get3A_137 = arith.constant 64 : index
      %get3A_138 = tpu.vector_load %arg13[%get3A_136, %get3A_137] {strides = array<i32>} : memref<8x80xf32, #tpu.memory_space<vmem>>, vector<16xf32>,
      %add3A_139 = arith.constant 64 : i32
      %add3A_140 = vector.broadcast %add3A_139 : i32 to vector<16xi32>
      %add3A_141 = arith.addi %add3A_140, %iota3A : vector<16xi32>
      %broadcast_in_dim3A_142 = arith.constant 1 : i32
      %broadcast_in_dim3A_143 = vector.broadcast %broadcast_in_dim3A_142 : i32 to vector<16xi32>
      tpu.vector_store_idx %arg15[%add3A_141, %broadcast_in_dim3A_143], %get3A_138 : memref<80x16xf32, #tpu.memory_space<vmem>>[vector<16xi32>, vector<16xi32>], vector<16xf32>,
      %get3A_144 = arith.constant 2 : i32
      %get3A_145 = arith.index_cast %get3A_144 : i32 to index
      %get3A_146 = arith.constant 0 : index
      %get3A_147 = tpu.vector_load %arg13[%get3A_145, %get3A_146] {strides = array<i32>} : memref<8x80xf32, #tpu.memory_space<vmem>>, vector<16xf32>,
      %add3A_148 = arith.constant 0 : i32
      %add3A_149 = vector.broadcast %add3A_148 : i32 to vector<16xi32>
      %add3A_150 = arith.addi %add3A_149, %iota3A : vector<16xi32>
      %broadcast_in_dim3A_151 = arith.constant 2 : i32
      %broadcast_in_dim3A_152 = vector.broadcast %broadcast_in_dim3A_151 : i32 to vector<16xi32>
      tpu.vector_store_idx %arg15[%add3A_150, %broadcast_in_dim3A_152], %get3A_147 : memref<80x16xf32, #tpu.memory_space<vmem>>[vector<16xi32>, vector<16xi32>], vector<16xf32>,
      %get3A_153 = arith.constant 2 : i32
      %get3A_154 = arith.index_cast %get3A_153 : i32 to index
      %get3A_155 = arith.constant 16 : index
      %get3A_156 = tpu.vector_load %arg13[%get3A_154, %get3A_155] {strides = array<i32>} : memref<8x80xf32, #tpu.memory_space<vmem>>, vector<16xf32>,
      %add3A_157 = arith.constant 16 : i32
      %add3A_158 = vector.broadcast %add3A_157 : i32 to vector<16xi32>
      %add3A_159 = arith.addi %add3A_158, %iota3A : vector<16xi32>
      %broadcast_in_dim3A_160 = arith.constant 2 : i32
      %broadcast_in_dim3A_161 = vector.broadcast %broadcast_in_dim3A_160 : i32 to vector<16xi32>
      tpu.vector_store_idx %arg15[%add3A_159, %broadcast_in_dim3A_161], %get3A_156 : memref<80x16xf32, #tpu.memory_space<vmem>>[vector<16xi32>, vector<16xi32>], vector<16xf32>,
      %get3A_162 = arith.constant 2 : i32
      %get3A_163 = arith.index_cast %get3A_162 : i32 to index
      %get3A_164 = arith.constant 32 : index
      %get3A_165 = tpu.vector_load %arg13[%get3A_163, %get3A_164] {strides = array<i32>} : memref<8x80xf32, #tpu.memory_space<vmem>>, vector<16xf32>,
      %add3A_166 = arith.constant 32 : i32
      %add3A_167 = vector.broadcast %add3A_166 : i32 to vector<16xi32>
      %add3A_168 = arith.addi %add3A_167, %iota3A : vector<16xi32>
      %broadcast_in_dim3A_169 = arith.constant 2 : i32
      %broadcast_in_dim3A_170 = vector.broadcast %broadcast_in_dim3A_169 : i32 to vector<16xi32>
      tpu.vector_store_idx %arg15[%add3A_168, %broadcast_in_dim3A_170], %get3A_165 : memref<80x16xf32, #tpu.memory_space<vmem>>[vector<16xi32>, vector<16xi32>], vector<16xf32>,
      %get3A_171 = arith.constant 2 : i32
      %get3A_172 = arith.index_cast %get3A_171 : i32 to index
      %get3A_173 = arith.constant 48 : index
      %get3A_174 = tpu.vector_load %arg13[%get3A_172, %get3A_173] {strides = array<i32>} : memref<8x80xf32, #tpu.memory_space<vmem>>, vector<16xf32>,
      %add3A_175 = arith.constant 48 : i32
      %add3A_176 = vector.broadcast %add3A_175 : i32 to vector<16xi32>
      %add3A_177 = arith.addi %add3A_176, %iota3A : vector<16xi32>
      %broadcast_in_dim3A_178 = arith.constant 2 : i32
      %broadcast_in_dim3A_179 = vector.broadcast %broadcast_in_dim3A_178 : i32 to vector<16xi32>
      tpu.vector_store_idx %arg15[%add3A_177, %broadcast_in_dim3A_179], %get3A_174 : memref<80x16xf32, #tpu.memory_space<vmem>>[vector<16xi32>, vector<16xi32>], vector<16xf32>,
      %get3A_180 = arith.constant 2 : i32
      %get3A_181 = arith.index_cast %get3A_180 : i32 to index
      %get3A_182 = arith.constant 64 : index
      %get3A_183 = tpu.vector_load %arg13[%get3A_181, %get3A_182] {strides = array<i32>} : memref<8x80xf32, #tpu.memory_space<vmem>>, vector<16xf32>,
      %add3A_184 = arith.constant 64 : i32
      %add3A_185 = vector.broadcast %add3A_184 : i32 to vector<16xi32>
      %add3A_186 = arith.addi %add3A_185, %iota3A : vector<16xi32>
      %broadcast_in_dim3A_187 = arith.constant 2 : i32
      %broadcast_in_dim3A_188 = vector.broadcast %broadcast_in_dim3A_187 : i32 to vector<16xi32>
      tpu.vector_store_idx %arg15[%add3A_186, %broadcast_in_dim3A_188], %get3A_183 : memref<80x16xf32, #tpu.memory_space<vmem>>[vector<16xi32>, vector<16xi32>], vector<16xf32>,
      %get3A_189 = arith.constant 3 : i32
      %get3A_190 = arith.index_cast %get3A_189 : i32 to index
      %get3A_191 = arith.constant 0 : index
      %get3A_192 = tpu.vector_load %arg13[%get3A_190, %get3A_191] {strides = array<i32>} : memref<8x80xf32, #tpu.memory_space<vmem>>, vector<16xf32>,
      %add3A_193 = arith.constant 0 : i32
      %add3A_194 = vector.broadcast %add3A_193 : i32 to vector<16xi32>
      %add3A_195 = arith.addi %add3A_194, %iota3A : vector<16xi32>
      %broadcast_in_dim3A_196 = arith.constant 3 : i32
      %broadcast_in_dim3A_197 = vector.broadcast %broadcast_in_dim3A_196 : i32 to vector<16xi32>
      tpu.vector_store_idx %arg15[%add3A_195, %broadcast_in_dim3A_197], %get3A_192 : memref<80x16xf32, #tpu.memory_space<vmem>>[vector<16xi32>, vector<16xi32>], vector<16xf32>,
      %get3A_198 = arith.constant 3 : i32
      %get3A_199 = arith.index_cast %get3A_198 : i32 to index
      %get3A_200 = arith.constant 16 : index
      %get3A_201 = tpu.vector_load %arg13[%get3A_199, %get3A_200] {strides = array<i32>} : memref<8x80xf32, #tpu.memory_space<vmem>>, vector<16xf32>,
      %add3A_202 = arith.constant 16 : i32
      %add3A_203 = vector.broadcast %add3A_202 : i32 to vector<16xi32>
      %add3A_204 = arith.addi %add3A_203, %iota3A : vector<16xi32>
      %broadcast_in_dim3A_205 = arith.constant 3 : i32
      %broadcast_in_dim3A_206 = vector.broadcast %broadcast_in_dim3A_205 : i32 to vector<16xi32>
      tpu.vector_store_idx %arg15[%add3A_204, %broadcast_in_dim3A_206], %get3A_201 : memref<80x16xf32, #tpu.memory_space<vmem>>[vector<16xi32>, vector<16xi32>], vector<16xf32>,
      %get3A_207 = arith.constant 3 : i32
      %get3A_208 = arith.index_cast %get3A_207 : i32 to index
      %get3A_209 = arith.constant 32 : index
      %get3A_210 = tpu.vector_load %arg13[%get3A_208, %get3A_209] {strides = array<i32>} : memref<8x80xf32, #tpu.memory_space<vmem>>, vector<16xf32>,
      %add3A_211 = arith.constant 32 : i32
      %add3A_212 = vector.broadcast %add3A_211 : i32 to vector<16xi32>
      %add3A_213 = arith.addi %add3A_212, %iota3A : vector<16xi32>
      %broadcast_in_dim3A_214 = arith.constant 3 : i32
      %broadcast_in_dim3A_215 = vector.broadcast %broadcast_in_dim3A_214 : i32 to vector<16xi32>
      tpu.vector_store_idx %arg15[%add3A_213, %broadcast_in_dim3A_215], %get3A_210 : memref<80x16xf32, #tpu.memory_space<vmem>>[vector<16xi32>, vector<16xi32>], vector<16xf32>,
      %get3A_216 = arith.constant 3 : i32
      %get3A_217 = arith.index_cast %get3A_216 : i32 to index
      %get3A_218 = arith.constant 48 : index
      %get3A_219 = tpu.vector_load %arg13[%get3A_217, %get3A_218] {strides = array<i32>} : memref<8x80xf32, #tpu.memory_space<vmem>>, vector<16xf32>,
      %add3A_220 = arith.constant 48 : i32
      %add3A_221 = vector.broadcast %add3A_220 : i32 to vector<16xi32>
      %add3A_222 = arith.addi %add3A_221, %iota3A : vector<16xi32>
      %broadcast_in_dim3A_223 = arith.constant 3 : i32
      %broadcast_in_dim3A_224 = vector.broadcast %broadcast_in_dim3A_223 : i32 to vector<16xi32>
      tpu.vector_store_idx %arg15[%add3A_222, %broadcast_in_dim3A_224], %get3A_219 : memref<80x16xf32, #tpu.memory_space<vmem>>[vector<16xi32>, vector<16xi32>], vector<16xf32>,
      %get3A_225 = arith.constant 3 : i32
      %get3A_226 = arith.index_cast %get3A_225 : i32 to index
      %get3A_227 = arith.constant 64 : index
      %get3A_228 = tpu.vector_load %arg13[%get3A_226, %get3A_227] {strides = array<i32>} : memref<8x80xf32, #tpu.memory_space<vmem>>, vector<16xf32>,
      %add3A_229 = arith.constant 64 : i32
      %add3A_230 = vector.broadcast %add3A_229 : i32 to vector<16xi32>
      %add3A_231 = arith.addi %add3A_230, %iota3A : vector<16xi32>
      %broadcast_in_dim3A_232 = arith.constant 3 : i32
      %broadcast_in_dim3A_233 = vector.broadcast %broadcast_in_dim3A_232 : i32 to vector<16xi32>
      tpu.vector_store_idx %arg15[%add3A_231, %broadcast_in_dim3A_233], %get3A_228 : memref<80x16xf32, #tpu.memory_space<vmem>>[vector<16xi32>, vector<16xi32>], vector<16xf32>,
      %get3A_234 = arith.constant 4 : i32
      %get3A_235 = arith.index_cast %get3A_234 : i32 to index
      %get3A_236 = arith.constant 0 : index
      %get3A_237 = tpu.vector_load %arg13[%get3A_235, %get3A_236] {strides = array<i32>} : memref<8x80xf32, #tpu.memory_space<vmem>>, vector<16xf32>,
      %add3A_238 = arith.constant 0 : i32
      %add3A_239 = vector.broadcast %add3A_238 : i32 to vector<16xi32>
      %add3A_240 = arith.addi %add3A_239, %iota3A : vector<16xi32>
      %broadcast_in_dim3A_241 = arith.constant 4 : i32
      %broadcast_in_dim3A_242 = vector.broadcast %broadcast_in_dim3A_241 : i32 to vector<16xi32>
      tpu.vector_store_idx %arg15[%add3A_240, %broadcast_in_dim3A_242], %get3A_237 : memref<80x16xf32, #tpu.memory_space<vmem>>[vector<16xi32>, vector<16xi32>], vector<16xf32>,
      %get3A_243 = arith.constant 4 : i32
      %get3A_244 = arith.index_cast %get3A_243 : i32 to index
      %get3A_245 = arith.constant 16 : index
      %get3A_246 = tpu.vector_load %arg13[%get3A_244, %get3A_245] {strides = array<i32>} : memref<8x80xf32, #tpu.memory_space<vmem>>, vector<16xf32>,
      %add3A_247 = arith.constant 16 : i32
      %add3A_248 = vector.broadcast %add3A_247 : i32 to vector<16xi32>
      %add3A_249 = arith.addi %add3A_248, %iota3A : vector<16xi32>
      %broadcast_in_dim3A_250 = arith.constant 4 : i32
      %broadcast_in_dim3A_251 = vector.broadcast %broadcast_in_dim3A_250 : i32 to vector<16xi32>
      tpu.vector_store_idx %arg15[%add3A_249, %broadcast_in_dim3A_251], %get3A_246 : memref<80x16xf32, #tpu.memory_space<vmem>>[vector<16xi32>, vector<16xi32>], vector<16xf32>,
      %get3A_252 = arith.constant 4 : i32
      %get3A_253 = arith.index_cast %get3A_252 : i32 to index
      %get3A_254 = arith.constant 32 : index
      %get3A_255 = tpu.vector_load %arg13[%get3A_253, %get3A_254] {strides = array<i32>} : memref<8x80xf32, #tpu.memory_space<vmem>>, vector<16xf32>,
      %add3A_256 = arith.constant 32 : i32
      %add3A_257 = vector.broadcast %add3A_256 : i32 to vector<16xi32>
      %add3A_258 = arith.addi %add3A_257, %iota3A : vector<16xi32>
      %broadcast_in_dim3A_259 = arith.constant 4 : i32
      %broadcast_in_dim3A_260 = vector.broadcast %broadcast_in_dim3A_259 : i32 to vector<16xi32>
      tpu.vector_store_idx %arg15[%add3A_258, %broadcast_in_dim3A_260], %get3A_255 : memref<80x16xf32, #tpu.memory_space<vmem>>[vector<16xi32>, vector<16xi32>], vector<16xf32>,
      %get3A_261 = arith.constant 4 : i32
      %get3A_262 = arith.index_cast %get3A_261 : i32 to index
      %get3A_263 = arith.constant 48 : index
      %get3A_264 = tpu.vector_load %arg13[%get3A_262, %get3A_263] {strides = array<i32>} : memref<8x80xf32, #tpu.memory_space<vmem>>, vector<16xf32>,
      %add3A_265 = arith.constant 48 : i32
      %add3A_266 = vector.broadcast %add3A_265 : i32 to vector<16xi32>
      %add3A_267 = arith.addi %add3A_266, %iota3A : vector<16xi32>
      %broadcast_in_dim3A_268 = arith.constant 4 : i32
      %broadcast_in_dim3A_269 = vector.broadcast %broadcast_in_dim3A_268 : i32 to vector<16xi32>
      tpu.vector_store_idx %arg15[%add3A_267, %broadcast_in_dim3A_269], %get3A_264 : memref<80x16xf32, #tpu.memory_space<vmem>>[vector<16xi32>, vector<16xi32>], vector<16xf32>,
      %get3A_270 = arith.constant 4 : i32
      %get3A_271 = arith.index_cast %get3A_270 : i32 to index
      %get3A_272 = arith.constant 64 : index
      %get3A_273 = tpu.vector_load %arg13[%get3A_271, %get3A_272] {strides = array<i32>} : memref<8x80xf32, #tpu.memory_space<vmem>>, vector<16xf32>,
      %add3A_274 = arith.constant 64 : i32
      %add3A_275 = vector.broadcast %add3A_274 : i32 to vector<16xi32>
      %add3A_276 = arith.addi %add3A_275, %iota3A : vector<16xi32>
      %broadcast_in_dim3A_277 = arith.constant 4 : i32
      %broadcast_in_dim3A_278 = vector.broadcast %broadcast_in_dim3A_277 : i32 to vector<16xi32>
      tpu.vector_store_idx %arg15[%add3A_276, %broadcast_in_dim3A_278], %get3A_273 : memref<80x16xf32, #tpu.memory_space<vmem>>[vector<16xi32>, vector<16xi32>], vector<16xf32>,
      %get3A_279 = arith.constant 5 : i32
      %get3A_280 = arith.index_cast %get3A_279 : i32 to index
      %get3A_281 = arith.constant 0 : index
      %get3A_282 = tpu.vector_load %arg13[%get3A_280, %get3A_281] {strides = array<i32>} : memref<8x80xf32, #tpu.memory_space<vmem>>, vector<16xf32>,
      %add3A_283 = arith.constant 0 : i32
      %add3A_284 = vector.broadcast %add3A_283 : i32 to vector<16xi32>
      %add3A_285 = arith.addi %add3A_284, %iota3A : vector<16xi32>
      %broadcast_in_dim3A_286 = arith.constant 5 : i32
      %broadcast_in_dim3A_287 = vector.broadcast %broadcast_in_dim3A_286 : i32 to vector<16xi32>
      tpu.vector_store_idx %arg15[%add3A_285, %broadcast_in_dim3A_287], %get3A_282 : memref<80x16xf32, #tpu.memory_space<vmem>>[vector<16xi32>, vector<16xi32>], vector<16xf32>,
      %get3A_288 = arith.constant 5 : i32
      %get3A_289 = arith.index_cast %get3A_288 : i32 to index
      %get3A_290 = arith.constant 16 : index
      %get3A_291 = tpu.vector_load %arg13[%get3A_289, %get3A_290] {strides = array<i32>} : memref<8x80xf32, #tpu.memory_space<vmem>>, vector<16xf32>,
      %add3A_292 = arith.constant 16 : i32
      %add3A_293 = vector.broadcast %add3A_292 : i32 to vector<16xi32>
      %add3A_294 = arith.addi %add3A_293, %iota3A : vector<16xi32>
      %broadcast_in_dim3A_295 = arith.constant 5 : i32
      %broadcast_in_dim3A_296 = vector.broadcast %broadcast_in_dim3A_295 : i32 to vector<16xi32>
      tpu.vector_store_idx %arg15[%add3A_294, %broadcast_in_dim3A_296], %get3A_291 : memref<80x16xf32, #tpu.memory_space<vmem>>[vector<16xi32>, vector<16xi32>], vector<16xf32>,
      %get3A_297 = arith.constant 5 : i32
      %get3A_298 = arith.index_cast %get3A_297 : i32 to index
      %get3A_299 = arith.constant 32 : index
      %get3A_300 = tpu.vector_load %arg13[%get3A_298, %get3A_299] {strides = array<i32>} : memref<8x80xf32, #tpu.memory_space<vmem>>, vector<16xf32>,
      %add3A_301 = arith.constant 32 : i32
      %add3A_302 = vector.broadcast %add3A_301 : i32 to vector<16xi32>
      %add3A_303 = arith.addi %add3A_302, %iota3A : vector<16xi32>
      %broadcast_in_dim3A_304 = arith.constant 5 : i32
      %broadcast_in_dim3A_305 = vector.broadcast %broadcast_in_dim3A_304 : i32 to vector<16xi32>
      tpu.vector_store_idx %arg15[%add3A_303, %broadcast_in_dim3A_305], %get3A_300 : memref<80x16xf32, #tpu.memory_space<vmem>>[vector<16xi32>, vector<16xi32>], vector<16xf32>,
      %get3A_306 = arith.constant 5 : i32
      %get3A_307 = arith.index_cast %get3A_306 : i32 to index
      %get3A_308 = arith.constant 48 : index
      %get3A_309 = tpu.vector_load %arg13[%get3A_307, %get3A_308] {strides = array<i32>} : memref<8x80xf32, #tpu.memory_space<vmem>>, vector<16xf32>,
      %add3A_310 = arith.constant 48 : i32
      %add3A_311 = vector.broadcast %add3A_310 : i32 to vector<16xi32>
      %add3A_312 = arith.addi %add3A_311, %iota3A : vector<16xi32>
      %broadcast_in_dim3A_313 = arith.constant 5 : i32
      %broadcast_in_dim3A_314 = vector.broadcast %broadcast_in_dim3A_313 : i32 to vector<16xi32>
      tpu.vector_store_idx %arg15[%add3A_312, %broadcast_in_dim3A_314], %get3A_309 : memref<80x16xf32, #tpu.memory_space<vmem>>[vector<16xi32>, vector<16xi32>], vector<16xf32>,
      %get3A_315 = arith.constant 5 : i32
      %get3A_316 = arith.index_cast %get3A_315 : i32 to index
      %get3A_317 = arith.constant 64 : index
      %get3A_318 = tpu.vector_load %arg13[%get3A_316, %get3A_317] {strides = array<i32>} : memref<8x80xf32, #tpu.memory_space<vmem>>, vector<16xf32>,
      %add3A_319 = arith.constant 64 : i32
      %add3A_320 = vector.broadcast %add3A_319 : i32 to vector<16xi32>
      %add3A_321 = arith.addi %add3A_320, %iota3A : vector<16xi32>
      %broadcast_in_dim3A_322 = arith.constant 5 : i32
      %broadcast_in_dim3A_323 = vector.broadcast %broadcast_in_dim3A_322 : i32 to vector<16xi32>
      tpu.vector_store_idx %arg15[%add3A_321, %broadcast_in_dim3A_323], %get3A_318 : memref<80x16xf32, #tpu.memory_space<vmem>>[vector<16xi32>, vector<16xi32>], vector<16xf32>,
      %get3A_324 = arith.constant 6 : i32
      %get3A_325 = arith.index_cast %get3A_324 : i32 to index
      %get3A_326 = arith.constant 0 : index
      %get3A_327 = tpu.vector_load %arg13[%get3A_325, %get3A_326] {strides = array<i32>} : memref<8x80xf32, #tpu.memory_space<vmem>>, vector<16xf32>,
      %add3A_328 = arith.constant 0 : i32
      %add3A_329 = vector.broadcast %add3A_328 : i32 to vector<16xi32>
      %add3A_330 = arith.addi %add3A_329, %iota3A : vector<16xi32>
      %broadcast_in_dim3A_331 = arith.constant 6 : i32
      %broadcast_in_dim3A_332 = vector.broadcast %broadcast_in_dim3A_331 : i32 to vector<16xi32>
      tpu.vector_store_idx %arg15[%add3A_330, %broadcast_in_dim3A_332], %get3A_327 : memref<80x16xf32, #tpu.memory_space<vmem>>[vector<16xi32>, vector<16xi32>], vector<16xf32>,
      %get3A_333 = arith.constant 6 : i32
      %get3A_334 = arith.index_cast %get3A_333 : i32 to index
      %get3A_335 = arith.constant 16 : index
      %get3A_336 = tpu.vector_load %arg13[%get3A_334, %get3A_335] {strides = array<i32>} : memref<8x80xf32, #tpu.memory_space<vmem>>, vector<16xf32>,
      %add3A_337 = arith.constant 16 : i32
      %add3A_338 = vector.broadcast %add3A_337 : i32 to vector<16xi32>
      %add3A_339 = arith.addi %add3A_338, %iota3A : vector<16xi32>
      %broadcast_in_dim3A_340 = arith.constant 6 : i32
      %broadcast_in_dim3A_341 = vector.broadcast %broadcast_in_dim3A_340 : i32 to vector<16xi32>
      tpu.vector_store_idx %arg15[%add3A_339, %broadcast_in_dim3A_341], %get3A_336 : memref<80x16xf32, #tpu.memory_space<vmem>>[vector<16xi32>, vector<16xi32>], vector<16xf32>,
      %get3A_342 = arith.constant 6 : i32
      %get3A_343 = arith.index_cast %get3A_342 : i32 to index
      %get3A_344 = arith.constant 32 : index
      %get3A_345 = tpu.vector_load %arg13[%get3A_343, %get3A_344] {strides = array<i32>} : memref<8x80xf32, #tpu.memory_space<vmem>>, vector<16xf32>,
      %add3A_346 = arith.constant 32 : i32
      %add3A_347 = vector.broadcast %add3A_346 : i32 to vector<16xi32>
      %add3A_348 = arith.addi %add3A_347, %iota3A : vector<16xi32>
      %broadcast_in_dim3A_349 = arith.constant 6 : i32
      %broadcast_in_dim3A_350 = vector.broadcast %broadcast_in_dim3A_349 : i32 to vector<16xi32>
      tpu.vector_store_idx %arg15[%add3A_348, %broadcast_in_dim3A_350], %get3A_345 : memref<80x16xf32, #tpu.memory_space<vmem>>[vector<16xi32>, vector<16xi32>], vector<16xf32>,
      %get3A_351 = arith.constant 6 : i32
      %get3A_352 = arith.index_cast %get3A_351 : i32 to index
      %get3A_353 = arith.constant 48 : index
      %get3A_354 = tpu.vector_load %arg13[%get3A_352, %get3A_353] {strides = array<i32>} : memref<8x80xf32, #tpu.memory_space<vmem>>, vector<16xf32>,
      %add3A_355 = arith.constant 48 : i32
      %add3A_356 = vector.broadcast %add3A_355 : i32 to vector<16xi32>
      %add3A_357 = arith.addi %add3A_356, %iota3A : vector<16xi32>
      %broadcast_in_dim3A_358 = arith.constant 6 : i32
      %broadcast_in_dim3A_359 = vector.broadcast %broadcast_in_dim3A_358 : i32 to vector<16xi32>
      tpu.vector_store_idx %arg15[%add3A_357, %broadcast_in_dim3A_359], %get3A_354 : memref<80x16xf32, #tpu.memory_space<vmem>>[vector<16xi32>, vector<16xi32>], vector<16xf32>,
      %get3A_360 = arith.constant 6 : i32
      %get3A_361 = arith.index_cast %get3A_360 : i32 to index
      %get3A_362 = arith.constant 64 : index
      %get3A_363 = tpu.vector_load %arg13[%get3A_361, %get3A_362] {strides = array<i32>} : memref<8x80xf32, #tpu.memory_space<vmem>>, vector<16xf32>,
      %add3A_364 = arith.constant 64 : i32
      %add3A_365 = vector.broadcast %add3A_364 : i32 to vector<16xi32>
      %add3A_366 = arith.addi %add3A_365, %iota3A : vector<16xi32>
      %broadcast_in_dim3A_367 = arith.constant 6 : i32
      %broadcast_in_dim3A_368 = vector.broadcast %broadcast_in_dim3A_367 : i32 to vector<16xi32>
      tpu.vector_store_idx %arg15[%add3A_366, %broadcast_in_dim3A_368], %get3A_363 : memref<80x16xf32, #tpu.memory_space<vmem>>[vector<16xi32>, vector<16xi32>], vector<16xf32>,
      %get3A_369 = arith.constant 7 : i32
      %get3A_370 = arith.index_cast %get3A_369 : i32 to index
      %get3A_371 = arith.constant 0 : index
      %get3A_372 = tpu.vector_load %arg13[%get3A_370, %get3A_371] {strides = array<i32>} : memref<8x80xf32, #tpu.memory_space<vmem>>, vector<16xf32>,
      %add3A_373 = arith.constant 0 : i32
      %add3A_374 = vector.broadcast %add3A_373 : i32 to vector<16xi32>
      %add3A_375 = arith.addi %add3A_374, %iota3A : vector<16xi32>
      %broadcast_in_dim3A_376 = arith.constant 7 : i32
      %broadcast_in_dim3A_377 = vector.broadcast %broadcast_in_dim3A_376 : i32 to vector<16xi32>
      tpu.vector_store_idx %arg15[%add3A_375, %broadcast_in_dim3A_377], %get3A_372 : memref<80x16xf32, #tpu.memory_space<vmem>>[vector<16xi32>, vector<16xi32>], vector<16xf32>,
      %get3A_378 = arith.constant 7 : i32
      %get3A_379 = arith.index_cast %get3A_378 : i32 to index
      %get3A_380 = arith.constant 16 : index
      %get3A_381 = tpu.vector_load %arg13[%get3A_379, %get3A_380] {strides = array<i32>} : memref<8x80xf32, #tpu.memory_space<vmem>>, vector<16xf32>,
      %add3A_382 = arith.constant 16 : i32
      %add3A_383 = vector.broadcast %add3A_382 : i32 to vector<16xi32>
      %add3A_384 = arith.addi %add3A_383, %iota3A : vector<16xi32>
      %broadcast_in_dim3A_385 = arith.constant 7 : i32
      %broadcast_in_dim3A_386 = vector.broadcast %broadcast_in_dim3A_385 : i32 to vector<16xi32>
      tpu.vector_store_idx %arg15[%add3A_384, %broadcast_in_dim3A_386], %get3A_381 : memref<80x16xf32, #tpu.memory_space<vmem>>[vector<16xi32>, vector<16xi32>], vector<16xf32>,
      %get3A_387 = arith.constant 7 : i32
      %get3A_388 = arith.index_cast %get3A_387 : i32 to index
      %get3A_389 = arith.constant 32 : index
      %get3A_390 = tpu.vector_load %arg13[%get3A_388, %get3A_389] {strides = array<i32>} : memref<8x80xf32, #tpu.memory_space<vmem>>, vector<16xf32>,
      %add3A_391 = arith.constant 32 : i32
      %add3A_392 = vector.broadcast %add3A_391 : i32 to vector<16xi32>
      %add3A_393 = arith.addi %add3A_392, %iota3A : vector<16xi32>
      %broadcast_in_dim3A_394 = arith.constant 7 : i32
      %broadcast_in_dim3A_395 = vector.broadcast %broadcast_in_dim3A_394 : i32 to vector<16xi32>
      tpu.vector_store_idx %arg15[%add3A_393, %broadcast_in_dim3A_395], %get3A_390 : memref<80x16xf32, #tpu.memory_space<vmem>>[vector<16xi32>, vector<16xi32>], vector<16xf32>,
      %get3A_396 = arith.constant 7 : i32
      %get3A_397 = arith.index_cast %get3A_396 : i32 to index
      %get3A_398 = arith.constant 48 : index
      %get3A_399 = tpu.vector_load %arg13[%get3A_397, %get3A_398] {strides = array<i32>} : memref<8x80xf32, #tpu.memory_space<vmem>>, vector<16xf32>,
      %add3A_400 = arith.constant 48 : i32
      %add3A_401 = vector.broadcast %add3A_400 : i32 to vector<16xi32>
      %add3A_402 = arith.addi %add3A_401, %iota3A : vector<16xi32>
      %broadcast_in_dim3A_403 = arith.constant 7 : i32
      %broadcast_in_dim3A_404 = vector.broadcast %broadcast_in_dim3A_403 : i32 to vector<16xi32>
      tpu.vector_store_idx %arg15[%add3A_402, %broadcast_in_dim3A_404], %get3A_399 : memref<80x16xf32, #tpu.memory_space<vmem>>[vector<16xi32>, vector<16xi32>], vector<16xf32>,
      %get3A_405 = arith.constant 7 : i32
      %get3A_406 = arith.index_cast %get3A_405 : i32 to index
      %get3A_407 = arith.constant 64 : index
      %get3A_408 = tpu.vector_load %arg13[%get3A_406, %get3A_407] {strides = array<i32>} : memref<8x80xf32, #tpu.memory_space<vmem>>, vector<16xf32>,
      %add3A_409 = arith.constant 64 : i32
      %add3A_410 = vector.broadcast %add3A_409 : i32 to vector<16xi32>
      %add3A_411 = arith.addi %add3A_410, %iota3A : vector<16xi32>
      %broadcast_in_dim3A_412 = arith.constant 7 : i32
      %broadcast_in_dim3A_413 = vector.broadcast %broadcast_in_dim3A_412 : i32 to vector<16xi32>
      tpu.vector_store_idx %arg15[%add3A_411, %broadcast_in_dim3A_413], %get3A_408 : memref<80x16xf32, #tpu.memory_space<vmem>>[vector<16xi32>, vector<16xi32>], vector<16xf32>,
      "tpu.region"() ({
        %run_scoped3A = tpu.sem_alloc : memref<!tpu.dma_semaphore, #tpu.memory_space<semaphore_mem>>
        %dma_start3A_421 = arith.constant 0 : i32
        %dma_start3A_422 = arith.constant 0 : i32
        %dma_start3A_423 = tpu.memref_slice %arg22[%dma_start3A_421, %dma_start3A_422] : memref<10240x128xf32, #tpu.memory_space<vmem_shared>> -> memref<10240x128xf32, #tpu.memory_space<vmem_shared>>
        tpu.enqueue_indirect_dma source(%arg9 : memref<80x128xf32, #tpu.memory_space<vmem>>) target(%dma_start3A_423 : memref<10240x128xf32, #tpu.memory_space<vmem_shared>>) offsets(%arg11 : memref<80xi32, #tpu.memory_space<vmem>>) semaphore(%run_scoped3A : memref<!tpu.dma_semaphore, #tpu.memory_space<semaphore_mem>>) {add = true}
        %dma_wait3A_424 = arith.constant 0 : i32
        %dma_wait3A_425 = arith.constant 0 : i32
        %dma_wait3A_426 = tpu.memref_slice %arg22[%dma_wait3A_424, %dma_wait3A_425] : memref<10240x128xf32, #tpu.memory_space<vmem_shared>> -> memref<10240x128xf32, #tpu.memory_space<vmem_shared>>
        tpu.wait_indirect_dma semaphore(%run_scoped3A : memref<!tpu.dma_semaphore, #tpu.memory_space<semaphore_mem>>) src(%arg9 : memref<80x128xf32, #tpu.memory_space<vmem>>) dst(%dma_wait3A_426 : memref<10240x128xf32, #tpu.memory_space<vmem_shared>>)
        tpu.yield
      }) : () -> ()
      "tpu.region"() ({
        %run_scoped3A = tpu.sem_alloc : memref<!tpu.dma_semaphore, #tpu.memory_space<semaphore_mem>>
        %dma_start3A_421 = arith.constant 0 : i32
        %dma_start3A_422 = arith.constant 0 : i32
        %dma_start3A_423 = tpu.memref_slice %arg23[%dma_start3A_421, %dma_start3A_422] : memref<10240x16xf32, #tpu.memory_space<vmem_shared>> -> memref<10240x16xf32, #tpu.memory_space<vmem_shared>>
        tpu.enqueue_indirect_dma source(%arg15 : memref<80x16xf32, #tpu.memory_space<vmem>>) target(%dma_start3A_423 : memref<10240x16xf32, #tpu.memory_space<vmem_shared>>) offsets(%arg11 : memref<80xi32, #tpu.memory_space<vmem>>) semaphore(%run_scoped3A : memref<!tpu.dma_semaphore, #tpu.memory_space<semaphore_mem>>) {add = true}
        %dma_wait3A_424 = arith.constant 0 : i32
        %dma_wait3A_425 = arith.constant 0 : i32
        %dma_wait3A_426 = tpu.memref_slice %arg23[%dma_wait3A_424, %dma_wait3A_425] : memref<10240x16xf32, #tpu.memory_space<vmem_shared>> -> memref<10240x16xf32, #tpu.memory_space<vmem_shared>>
        tpu.wait_indirect_dma semaphore(%run_scoped3A : memref<!tpu.dma_semaphore, #tpu.memory_space<semaphore_mem>>) src(%arg15 : memref<80x16xf32, #tpu.memory_space<vmem>>) dst(%dma_wait3A_426 : memref<10240x16xf32, #tpu.memory_space<vmem_shared>>)
        tpu.yield
      }) : () -> ()
      %add3A_414 = arith.constant 1 : i32
      %add3A_415 = arith.addi %mul3A_36, %add3A_414 : i32
      %lt3A_416 = arith.constant 75 : i32
      %lt3A_417 = arith.cmpi slt, %add3A_415, %lt3A_416 : i32
      %convert_element_type3A_418 = arith.extui %lt3A_417 : i1 to i32
      %cond3A_419 = arith.constant 0 : i32
      %cond3A_420 = arith.cmpi ne, %convert_element_type3A_418, %cond3A_419 : i32
      scf.if %cond3A_420 {
        %add3A_421 = arith.constant 1 : i32
        %add3A_422 = arith.addi %mul3A_36, %add3A_421 : i32
        %add3A_423 = arith.constant 1 : i32
        %add3A_424 = arith.addi %add3A_422, %add3A_423 : i32
        %lt3A_425 = arith.constant 75 : i32
        %lt3A_426 = arith.cmpi slt, %add3A_424, %lt3A_425 : i32
        %convert_element_type3A_427 = arith.extui %lt3A_426 : i1 to i32
        %cond3A_428 = arith.constant 0 : i32
        %cond3A_429 = arith.cmpi ne, %convert_element_type3A_427, %cond3A_428 : i32
        scf.if %cond3A_429 {
          %add3A_805 = arith.constant 1 : i32
          %add3A_806 = arith.addi %add3A_422, %add3A_805 : i32
          %mul3A_807 = arith.constant 80 : i32
          %mul3A_808 = arith.muli %add3A_806, %mul3A_807 : i32
          %add3A_809 = arith.addi %mul3A_8, %mul3A_808 : i32
          %dma_start3A_810 = arith.constant 0 : i32
          %dma_start3A_811 = tpu.memref_slice %arg2[%add3A_809, %dma_start3A_810] : memref<192000x128xf32, #tpu.memory_space<hbm>> -> memref<80x128xf32, #tpu.memory_space<hbm>>
          %dma_start3A_812 = arith.constant 0 : i32
          %dma_start3A_813 = tpu.memref_slice %arg2[%add3A_809, %dma_start3A_812] : memref<192000x128xf32, #tpu.memory_space<hbm>> -> memref<80x128xf32, #tpu.memory_space<hbm>>
          tpu.enqueue_dma source(%dma_start3A_813 : memref<80x128xf32, #tpu.memory_space<hbm>>) target(%arg9 : memref<80x128xf32, #tpu.memory_space<vmem>>) target_semaphore(%arg17 : memref<!tpu.dma_semaphore, #tpu.memory_space<semaphore_mem>>)
          %add3A_814 = arith.constant 128000 : i32
          %add3A_815 = arith.addi %add3A_814, %add3A_809 : i32
          %dma_start3A_816 = tpu.memref_slice %arg4[%add3A_815] : memref<320000xi32, #tpu.memory_space<hbm>> -> memref<80xi32, #tpu.memory_space<hbm>>
          %dma_start3A_817 = tpu.memref_slice %arg4[%add3A_815] : memref<320000xi32, #tpu.memory_space<hbm>> -> memref<80xi32, #tpu.memory_space<hbm>>
          tpu.enqueue_dma source(%dma_start3A_817 : memref<80xi32, #tpu.memory_space<hbm>>) target(%arg11 : memref<80xi32, #tpu.memory_space<vmem>>) target_semaphore(%arg17 : memref<!tpu.dma_semaphore, #tpu.memory_space<semaphore_mem>>)
          %dma_start3A_818 = arith.constant 0 : i32
          %dma_start3A_819 = tpu.memref_slice %arg3[%dma_start3A_818, %add3A_809] : memref<8x192000xf32, #tpu.memory_space<hbm>> -> memref<8x80xf32, #tpu.memory_space<hbm>>
          %dma_start3A_820 = arith.constant 0 : i32
          %dma_start3A_821 = tpu.memref_slice %arg3[%dma_start3A_820, %add3A_809] : memref<8x192000xf32, #tpu.memory_space<hbm>> -> memref<8x80xf32, #tpu.memory_space<hbm>>
          tpu.enqueue_dma source(%dma_start3A_821 : memref<8x80xf32, #tpu.memory_space<hbm>>) target(%arg13 : memref<8x80xf32, #tpu.memory_space<vmem>>) target_semaphore(%arg17 : memref<!tpu.dma_semaphore, #tpu.memory_space<semaphore_mem>>)
        } else {
        }
        %mul3A_430 = arith.constant 80 : i32
        %mul3A_431 = arith.muli %add3A_422, %mul3A_430 : i32
        %add3A_432 = arith.addi %mul3A_8, %mul3A_431 : i32
        %dma_wait3A_433 = arith.constant 0 : i32
        %dma_wait3A_434 = tpu.memref_slice %arg2[%add3A_432, %dma_wait3A_433] : memref<192000x128xf32, #tpu.memory_space<hbm>> -> memref<80x128xf32, #tpu.memory_space<hbm>>
        %dma_wait3A_435 = arith.constant 0 : i32
        %dma_wait3A_436 = tpu.memref_slice %arg2[%add3A_432, %dma_wait3A_435] : memref<192000x128xf32, #tpu.memory_space<hbm>> -> memref<80x128xf32, #tpu.memory_space<hbm>>
        tpu.wait_dma2 semaphore(%arg18 : memref<!tpu.dma_semaphore, #tpu.memory_space<semaphore_mem>>) src(%dma_wait3A_436 : memref<80x128xf32, #tpu.memory_space<hbm>>) dst(%arg10 : memref<80x128xf32, #tpu.memory_space<vmem>>)
        %add3A_437 = arith.constant 128000 : i32
        %add3A_438 = arith.addi %add3A_437, %add3A_432 : i32
        %dma_wait3A_439 = tpu.memref_slice %arg4[%add3A_438] : memref<320000xi32, #tpu.memory_space<hbm>> -> memref<80xi32, #tpu.memory_space<hbm>>
        %dma_wait3A_440 = tpu.memref_slice %arg4[%add3A_438] : memref<320000xi32, #tpu.memory_space<hbm>> -> memref<80xi32, #tpu.memory_space<hbm>>
        tpu.wait_dma2 semaphore(%arg18 : memref<!tpu.dma_semaphore, #tpu.memory_space<semaphore_mem>>) src(%dma_wait3A_440 : memref<80xi32, #tpu.memory_space<hbm>>) dst(%arg12 : memref<80xi32, #tpu.memory_space<vmem>>)
        %dma_wait3A_441 = arith.constant 0 : i32
        %dma_wait3A_442 = tpu.memref_slice %arg3[%dma_wait3A_441, %add3A_432] : memref<8x192000xf32, #tpu.memory_space<hbm>> -> memref<8x80xf32, #tpu.memory_space<hbm>>
        %dma_wait3A_443 = arith.constant 0 : i32
        %dma_wait3A_444 = tpu.memref_slice %arg3[%dma_wait3A_443, %add3A_432] : memref<8x192000xf32, #tpu.memory_space<hbm>> -> memref<8x80xf32, #tpu.memory_space<hbm>>
        tpu.wait_dma2 semaphore(%arg18 : memref<!tpu.dma_semaphore, #tpu.memory_space<semaphore_mem>>) src(%dma_wait3A_444 : memref<8x80xf32, #tpu.memory_space<hbm>>) dst(%arg14 : memref<8x80xf32, #tpu.memory_space<vmem>>)
        %get3A_445 = arith.constant 0 : i32
        %get3A_446 = arith.index_cast %get3A_445 : i32 to index
        %get3A_447 = arith.constant 0 : index
        %get3A_448 = tpu.vector_load %arg14[%get3A_446, %get3A_447] {strides = array<i32>} : memref<8x80xf32, #tpu.memory_space<vmem>>, vector<16xf32>,
        %add3A_449 = arith.constant 0 : i32
        %add3A_450 = vector.broadcast %add3A_449 : i32 to vector<16xi32>
        %add3A_451 = arith.addi %add3A_450, %iota3A : vector<16xi32>
        %broadcast_in_dim3A_452 = arith.constant 0 : i32
        %broadcast_in_dim3A_453 = vector.broadcast %broadcast_in_dim3A_452 : i32 to vector<16xi32>
        tpu.vector_store_idx %arg16[%add3A_451, %broadcast_in_dim3A_453], %get3A_448 : memref<80x16xf32, #tpu.memory_space<vmem>>[vector<16xi32>, vector<16xi32>], vector<16xf32>,
        %get3A_454 = arith.constant 0 : i32
        %get3A_455 = arith.index_cast %get3A_454 : i32 to index
        %get3A_456 = arith.constant 16 : index
        %get3A_457 = tpu.vector_load %arg14[%get3A_455, %get3A_456] {strides = array<i32>} : memref<8x80xf32, #tpu.memory_space<vmem>>, vector<16xf32>,
        %add3A_458 = arith.constant 16 : i32
        %add3A_459 = vector.broadcast %add3A_458 : i32 to vector<16xi32>
        %add3A_460 = arith.addi %add3A_459, %iota3A : vector<16xi32>
        %broadcast_in_dim3A_461 = arith.constant 0 : i32
        %broadcast_in_dim3A_462 = vector.broadcast %broadcast_in_dim3A_461 : i32 to vector<16xi32>
        tpu.vector_store_idx %arg16[%add3A_460, %broadcast_in_dim3A_462], %get3A_457 : memref<80x16xf32, #tpu.memory_space<vmem>>[vector<16xi32>, vector<16xi32>], vector<16xf32>,
        %get3A_463 = arith.constant 0 : i32
        %get3A_464 = arith.index_cast %get3A_463 : i32 to index
        %get3A_465 = arith.constant 32 : index
        %get3A_466 = tpu.vector_load %arg14[%get3A_464, %get3A_465] {strides = array<i32>} : memref<8x80xf32, #tpu.memory_space<vmem>>, vector<16xf32>,
        %add3A_467 = arith.constant 32 : i32
        %add3A_468 = vector.broadcast %add3A_467 : i32 to vector<16xi32>
        %add3A_469 = arith.addi %add3A_468, %iota3A : vector<16xi32>
        %broadcast_in_dim3A_470 = arith.constant 0 : i32
        %broadcast_in_dim3A_471 = vector.broadcast %broadcast_in_dim3A_470 : i32 to vector<16xi32>
        tpu.vector_store_idx %arg16[%add3A_469, %broadcast_in_dim3A_471], %get3A_466 : memref<80x16xf32, #tpu.memory_space<vmem>>[vector<16xi32>, vector<16xi32>], vector<16xf32>,
        %get3A_472 = arith.constant 0 : i32
        %get3A_473 = arith.index_cast %get3A_472 : i32 to index
        %get3A_474 = arith.constant 48 : index
        %get3A_475 = tpu.vector_load %arg14[%get3A_473, %get3A_474] {strides = array<i32>} : memref<8x80xf32, #tpu.memory_space<vmem>>, vector<16xf32>,
        %add3A_476 = arith.constant 48 : i32
        %add3A_477 = vector.broadcast %add3A_476 : i32 to vector<16xi32>
        %add3A_478 = arith.addi %add3A_477, %iota3A : vector<16xi32>
        %broadcast_in_dim3A_479 = arith.constant 0 : i32
        %broadcast_in_dim3A_480 = vector.broadcast %broadcast_in_dim3A_479 : i32 to vector<16xi32>
        tpu.vector_store_idx %arg16[%add3A_478, %broadcast_in_dim3A_480], %get3A_475 : memref<80x16xf32, #tpu.memory_space<vmem>>[vector<16xi32>, vector<16xi32>], vector<16xf32>,
        %get3A_481 = arith.constant 0 : i32
        %get3A_482 = arith.index_cast %get3A_481 : i32 to index
        %get3A_483 = arith.constant 64 : index
        %get3A_484 = tpu.vector_load %arg14[%get3A_482, %get3A_483] {strides = array<i32>} : memref<8x80xf32, #tpu.memory_space<vmem>>, vector<16xf32>,
        %add3A_485 = arith.constant 64 : i32
        %add3A_486 = vector.broadcast %add3A_485 : i32 to vector<16xi32>
        %add3A_487 = arith.addi %add3A_486, %iota3A : vector<16xi32>
        %broadcast_in_dim3A_488 = arith.constant 0 : i32
        %broadcast_in_dim3A_489 = vector.broadcast %broadcast_in_dim3A_488 : i32 to vector<16xi32>
        tpu.vector_store_idx %arg16[%add3A_487, %broadcast_in_dim3A_489], %get3A_484 : memref<80x16xf32, #tpu.memory_space<vmem>>[vector<16xi32>, vector<16xi32>], vector<16xf32>,
        %get3A_490 = arith.constant 1 : i32
        %get3A_491 = arith.index_cast %get3A_490 : i32 to index
        %get3A_492 = arith.constant 0 : index
        %get3A_493 = tpu.vector_load %arg14[%get3A_491, %get3A_492] {strides = array<i32>} : memref<8x80xf32, #tpu.memory_space<vmem>>, vector<16xf32>,
        %add3A_494 = arith.constant 0 : i32
        %add3A_495 = vector.broadcast %add3A_494 : i32 to vector<16xi32>
        %add3A_496 = arith.addi %add3A_495, %iota3A : vector<16xi32>
        %broadcast_in_dim3A_497 = arith.constant 1 : i32
        %broadcast_in_dim3A_498 = vector.broadcast %broadcast_in_dim3A_497 : i32 to vector<16xi32>
        tpu.vector_store_idx %arg16[%add3A_496, %broadcast_in_dim3A_498], %get3A_493 : memref<80x16xf32, #tpu.memory_space<vmem>>[vector<16xi32>, vector<16xi32>], vector<16xf32>,
        %get3A_499 = arith.constant 1 : i32
        %get3A_500 = arith.index_cast %get3A_499 : i32 to index
        %get3A_501 = arith.constant 16 : index
        %get3A_502 = tpu.vector_load %arg14[%get3A_500, %get3A_501] {strides = array<i32>} : memref<8x80xf32, #tpu.memory_space<vmem>>, vector<16xf32>,
        %add3A_503 = arith.constant 16 : i32
        %add3A_504 = vector.broadcast %add3A_503 : i32 to vector<16xi32>
        %add3A_505 = arith.addi %add3A_504, %iota3A : vector<16xi32>
        %broadcast_in_dim3A_506 = arith.constant 1 : i32
        %broadcast_in_dim3A_507 = vector.broadcast %broadcast_in_dim3A_506 : i32 to vector<16xi32>
        tpu.vector_store_idx %arg16[%add3A_505, %broadcast_in_dim3A_507], %get3A_502 : memref<80x16xf32, #tpu.memory_space<vmem>>[vector<16xi32>, vector<16xi32>], vector<16xf32>,
        %get3A_508 = arith.constant 1 : i32
        %get3A_509 = arith.index_cast %get3A_508 : i32 to index
        %get3A_510 = arith.constant 32 : index
        %get3A_511 = tpu.vector_load %arg14[%get3A_509, %get3A_510] {strides = array<i32>} : memref<8x80xf32, #tpu.memory_space<vmem>>, vector<16xf32>,
        %add3A_512 = arith.constant 32 : i32
        %add3A_513 = vector.broadcast %add3A_512 : i32 to vector<16xi32>
        %add3A_514 = arith.addi %add3A_513, %iota3A : vector<16xi32>
        %broadcast_in_dim3A_515 = arith.constant 1 : i32
        %broadcast_in_dim3A_516 = vector.broadcast %broadcast_in_dim3A_515 : i32 to vector<16xi32>
        tpu.vector_store_idx %arg16[%add3A_514, %broadcast_in_dim3A_516], %get3A_511 : memref<80x16xf32, #tpu.memory_space<vmem>>[vector<16xi32>, vector<16xi32>], vector<16xf32>,
        %get3A_517 = arith.constant 1 : i32
        %get3A_518 = arith.index_cast %get3A_517 : i32 to index
        %get3A_519 = arith.constant 48 : index
        %get3A_520 = tpu.vector_load %arg14[%get3A_518, %get3A_519] {strides = array<i32>} : memref<8x80xf32, #tpu.memory_space<vmem>>, vector<16xf32>,
        %add3A_521 = arith.constant 48 : i32
        %add3A_522 = vector.broadcast %add3A_521 : i32 to vector<16xi32>
        %add3A_523 = arith.addi %add3A_522, %iota3A : vector<16xi32>
        %broadcast_in_dim3A_524 = arith.constant 1 : i32
        %broadcast_in_dim3A_525 = vector.broadcast %broadcast_in_dim3A_524 : i32 to vector<16xi32>
        tpu.vector_store_idx %arg16[%add3A_523, %broadcast_in_dim3A_525], %get3A_520 : memref<80x16xf32, #tpu.memory_space<vmem>>[vector<16xi32>, vector<16xi32>], vector<16xf32>,
        %get3A_526 = arith.constant 1 : i32
        %get3A_527 = arith.index_cast %get3A_526 : i32 to index
        %get3A_528 = arith.constant 64 : index
        %get3A_529 = tpu.vector_load %arg14[%get3A_527, %get3A_528] {strides = array<i32>} : memref<8x80xf32, #tpu.memory_space<vmem>>, vector<16xf32>,
        %add3A_530 = arith.constant 64 : i32
        %add3A_531 = vector.broadcast %add3A_530 : i32 to vector<16xi32>
        %add3A_532 = arith.addi %add3A_531, %iota3A : vector<16xi32>
        %broadcast_in_dim3A_533 = arith.constant 1 : i32
        %broadcast_in_dim3A_534 = vector.broadcast %broadcast_in_dim3A_533 : i32 to vector<16xi32>
        tpu.vector_store_idx %arg16[%add3A_532, %broadcast_in_dim3A_534], %get3A_529 : memref<80x16xf32, #tpu.memory_space<vmem>>[vector<16xi32>, vector<16xi32>], vector<16xf32>,
        %get3A_535 = arith.constant 2 : i32
        %get3A_536 = arith.index_cast %get3A_535 : i32 to index
        %get3A_537 = arith.constant 0 : index
        %get3A_538 = tpu.vector_load %arg14[%get3A_536, %get3A_537] {strides = array<i32>} : memref<8x80xf32, #tpu.memory_space<vmem>>, vector<16xf32>,
        %add3A_539 = arith.constant 0 : i32
        %add3A_540 = vector.broadcast %add3A_539 : i32 to vector<16xi32>
        %add3A_541 = arith.addi %add3A_540, %iota3A : vector<16xi32>
        %broadcast_in_dim3A_542 = arith.constant 2 : i32
        %broadcast_in_dim3A_543 = vector.broadcast %broadcast_in_dim3A_542 : i32 to vector<16xi32>
        tpu.vector_store_idx %arg16[%add3A_541, %broadcast_in_dim3A_543], %get3A_538 : memref<80x16xf32, #tpu.memory_space<vmem>>[vector<16xi32>, vector<16xi32>], vector<16xf32>,
        %get3A_544 = arith.constant 2 : i32
        %get3A_545 = arith.index_cast %get3A_544 : i32 to index
        %get3A_546 = arith.constant 16 : index
        %get3A_547 = tpu.vector_load %arg14[%get3A_545, %get3A_546] {strides = array<i32>} : memref<8x80xf32, #tpu.memory_space<vmem>>, vector<16xf32>,
        %add3A_548 = arith.constant 16 : i32
        %add3A_549 = vector.broadcast %add3A_548 : i32 to vector<16xi32>
        %add3A_550 = arith.addi %add3A_549, %iota3A : vector<16xi32>
        %broadcast_in_dim3A_551 = arith.constant 2 : i32
        %broadcast_in_dim3A_552 = vector.broadcast %broadcast_in_dim3A_551 : i32 to vector<16xi32>
        tpu.vector_store_idx %arg16[%add3A_550, %broadcast_in_dim3A_552], %get3A_547 : memref<80x16xf32, #tpu.memory_space<vmem>>[vector<16xi32>, vector<16xi32>], vector<16xf32>,
        %get3A_553 = arith.constant 2 : i32
        %get3A_554 = arith.index_cast %get3A_553 : i32 to index
        %get3A_555 = arith.constant 32 : index
        %get3A_556 = tpu.vector_load %arg14[%get3A_554, %get3A_555] {strides = array<i32>} : memref<8x80xf32, #tpu.memory_space<vmem>>, vector<16xf32>,
        %add3A_557 = arith.constant 32 : i32
        %add3A_558 = vector.broadcast %add3A_557 : i32 to vector<16xi32>
        %add3A_559 = arith.addi %add3A_558, %iota3A : vector<16xi32>
        %broadcast_in_dim3A_560 = arith.constant 2 : i32
        %broadcast_in_dim3A_561 = vector.broadcast %broadcast_in_dim3A_560 : i32 to vector<16xi32>
        tpu.vector_store_idx %arg16[%add3A_559, %broadcast_in_dim3A_561], %get3A_556 : memref<80x16xf32, #tpu.memory_space<vmem>>[vector<16xi32>, vector<16xi32>], vector<16xf32>,
        %get3A_562 = arith.constant 2 : i32
        %get3A_563 = arith.index_cast %get3A_562 : i32 to index
        %get3A_564 = arith.constant 48 : index
        %get3A_565 = tpu.vector_load %arg14[%get3A_563, %get3A_564] {strides = array<i32>} : memref<8x80xf32, #tpu.memory_space<vmem>>, vector<16xf32>,
        %add3A_566 = arith.constant 48 : i32
        %add3A_567 = vector.broadcast %add3A_566 : i32 to vector<16xi32>
        %add3A_568 = arith.addi %add3A_567, %iota3A : vector<16xi32>
        %broadcast_in_dim3A_569 = arith.constant 2 : i32
        %broadcast_in_dim3A_570 = vector.broadcast %broadcast_in_dim3A_569 : i32 to vector<16xi32>
        tpu.vector_store_idx %arg16[%add3A_568, %broadcast_in_dim3A_570], %get3A_565 : memref<80x16xf32, #tpu.memory_space<vmem>>[vector<16xi32>, vector<16xi32>], vector<16xf32>,
        %get3A_571 = arith.constant 2 : i32
        %get3A_572 = arith.index_cast %get3A_571 : i32 to index
        %get3A_573 = arith.constant 64 : index
        %get3A_574 = tpu.vector_load %arg14[%get3A_572, %get3A_573] {strides = array<i32>} : memref<8x80xf32, #tpu.memory_space<vmem>>, vector<16xf32>,
        %add3A_575 = arith.constant 64 : i32
        %add3A_576 = vector.broadcast %add3A_575 : i32 to vector<16xi32>
        %add3A_577 = arith.addi %add3A_576, %iota3A : vector<16xi32>
        %broadcast_in_dim3A_578 = arith.constant 2 : i32
        %broadcast_in_dim3A_579 = vector.broadcast %broadcast_in_dim3A_578 : i32 to vector<16xi32>
        tpu.vector_store_idx %arg16[%add3A_577, %broadcast_in_dim3A_579], %get3A_574 : memref<80x16xf32, #tpu.memory_space<vmem>>[vector<16xi32>, vector<16xi32>], vector<16xf32>,
        %get3A_580 = arith.constant 3 : i32
        %get3A_581 = arith.index_cast %get3A_580 : i32 to index
        %get3A_582 = arith.constant 0 : index
        %get3A_583 = tpu.vector_load %arg14[%get3A_581, %get3A_582] {strides = array<i32>} : memref<8x80xf32, #tpu.memory_space<vmem>>, vector<16xf32>,
        %add3A_584 = arith.constant 0 : i32
        %add3A_585 = vector.broadcast %add3A_584 : i32 to vector<16xi32>
        %add3A_586 = arith.addi %add3A_585, %iota3A : vector<16xi32>
        %broadcast_in_dim3A_587 = arith.constant 3 : i32
        %broadcast_in_dim3A_588 = vector.broadcast %broadcast_in_dim3A_587 : i32 to vector<16xi32>
        tpu.vector_store_idx %arg16[%add3A_586, %broadcast_in_dim3A_588], %get3A_583 : memref<80x16xf32, #tpu.memory_space<vmem>>[vector<16xi32>, vector<16xi32>], vector<16xf32>,
        %get3A_589 = arith.constant 3 : i32
        %get3A_590 = arith.index_cast %get3A_589 : i32 to index
        %get3A_591 = arith.constant 16 : index
        %get3A_592 = tpu.vector_load %arg14[%get3A_590, %get3A_591] {strides = array<i32>} : memref<8x80xf32, #tpu.memory_space<vmem>>, vector<16xf32>,
        %add3A_593 = arith.constant 16 : i32
        %add3A_594 = vector.broadcast %add3A_593 : i32 to vector<16xi32>
        %add3A_595 = arith.addi %add3A_594, %iota3A : vector<16xi32>
        %broadcast_in_dim3A_596 = arith.constant 3 : i32
        %broadcast_in_dim3A_597 = vector.broadcast %broadcast_in_dim3A_596 : i32 to vector<16xi32>
        tpu.vector_store_idx %arg16[%add3A_595, %broadcast_in_dim3A_597], %get3A_592 : memref<80x16xf32, #tpu.memory_space<vmem>>[vector<16xi32>, vector<16xi32>], vector<16xf32>,
        %get3A_598 = arith.constant 3 : i32
        %get3A_599 = arith.index_cast %get3A_598 : i32 to index
        %get3A_600 = arith.constant 32 : index
        %get3A_601 = tpu.vector_load %arg14[%get3A_599, %get3A_600] {strides = array<i32>} : memref<8x80xf32, #tpu.memory_space<vmem>>, vector<16xf32>,
        %add3A_602 = arith.constant 32 : i32
        %add3A_603 = vector.broadcast %add3A_602 : i32 to vector<16xi32>
        %add3A_604 = arith.addi %add3A_603, %iota3A : vector<16xi32>
        %broadcast_in_dim3A_605 = arith.constant 3 : i32
        %broadcast_in_dim3A_606 = vector.broadcast %broadcast_in_dim3A_605 : i32 to vector<16xi32>
        tpu.vector_store_idx %arg16[%add3A_604, %broadcast_in_dim3A_606], %get3A_601 : memref<80x16xf32, #tpu.memory_space<vmem>>[vector<16xi32>, vector<16xi32>], vector<16xf32>,
        %get3A_607 = arith.constant 3 : i32
        %get3A_608 = arith.index_cast %get3A_607 : i32 to index
        %get3A_609 = arith.constant 48 : index
        %get3A_610 = tpu.vector_load %arg14[%get3A_608, %get3A_609] {strides = array<i32>} : memref<8x80xf32, #tpu.memory_space<vmem>>, vector<16xf32>,
        %add3A_611 = arith.constant 48 : i32
        %add3A_612 = vector.broadcast %add3A_611 : i32 to vector<16xi32>
        %add3A_613 = arith.addi %add3A_612, %iota3A : vector<16xi32>
        %broadcast_in_dim3A_614 = arith.constant 3 : i32
        %broadcast_in_dim3A_615 = vector.broadcast %broadcast_in_dim3A_614 : i32 to vector<16xi32>
        tpu.vector_store_idx %arg16[%add3A_613, %broadcast_in_dim3A_615], %get3A_610 : memref<80x16xf32, #tpu.memory_space<vmem>>[vector<16xi32>, vector<16xi32>], vector<16xf32>,
        %get3A_616 = arith.constant 3 : i32
        %get3A_617 = arith.index_cast %get3A_616 : i32 to index
        %get3A_618 = arith.constant 64 : index
        %get3A_619 = tpu.vector_load %arg14[%get3A_617, %get3A_618] {strides = array<i32>} : memref<8x80xf32, #tpu.memory_space<vmem>>, vector<16xf32>,
        %add3A_620 = arith.constant 64 : i32
        %add3A_621 = vector.broadcast %add3A_620 : i32 to vector<16xi32>
        %add3A_622 = arith.addi %add3A_621, %iota3A : vector<16xi32>
        %broadcast_in_dim3A_623 = arith.constant 3 : i32
        %broadcast_in_dim3A_624 = vector.broadcast %broadcast_in_dim3A_623 : i32 to vector<16xi32>
        tpu.vector_store_idx %arg16[%add3A_622, %broadcast_in_dim3A_624], %get3A_619 : memref<80x16xf32, #tpu.memory_space<vmem>>[vector<16xi32>, vector<16xi32>], vector<16xf32>,
        %get3A_625 = arith.constant 4 : i32
        %get3A_626 = arith.index_cast %get3A_625 : i32 to index
        %get3A_627 = arith.constant 0 : index
        %get3A_628 = tpu.vector_load %arg14[%get3A_626, %get3A_627] {strides = array<i32>} : memref<8x80xf32, #tpu.memory_space<vmem>>, vector<16xf32>,
        %add3A_629 = arith.constant 0 : i32
        %add3A_630 = vector.broadcast %add3A_629 : i32 to vector<16xi32>
        %add3A_631 = arith.addi %add3A_630, %iota3A : vector<16xi32>
        %broadcast_in_dim3A_632 = arith.constant 4 : i32
        %broadcast_in_dim3A_633 = vector.broadcast %broadcast_in_dim3A_632 : i32 to vector<16xi32>
        tpu.vector_store_idx %arg16[%add3A_631, %broadcast_in_dim3A_633], %get3A_628 : memref<80x16xf32, #tpu.memory_space<vmem>>[vector<16xi32>, vector<16xi32>], vector<16xf32>,
        %get3A_634 = arith.constant 4 : i32
        %get3A_635 = arith.index_cast %get3A_634 : i32 to index
        %get3A_636 = arith.constant 16 : index
        %get3A_637 = tpu.vector_load %arg14[%get3A_635, %get3A_636] {strides = array<i32>} : memref<8x80xf32, #tpu.memory_space<vmem>>, vector<16xf32>,
        %add3A_638 = arith.constant 16 : i32
        %add3A_639 = vector.broadcast %add3A_638 : i32 to vector<16xi32>
        %add3A_640 = arith.addi %add3A_639, %iota3A : vector<16xi32>
        %broadcast_in_dim3A_641 = arith.constant 4 : i32
        %broadcast_in_dim3A_642 = vector.broadcast %broadcast_in_dim3A_641 : i32 to vector<16xi32>
        tpu.vector_store_idx %arg16[%add3A_640, %broadcast_in_dim3A_642], %get3A_637 : memref<80x16xf32, #tpu.memory_space<vmem>>[vector<16xi32>, vector<16xi32>], vector<16xf32>,
        %get3A_643 = arith.constant 4 : i32
        %get3A_644 = arith.index_cast %get3A_643 : i32 to index
        %get3A_645 = arith.constant 32 : index
        %get3A_646 = tpu.vector_load %arg14[%get3A_644, %get3A_645] {strides = array<i32>} : memref<8x80xf32, #tpu.memory_space<vmem>>, vector<16xf32>,
        %add3A_647 = arith.constant 32 : i32
        %add3A_648 = vector.broadcast %add3A_647 : i32 to vector<16xi32>
        %add3A_649 = arith.addi %add3A_648, %iota3A : vector<16xi32>
        %broadcast_in_dim3A_650 = arith.constant 4 : i32
        %broadcast_in_dim3A_651 = vector.broadcast %broadcast_in_dim3A_650 : i32 to vector<16xi32>
        tpu.vector_store_idx %arg16[%add3A_649, %broadcast_in_dim3A_651], %get3A_646 : memref<80x16xf32, #tpu.memory_space<vmem>>[vector<16xi32>, vector<16xi32>], vector<16xf32>,
        %get3A_652 = arith.constant 4 : i32
        %get3A_653 = arith.index_cast %get3A_652 : i32 to index
        %get3A_654 = arith.constant 48 : index
        %get3A_655 = tpu.vector_load %arg14[%get3A_653, %get3A_654] {strides = array<i32>} : memref<8x80xf32, #tpu.memory_space<vmem>>, vector<16xf32>,
        %add3A_656 = arith.constant 48 : i32
        %add3A_657 = vector.broadcast %add3A_656 : i32 to vector<16xi32>
        %add3A_658 = arith.addi %add3A_657, %iota3A : vector<16xi32>
        %broadcast_in_dim3A_659 = arith.constant 4 : i32
        %broadcast_in_dim3A_660 = vector.broadcast %broadcast_in_dim3A_659 : i32 to vector<16xi32>
        tpu.vector_store_idx %arg16[%add3A_658, %broadcast_in_dim3A_660], %get3A_655 : memref<80x16xf32, #tpu.memory_space<vmem>>[vector<16xi32>, vector<16xi32>], vector<16xf32>,
        %get3A_661 = arith.constant 4 : i32
        %get3A_662 = arith.index_cast %get3A_661 : i32 to index
        %get3A_663 = arith.constant 64 : index
        %get3A_664 = tpu.vector_load %arg14[%get3A_662, %get3A_663] {strides = array<i32>} : memref<8x80xf32, #tpu.memory_space<vmem>>, vector<16xf32>,
        %add3A_665 = arith.constant 64 : i32
        %add3A_666 = vector.broadcast %add3A_665 : i32 to vector<16xi32>
        %add3A_667 = arith.addi %add3A_666, %iota3A : vector<16xi32>
        %broadcast_in_dim3A_668 = arith.constant 4 : i32
        %broadcast_in_dim3A_669 = vector.broadcast %broadcast_in_dim3A_668 : i32 to vector<16xi32>
        tpu.vector_store_idx %arg16[%add3A_667, %broadcast_in_dim3A_669], %get3A_664 : memref<80x16xf32, #tpu.memory_space<vmem>>[vector<16xi32>, vector<16xi32>], vector<16xf32>,
        %get3A_670 = arith.constant 5 : i32
        %get3A_671 = arith.index_cast %get3A_670 : i32 to index
        %get3A_672 = arith.constant 0 : index
        %get3A_673 = tpu.vector_load %arg14[%get3A_671, %get3A_672] {strides = array<i32>} : memref<8x80xf32, #tpu.memory_space<vmem>>, vector<16xf32>,
        %add3A_674 = arith.constant 0 : i32
        %add3A_675 = vector.broadcast %add3A_674 : i32 to vector<16xi32>
        %add3A_676 = arith.addi %add3A_675, %iota3A : vector<16xi32>
        %broadcast_in_dim3A_677 = arith.constant 5 : i32
        %broadcast_in_dim3A_678 = vector.broadcast %broadcast_in_dim3A_677 : i32 to vector<16xi32>
        tpu.vector_store_idx %arg16[%add3A_676, %broadcast_in_dim3A_678], %get3A_673 : memref<80x16xf32, #tpu.memory_space<vmem>>[vector<16xi32>, vector<16xi32>], vector<16xf32>,
        %get3A_679 = arith.constant 5 : i32
        %get3A_680 = arith.index_cast %get3A_679 : i32 to index
        %get3A_681 = arith.constant 16 : index
        %get3A_682 = tpu.vector_load %arg14[%get3A_680, %get3A_681] {strides = array<i32>} : memref<8x80xf32, #tpu.memory_space<vmem>>, vector<16xf32>,
        %add3A_683 = arith.constant 16 : i32
        %add3A_684 = vector.broadcast %add3A_683 : i32 to vector<16xi32>
        %add3A_685 = arith.addi %add3A_684, %iota3A : vector<16xi32>
        %broadcast_in_dim3A_686 = arith.constant 5 : i32
        %broadcast_in_dim3A_687 = vector.broadcast %broadcast_in_dim3A_686 : i32 to vector<16xi32>
        tpu.vector_store_idx %arg16[%add3A_685, %broadcast_in_dim3A_687], %get3A_682 : memref<80x16xf32, #tpu.memory_space<vmem>>[vector<16xi32>, vector<16xi32>], vector<16xf32>,
        %get3A_688 = arith.constant 5 : i32
        %get3A_689 = arith.index_cast %get3A_688 : i32 to index
        %get3A_690 = arith.constant 32 : index
        %get3A_691 = tpu.vector_load %arg14[%get3A_689, %get3A_690] {strides = array<i32>} : memref<8x80xf32, #tpu.memory_space<vmem>>, vector<16xf32>,
        %add3A_692 = arith.constant 32 : i32
        %add3A_693 = vector.broadcast %add3A_692 : i32 to vector<16xi32>
        %add3A_694 = arith.addi %add3A_693, %iota3A : vector<16xi32>
        %broadcast_in_dim3A_695 = arith.constant 5 : i32
        %broadcast_in_dim3A_696 = vector.broadcast %broadcast_in_dim3A_695 : i32 to vector<16xi32>
        tpu.vector_store_idx %arg16[%add3A_694, %broadcast_in_dim3A_696], %get3A_691 : memref<80x16xf32, #tpu.memory_space<vmem>>[vector<16xi32>, vector<16xi32>], vector<16xf32>,
        %get3A_697 = arith.constant 5 : i32
        %get3A_698 = arith.index_cast %get3A_697 : i32 to index
        %get3A_699 = arith.constant 48 : index
        %get3A_700 = tpu.vector_load %arg14[%get3A_698, %get3A_699] {strides = array<i32>} : memref<8x80xf32, #tpu.memory_space<vmem>>, vector<16xf32>,
        %add3A_701 = arith.constant 48 : i32
        %add3A_702 = vector.broadcast %add3A_701 : i32 to vector<16xi32>
        %add3A_703 = arith.addi %add3A_702, %iota3A : vector<16xi32>
        %broadcast_in_dim3A_704 = arith.constant 5 : i32
        %broadcast_in_dim3A_705 = vector.broadcast %broadcast_in_dim3A_704 : i32 to vector<16xi32>
        tpu.vector_store_idx %arg16[%add3A_703, %broadcast_in_dim3A_705], %get3A_700 : memref<80x16xf32, #tpu.memory_space<vmem>>[vector<16xi32>, vector<16xi32>], vector<16xf32>,
        %get3A_706 = arith.constant 5 : i32
        %get3A_707 = arith.index_cast %get3A_706 : i32 to index
        %get3A_708 = arith.constant 64 : index
        %get3A_709 = tpu.vector_load %arg14[%get3A_707, %get3A_708] {strides = array<i32>} : memref<8x80xf32, #tpu.memory_space<vmem>>, vector<16xf32>,
        %add3A_710 = arith.constant 64 : i32
        %add3A_711 = vector.broadcast %add3A_710 : i32 to vector<16xi32>
        %add3A_712 = arith.addi %add3A_711, %iota3A : vector<16xi32>
        %broadcast_in_dim3A_713 = arith.constant 5 : i32
        %broadcast_in_dim3A_714 = vector.broadcast %broadcast_in_dim3A_713 : i32 to vector<16xi32>
        tpu.vector_store_idx %arg16[%add3A_712, %broadcast_in_dim3A_714], %get3A_709 : memref<80x16xf32, #tpu.memory_space<vmem>>[vector<16xi32>, vector<16xi32>], vector<16xf32>,
        %get3A_715 = arith.constant 6 : i32
        %get3A_716 = arith.index_cast %get3A_715 : i32 to index
        %get3A_717 = arith.constant 0 : index
        %get3A_718 = tpu.vector_load %arg14[%get3A_716, %get3A_717] {strides = array<i32>} : memref<8x80xf32, #tpu.memory_space<vmem>>, vector<16xf32>,
        %add3A_719 = arith.constant 0 : i32
        %add3A_720 = vector.broadcast %add3A_719 : i32 to vector<16xi32>
        %add3A_721 = arith.addi %add3A_720, %iota3A : vector<16xi32>
        %broadcast_in_dim3A_722 = arith.constant 6 : i32
        %broadcast_in_dim3A_723 = vector.broadcast %broadcast_in_dim3A_722 : i32 to vector<16xi32>
        tpu.vector_store_idx %arg16[%add3A_721, %broadcast_in_dim3A_723], %get3A_718 : memref<80x16xf32, #tpu.memory_space<vmem>>[vector<16xi32>, vector<16xi32>], vector<16xf32>,
        %get3A_724 = arith.constant 6 : i32
        %get3A_725 = arith.index_cast %get3A_724 : i32 to index
        %get3A_726 = arith.constant 16 : index
        %get3A_727 = tpu.vector_load %arg14[%get3A_725, %get3A_726] {strides = array<i32>} : memref<8x80xf32, #tpu.memory_space<vmem>>, vector<16xf32>,
        %add3A_728 = arith.constant 16 : i32
        %add3A_729 = vector.broadcast %add3A_728 : i32 to vector<16xi32>
        %add3A_730 = arith.addi %add3A_729, %iota3A : vector<16xi32>
        %broadcast_in_dim3A_731 = arith.constant 6 : i32
        %broadcast_in_dim3A_732 = vector.broadcast %broadcast_in_dim3A_731 : i32 to vector<16xi32>
        tpu.vector_store_idx %arg16[%add3A_730, %broadcast_in_dim3A_732], %get3A_727 : memref<80x16xf32, #tpu.memory_space<vmem>>[vector<16xi32>, vector<16xi32>], vector<16xf32>,
        %get3A_733 = arith.constant 6 : i32
        %get3A_734 = arith.index_cast %get3A_733 : i32 to index
        %get3A_735 = arith.constant 32 : index
        %get3A_736 = tpu.vector_load %arg14[%get3A_734, %get3A_735] {strides = array<i32>} : memref<8x80xf32, #tpu.memory_space<vmem>>, vector<16xf32>,
        %add3A_737 = arith.constant 32 : i32
        %add3A_738 = vector.broadcast %add3A_737 : i32 to vector<16xi32>
        %add3A_739 = arith.addi %add3A_738, %iota3A : vector<16xi32>
        %broadcast_in_dim3A_740 = arith.constant 6 : i32
        %broadcast_in_dim3A_741 = vector.broadcast %broadcast_in_dim3A_740 : i32 to vector<16xi32>
        tpu.vector_store_idx %arg16[%add3A_739, %broadcast_in_dim3A_741], %get3A_736 : memref<80x16xf32, #tpu.memory_space<vmem>>[vector<16xi32>, vector<16xi32>], vector<16xf32>,
        %get3A_742 = arith.constant 6 : i32
        %get3A_743 = arith.index_cast %get3A_742 : i32 to index
        %get3A_744 = arith.constant 48 : index
        %get3A_745 = tpu.vector_load %arg14[%get3A_743, %get3A_744] {strides = array<i32>} : memref<8x80xf32, #tpu.memory_space<vmem>>, vector<16xf32>,
        %add3A_746 = arith.constant 48 : i32
        %add3A_747 = vector.broadcast %add3A_746 : i32 to vector<16xi32>
        %add3A_748 = arith.addi %add3A_747, %iota3A : vector<16xi32>
        %broadcast_in_dim3A_749 = arith.constant 6 : i32
        %broadcast_in_dim3A_750 = vector.broadcast %broadcast_in_dim3A_749 : i32 to vector<16xi32>
        tpu.vector_store_idx %arg16[%add3A_748, %broadcast_in_dim3A_750], %get3A_745 : memref<80x16xf32, #tpu.memory_space<vmem>>[vector<16xi32>, vector<16xi32>], vector<16xf32>,
        %get3A_751 = arith.constant 6 : i32
        %get3A_752 = arith.index_cast %get3A_751 : i32 to index
        %get3A_753 = arith.constant 64 : index
        %get3A_754 = tpu.vector_load %arg14[%get3A_752, %get3A_753] {strides = array<i32>} : memref<8x80xf32, #tpu.memory_space<vmem>>, vector<16xf32>,
        %add3A_755 = arith.constant 64 : i32
        %add3A_756 = vector.broadcast %add3A_755 : i32 to vector<16xi32>
        %add3A_757 = arith.addi %add3A_756, %iota3A : vector<16xi32>
        %broadcast_in_dim3A_758 = arith.constant 6 : i32
        %broadcast_in_dim3A_759 = vector.broadcast %broadcast_in_dim3A_758 : i32 to vector<16xi32>
        tpu.vector_store_idx %arg16[%add3A_757, %broadcast_in_dim3A_759], %get3A_754 : memref<80x16xf32, #tpu.memory_space<vmem>>[vector<16xi32>, vector<16xi32>], vector<16xf32>,
        %get3A_760 = arith.constant 7 : i32
        %get3A_761 = arith.index_cast %get3A_760 : i32 to index
        %get3A_762 = arith.constant 0 : index
        %get3A_763 = tpu.vector_load %arg14[%get3A_761, %get3A_762] {strides = array<i32>} : memref<8x80xf32, #tpu.memory_space<vmem>>, vector<16xf32>,
        %add3A_764 = arith.constant 0 : i32
        %add3A_765 = vector.broadcast %add3A_764 : i32 to vector<16xi32>
        %add3A_766 = arith.addi %add3A_765, %iota3A : vector<16xi32>
        %broadcast_in_dim3A_767 = arith.constant 7 : i32
        %broadcast_in_dim3A_768 = vector.broadcast %broadcast_in_dim3A_767 : i32 to vector<16xi32>
        tpu.vector_store_idx %arg16[%add3A_766, %broadcast_in_dim3A_768], %get3A_763 : memref<80x16xf32, #tpu.memory_space<vmem>>[vector<16xi32>, vector<16xi32>], vector<16xf32>,
        %get3A_769 = arith.constant 7 : i32
        %get3A_770 = arith.index_cast %get3A_769 : i32 to index
        %get3A_771 = arith.constant 16 : index
        %get3A_772 = tpu.vector_load %arg14[%get3A_770, %get3A_771] {strides = array<i32>} : memref<8x80xf32, #tpu.memory_space<vmem>>, vector<16xf32>,
        %add3A_773 = arith.constant 16 : i32
        %add3A_774 = vector.broadcast %add3A_773 : i32 to vector<16xi32>
        %add3A_775 = arith.addi %add3A_774, %iota3A : vector<16xi32>
        %broadcast_in_dim3A_776 = arith.constant 7 : i32
        %broadcast_in_dim3A_777 = vector.broadcast %broadcast_in_dim3A_776 : i32 to vector<16xi32>
        tpu.vector_store_idx %arg16[%add3A_775, %broadcast_in_dim3A_777], %get3A_772 : memref<80x16xf32, #tpu.memory_space<vmem>>[vector<16xi32>, vector<16xi32>], vector<16xf32>,
        %get3A_778 = arith.constant 7 : i32
        %get3A_779 = arith.index_cast %get3A_778 : i32 to index
        %get3A_780 = arith.constant 32 : index
        %get3A_781 = tpu.vector_load %arg14[%get3A_779, %get3A_780] {strides = array<i32>} : memref<8x80xf32, #tpu.memory_space<vmem>>, vector<16xf32>,
        %add3A_782 = arith.constant 32 : i32
        %add3A_783 = vector.broadcast %add3A_782 : i32 to vector<16xi32>
        %add3A_784 = arith.addi %add3A_783, %iota3A : vector<16xi32>
        %broadcast_in_dim3A_785 = arith.constant 7 : i32
        %broadcast_in_dim3A_786 = vector.broadcast %broadcast_in_dim3A_785 : i32 to vector<16xi32>
        tpu.vector_store_idx %arg16[%add3A_784, %broadcast_in_dim3A_786], %get3A_781 : memref<80x16xf32, #tpu.memory_space<vmem>>[vector<16xi32>, vector<16xi32>], vector<16xf32>,
        %get3A_787 = arith.constant 7 : i32
        %get3A_788 = arith.index_cast %get3A_787 : i32 to index
        %get3A_789 = arith.constant 48 : index
        %get3A_790 = tpu.vector_load %arg14[%get3A_788, %get3A_789] {strides = array<i32>} : memref<8x80xf32, #tpu.memory_space<vmem>>, vector<16xf32>,
        %add3A_791 = arith.constant 48 : i32
        %add3A_792 = vector.broadcast %add3A_791 : i32 to vector<16xi32>
        %add3A_793 = arith.addi %add3A_792, %iota3A : vector<16xi32>
        %broadcast_in_dim3A_794 = arith.constant 7 : i32
        %broadcast_in_dim3A_795 = vector.broadcast %broadcast_in_dim3A_794 : i32 to vector<16xi32>
        tpu.vector_store_idx %arg16[%add3A_793, %broadcast_in_dim3A_795], %get3A_790 : memref<80x16xf32, #tpu.memory_space<vmem>>[vector<16xi32>, vector<16xi32>], vector<16xf32>,
        %get3A_796 = arith.constant 7 : i32
        %get3A_797 = arith.index_cast %get3A_796 : i32 to index
        %get3A_798 = arith.constant 64 : index
        %get3A_799 = tpu.vector_load %arg14[%get3A_797, %get3A_798] {strides = array<i32>} : memref<8x80xf32, #tpu.memory_space<vmem>>, vector<16xf32>,
        %add3A_800 = arith.constant 64 : i32
        %add3A_801 = vector.broadcast %add3A_800 : i32 to vector<16xi32>
        %add3A_802 = arith.addi %add3A_801, %iota3A : vector<16xi32>
        %broadcast_in_dim3A_803 = arith.constant 7 : i32
        %broadcast_in_dim3A_804 = vector.broadcast %broadcast_in_dim3A_803 : i32 to vector<16xi32>
        tpu.vector_store_idx %arg16[%add3A_802, %broadcast_in_dim3A_804], %get3A_799 : memref<80x16xf32, #tpu.memory_space<vmem>>[vector<16xi32>, vector<16xi32>], vector<16xf32>,
        "tpu.region"() ({
          %run_scoped3A = tpu.sem_alloc : memref<!tpu.dma_semaphore, #tpu.memory_space<semaphore_mem>>
          %dma_start3A_805 = arith.constant 0 : i32
          %dma_start3A_806 = arith.constant 0 : i32
          %dma_start3A_807 = tpu.memref_slice %arg22[%dma_start3A_805, %dma_start3A_806] : memref<10240x128xf32, #tpu.memory_space<vmem_shared>> -> memref<10240x128xf32, #tpu.memory_space<vmem_shared>>
          tpu.enqueue_indirect_dma source(%arg10 : memref<80x128xf32, #tpu.memory_space<vmem>>) target(%dma_start3A_807 : memref<10240x128xf32, #tpu.memory_space<vmem_shared>>) offsets(%arg12 : memref<80xi32, #tpu.memory_space<vmem>>) semaphore(%run_scoped3A : memref<!tpu.dma_semaphore, #tpu.memory_space<semaphore_mem>>) {add = true}
          %dma_wait3A_808 = arith.constant 0 : i32
          %dma_wait3A_809 = arith.constant 0 : i32
          %dma_wait3A_810 = tpu.memref_slice %arg22[%dma_wait3A_808, %dma_wait3A_809] : memref<10240x128xf32, #tpu.memory_space<vmem_shared>> -> memref<10240x128xf32, #tpu.memory_space<vmem_shared>>
          tpu.wait_indirect_dma semaphore(%run_scoped3A : memref<!tpu.dma_semaphore, #tpu.memory_space<semaphore_mem>>) src(%arg10 : memref<80x128xf32, #tpu.memory_space<vmem>>) dst(%dma_wait3A_810 : memref<10240x128xf32, #tpu.memory_space<vmem_shared>>)
          tpu.yield
        }) : () -> ()
        "tpu.region"() ({
          %run_scoped3A = tpu.sem_alloc : memref<!tpu.dma_semaphore, #tpu.memory_space<semaphore_mem>>
          %dma_start3A_805 = arith.constant 0 : i32
          %dma_start3A_806 = arith.constant 0 : i32
          %dma_start3A_807 = tpu.memref_slice %arg23[%dma_start3A_805, %dma_start3A_806] : memref<10240x16xf32, #tpu.memory_space<vmem_shared>> -> memref<10240x16xf32, #tpu.memory_space<vmem_shared>>
          tpu.enqueue_indirect_dma source(%arg16 : memref<80x16xf32, #tpu.memory_space<vmem>>) target(%dma_start3A_807 : memref<10240x16xf32, #tpu.memory_space<vmem_shared>>) offsets(%arg12 : memref<80xi32, #tpu.memory_space<vmem>>) semaphore(%run_scoped3A : memref<!tpu.dma_semaphore, #tpu.memory_space<semaphore_mem>>) {add = true}
          %dma_wait3A_808 = arith.constant 0 : i32
          %dma_wait3A_809 = arith.constant 0 : i32
          %dma_wait3A_810 = tpu.memref_slice %arg23[%dma_wait3A_808, %dma_wait3A_809] : memref<10240x16xf32, #tpu.memory_space<vmem_shared>> -> memref<10240x16xf32, #tpu.memory_space<vmem_shared>>
          tpu.wait_indirect_dma semaphore(%run_scoped3A : memref<!tpu.dma_semaphore, #tpu.memory_space<semaphore_mem>>) src(%arg16 : memref<80x16xf32, #tpu.memory_space<vmem>>) dst(%dma_wait3A_810 : memref<10240x16xf32, #tpu.memory_space<vmem_shared>>)
          tpu.yield
        }) : () -> ()
      } else {
      }
    }
    %scan3A_32 = arith.constant 38 : i32
    %barrier3A_33 = arith.constant 0 : index
    tpu.barrier barrier_id(%barrier3A_33)
    "tpu.region"() ({
      %run_scoped3A = tpu.sem_alloc : memref<!tpu.dma_semaphore, #tpu.memory_space<semaphore_mem>>
      %dma_start3A_34 = arith.constant 0 : i32
      %dma_start3A_35 = tpu.memref_slice %arg7[%add3A_5, %dma_start3A_34] : memref<20480x128xf32, #tpu.memory_space<hbm>> -> memref<640x128xf32, #tpu.memory_space<hbm>>
      %dma_start3A_36 = arith.constant 0 : i32
      %dma_start3A_37 = tpu.memref_slice %arg22[%mul3A_2, %dma_start3A_36] : memref<10240x128xf32, #tpu.memory_space<vmem_shared>> -> memref<640x128xf32, #tpu.memory_space<vmem_shared>>
      tpu.enqueue_dma source(%dma_start3A_37 : memref<640x128xf32, #tpu.memory_space<vmem_shared>>) target(%dma_start3A_35 : memref<640x128xf32, #tpu.memory_space<hbm>>) target_semaphore(%run_scoped3A : memref<!tpu.dma_semaphore, #tpu.memory_space<semaphore_mem>>)
      %dma_wait3A = arith.constant 0 : i32
      %dma_wait3A_38 = tpu.memref_slice %arg7[%add3A_5, %dma_wait3A] : memref<20480x128xf32, #tpu.memory_space<hbm>> -> memref<640x128xf32, #tpu.memory_space<hbm>>
      %dma_wait3A_39 = arith.constant 0 : i32
      %dma_wait3A_40 = tpu.memref_slice %arg22[%mul3A_2, %dma_wait3A_39] : memref<10240x128xf32, #tpu.memory_space<vmem_shared>> -> memref<640x128xf32, #tpu.memory_space<vmem_shared>>
      tpu.wait_dma2 semaphore(%run_scoped3A : memref<!tpu.dma_semaphore, #tpu.memory_space<semaphore_mem>>) src(%dma_wait3A_40 : memref<640x128xf32, #tpu.memory_space<vmem_shared>>) dst(%dma_wait3A_38 : memref<640x128xf32, #tpu.memory_space<hbm>>)
      tpu.yield
    }) : () -> ()
    "tpu.region"() ({
      %run_scoped3A = tpu.sem_alloc : memref<!tpu.dma_semaphore, #tpu.memory_space<semaphore_mem>>
      %dma_start3A_34 = arith.constant 0 : i32
      %dma_start3A_35 = tpu.memref_slice %arg8[%add3A_5, %dma_start3A_34] : memref<20480x16xf32, #tpu.memory_space<hbm>> -> memref<640x16xf32, #tpu.memory_space<hbm>>
      %dma_start3A_36 = arith.constant 0 : i32
      %dma_start3A_37 = tpu.memref_slice %arg23[%mul3A_2, %dma_start3A_36] : memref<10240x16xf32, #tpu.memory_space<vmem_shared>> -> memref<640x16xf32, #tpu.memory_space<vmem_shared>>
      tpu.enqueue_dma source(%dma_start3A_37 : memref<640x16xf32, #tpu.memory_space<vmem_shared>>) target(%dma_start3A_35 : memref<640x16xf32, #tpu.memory_space<hbm>>) target_semaphore(%run_scoped3A : memref<!tpu.dma_semaphore, #tpu.memory_space<semaphore_mem>>)
      %dma_wait3A = arith.constant 0 : i32
      %dma_wait3A_38 = tpu.memref_slice %arg8[%add3A_5, %dma_wait3A] : memref<20480x16xf32, #tpu.memory_space<hbm>> -> memref<640x16xf32, #tpu.memory_space<hbm>>
      %dma_wait3A_39 = arith.constant 0 : i32
      %dma_wait3A_40 = tpu.memref_slice %arg23[%mul3A_2, %dma_wait3A_39] : memref<10240x16xf32, #tpu.memory_space<vmem_shared>> -> memref<640x16xf32, #tpu.memory_space<vmem_shared>>
      tpu.wait_dma2 semaphore(%run_scoped3A : memref<!tpu.dma_semaphore, #tpu.memory_space<semaphore_mem>>) src(%dma_wait3A_40 : memref<640x16xf32, #tpu.memory_space<vmem_shared>>) dst(%dma_wait3A_38 : memref<640x16xf32, #tpu.memory_space<hbm>>)
      tpu.yield
    }) : () -> ()
    return
  }
}

module attributes {stable_mosaic.version = 14 : i64} {
  func.func @_stage_a_body(%arg0: i32, %arg1: memref<6400x128xf32, #tpu.memory_space<vmem>>, %arg2: memref<128x8xf32, #tpu.memory_space<vmem>>, %arg3: memref<8x128xf32, #tpu.memory_space<vmem>>, %arg4: memref<8x8xf32, #tpu.memory_space<vmem>>, %arg5: memref<6400x128xf32, #tpu.memory_space<vmem>>, %arg6: memref<8x6400xf32, #tpu.memory_space<vmem>>) attributes {dimension_semantics = [#tpu.dimension_semantics<arbitrary>], iteration_bounds = array<i64: 20>, scalar_prefetch = 0 : i64, scratch_operands = 0 : i64, tpu.core_type = #tpu.core_type<tc>, window_params = [{transform_indices = @transform_0, window_bounds = array<i64: 6400, 128>}, {pipeline_mode = #tpu.pipeline_mode<synchronous>, transform_indices = @transform_1, window_bounds = array<i64: 128, 8>}, {pipeline_mode = #tpu.pipeline_mode<synchronous>, transform_indices = @transform_2, window_bounds = array<i64: 8, 128>}, {pipeline_mode = #tpu.pipeline_mode<synchronous>, transform_indices = @transform_3, window_bounds = array<i64: 8, 8>}, {transform_indices = @transform_4, window_bounds = array<i64: 6400, 128>}, {transform_indices = @transform_5, window_bounds = array<i64: 8, 6400>}]} {
    %get3A = arith.constant 0 : index
    %get3A_0 = arith.constant 0 : index
    %get3A_1 = vector.load %arg1[%get3A, %get3A_0] : memref<6400x128xf32, #tpu.memory_space<vmem>>, vector<6400x128xf32>
    %get3A_2 = arith.constant 0 : index
    %get3A_3 = arith.constant 0 : index
    %get3A_4 = vector.load %arg2[%get3A_2, %get3A_3] : memref<128x8xf32, #tpu.memory_space<vmem>>, vector<128x8xf32>
    %dot_general3A = arith.constant dense<0.000000e+00> : vector<6400x8xf32>
    %dot_general3A_5 = tpu.matmul %get3A_1, %get3A_4, %dot_general3A {dimension_numbers = #tpu.dot_dimension_numbers<[1], [0], [0], [1], [0, 0, 1, 1], [], []>, transpose_lhs_hint = false} : vector<6400x128xf32>, vector<128x8xf32>, vector<6400x8xf32> -> vector<6400x8xf32>
    %ge3A = arith.constant 0.000000e+00 : f32
    %ge3A_6 = vector.broadcast %ge3A : f32 to vector<6400x8xf32>
    %ge3A_7 = arith.cmpf oge, %dot_general3A_5, %ge3A_6 : vector<6400x8xf32>
    %mul3A = arith.constant 0.00999999977 : f32
    %mul3A_8 = vector.broadcast %mul3A : f32 to vector<6400x8xf32>
    %mul3A_9 = arith.mulf %dot_general3A_5, %mul3A_8 : vector<6400x8xf32>
    %select_n3A = arith.select %ge3A_7, %dot_general3A_5, %mul3A_9 : vector<6400x8xi1>, vector<6400x8xf32>
    %exp3A = math.exp %select_n3A : vector<6400x8xf32>
    %get3A_10 = arith.constant 0 : index
    %get3A_11 = arith.constant 0 : index
    %get3A_12 = vector.load %arg3[%get3A_10, %get3A_11] : memref<8x128xf32, #tpu.memory_space<vmem>>, vector<8x128xf32>
    %dot_general3A_13 = arith.constant dense<0.000000e+00> : vector<6400x128xf32>
    %dot_general3A_14 = tpu.matmul %exp3A, %get3A_12, %dot_general3A_13 {dimension_numbers = #tpu.dot_dimension_numbers<[1], [0], [0], [1], [0, 0, 1, 1], [], []>, transpose_lhs_hint = false} : vector<6400x8xf32>, vector<8x128xf32>, vector<6400x128xf32> -> vector<6400x128xf32>
    %mul3A_15 = arith.mulf %dot_general3A_14, %get3A_1 : vector<6400x128xf32>
    %swap3A = arith.constant 0 : index
    %swap3A_16 = arith.constant 0 : index
    %swap3A_17 = vector.load %arg5[%swap3A, %swap3A_16] : memref<6400x128xf32, #tpu.memory_space<vmem>>, vector<6400x128xf32>
    tpu.vector_store %arg5[%swap3A, %swap3A_16], %mul3A_15 {strides = array<i32>} : memref<6400x128xf32, #tpu.memory_space<vmem>>, vector<6400x128xf32>,
    %get3A_18 = arith.constant 0 : index
    %get3A_19 = arith.constant 0 : index
    %get3A_20 = vector.load %arg4[%get3A_18, %get3A_19] : memref<8x8xf32, #tpu.memory_space<vmem>>, vector<8x8xf32>
    %dot_general3A_21 = arith.constant dense<0.000000e+00> : vector<8x6400xf32>
    %dot_general3A_22 = tpu.matmul %get3A_20, %exp3A, %dot_general3A_21 {dimension_numbers = #tpu.dot_dimension_numbers<[1], [1], [0], [0], [0, 0, 1, 0], [], []>, transpose_lhs_hint = false} : vector<8x8xf32>, vector<6400x8xf32>, vector<8x6400xf32> -> vector<8x6400xf32>
    %swap3A_23 = arith.constant 0 : index
    %swap3A_24 = arith.constant 0 : index
    %swap3A_25 = vector.load %arg6[%swap3A_23, %swap3A_24] : memref<8x6400xf32, #tpu.memory_space<vmem>>, vector<8x6400xf32>
    tpu.vector_store %arg6[%swap3A_23, %swap3A_24], %dot_general3A_22 {strides = array<i32>} : memref<8x6400xf32, #tpu.memory_space<vmem>>, vector<8x6400xf32>,
    return
  }
  func.func @transform_0(%arg0: i32) -> (i32, i32) {
    %add3A = arith.constant 0 : i32
    %add3A_0 = arith.addi %arg0, %add3A : i32
    %c0_i32 = arith.constant 0 : i32
    %c0_i32_1 = arith.constant 0 : i32
    return %add3A_0, %c0_i32 : i32, i32
  }
  func.func @transform_1(%arg0: i32) -> (i32, i32) {
    %c0_i32 = arith.constant 0 : i32
    %c0_i32_0 = arith.constant 0 : i32
    %c0_i32_1 = arith.constant 0 : i32
    return %c0_i32, %c0_i32_0 : i32, i32
  }
  func.func @transform_2(%arg0: i32) -> (i32, i32) {
    %c0_i32 = arith.constant 0 : i32
    %c0_i32_0 = arith.constant 0 : i32
    %c0_i32_1 = arith.constant 0 : i32
    return %c0_i32, %c0_i32_0 : i32, i32
  }
  func.func @transform_3(%arg0: i32) -> (i32, i32) {
    %c0_i32 = arith.constant 0 : i32
    %c0_i32_0 = arith.constant 0 : i32
    %c0_i32_1 = arith.constant 0 : i32
    return %c0_i32, %c0_i32_0 : i32, i32
  }
  func.func @transform_4(%arg0: i32) -> (i32, i32) {
    %c0_i32 = arith.constant 0 : i32
    %c0_i32_0 = arith.constant 0 : i32
    return %arg0, %c0_i32 : i32, i32
  }
  func.func @transform_5(%arg0: i32) -> (i32, i32) {
    %c0_i32 = arith.constant 0 : i32
    %c0_i32_0 = arith.constant 0 : i32
    return %c0_i32, %arg0 : i32, i32
  }
}

module attributes {stable_mosaic.version = 14 : i64} {
  func.func @_stage_a_body(%arg0: i32, %arg1: memref<6400x128xf32, #tpu.memory_space<vmem>>, %arg2: memref<128x8xf32, #tpu.memory_space<vmem>>, %arg3: memref<8x128xf32, #tpu.memory_space<vmem>>, %arg4: memref<8x8xf32, #tpu.memory_space<vmem>>, %arg5: memref<6400x128xf32, #tpu.memory_space<vmem>>, %arg6: memref<8x6400xf32, #tpu.memory_space<vmem>>) attributes {dimension_semantics = [#tpu.dimension_semantics<arbitrary>], iteration_bounds = array<i64: 30>, scalar_prefetch = 0 : i64, scratch_operands = 0 : i64, tpu.core_type = #tpu.core_type<tc>, window_params = [{transform_indices = @transform_0, window_bounds = array<i64: 6400, 128>}, {pipeline_mode = #tpu.pipeline_mode<synchronous>, transform_indices = @transform_1, window_bounds = array<i64: 128, 8>}, {pipeline_mode = #tpu.pipeline_mode<synchronous>, transform_indices = @transform_2, window_bounds = array<i64: 8, 128>}, {pipeline_mode = #tpu.pipeline_mode<synchronous>, transform_indices = @transform_3, window_bounds = array<i64: 8, 8>}, {transform_indices = @transform_4, window_bounds = array<i64: 6400, 128>}, {transform_indices = @transform_5, window_bounds = array<i64: 8, 6400>}]} {
    %get3A = arith.constant 0 : index
    %get3A_0 = arith.constant 0 : index
    %get3A_1 = vector.load %arg1[%get3A, %get3A_0] : memref<6400x128xf32, #tpu.memory_space<vmem>>, vector<6400x128xf32>
    %get3A_2 = arith.constant 0 : index
    %get3A_3 = arith.constant 0 : index
    %get3A_4 = vector.load %arg2[%get3A_2, %get3A_3] : memref<128x8xf32, #tpu.memory_space<vmem>>, vector<128x8xf32>
    %dot_general3A = arith.constant dense<0.000000e+00> : vector<6400x8xf32>
    %dot_general3A_5 = tpu.matmul %get3A_1, %get3A_4, %dot_general3A {dimension_numbers = #tpu.dot_dimension_numbers<[1], [0], [0], [1], [0, 0, 1, 1], [], []>, transpose_lhs_hint = false} : vector<6400x128xf32>, vector<128x8xf32>, vector<6400x8xf32> -> vector<6400x8xf32>
    %ge3A = arith.constant 0.000000e+00 : f32
    %ge3A_6 = vector.broadcast %ge3A : f32 to vector<6400x8xf32>
    %ge3A_7 = arith.cmpf oge, %dot_general3A_5, %ge3A_6 : vector<6400x8xf32>
    %mul3A = arith.constant 0.00999999977 : f32
    %mul3A_8 = vector.broadcast %mul3A : f32 to vector<6400x8xf32>
    %mul3A_9 = arith.mulf %dot_general3A_5, %mul3A_8 : vector<6400x8xf32>
    %select_n3A = arith.select %ge3A_7, %dot_general3A_5, %mul3A_9 : vector<6400x8xi1>, vector<6400x8xf32>
    %exp3A = math.exp %select_n3A : vector<6400x8xf32>
    %get3A_10 = arith.constant 0 : index
    %get3A_11 = arith.constant 0 : index
    %get3A_12 = vector.load %arg3[%get3A_10, %get3A_11] : memref<8x128xf32, #tpu.memory_space<vmem>>, vector<8x128xf32>
    %dot_general3A_13 = arith.constant dense<0.000000e+00> : vector<6400x128xf32>
    %dot_general3A_14 = tpu.matmul %exp3A, %get3A_12, %dot_general3A_13 {dimension_numbers = #tpu.dot_dimension_numbers<[1], [0], [0], [1], [0, 0, 1, 1], [], []>, transpose_lhs_hint = false} : vector<6400x8xf32>, vector<8x128xf32>, vector<6400x128xf32> -> vector<6400x128xf32>
    %mul3A_15 = arith.mulf %dot_general3A_14, %get3A_1 : vector<6400x128xf32>
    %swap3A = arith.constant 0 : index
    %swap3A_16 = arith.constant 0 : index
    %swap3A_17 = vector.load %arg5[%swap3A, %swap3A_16] : memref<6400x128xf32, #tpu.memory_space<vmem>>, vector<6400x128xf32>
    tpu.vector_store %arg5[%swap3A, %swap3A_16], %mul3A_15 {strides = array<i32>} : memref<6400x128xf32, #tpu.memory_space<vmem>>, vector<6400x128xf32>,
    %get3A_18 = arith.constant 0 : index
    %get3A_19 = arith.constant 0 : index
    %get3A_20 = vector.load %arg4[%get3A_18, %get3A_19] : memref<8x8xf32, #tpu.memory_space<vmem>>, vector<8x8xf32>
    %dot_general3A_21 = arith.constant dense<0.000000e+00> : vector<8x6400xf32>
    %dot_general3A_22 = tpu.matmul %get3A_20, %exp3A, %dot_general3A_21 {dimension_numbers = #tpu.dot_dimension_numbers<[1], [1], [0], [0], [0, 0, 1, 0], [], []>, transpose_lhs_hint = false} : vector<8x8xf32>, vector<6400x8xf32>, vector<8x6400xf32> -> vector<8x6400xf32>
    %swap3A_23 = arith.constant 0 : index
    %swap3A_24 = arith.constant 0 : index
    %swap3A_25 = vector.load %arg6[%swap3A_23, %swap3A_24] : memref<8x6400xf32, #tpu.memory_space<vmem>>, vector<8x6400xf32>
    tpu.vector_store %arg6[%swap3A_23, %swap3A_24], %dot_general3A_22 {strides = array<i32>} : memref<8x6400xf32, #tpu.memory_space<vmem>>, vector<8x6400xf32>,
    return
  }
  func.func @transform_0(%arg0: i32) -> (i32, i32) {
    %add3A = arith.constant 20 : i32
    %add3A_0 = arith.addi %arg0, %add3A : i32
    %c0_i32 = arith.constant 0 : i32
    %c0_i32_1 = arith.constant 0 : i32
    return %add3A_0, %c0_i32 : i32, i32
  }
  func.func @transform_1(%arg0: i32) -> (i32, i32) {
    %c0_i32 = arith.constant 0 : i32
    %c0_i32_0 = arith.constant 0 : i32
    %c0_i32_1 = arith.constant 0 : i32
    return %c0_i32, %c0_i32_0 : i32, i32
  }
  func.func @transform_2(%arg0: i32) -> (i32, i32) {
    %c0_i32 = arith.constant 0 : i32
    %c0_i32_0 = arith.constant 0 : i32
    %c0_i32_1 = arith.constant 0 : i32
    return %c0_i32, %c0_i32_0 : i32, i32
  }
  func.func @transform_3(%arg0: i32) -> (i32, i32) {
    %c0_i32 = arith.constant 0 : i32
    %c0_i32_0 = arith.constant 0 : i32
    %c0_i32_1 = arith.constant 0 : i32
    return %c0_i32, %c0_i32_0 : i32, i32
  }
  func.func @transform_4(%arg0: i32) -> (i32, i32) {
    %c0_i32 = arith.constant 0 : i32
    %c0_i32_0 = arith.constant 0 : i32
    return %arg0, %c0_i32 : i32, i32
  }
  func.func @transform_5(%arg0: i32) -> (i32, i32) {
    %c0_i32 = arith.constant 0 : i32
    %c0_i32_0 = arith.constant 0 : i32
    return %c0_i32, %arg0 : i32, i32
  }
}

module attributes {stable_mosaic.version = 14 : i64} {
  func.func @_stage_c_body(%arg0: i32, %arg1: memref<2x400x128xf32, #tpu.memory_space<vmem>>, %arg2: memref<2x400x16xf32, #tpu.memory_space<vmem>>, %arg3: memref<8x128xf32, #tpu.memory_space<vmem>>, %arg4: memref<400x128xf32, #tpu.memory_space<vmem>>) attributes {dimension_semantics = [#tpu.dimension_semantics<arbitrary>], iteration_bounds = array<i64: 25>, scalar_prefetch = 0 : i64, scratch_operands = 0 : i64, tpu.core_type = #tpu.core_type<tc>, window_params = [{transform_indices = @transform_0, window_bounds = array<i64: 2, 400, 128>}, {transform_indices = @transform_1, window_bounds = array<i64: 2, 400, 16>}, {pipeline_mode = #tpu.pipeline_mode<synchronous>, transform_indices = @transform_2, window_bounds = array<i64: 8, 128>}, {transform_indices = @transform_3, window_bounds = array<i64: 400, 128>}]} {
    %get3A = arith.constant 0 : index
    %get3A_0 = arith.constant 0 : index
    %get3A_1 = arith.constant 0 : index
    %get3A_2 = vector.load %arg1[%get3A, %get3A_0, %get3A_1] : memref<2x400x128xf32, #tpu.memory_space<vmem>>, vector<1x400x128xf32>
    %get3A_3 = vector.shape_cast %get3A_2 : vector<1x400x128xf32> to vector<400x128xf32>
    %get3A_4 = arith.constant 1 : index
    %get3A_5 = arith.constant 0 : index
    %get3A_6 = arith.constant 0 : index
    %get3A_7 = vector.load %arg1[%get3A_4, %get3A_5, %get3A_6] : memref<2x400x128xf32, #tpu.memory_space<vmem>>, vector<1x400x128xf32>
    %get3A_8 = vector.shape_cast %get3A_7 : vector<1x400x128xf32> to vector<400x128xf32>
    %add3A = arith.addf %get3A_3, %get3A_8 : vector<400x128xf32>
    %get3A_9 = arith.constant 0 : index
    %get3A_10 = arith.constant 0 : index
    %get3A_11 = arith.constant 0 : index
    %get3A_12 = vector.load %arg2[%get3A_9, %get3A_10, %get3A_11] : memref<2x400x16xf32, #tpu.memory_space<vmem>>, vector<1x400x8xf32>
    %get3A_13 = vector.shape_cast %get3A_12 : vector<1x400x8xf32> to vector<400x8xf32>
    %get3A_14 = arith.constant 1 : index
    %get3A_15 = arith.constant 0 : index
    %get3A_16 = arith.constant 0 : index
    %get3A_17 = vector.load %arg2[%get3A_14, %get3A_15, %get3A_16] : memref<2x400x16xf32, #tpu.memory_space<vmem>>, vector<1x400x8xf32>
    %get3A_18 = vector.shape_cast %get3A_17 : vector<1x400x8xf32> to vector<400x8xf32>
    %add3A_19 = arith.addf %get3A_13, %get3A_18 : vector<400x8xf32>
    %max3A = arith.constant 9.99999971E-10 : f32
    %max3A_20 = vector.broadcast %max3A : f32 to vector<400x8xf32>
    %max3A_21 = arith.maximumf %add3A_19, %max3A_20 : vector<400x8xf32>
    %div3A = arith.constant 1.000000e+00 : f32
    %div3A_22 = vector.broadcast %div3A : f32 to vector<400x8xf32>
    %div3A_23 = arith.divf %div3A_22, %max3A_21 : vector<400x8xf32>
    %get3A_24 = arith.constant 0 : index
    %get3A_25 = arith.constant 0 : index
    %get3A_26 = vector.load %arg3[%get3A_24, %get3A_25] : memref<8x128xf32, #tpu.memory_space<vmem>>, vector<8x128xf32>
    %dot_general3A = arith.constant dense<0.000000e+00> : vector<400x128xf32>
    %dot_general3A_27 = tpu.matmul %div3A_23, %get3A_26, %dot_general3A {dimension_numbers = #tpu.dot_dimension_numbers<[1], [0], [0], [1], [0, 0, 1, 1], [], []>, transpose_lhs_hint = false} : vector<400x8xf32>, vector<8x128xf32>, vector<400x128xf32> -> vector<400x128xf32>
    %mul3A = arith.mulf %add3A, %dot_general3A_27 : vector<400x128xf32>
    %gt3A = arith.constant 0.000000e+00 : f32
    %gt3A_28 = vector.broadcast %gt3A : f32 to vector<400x128xf32>
    %gt3A_29 = arith.cmpf ogt, %mul3A, %gt3A_28 : vector<400x128xf32>
    %exp3A = math.exp %mul3A : vector<400x128xf32>
    %sub3A = arith.constant 1.000000e+00 : f32
    %sub3A_30 = vector.broadcast %sub3A : f32 to vector<400x128xf32>
    %sub3A_31 = arith.subf %exp3A, %sub3A_30 : vector<400x128xf32>
    %select_n3A = arith.select %gt3A_29, %mul3A, %sub3A_31 : vector<400x128xi1>, vector<400x128xf32>
    %swap3A = arith.constant 0 : index
    %swap3A_32 = arith.constant 0 : index
    %swap3A_33 = vector.load %arg4[%swap3A, %swap3A_32] : memref<400x128xf32, #tpu.memory_space<vmem>>, vector<400x128xf32>
    tpu.vector_store %arg4[%swap3A, %swap3A_32], %select_n3A {strides = array<i32>} : memref<400x128xf32, #tpu.memory_space<vmem>>, vector<400x128xf32>,
    return
  }
  func.func @transform_0(%arg0: i32) -> (i32, i32, i32) {
    %c0_i32 = arith.constant 0 : i32
    %c0_i32_0 = arith.constant 0 : i32
    %c0_i32_1 = arith.constant 0 : i32
    return %c0_i32, %arg0, %c0_i32_0 : i32, i32, i32
  }
  func.func @transform_1(%arg0: i32) -> (i32, i32, i32) {
    %c0_i32 = arith.constant 0 : i32
    %c0_i32_0 = arith.constant 0 : i32
    %c0_i32_1 = arith.constant 0 : i32
    return %c0_i32, %arg0, %c0_i32_0 : i32, i32, i32
  }
  func.func @transform_2(%arg0: i32) -> (i32, i32) {
    %c0_i32 = arith.constant 0 : i32
    %c0_i32_0 = arith.constant 0 : i32
    %c0_i32_1 = arith.constant 0 : i32
    return %c0_i32, %c0_i32_0 : i32, i32
  }
  func.func @transform_3(%arg0: i32) -> (i32, i32) {
    %c0_i32 = arith.constant 0 : i32
    %c0_i32_0 = arith.constant 0 : i32
    return %arg0, %c0_i32 : i32, i32
  }
}

</mosaic_0001>

<sc_bundles>
// kernel: kernel.10.cloned.1.call-start
scs
__scs_entry_jumppad:
0x0: {  	(pc) =	sbr.rel $0x88, $3  }
0x1: {  	(tag) =	ssettag $0x0;
	lr =	simm.s32 $0x1  }
0x2: {  	[smem:$0x3F9E] =	sst lr;
	_ =	strace $0xD0000000  }
0x3: {  	_ = 	snop  }
0x4: {  	_ = 	snop  }
0x5: {  	_ = 	snop  }
0x6: {  	_ = 	snop  }
0x7: {  	_ = 	snop  }
__scs_overlays_trampoline_lowered:
0x8: {  	[smem:$0x3FAD] =	sst s0  }
0x9: {  	[smem:$0x3FAE] =	sst s1  }
0xa: {  	[smem:$0x3FAF] =	sst s2  }
0xb: {  	[smem:$0x3FB0] =	sst s3  }
0xc: {  	[smem:$0x3FB1] =	sst s4  }
0xd: {  	[smem:$0x3FB2] =	sst s5  }
0xe: {  	[smem:$0x3FB3] =	sst s6  }
0xf: {  	[smem:$0x3FB4] =	sst s7  }
0x10: {  	[smem:$0x3FB5] =	sst s8  }
0x11: {  	[smem:$0x3FB6] =	sst s9;
	s0 =	simm.s32 @!p0 $0x0  }
0x12: {  	s1 =	sld [smem:$0x3F9C];
	s0 =	simm.s32 @p0 $0x1  }
0x13: {  	[smem:$0x3FB7] =	sst s0;
	s0 =	simm.s32 @!p1 $0x0  }
0x14: {  	s2 =	sld [smem:$0x3F9B];
	s0 =	simm.s32 @p1 $0x1  }
0x15: {  	[smem:$0x3FB8] =	sst s0;
	s0 =	simm.s32 @!p2 $0x0  }
0x16: {  	s3 =	sld [smem:$0x3FDB];
	s0 =	simm.s32 @p2 $0x1  }
0x17: {  	s4 =	simm.s32 $0x1BF5;
	[smem:$0x3FBA] =	sst s0  }
0x18: {  	s0 =	sld [smem:$0x3F9D];
	_ =	swait.ge [sflag:s4], $0x0  }
0x19: {  	s7 =	sld [smem:$0x3F9E]  }
0x1a: {  	s8 =	sadd.s32 $0xFFFFE003, lr  }
0x1b: {  	s9 =	sadd.s32 $0xFFFFFEF7, lr;
	s5 =	simm.s32 $0xFFFFFFFF;
	p2 =	slt.u32 s8, $0xFFFFF086  }
0x1c: {  	p1 =	slt.u32 s9, $0xF7A;
	s5 =	simm.s32 @!p2 $0x0  }
0x1d: {  	s5 =	simm.s32 @p1 $0x1;
	p0 =	seq.s32 s7, s2  }
0x1e: {  	s7 =	smul.u32 @!p0 $0xF7A, s2;
	p2 =	seq.s32 @!p0 s5, $0x0  }
0x1f: {  	s9 =	smul.u32 $0xF7A, s1;
	s8 =	simm.s32 @!p0 $0x1BF5;
	p2 =	por !p2, p0  }
0x20: {  	[sflag:s8] =	ssyncset.s32 @!p0 $0xFFFFF086;
	s6 =	sadd.s32 @!p0 s3, s7;
	s7 =	simm.s32 @!p0 $0x108  }
0x21: {  	s3 =	sadd.s32 s3, s9;
	s6 =	sadd.s32 @!p0 $0x88, s6;
	s7 =	simm.s32 @p2 $0x1082  }
0x22: {  	[simem:s7], [sflag:s8] =	dma.local @!p0 [hbm:s6], $0xF7A  }
0x23: {  	s9 =	sor.u32 $0xD0000000, s2;
	s6 =	simm.s32 $0x108;
	_ =	swait.ge @!p0 [sflag:s8], $0x0  }
0x24: {  	s3 =	sadd.s32 $0x88, s3;
	s6 =	simm.s32 @!p1 $0x1082;
	[sflag:s4] =	ssyncset.s32 $0xFFFFF086  }
0x25: {  	[simem:s6], [sflag:s4] =	dma.local [hbm:s3], $0xF7A  }
0x26: {  	[smem:$0x3F9E] =	sst s1;
	(tag) =	ssettag s2;
	_ =	strace s9  }
0x27: {  	s1 =	sld [smem:$0x3FAE]  }
0x28: {  	s2 =	sld [smem:$0x3FAF]  }
0x29: {  	s4 =	sld [smem:$0x3FB1]  }
0x2a: {  	p0 =	seq.s32 s5, $0x0;
	s5 =	sld [smem:$0x3FB2]  }
0x2b: {  	s6 =	sld [smem:$0x3FB3]  }
0x2c: {  	s7 =	sld [smem:$0x3FB4]  }
0x2d: {  	s3 =	simm.s32 $0x108;
	s8 =	sld [smem:$0x3FB5]  }
0x2e: {  	s3 =	simm.s32 @!p0 $0x1082;
	s9 =	sld [smem:$0x3FB6]  }
0x2f: {  	lr =	sadd.s32 s0, s3;
	s0 =	sld [smem:$0x3FAD]  }
0x30: {  	s3 =	sld [smem:$0x3FB0]  }
0x31: {  	[smem:$0x3FB9] =	sst s10  }
0x32: {  	s10 =	sld [smem:$0x3FB7];
	_ =	sdelay $0x3  }
0x33: {  	p0 =	seq.s32 s10, $0x1;
	s10 =	sld [smem:$0x3FB9];
	_ =	sdelay $0x3  }
0x34: {  	[smem:$0x3FB9] =	sst s10  }
0x35: {  	s10 =	sld [smem:$0x3FB8];
	_ =	sdelay $0x3  }
0x36: {  	p1 =	seq.s32 s10, $0x1;
	s10 =	sld [smem:$0x3FB9];
	_ =	sdelay $0x3  }
0x37: {  	[smem:$0x3FB9] =	sst s10  }
0x38: {  	s10 =	sld [smem:$0x3FBA]  }
0x39: {  	_ = 	snop;
	(pc) =	sbr.ind lr, $3  }
0x3a: {  	_ = 	snop  }
0x3b: {  	_ = 	snop  }
0x3c: {  	p2 =	seq.s32 s10, $0x1;
	s10 =	sld [smem:$0x3FB9]  }
0x3d: {  	_ =	shalt  }
0x3e: {  	_ =	shalt  }
0x3f: {  	_ =	shalt  }
0x40: {  	_ =	shalt  }
0x41: {  	_ =	shalt  }
0x42: {  	_ =	shalt  }
0x43: {  	_ =	shalt  }
0x44: {  	_ =	shalt  }
0x45: {  	_ =	shalt  }
0x46: {  	_ =	shalt  }
0x47: {  	_ =	shalt  }
0x48: {  	_ =	shalt  }
0x49: {  	_ =	shalt  }
0x4a: {  	_ =	shalt  }
0x4b: {  	_ =	shalt  }
0x4c: {  	_ =	shalt  }
0x4d: {  	_ =	shalt  }
0x4e: {  	_ =	shalt  }
0x4f: {  	_ =	shalt  }
0x50: {  	_ =	shalt  }
0x51: {  	_ =	shalt  }
0x52: {  	_ =	shalt  }
0x53: {  	_ =	shalt  }
0x54: {  	_ =	shalt  }
0x55: {  	_ =	shalt  }
0x56: {  	_ =	shalt  }
0x57: {  	_ =	shalt  }
0x58: {  	_ =	shalt  }
0x59: {  	_ =	shalt  }
0x5a: {  	_ =	shalt  }
0x5b: {  	_ =	shalt  }
0x5c: {  	_ =	shalt  }
0x5d: {  	_ =	shalt  }
0x5e: {  	_ =	shalt  }
0x5f: {  	_ =	shalt  }
0x60: {  	_ =	shalt  }
0x61: {  	_ =	shalt  }
0x62: {  	_ =	shalt  }
0x63: {  	_ =	shalt  }
0x64: {  	_ =	shalt  }
0x65: {  	_ =	shalt  }
0x66: {  	_ =	shalt  }
0x67: {  	_ =	shalt  }
0x68: {  	_ =	shalt  }
0x69: {  	_ =	shalt  }
0x6a: {  	_ =	shalt  }
0x6b: {  	_ =	shalt  }
0x6c: {  	_ =	shalt  }
0x6d: {  	_ =	shalt  }
0x6e: {  	_ =	shalt  }
0x6f: {  	_ =	shalt  }
0x70: {  	_ =	shalt  }
0x71: {  	_ =	shalt  }
0x72: {  	_ =	shalt  }
0x73: {  	_ =	shalt  }
0x74: {  	_ =	shalt  }
0x75: {  	_ =	shalt  }
0x76: {  	_ =	shalt  }
0x77: {  	_ =	shalt  }
0x78: {  	_ =	shalt  }
0x79: {  	_ =	shalt  }
0x7a: {  	_ =	shalt  }
0x7b: {  	_ =	shalt  }
0x7c: {  	_ =	shalt  }
0x7d: {  	_ =	shalt  }
0x7e: {  	_ =	shalt  }
0x7f: {  	_ =	shalt  }
0x80: {  	_ =	shalt  }
0x81: {  	_ =	shalt  }
0x82: {  	_ =	shalt  }
0x83: {  	_ =	shalt  }
0x84: {  	_ =	shalt  }
0x85: {  	_ =	shalt  }
0x86: {  	_ =	shalt  }
0x87: {  	_ =	shalt  }
.Lfunc_end0:
.L_simem_size_0:
called_computation.1_lowered:
.L_overlay_start_0:
0x88: {  	s2 =	sld [smem:$0x3FD9]  }
0x89: {  	s3 =	sld [smem:$0x3FFE];
	_ =	sdelay $0x1  }
0x8a: {  	s1 =	srdreg.scid  }
0x8b: {  	s0 =	sand.u32 $0x1, s1  }
0x8c: {  	s17 =	sshll.u32 s0, $0xA;
	s2 =	sadd.s32 s3, s2  }
0x8d: {  	s2 =	sadd.s32 s2, s17  }
0x8e: {  	[smem:$0x3FC5] =	sst s2  }
0x8f: {  	_ = 	snop  }
0x90: {  	s2 =	sld [smem:$0x3FD0];
	(tm) =	ssettm $0x1  }
0x91: {  	s18 =	sld [smem:$0x3FFB];
	_ =	sdelay $0x3  }
0x92: {  	_ =	strace s18  }
0x93: {  	s3 =	sld [smem:$0x3FFC];
	_ =	sdelay $0x3  }
0x94: {  	_ =	strace s3  }
0x95: {  	s3 =	sld [smem:$0x3FFD];
	_ =	sdelay $0x3  }
0x96: {  	_ =	strace s3  }
0x97: {  	_ =	strace $0x8FFFFFFF  }
0x98: {  	s19 =	sld [smem:$0x3FDB];
	_ =	sdelay $0x1  }
0x99: {  	s4 =	simm.s32 $_scs_section_size  }
0x9a: {  	s5 =	simm.s32 $_size__tile_overlayer_lowered;
	s6 =	simm.s32 $_tile_overlayer_lowered  }
0x9b: {  	s22 =	simm.s32 $0x1BFF;
	s21 =	sshll.u32 s6, $0x1;
	s3 =	sadd.s32 s4, s19  }
0x9c: {  	s7 =	simm.s32 $0x0;
	s20 =	sshll.u32 s5, $0x1;
	s5 =	sadd.s32 s21, s3  }
0x9d: {  	[timem:s7], [sflag:s22] =	dma.local [hbm:s5], s20  }
0x9e: {  	_ =	swait.ge [sflag:s22], s20  }
0x9f: {  	s4 =	ssub.s32 $0x0, s20;
	[sflag:s22] =	ssyncset.done $0x0  }
0xa0: {  	[sflag:s22] =	ssyncadd.s32 s4;
	_ =	sdelay $0x1  }
0xa1: {  	s23 =	simm.s32 $0x1B8B  }
0xa2: {  	_ =	swait.ge [sflag:s23], $0x1  }
0xa3: {  	[sflag:s23] =	ssyncset.done $0x0  }
0xa4: {  	s25 =	simm.s32 $0x1B8E;
	s24 =	sld [smem:$0x3FFE];
	[sflag:s23] =	ssyncadd.s32 $0xFFFFFFFF  }
0xa5: {  	s26 =	simm.s32 $execute0_lowered;
	[smem:$0x3FD2] =	sst s25  }
0xa6: {  	s5 =	sshll.u32 s26, $0x1;
	_ =	strace $0x80000049;
	[dreg:$0x1] =	wrdreg $0xFFFFFFFF  }
0xa7: {  	s28 =	simm.s32 $_size_execute0_lowered;
	s3 =	sadd.s32 s3, s5;
	[dreg:$0x0] =	wrdreg $0x0  }
0xa8: {  	s5 =	sshll.u32 s28, $0x1;
	[dreg:$0x2] =	wrdreg s3  }
0xa9: {  	[dreg:$0x3] =	wrdreg s5  }
0xaa: {  	[dreg:$0x4] =	wrdreg $0xC0  }
0xab: {  	_ =	task [dreg:s7], $0x5FFFF  }
0xac: {  	[dreg:$0x1] =	wrdreg $0xFFFFFFFF  }
0xad: {  	[dreg:$0x0] =	wrdreg $0x60  }
0xae: {  	[dreg:$0x2] =	wrdreg s24  }
0xaf: {  	[dreg:$0x3] =	wrdreg s2  }
0xb0: {  	[dreg:$0x4] =	wrdreg $0x5FA00  }
0xb1: {  	[dreg:$0x5] =	wrdreg $0x19FA00  }
0xb2: {  	[dreg:$0x6] =	wrdreg $0x9  }
0xb3: {  	_ =	task.clear_ibuf [dreg:s7], $0x7FFFF;
	_ =	strace $0x90000049  }
0xb4: {  	s29 =	simm.s32 $0x9;
	_ =	strace $0x8000004B  }
0xb5: {  	_ =	swait.ge [sflag:s29], $0x1  }
0xb6: {  	[sflag:s29] =	ssyncadd.s32 $0xFFFFFFFF  }
0xb7: {  	_ =	strace $0x9000004B  }
0xb8: {  	_ =	sfence  }
0xb9: {  	s30 =	sld [smem:$0x0];
	_ =	sdelay $0x2  }
0xba: {  	s31 =	sshll.u32 s1, $0xD;
	s1 =	sshrl.u32 s1, $0x2  }
0xbb: {  	s3 =	sand.u32 $0x4000, s31;
	s1 =	sadd.s32 s1, s30  }
0xbc: {  	s0 =	sor.u32 s3, s0;
	s1 =	sshll.u32 s1, $0x11  }
0xbd: {  	s0 =	sor.u32 s1, s0  }
0xbe: {  	s0 =	sadd.s32 $0x8F2B, s0  }
0xbf: {  	[sflag:s0] =	ssyncadd.remote.s32 $0x1  }
0xc0: {  	_ =	sfence.sel $0xFFFF  }
0xc1: {  	[dreg:$0x0] =	wrdreg $0xFFFFFFFF;
	(pc) =	sbr.abs _section_cstart, $3  }
0xc2: {  	[dreg:$0x1] =	wrdreg $0xFFFFFFFF  }
0xc3: {  	_ =	task.clear_ibuf [dreg:s7], $0x2FFFF;
	_ =	strace $0x9FFFFFFF  }
0xc4: {  	(tm) =	ssettm $0x7FFFFFFF  }
0xc5: {  	_ =	shalt  }
tec
execute0_lowered:
.L_overlay_start_1:
0x0: {  	(tag) =	ssettag $0x1  }
0x1: {  	s6 =	rddreg [dreg:$0x0]  }
0x2: {  	s7 =	rddreg [dreg:$0x1]  }
0x3: {  	s1 =	rddreg [dreg:$0x2]  }
0x4: {  	s3 =	rddreg [dreg:$0x3];
	s4 =	simm.s32 $0x0;
	s0 =	srdreg.scid  }
0x5: {  	s16 =	stileid.u32;
	s28 =	simm.s32 $0x3;
	s29 =	simm.s32 $0x1  }
0x6: {  	s30 =	simm.s32 $0x55A0;
	s31 =	simm.s32 $0x4;
	s9 =	smul.u32 $0x280, s16  }
0x7: {  	[smem:$0x7FF] =	sst s4;
	s8 =	sand.u32 $0x1, s0;
	s15 =	smul.u32 $0x50000, s16  }
0x8: {  	s0 =	sadd.s32 $0x259000, s6;
	s5 =	sadd.s32 $0x547000, s6;
	s25 =	smul.u32 $0xA000, s16  }
0x9: {  	s2 =	sadd.s32 $0x1200, s6;
	s10 =	smul.u32 $0x2800, s8;
	s11 =	sshll.u32 s8, $0x4  }
0xa: {  	s22 =	ssub.s32 $0x2, s8;
	s8 =	smul.u32 $0x17700, s8;
	s21 =	sor.u32 s16, s11  }
0xb: {  	_ =	strace $0x8000004A;
	s9 =	sadd.s32 s9, s10;
	s10 =	smul.u32 $0x17700, s21  }
0xc: {  	s11 =	smul.u32 $0x1770, s21;
	s12 =	sshll.u32 s9, $0x1;
	s9 =	sshll.u32 s9, $0x4  }
0xd: {  	s13 =	sadd.s32 s12, s6;
	s6 =	sadd.s32 s9, s6;
	s10 =	sadd.s32 s0, s10  }
0xe: {  	s11 =	sshrl.u32 s11, $0x3;
	s19 =	sadd.s32 s7, s12;
	[dreg:$0x5] =	wrdreg s10  }
0xf: {  	s23 =	sadd.s32 s2, s11;
	s11 =	sadd.s32 s5, s11;
	[dreg:$0xe] =	wrdreg s19  }
0x10: {  	s14 =	sshrl.u32 s22, $0x1;
	s17 =	sadd.s32 $0x1FF000, s6;
	[dreg:$0x7] =	wrdreg s11  }
0x11: {  	v0 =	vlaneseq.u32;
	s26 =	sshrl.u32 s15, $0x2;
	s18 =	sadd.s32 $0x24F000, s13;
	[dreg:$0x9] =	wrdreg s17  }
0x12: {  	v0 =	vmul.u32 $0x10, v0;
	s9 =	ssub.s32 s22, s14;
	s6 =	sadd.s32 $0xB000, s6;
	[dreg:$0xc] =	wrdreg s18  }
0x13: {  	v1 =	vimm.f32 $0.0e+00;
	s14 =	sshll.u32 s16, $0x6;
	s21 =	smax.u32 s9, $0x1;
	[dreg:$0xd] =	wrdreg s6  }
0x14: {  	v2 =	vor.u32 $0x100, v0;
	v3 =	vor.u32 $0x200, v0;
	v4 =	vor.u32 $0x300, v0;
	s16 =	smul.u32 $0x1770, s16;
	s24 =	sadd.s32 $0x3E80, s23;
	[dreg:$0xf] =	wrdreg s21  }
0x15: {  	v5 =	vor.u32 $0x400, v0;
	v6 =	vor.u32 $0x1, v0;
	v7 =	vor.u32 $0x101, v0;
	s10 =	sshrl.u32 s25, $0x2;
	s11 =	sadd.s32 s26, s1;
	[dreg:$0x6] =	wrdreg s24  }
0x16: {  	v8 =	vor.u32 $0x201, v0;
	v9 =	vor.u32 $0x301, v0;
	v10 =	vor.u32 $0x401, v0;
	s10 =	sadd.s32 s10, s3;
	s8 =	sadd.s32 s16, s8;
	[dreg:$0x8] =	wrdreg s11  }
0x17: {  	v11 =	vor.u32 $0x2, v0;
	v12 =	vor.u32 $0x102, v0;
	v13 =	vor.u32 $0x202, v0;
	s11 =	sor.u32 $0x1C03, s14;
	[dreg:$0xb] =	wrdreg s10;
	s20 =	sadd.s32 $0x50, s8  }
0x18: {  	v14 =	vor.u32 $0x302, v0;
	v15 =	vor.u32 $0x402, v0;
	v16 =	vor.u32 $0x3, v0;
	s23 =	sadd.s32 $0x1F450, s8;
	s24 =	sadd.s32 $0xA0, s8;
	s25 =	sadd.s32 $0x1F4A0, s8  }
0x19: {  	v17 =	vor.u32 $0x103, v0;
	v18 =	vor.u32 $0x203, v0;
	v19 =	vor.u32 $0x303, v0;
	s8 =	simm.s32 $0x0;
	s22 =	sshrl.u32 s20, $0x3;
	s6 =	sshll.u32 s20, $0x4  }
0x1a: {  	v20 =	vor.u32 $0x403, v0;
	v21 =	vor.u32 $0x4, v0;
	v22 =	vor.u32 $0x104, v0;
	[dreg:$0x11] =	wrdreg s24;
	s26 =	sshll.u32 s24, $0x4;
	s7 =	sshrl.u32 s25, $0x3  }
0x1b: {  	v23 =	vor.u32 $0x204, v0;
	v24 =	vor.u32 $0x304, v0;
	v25 =	vor.u32 $0x404, v0;
	s24 =	simm.s32 $0x50;
	s25 =	simm.s32 $0x2EE00;
	[dreg:$0xa] =	wrdreg s11  }
.Ltmp0:
0x1c: {  	v26 =	vor.u32 $0x5, v0;
	v27 =	vor.u32 $0x105, v0;
	v28 =	vor.u32 $0x205, v0;
	s17 =	sadd.s32 s22, s5;
	s6 =	sadd.s32 s6, s0;
	(pc) =	sbr.rel .LBB2_1-.Ltmp0, $4  }
0x1d: {  	v29 =	vor.u32 $0x305, v0;
	v30 =	vor.u32 $0x405, v0;
	v31 =	vor.u32 $0x6, v0;
	s0 =	sadd.s32 s26, s0;
	s22 =	sadd.s32 s7, s2;
	s26 =	simm.s32 $0x50A0  }
0x1e: {  	v32 =	vor.u32 $0x106, v0;
	v33 =	vor.u32 $0x206, v0;
	v34 =	vor.u32 $0x306, v0;
	s7 =	simm.s32 $0x2800;
	[dreg:$0x10] =	wrdreg s6;
	s6 =	sshrl.u32 s23, $0x3  }
0x1f: {  	v35 =	vor.u32 $0x406, v0;
	v36 =	vor.u32 $0x7, v0;
	v37 =	vor.u32 $0x107, v0;
	[dreg:$0x12] =	wrdreg s0;
	s23 =	simm.s32 $0x5000;
	s0 =	simm.s32 $0x2  }
0x20: {  	v38 =	vor.u32 $0x207, v0;
	v39 =	vor.u32 $0x307, v0;
	v40 =	vor.u32 $0x407, v0;
	s20 =	sadd.s32 s6, s2;
	s2 =	simm.s32 $0x5AA0;
	s6 =	simm.s32 $0x5050  }
.LBB2_7:
0x21: {  	[bflag:$0x0] =	sbarrier.arrive $0xFFFF  }
0x22: {  	s11 =	rddreg [dreg:$0xa]  }
0x23: {  	s12 =	rddreg [dreg:$0xd]  }
0x24: {  	[hbm:s12], [sflag:s11] =	dma.local [spmem:s9], $0x2800  }
0x25: {  	_ =	swait.ge [sflag:s28], $0x2800  }
0x26: {  	[sflag:s28] =	ssyncset.done $0x0  }
0x27: {  	s19 =	rddreg [dreg:$0xe];
	[sflag:s28] =	ssyncadd.s32 $0xFFFFD800  }
0x28: {  	[hbm:s19], [sflag:s11] =	dma.local [spmem:s10], $0x500  }
0x29: {  	_ =	swait.ge [sflag:s28], $0x500  }
0x2a: {  	s8 =	sadd.s32 $0x1, s8;
	s21 =	rddreg [dreg:$0xf]  }
0x2b: {  	p0 =	sne.s32 s8, s21  }
.Ltmp1:
0x2c: {  	_ = 	snop;
	(pc) =	sbr.rel @!p0 .LBB2_8-.Ltmp1, $3  }
0x2d: {  	_ =	sdelay $0x1  }
0x2e: {  	[sflag:s28] =	ssyncset.done $0x0  }
0x2f: {  	[sflag:s28] =	ssyncadd.s32 $0xFFFFFB00  }
.LBB2_1:
0x30: {  	s9 =	rddreg [dreg:$0x5]  }
0x31: {  	[tilespmem:s4], [sflag:$0x1] =	stream.linear.gather [hbm4b:s9+s4], $0x2800, $0x38;
	[tilespmem:$0x1C7A0] =	vst v63  }
0x32: {  	s19 =	rddreg [dreg:$0x6]  }
0x33: {  	[tilespmem:s23], [sflag:$0x1] =	stream.linear.gather [hbm4b:s19+s4], $0x50, $0x38;
	[tilespmem:$0x1C7A0] =	vst v63  }
0x34: {  	s21 =	rddreg [dreg:$0x7];
	s10 =	simm.s32 $0x0;
	s9 =	simm.s32 $0x40  }
0x35: {  	[tilespmem:s26], [sflag:$0x1] =	stream.strided.gather [hbm4b:s21+s24], $0x280, s25, s24, $0x38;
	[tilespmem:$0x1C7A0] =	vst v63  }
.LBB2_2:
0x36: {  	p0 =	sne.s32 s9, $0x13C0;
	[tilespmem:s10+$0x55A0] =	vst v1;
	s12 =	smov.u32 s9;
	s9 =	sadd.s32 $0x40, s9  }
.Ltmp2:
0x37: {  	[tilespmem:s10+$0x5AA0] =	vst v1;
	(pc) =	sbr.rel @p0 .LBB2_2-.Ltmp2, $2  }
0x38: {  	_ =	sdelay $0x2  }
0x39: {  	s10 =	sshra.s32 s12, $0x2  }
0x3a: {  	[tilespmem:s10+$0x55A0] =	vst v1;
	s9 =	rddreg [dreg:$0x8]  }
0x3b: {  	[tilespmem:s10+$0x5AA0] =	vst v1;
	s19 =	rddreg [dreg:$0x9];
	s9 =	sshrl.u32 s9, $0x3  }
0x3c: {  	[spmem:s9], [sflag:s11] =	dma.local [hbm:s19], $0x2800  }
0x3d: {  	_ =	swait.ge [sflag:s28], $0x2800  }
0x3e: {  	[sflag:s28] =	ssyncset.done $0x0;
	s21 =	rddreg [dreg:$0xb]  }
0x3f: {  	s12 =	rddreg [dreg:$0xc];
	[sflag:s28] =	ssyncadd.s32 $0xFFFFD800;
	s10 =	sshrl.u32 s21, $0x3  }
0x40: {  	[spmem:s10], [sflag:s11] =	dma.local [hbm:s12], $0x500  }
0x41: {  	_ =	swait.ge [sflag:s28], $0x500  }
0x42: {  	[sflag:s28] =	ssyncset.done $0x0  }
.Ltmp3:
0x43: {  	[sflag:s28] =	ssyncadd.s32 $0xFFFFFB00;
	(pc) =	sbr.rel .LBB2_4-.Ltmp3, $4  }
0x44: {  	[bflag:$0x0] =	sbarrier.arrive $0xFFFF  }
0x45: {  	s21 =	rddreg [dreg:$0x12]  }
0x46: {  	s19 =	rddreg [dreg:$0x11]  }
0x47: {  	s13 =	simm.s32 $0x1;
	s12 =	simm.s32 $0x0;
	s18 =	rddreg [dreg:$0x10]  }
.LBB2_6:
0x48: {  	s12 =	sadd.s32 $0x14, s12  }
0x49: {  	p0 =	sne.s32 s12, $0x2F8  }
.Ltmp4:
0x4a: {  	_ = 	snop;
	(pc) =	sbr.rel @!p0 .LBB2_7-.Ltmp4, $3  }
0x4b: {  	_ =	sdelay $0x1  }
0x4c: {  	s18 =	sadd.s32 $0xA00, s18  }
0x4d: {  	s13 =	sadd.s32 $0x2, s13;
	s19 =	sadd.s32 $0xA0, s19;
	s21 =	sadd.s32 $0xA00, s21  }
.LBB2_4:
0x4e: {  	p0 =	sgt.u32 s13, $0x4A  }
0x4f: {  	s16 =	simm.s32 @!p0 $0x0;
	s15 =	simm.s32 @!p0 $0x2800  }
0x50: {  	[tilespmem:s15], [sflag:$0x2] =	stream.linear.gather @!p0 [hbm4b:s18+s16], $0x2800, $0x38;
	[tilespmem:$0x1C7A0] =	vst v63  }
0x51: {  	s14 =	simm.s32 @!p0 $0x5050;
	s11 =	simm.s32 @!p0 $0x5320;
	s15 =	sadd.s32 @!p0 s12, s20  }
0x52: {  	[tilespmem:s14], [sflag:$0x2] =	stream.linear.gather @!p0 [hbm4b:s15+s16], $0x50, $0x38;
	[tilespmem:$0x1C7A0] =	vst v63  }
0x53: {  	s14 =	sadd.s32 @!p0 s12, s17;
	s15 =	simm.s32 @!p0 $0x50;
	s16 =	simm.s32 @!p0 $0x2EE00  }
0x54: {  	[tilespmem:s11], [sflag:$0x2] =	stream.strided.gather @!p0 [hbm4b:s14+s15], $0x280, s16, s15, $0x38;
	[tilespmem:$0x1C7A0] =	vst v63  }
0x55: {  	_ =	swait.ge [sflag:s29], $0x2800  }
0x56: {  	[sflag:s29] =	ssyncset.done $0x0  }
0x57: {  	[sflag:s29] =	ssyncadd.s32 $0xFFFFD800  }
0x58: {  	_ =	swait.ge [sflag:s29], $0x50  }
0x59: {  	[sflag:s29] =	ssyncset.done $0x0  }
0x5a: {  	[sflag:s29] =	ssyncadd.s32 $0xFFFFFFB0  }
0x5b: {  	_ =	swait.ge [sflag:s29], $0x280  }
0x5c: {  	[sflag:s29] =	ssyncset.done $0x0  }
0x5d: {  	[sflag:s29] =	ssyncadd.s32 $0xFFFFFD80  }
0x5e: {  	v41 =	vld [tilespmem:$0x50A0];
	_ =	sdelay $0x4  }
0x5f: {  	[tilespmem:v0+s30+$0x0] =	vst.idx.msk $0xffff, v41  }
0x60: {  	v41 =	vld [tilespmem:$0x50B0];
	_ =	sdelay $0x4  }
0x61: {  	[tilespmem:v2+s30+$0x0] =	vst.idx.msk $0xffff, v41  }
0x62: {  	v41 =	vld [tilespmem:$0x50C0];
	_ =	sdelay $0x4  }
0x63: {  	[tilespmem:v3+s30+$0x0] =	vst.idx.msk $0xffff, v41  }
0x64: {  	v41 =	vld [tilespmem:$0x50D0];
	_ =	sdelay $0x4  }
0x65: {  	[tilespmem:v4+s30+$0x0] =	vst.idx.msk $0xffff, v41  }
0x66: {  	v41 =	vld [tilespmem:$0x50E0];
	_ =	sdelay $0x4  }
0x67: {  	[tilespmem:v5+s30+$0x0] =	vst.idx.msk $0xffff, v41  }
0x68: {  	v41 =	vld [tilespmem:$0x50F0];
	_ =	sdelay $0x4  }
0x69: {  	[tilespmem:v6+s30+$0x0] =	vst.idx.msk $0xffff, v41  }
0x6a: {  	v41 =	vld [tilespmem:$0x5100];
	_ =	sdelay $0x4  }
0x6b: {  	[tilespmem:v7+s30+$0x0] =	vst.idx.msk $0xffff, v41  }
0x6c: {  	v41 =	vld [tilespmem:$0x5110];
	_ =	sdelay $0x4  }
0x6d: {  	[tilespmem:v8+s30+$0x0] =	vst.idx.msk $0xffff, v41  }
0x6e: {  	v41 =	vld [tilespmem:$0x5120];
	_ =	sdelay $0x4  }
0x6f: {  	[tilespmem:v9+s30+$0x0] =	vst.idx.msk $0xffff, v41  }
0x70: {  	v41 =	vld [tilespmem:$0x5130];
	_ =	sdelay $0x4  }
0x71: {  	[tilespmem:v10+s30+$0x0] =	vst.idx.msk $0xffff, v41  }
0x72: {  	v41 =	vld [tilespmem:$0x5140];
	_ =	sdelay $0x4  }
0x73: {  	[tilespmem:v11+s30+$0x0] =	vst.idx.msk $0xffff, v41  }
0x74: {  	v41 =	vld [tilespmem:$0x5150];
	_ =	sdelay $0x4  }
0x75: {  	[tilespmem:v12+s30+$0x0] =	vst.idx.msk $0xffff, v41  }
0x76: {  	v41 =	vld [tilespmem:$0x5160];
	_ =	sdelay $0x4  }
0x77: {  	[tilespmem:v13+s30+$0x0] =	vst.idx.msk $0xffff, v41  }
0x78: {  	v41 =	vld [tilespmem:$0x5170];
	_ =	sdelay $0x4  }
0x79: {  	[tilespmem:v14+s30+$0x0] =	vst.idx.msk $0xffff, v41  }
0x7a: {  	v41 =	vld [tilespmem:$0x5180];
	_ =	sdelay $0x4  }
0x7b: {  	[tilespmem:v15+s30+$0x0] =	vst.idx.msk $0xffff, v41  }
0x7c: {  	v41 =	vld [tilespmem:$0x5190];
	_ =	sdelay $0x4  }
0x7d: {  	[tilespmem:v16+s30+$0x0] =	vst.idx.msk $0xffff, v41  }
0x7e: {  	v41 =	vld [tilespmem:$0x51A0];
	_ =	sdelay $0x4  }
0x7f: {  	[tilespmem:v17+s30+$0x0] =	vst.idx.msk $0xffff, v41  }
0x80: {  	v41 =	vld [tilespmem:$0x51B0];
	_ =	sdelay $0x4  }
0x81: {  	[tilespmem:v18+s30+$0x0] =	vst.idx.msk $0xffff, v41  }
0x82: {  	v41 =	vld [tilespmem:$0x51C0];
	_ =	sdelay $0x4  }
0x83: {  	[tilespmem:v19+s30+$0x0] =	vst.idx.msk $0xffff, v41  }
0x84: {  	v41 =	vld [tilespmem:$0x51D0];
	_ =	sdelay $0x4  }
0x85: {  	[tilespmem:v20+s30+$0x0] =	vst.idx.msk $0xffff, v41  }
0x86: {  	v41 =	vld [tilespmem:$0x51E0];
	_ =	sdelay $0x4  }
0x87: {  	[tilespmem:v21+s30+$0x0] =	vst.idx.msk $0xffff, v41  }
0x88: {  	v41 =	vld [tilespmem:$0x51F0];
	_ =	sdelay $0x4  }
0x89: {  	[tilespmem:v22+s30+$0x0] =	vst.idx.msk $0xffff, v41  }
0x8a: {  	v41 =	vld [tilespmem:$0x5200];
	_ =	sdelay $0x4  }
0x8b: {  	[tilespmem:v23+s30+$0x0] =	vst.idx.msk $0xffff, v41  }
0x8c: {  	v41 =	vld [tilespmem:$0x5210];
	_ =	sdelay $0x4  }
0x8d: {  	[tilespmem:v24+s30+$0x0] =	vst.idx.msk $0xffff, v41  }
0x8e: {  	v41 =	vld [tilespmem:$0x5220];
	_ =	sdelay $0x4  }
0x8f: {  	[tilespmem:v25+s30+$0x0] =	vst.idx.msk $0xffff, v41  }
0x90: {  	v41 =	vld [tilespmem:$0x5230];
	_ =	sdelay $0x4  }
0x91: {  	[tilespmem:v26+s30+$0x0] =	vst.idx.msk $0xffff, v41  }
0x92: {  	v41 =	vld [tilespmem:$0x5240];
	_ =	sdelay $0x4  }
0x93: {  	[tilespmem:v27+s30+$0x0] =	vst.idx.msk $0xffff, v41  }
0x94: {  	v41 =	vld [tilespmem:$0x5250];
	_ =	sdelay $0x4  }
0x95: {  	[tilespmem:v28+s30+$0x0] =	vst.idx.msk $0xffff, v41  }
0x96: {  	v41 =	vld [tilespmem:$0x5260];
	_ =	sdelay $0x4  }
0x97: {  	[tilespmem:v29+s30+$0x0] =	vst.idx.msk $0xffff, v41  }
0x98: {  	v41 =	vld [tilespmem:$0x5270];
	_ =	sdelay $0x4  }
0x99: {  	[tilespmem:v30+s30+$0x0] =	vst.idx.msk $0xffff, v41  }
0x9a: {  	v41 =	vld [tilespmem:$0x5280];
	_ =	sdelay $0x4  }
0x9b: {  	[tilespmem:v31+s30+$0x0] =	vst.idx.msk $0xffff, v41  }
0x9c: {  	v41 =	vld [tilespmem:$0x5290];
	_ =	sdelay $0x4  }
0x9d: {  	[tilespmem:v32+s30+$0x0] =	vst.idx.msk $0xffff, v41  }
0x9e: {  	v41 =	vld [tilespmem:$0x52A0];
	_ =	sdelay $0x4  }
0x9f: {  	[tilespmem:v33+s30+$0x0] =	vst.idx.msk $0xffff, v41  }
0xa0: {  	v41 =	vld [tilespmem:$0x52B0];
	_ =	sdelay $0x4  }
0xa1: {  	[tilespmem:v34+s30+$0x0] =	vst.idx.msk $0xffff, v41  }
0xa2: {  	v41 =	vld [tilespmem:$0x52C0];
	_ =	sdelay $0x4  }
0xa3: {  	[tilespmem:v35+s30+$0x0] =	vst.idx.msk $0xffff, v41  }
0xa4: {  	v41 =	vld [tilespmem:$0x52D0];
	_ =	sdelay $0x4  }
0xa5: {  	[tilespmem:v36+s30+$0x0] =	vst.idx.msk $0xffff, v41  }
0xa6: {  	v41 =	vld [tilespmem:$0x52E0];
	_ =	sdelay $0x4  }
0xa7: {  	[tilespmem:v37+s30+$0x0] =	vst.idx.msk $0xffff, v41  }
0xa8: {  	v41 =	vld [tilespmem:$0x52F0];
	_ =	sdelay $0x4  }
0xa9: {  	[tilespmem:v38+s30+$0x0] =	vst.idx.msk $0xffff, v41  }
0xaa: {  	v41 =	vld [tilespmem:$0x5300];
	_ =	sdelay $0x4  }
0xab: {  	[tilespmem:v39+s30+$0x0] =	vst.idx.msk $0xffff, v41  }
0xac: {  	v41 =	vld [tilespmem:$0x5310];
	_ =	sdelay $0x4  }
0xad: {  	[tilespmem:v40+s30+$0x0] =	vst.idx.msk $0xffff, v41  }
0xae: {  	[spmem:s1] =	stream.indirect.scatter.add.f32 [tilespmem:s4], [sflag:$0x4], $0x80, s23, s24, $0xb8;
	[tilespmem:$0x1C7A0] =	vst v63  }
0xaf: {  	_ =	swait.ge [sflag:s31], $0x2800  }
0xb0: {  	[sflag:s31] =	ssyncset.done $0x0  }
.Ltmp5:
0xb1: {  	[sflag:s31] =	ssyncadd.s32 $0xFFFFD800;
	(pc) =	sbr.rel @p0 .LBB2_6-.Ltmp5, $4  }
0xb2: {  	[spmem:s3] =	stream.indirect.scatter.add.f32 [tilespmem:s30], [sflag:$0x4], $0x10, s23, s24, $0xb8;
	[tilespmem:$0x1C7A0] =	vst v63  }
0xb3: {  	_ =	swait.ge [sflag:s31], $0x500  }
0xb4: {  	[sflag:s31] =	ssyncset.done $0x0  }
0xb5: {  	[sflag:s31] =	ssyncadd.s32 $0xFFFFFB00  }
0xb6: {  	[tilespmem:s4], [sflag:$0x1] =	stream.linear.gather [hbm4b:s21+s4], $0x2800, $0x38;
	[tilespmem:$0x1C7A0] =	vst v63  }
0xb7: {  	s11 =	sadd.s32 s12, s22;
	s16 =	sshrl.u32 s19, $0x3  }
0xb8: {  	[tilespmem:s23], [sflag:$0x1] =	stream.linear.gather [hbm4b:s11+s4], $0x50, $0x38;
	[tilespmem:$0x1C7A0] =	vst v63  }
0xb9: {  	s11 =	sadd.s32 s5, s16  }
0xba: {  	[tilespmem:s26], [sflag:$0x1] =	stream.strided.gather [hbm4b:s11+s24], $0x280, s25, s24, $0x38;
	[tilespmem:$0x1C7A0] =	vst v63  }
0xbb: {  	_ =	swait.ge [sflag:s0], $0x2800  }
0xbc: {  	[sflag:s0] =	ssyncset.done $0x0  }
0xbd: {  	[sflag:s0] =	ssyncadd.s32 $0xFFFFD800  }
0xbe: {  	_ =	swait.ge [sflag:s0], $0x50  }
0xbf: {  	[sflag:s0] =	ssyncset.done $0x0  }
0xc0: {  	[sflag:s0] =	ssyncadd.s32 $0xFFFFFFB0  }
0xc1: {  	_ =	swait.ge [sflag:s0], $0x280  }
0xc2: {  	[sflag:s0] =	ssyncset.done $0x0  }
0xc3: {  	[sflag:s0] =	ssyncadd.s32 $0xFFFFFD80  }
0xc4: {  	v41 =	vld [tilespmem:$0x5320];
	_ =	sdelay $0x4  }
0xc5: {  	[tilespmem:v0+s2+$0x0] =	vst.idx.msk $0xffff, v41  }
0xc6: {  	v41 =	vld [tilespmem:$0x5330];
	_ =	sdelay $0x4  }
0xc7: {  	[tilespmem:v2+s2+$0x0] =	vst.idx.msk $0xffff, v41  }
0xc8: {  	v41 =	vld [tilespmem:$0x5340];
	_ =	sdelay $0x4  }
0xc9: {  	[tilespmem:v3+s2+$0x0] =	vst.idx.msk $0xffff, v41  }
0xca: {  	v41 =	vld [tilespmem:$0x5350];
	_ =	sdelay $0x4  }
0xcb: {  	[tilespmem:v4+s2+$0x0] =	vst.idx.msk $0xffff, v41  }
0xcc: {  	v41 =	vld [tilespmem:$0x5360];
	_ =	sdelay $0x4  }
0xcd: {  	[tilespmem:v5+s2+$0x0] =	vst.idx.msk $0xffff, v41  }
0xce: {  	v41 =	vld [tilespmem:$0x5370];
	_ =	sdelay $0x4  }
0xcf: {  	[tilespmem:v6+s2+$0x0] =	vst.idx.msk $0xffff, v41  }
0xd0: {  	v41 =	vld [tilespmem:$0x5380];
	_ =	sdelay $0x4  }
0xd1: {  	[tilespmem:v7+s2+$0x0] =	vst.idx.msk $0xffff, v41  }
0xd2: {  	v41 =	vld [tilespmem:$0x5390];
	_ =	sdelay $0x4  }
0xd3: {  	[tilespmem:v8+s2+$0x0] =	vst.idx.msk $0xffff, v41  }
0xd4: {  	v41 =	vld [tilespmem:$0x53A0];
	_ =	sdelay $0x4  }
0xd5: {  	[tilespmem:v9+s2+$0x0] =	vst.idx.msk $0xffff, v41  }
0xd6: {  	v41 =	vld [tilespmem:$0x53B0];
	_ =	sdelay $0x4  }
0xd7: {  	[tilespmem:v10+s2+$0x0] =	vst.idx.msk $0xffff, v41  }
0xd8: {  	v41 =	vld [tilespmem:$0x53C0];
	_ =	sdelay $0x4  }
0xd9: {  	[tilespmem:v11+s2+$0x0] =	vst.idx.msk $0xffff, v41  }
0xda: {  	v41 =	vld [tilespmem:$0x53D0];
	_ =	sdelay $0x4  }
0xdb: {  	[tilespmem:v12+s2+$0x0] =	vst.idx.msk $0xffff, v41  }
0xdc: {  	v41 =	vld [tilespmem:$0x53E0];
	_ =	sdelay $0x4  }
0xdd: {  	[tilespmem:v13+s2+$0x0] =	vst.idx.msk $0xffff, v41  }
0xde: {  	v41 =	vld [tilespmem:$0x53F0];
	_ =	sdelay $0x4  }
0xdf: {  	[tilespmem:v14+s2+$0x0] =	vst.idx.msk $0xffff, v41  }
0xe0: {  	v41 =	vld [tilespmem:$0x5400];
	_ =	sdelay $0x4  }
0xe1: {  	[tilespmem:v15+s2+$0x0] =	vst.idx.msk $0xffff, v41  }
0xe2: {  	v41 =	vld [tilespmem:$0x5410];
	_ =	sdelay $0x4  }
0xe3: {  	[tilespmem:v16+s2+$0x0] =	vst.idx.msk $0xffff, v41  }
0xe4: {  	v41 =	vld [tilespmem:$0x5420];
	_ =	sdelay $0x4  }
0xe5: {  	[tilespmem:v17+s2+$0x0] =	vst.idx.msk $0xffff, v41  }
0xe6: {  	v41 =	vld [tilespmem:$0x5430];
	_ =	sdelay $0x4  }
0xe7: {  	[tilespmem:v18+s2+$0x0] =	vst.idx.msk $0xffff, v41  }
0xe8: {  	v41 =	vld [tilespmem:$0x5440];
	_ =	sdelay $0x4  }
0xe9: {  	[tilespmem:v19+s2+$0x0] =	vst.idx.msk $0xffff, v41  }
0xea: {  	v41 =	vld [tilespmem:$0x5450];
	_ =	sdelay $0x4  }
0xeb: {  	[tilespmem:v20+s2+$0x0] =	vst.idx.msk $0xffff, v41  }
0xec: {  	v41 =	vld [tilespmem:$0x5460];
	_ =	sdelay $0x4  }
0xed: {  	[tilespmem:v21+s2+$0x0] =	vst.idx.msk $0xffff, v41  }
0xee: {  	v41 =	vld [tilespmem:$0x5470];
	_ =	sdelay $0x4  }
0xef: {  	[tilespmem:v22+s2+$0x0] =	vst.idx.msk $0xffff, v41  }
0xf0: {  	v41 =	vld [tilespmem:$0x5480];
	_ =	sdelay $0x4  }
0xf1: {  	[tilespmem:v23+s2+$0x0] =	vst.idx.msk $0xffff, v41  }
0xf2: {  	v41 =	vld [tilespmem:$0x5490];
	_ =	sdelay $0x4  }
0xf3: {  	[tilespmem:v24+s2+$0x0] =	vst.idx.msk $0xffff, v41  }
0xf4: {  	v41 =	vld [tilespmem:$0x54A0];
	_ =	sdelay $0x4  }
0xf5: {  	[tilespmem:v25+s2+$0x0] =	vst.idx.msk $0xffff, v41  }
0xf6: {  	v41 =	vld [tilespmem:$0x54B0];
	_ =	sdelay $0x4  }
0xf7: {  	[tilespmem:v26+s2+$0x0] =	vst.idx.msk $0xffff, v41  }
0xf8: {  	v41 =	vld [tilespmem:$0x54C0];
	_ =	sdelay $0x4  }
0xf9: {  	[tilespmem:v27+s2+$0x0] =	vst.idx.msk $0xffff, v41  }
0xfa: {  	v41 =	vld [tilespmem:$0x54D0];
	_ =	sdelay $0x4  }
0xfb: {  	[tilespmem:v28+s2+$0x0] =	vst.idx.msk $0xffff, v41  }
0xfc: {  	v41 =	vld [tilespmem:$0x54E0];
	_ =	sdelay $0x4  }
0xfd: {  	[tilespmem:v29+s2+$0x0] =	vst.idx.msk $0xffff, v41  }
0xfe: {  	v41 =	vld [tilespmem:$0x54F0];
	_ =	sdelay $0x4  }
0xff: {  	[tilespmem:v30+s2+$0x0] =	vst.idx.msk $0xffff, v41  }
0x100: {  	v41 =	vld [tilespmem:$0x5500];
	_ =	sdelay $0x4  }
0x101: {  	[tilespmem:v31+s2+$0x0] =	vst.idx.msk $0xffff, v41  }
0x102: {  	v41 =	vld [tilespmem:$0x5510];
	_ =	sdelay $0x4  }
0x103: {  	[tilespmem:v32+s2+$0x0] =	vst.idx.msk $0xffff, v41  }
0x104: {  	v41 =	vld [tilespmem:$0x5520];
	_ =	sdelay $0x4  }
0x105: {  	[tilespmem:v33+s2+$0x0] =	vst.idx.msk $0xffff, v41  }
0x106: {  	v41 =	vld [tilespmem:$0x5530];
	_ =	sdelay $0x4  }
0x107: {  	[tilespmem:v34+s2+$0x0] =	vst.idx.msk $0xffff, v41  }
0x108: {  	v41 =	vld [tilespmem:$0x5540];
	_ =	sdelay $0x4  }
0x109: {  	[tilespmem:v35+s2+$0x0] =	vst.idx.msk $0xffff, v41  }
0x10a: {  	v41 =	vld [tilespmem:$0x5550];
	_ =	sdelay $0x4  }
0x10b: {  	[tilespmem:v36+s2+$0x0] =	vst.idx.msk $0xffff, v41  }
0x10c: {  	v41 =	vld [tilespmem:$0x5560];
	_ =	sdelay $0x4  }
0x10d: {  	[tilespmem:v37+s2+$0x0] =	vst.idx.msk $0xffff, v41  }
0x10e: {  	v41 =	vld [tilespmem:$0x5570];
	_ =	sdelay $0x4  }
0x10f: {  	[tilespmem:v38+s2+$0x0] =	vst.idx.msk $0xffff, v41  }
0x110: {  	v41 =	vld [tilespmem:$0x5580];
	_ =	sdelay $0x4  }
0x111: {  	[tilespmem:v39+s2+$0x0] =	vst.idx.msk $0xffff, v41  }
0x112: {  	v41 =	vld [tilespmem:$0x5590];
	_ =	sdelay $0x4  }
0x113: {  	[tilespmem:v40+s2+$0x0] =	vst.idx.msk $0xffff, v41  }
0x114: {  	[spmem:s1] =	stream.indirect.scatter.add.f32 [tilespmem:s7], [sflag:$0x4], $0x80, s6, s24, $0xb8;
	[tilespmem:$0x1C7A0] =	vst v63  }
0x115: {  	_ =	swait.ge [sflag:s31], $0x2800  }
0x116: {  	[sflag:s31] =	ssyncset.done $0x0  }
.Ltmp6:
0x117: {  	[sflag:s31] =	ssyncadd.s32 $0xFFFFD800;
	(pc) =	sbr.rel .LBB2_6-.Ltmp6, $4  }
0x118: {  	[spmem:s3] =	stream.indirect.scatter.add.f32 [tilespmem:s2], [sflag:$0x3], $0x10, s6, s24, $0xb8;
	[tilespmem:$0x1C7A0] =	vst v63  }
0x119: {  	_ =	swait.ge [sflag:s28], $0x500  }
0x11a: {  	[sflag:s28] =	ssyncset.done $0x0  }
0x11b: {  	[sflag:s28] =	ssyncadd.s32 $0xFFFFFB00  }
.LBB2_8:
0x11c: {  	_ =	sfence.sel $0x180000  }
0x11d: {  	[bflag:$0x0] =	sbarrier.arrive $0xFFFF  }
0x11e: {  	_ =	strace $0x9000004A  }
0x11f: {  	s0 =	stileid.u32;
	[bflag:$0x2] =	sbarrier.arrive $0xFFFF  }
0x120: {  	p0 =	sne.s32 s0, $0x0;
	s0 =	rddreg [dreg:$0x4]  }
0x121: {  	s0 =	sadd.s32 @!p0 $0x100000, s0  }
0x122: {  	[sflag:s0] =	ssyncadd.tile.s32 @!p0 $0x1;
	_ =	shalt  }
.Lfunc_end2:
_tile_overlayer_lowered:
.L_overlay_start_2:
0x123: {  	(tag) =	ssettag $0x2  }
0x124: {  	s0 =	rddreg [dreg:$0x0];
	s2 =	stileid.u32  }
0x125: {  	s1 =	rddreg [dreg:$0x1];
	p0 =	sne.s32 s2, $0x0  }
0x126: {  	s3 =	rddreg [dreg:$0x2];
	[bflag:$0x3] =	sbarrier.arrive $0xFFFF;
	s2 =	simm.s32 @!p0 $0x1C03  }
0x127: {  	[timem:s3], [sflag:s2] =	dma.local @!p0 [hbm:s0], s1  }
0x128: {  	s0 =	simm.s32 @!p0 $0x3  }
0x129: {  	_ =	swait.ge @!p0 [sflag:s0], s1  }
0x12a: {  	s1 =	ssub.s32 @!p0 $0x0, s1;
	[sflag:s0] =	ssyncset.done @!p0 $0x0  }
0x12b: {  	[sflag:s0] =	ssyncadd.s32 @!p0 s1  }
0x12c: {  	[bflag:$0x3] =	sbarrier.arrive $0xFFFF  }
0x12d: {  	_ =	shalt  }

// kernel: kernel.7.cloned.1.call-start
scs
__scs_entry_jumppad:
0x0: {  	(pc) =	sbr.rel $0x88, $3  }
0x1: {  	(tag) =	ssettag $0x0;
	lr =	simm.s32 $0x1  }
0x2: {  	[smem:$0x3F9E] =	sst lr;
	_ =	strace $0xD0000000  }
0x3: {  	_ = 	snop  }
0x4: {  	_ = 	snop  }
0x5: {  	_ = 	snop  }
0x6: {  	_ = 	snop  }
0x7: {  	_ = 	snop  }
__scs_overlays_trampoline_lowered:
0x8: {  	[smem:$0x3FAD] =	sst s0  }
0x9: {  	[smem:$0x3FAE] =	sst s1  }
0xa: {  	[smem:$0x3FAF] =	sst s2  }
0xb: {  	[smem:$0x3FB0] =	sst s3  }
0xc: {  	[smem:$0x3FB1] =	sst s4  }
0xd: {  	[smem:$0x3FB2] =	sst s5  }
0xe: {  	[smem:$0x3FB3] =	sst s6  }
0xf: {  	[smem:$0x3FB4] =	sst s7  }
0x10: {  	[smem:$0x3FB5] =	sst s8  }
0x11: {  	[smem:$0x3FB6] =	sst s9;
	s0 =	simm.s32 @!p0 $0x0  }
0x12: {  	s1 =	sld [smem:$0x3F9C];
	s0 =	simm.s32 @p0 $0x1  }
0x13: {  	[smem:$0x3FB7] =	sst s0;
	s0 =	simm.s32 @!p1 $0x0  }
0x14: {  	s2 =	sld [smem:$0x3F9B];
	s0 =	simm.s32 @p1 $0x1  }
0x15: {  	[smem:$0x3FB8] =	sst s0;
	s0 =	simm.s32 @!p2 $0x0  }
0x16: {  	s3 =	sld [smem:$0x3FDB];
	s0 =	simm.s32 @p2 $0x1  }
0x17: {  	s4 =	simm.s32 $0x1BF5;
	[smem:$0x3FBA] =	sst s0  }
0x18: {  	s0 =	sld [smem:$0x3F9D];
	_ =	swait.ge [sflag:s4], $0x0  }
0x19: {  	s7 =	sld [smem:$0x3F9E]  }
0x1a: {  	s8 =	sadd.s32 $0xFFFFE003, lr  }
0x1b: {  	s9 =	sadd.s32 $0xFFFFFEF7, lr;
	s5 =	simm.s32 $0xFFFFFFFF;
	p2 =	slt.u32 s8, $0xFFFFF086  }
0x1c: {  	p1 =	slt.u32 s9, $0xF7A;
	s5 =	simm.s32 @!p2 $0x0  }
0x1d: {  	s5 =	simm.s32 @p1 $0x1;
	p0 =	seq.s32 s7, s2  }
0x1e: {  	s7 =	smul.u32 @!p0 $0xF7A, s2;
	p2 =	seq.s32 @!p0 s5, $0x0  }
0x1f: {  	s9 =	smul.u32 $0xF7A, s1;
	s8 =	simm.s32 @!p0 $0x1BF5;
	p2 =	por !p2, p0  }
0x20: {  	[sflag:s8] =	ssyncset.s32 @!p0 $0xFFFFF086;
	s6 =	sadd.s32 @!p0 s3, s7;
	s7 =	simm.s32 @!p0 $0x108  }
0x21: {  	s3 =	sadd.s32 s3, s9;
	s6 =	sadd.s32 @!p0 $0x88, s6;
	s7 =	simm.s32 @p2 $0x1082  }
0x22: {  	[simem:s7], [sflag:s8] =	dma.local @!p0 [hbm:s6], $0xF7A  }
0x23: {  	s9 =	sor.u32 $0xD0000000, s2;
	s6 =	simm.s32 $0x108;
	_ =	swait.ge @!p0 [sflag:s8], $0x0  }
0x24: {  	s3 =	sadd.s32 $0x88, s3;
	s6 =	simm.s32 @!p1 $0x1082;
	[sflag:s4] =	ssyncset.s32 $0xFFFFF086  }
0x25: {  	[simem:s6], [sflag:s4] =	dma.local [hbm:s3], $0xF7A  }
0x26: {  	[smem:$0x3F9E] =	sst s1;
	(tag) =	ssettag s2;
	_ =	strace s9  }
0x27: {  	s1 =	sld [smem:$0x3FAE]  }
0x28: {  	s2 =	sld [smem:$0x3FAF]  }
0x29: {  	s4 =	sld [smem:$0x3FB1]  }
0x2a: {  	p0 =	seq.s32 s5, $0x0;
	s5 =	sld [smem:$0x3FB2]  }
0x2b: {  	s6 =	sld [smem:$0x3FB3]  }
0x2c: {  	s7 =	sld [smem:$0x3FB4]  }
0x2d: {  	s3 =	simm.s32 $0x108;
	s8 =	sld [smem:$0x3FB5]  }
0x2e: {  	s3 =	simm.s32 @!p0 $0x1082;
	s9 =	sld [smem:$0x3FB6]  }
0x2f: {  	lr =	sadd.s32 s0, s3;
	s0 =	sld [smem:$0x3FAD]  }
0x30: {  	s3 =	sld [smem:$0x3FB0]  }
0x31: {  	[smem:$0x3FB9] =	sst s10  }
0x32: {  	s10 =	sld [smem:$0x3FB7];
	_ =	sdelay $0x3  }
0x33: {  	p0 =	seq.s32 s10, $0x1;
	s10 =	sld [smem:$0x3FB9];
	_ =	sdelay $0x3  }
0x34: {  	[smem:$0x3FB9] =	sst s10  }
0x35: {  	s10 =	sld [smem:$0x3FB8];
	_ =	sdelay $0x3  }
0x36: {  	p1 =	seq.s32 s10, $0x1;
	s10 =	sld [smem:$0x3FB9];
	_ =	sdelay $0x3  }
0x37: {  	[smem:$0x3FB9] =	sst s10  }
0x38: {  	s10 =	sld [smem:$0x3FBA]  }
0x39: {  	_ = 	snop;
	(pc) =	sbr.ind lr, $3  }
0x3a: {  	_ = 	snop  }
0x3b: {  	_ = 	snop  }
0x3c: {  	p2 =	seq.s32 s10, $0x1;
	s10 =	sld [smem:$0x3FB9]  }
0x3d: {  	_ =	shalt  }
0x3e: {  	_ =	shalt  }
0x3f: {  	_ =	shalt  }
0x40: {  	_ =	shalt  }
0x41: {  	_ =	shalt  }
0x42: {  	_ =	shalt  }
0x43: {  	_ =	shalt  }
0x44: {  	_ =	shalt  }
0x45: {  	_ =	shalt  }
0x46: {  	_ =	shalt  }
0x47: {  	_ =	shalt  }
0x48: {  	_ =	shalt  }
0x49: {  	_ =	shalt  }
0x4a: {  	_ =	shalt  }
0x4b: {  	_ =	shalt  }
0x4c: {  	_ =	shalt  }
0x4d: {  	_ =	shalt  }
0x4e: {  	_ =	shalt  }
0x4f: {  	_ =	shalt  }
0x50: {  	_ =	shalt  }
0x51: {  	_ =	shalt  }
0x52: {  	_ =	shalt  }
0x53: {  	_ =	shalt  }
0x54: {  	_ =	shalt  }
0x55: {  	_ =	shalt  }
0x56: {  	_ =	shalt  }
0x57: {  	_ =	shalt  }
0x58: {  	_ =	shalt  }
0x59: {  	_ =	shalt  }
0x5a: {  	_ =	shalt  }
0x5b: {  	_ =	shalt  }
0x5c: {  	_ =	shalt  }
0x5d: {  	_ =	shalt  }
0x5e: {  	_ =	shalt  }
0x5f: {  	_ =	shalt  }
0x60: {  	_ =	shalt  }
0x61: {  	_ =	shalt  }
0x62: {  	_ =	shalt  }
0x63: {  	_ =	shalt  }
0x64: {  	_ =	shalt  }
0x65: {  	_ =	shalt  }
0x66: {  	_ =	shalt  }
0x67: {  	_ =	shalt  }
0x68: {  	_ =	shalt  }
0x69: {  	_ =	shalt  }
0x6a: {  	_ =	shalt  }
0x6b: {  	_ =	shalt  }
0x6c: {  	_ =	shalt  }
0x6d: {  	_ =	shalt  }
0x6e: {  	_ =	shalt  }
0x6f: {  	_ =	shalt  }
0x70: {  	_ =	shalt  }
0x71: {  	_ =	shalt  }
0x72: {  	_ =	shalt  }
0x73: {  	_ =	shalt  }
0x74: {  	_ =	shalt  }
0x75: {  	_ =	shalt  }
0x76: {  	_ =	shalt  }
0x77: {  	_ =	shalt  }
0x78: {  	_ =	shalt  }
0x79: {  	_ =	shalt  }
0x7a: {  	_ =	shalt  }
0x7b: {  	_ =	shalt  }
0x7c: {  	_ =	shalt  }
0x7d: {  	_ =	shalt  }
0x7e: {  	_ =	shalt  }
0x7f: {  	_ =	shalt  }
0x80: {  	_ =	shalt  }
0x81: {  	_ =	shalt  }
0x82: {  	_ =	shalt  }
0x83: {  	_ =	shalt  }
0x84: {  	_ =	shalt  }
0x85: {  	_ =	shalt  }
0x86: {  	_ =	shalt  }
0x87: {  	_ =	shalt  }
.Lfunc_end0:
.L_simem_size_0:
called_computation_lowered:
.L_overlay_start_0:
0x88: {  	s2 =	sld [smem:$0x3FD9]  }
0x89: {  	s3 =	sld [smem:$0x3FFE];
	_ =	sdelay $0x1  }
0x8a: {  	s1 =	srdreg.scid  }
0x8b: {  	s0 =	sand.u32 $0x1, s1  }
0x8c: {  	s17 =	sshll.u32 s0, $0xA;
	s2 =	sadd.s32 s3, s2  }
0x8d: {  	s2 =	sadd.s32 s2, s17  }
0x8e: {  	[smem:$0x3FC5] =	sst s2  }
0x8f: {  	_ = 	snop  }
0x90: {  	s2 =	sld [smem:$0x3FD0];
	(tm) =	ssettm $0x1  }
0x91: {  	s18 =	sld [smem:$0x3FFB];
	_ =	sdelay $0x3  }
0x92: {  	_ =	strace s18  }
0x93: {  	s3 =	sld [smem:$0x3FFC];
	_ =	sdelay $0x3  }
0x94: {  	_ =	strace s3  }
0x95: {  	s3 =	sld [smem:$0x3FFD];
	_ =	sdelay $0x3  }
0x96: {  	_ =	strace s3  }
0x97: {  	_ =	strace $0x8FFFFFFF  }
0x98: {  	s19 =	sld [smem:$0x3FDB];
	_ =	sdelay $0x1  }
0x99: {  	s4 =	simm.s32 $_scs_section_size  }
0x9a: {  	s5 =	simm.s32 $_size__tile_overlayer_lowered;
	s6 =	simm.s32 $_tile_overlayer_lowered  }
0x9b: {  	s22 =	simm.s32 $0x1BFF;
	s21 =	sshll.u32 s6, $0x1;
	s3 =	sadd.s32 s4, s19  }
0x9c: {  	s7 =	simm.s32 $0x0;
	s20 =	sshll.u32 s5, $0x1;
	s5 =	sadd.s32 s21, s3  }
0x9d: {  	[timem:s7], [sflag:s22] =	dma.local [hbm:s5], s20  }
0x9e: {  	_ =	swait.ge [sflag:s22], s20  }
0x9f: {  	s4 =	ssub.s32 $0x0, s20;
	[sflag:s22] =	ssyncset.done $0x0  }
0xa0: {  	[sflag:s22] =	ssyncadd.s32 s4;
	_ =	sdelay $0x1  }
0xa1: {  	s23 =	simm.s32 $0x1B8B  }
0xa2: {  	_ =	swait.ge [sflag:s23], $0x1  }
0xa3: {  	[sflag:s23] =	ssyncset.done $0x0  }
0xa4: {  	s25 =	simm.s32 $0x1B8E;
	s24 =	sld [smem:$0x3FFE];
	[sflag:s23] =	ssyncadd.s32 $0xFFFFFFFF  }
0xa5: {  	s26 =	simm.s32 $execute0_lowered;
	[smem:$0x3FD2] =	sst s25  }
0xa6: {  	s5 =	sshll.u32 s26, $0x1;
	_ =	strace $0x80000046;
	[dreg:$0x1] =	wrdreg $0xFFFFFFFF  }
0xa7: {  	s28 =	simm.s32 $_size_execute0_lowered;
	s3 =	sadd.s32 s3, s5;
	[dreg:$0x0] =	wrdreg $0x0  }
0xa8: {  	s5 =	sshll.u32 s28, $0x1;
	[dreg:$0x2] =	wrdreg s3  }
0xa9: {  	[dreg:$0x3] =	wrdreg s5  }
0xaa: {  	[dreg:$0x4] =	wrdreg $0xC0  }
0xab: {  	_ =	task [dreg:s7], $0x5FFFF  }
0xac: {  	[dreg:$0x1] =	wrdreg $0xFFFFFFFF  }
0xad: {  	[dreg:$0x0] =	wrdreg $0x60  }
0xae: {  	[dreg:$0x2] =	wrdreg s24  }
0xaf: {  	[dreg:$0x3] =	wrdreg s2  }
0xb0: {  	[dreg:$0x4] =	wrdreg $0x6FA00  }
0xb1: {  	[dreg:$0x5] =	wrdreg $0x1AFA00  }
0xb2: {  	[dreg:$0x6] =	wrdreg $0x9  }
0xb3: {  	_ =	task.clear_ibuf [dreg:s7], $0x7FFFF;
	_ =	strace $0x90000046  }
0xb4: {  	s29 =	simm.s32 $0x9;
	_ =	strace $0x80000048  }
0xb5: {  	_ =	swait.ge [sflag:s29], $0x1  }
0xb6: {  	[sflag:s29] =	ssyncadd.s32 $0xFFFFFFFF  }
0xb7: {  	_ =	strace $0x90000048  }
0xb8: {  	_ =	sfence  }
0xb9: {  	s30 =	sld [smem:$0x0];
	_ =	sdelay $0x2  }
0xba: {  	s31 =	sshll.u32 s1, $0xD;
	s1 =	sshrl.u32 s1, $0x2  }
0xbb: {  	s3 =	sand.u32 $0x4000, s31;
	s1 =	sadd.s32 s1, s30  }
0xbc: {  	s0 =	sor.u32 s3, s0;
	s1 =	sshll.u32 s1, $0x11  }
0xbd: {  	s0 =	sor.u32 s1, s0  }
0xbe: {  	s0 =	sadd.s32 $0x8F2B, s0  }
0xbf: {  	[sflag:s0] =	ssyncadd.remote.s32 $0x1  }
0xc0: {  	_ =	sfence.sel $0xFFFF  }
0xc1: {  	[dreg:$0x0] =	wrdreg $0xFFFFFFFF;
	(pc) =	sbr.abs _section_cstart, $3  }
0xc2: {  	[dreg:$0x1] =	wrdreg $0xFFFFFFFF  }
0xc3: {  	_ =	task.clear_ibuf [dreg:s7], $0x2FFFF;
	_ =	strace $0x9FFFFFFF  }
0xc4: {  	(tm) =	ssettm $0x7FFFFFFF  }
0xc5: {  	_ =	shalt  }
tec
execute0_lowered:
.L_overlay_start_1:
0x0: {  	(tag) =	ssettag $0x1  }
0x1: {  	s0 =	rddreg [dreg:$0x0]  }
0x2: {  	s1 =	rddreg [dreg:$0x1]  }
0x3: {  	s3 =	rddreg [dreg:$0x2];
	s15 =	stileid.u32  }
0x4: {  	s2 =	srdreg.scid;
	s7 =	smul.u32 $0x280, s15  }
0x5: {  	s4 =	rddreg [dreg:$0x3];
	s14 =	smul.u32 $0x50000, s15  }
0x6: {  	s5 =	simm.s32 $0x0;
	s2 =	sand.u32 $0x1, s2;
	s24 =	smul.u32 $0xFA0, s15  }
0x7: {  	[smem:$0x7FF] =	sst s5;
	s9 =	sadd.s32 $0xB000, s0;
	s6 =	smul.u32 $0x2800, s2  }
0x8: {  	_ =	strace $0x80000047;
	s20 =	sshll.u32 s2, $0x4;
	s13 =	ssub.s32 $0x2, s2  }
0x9: {  	s2 =	smul.u32 $0xFA00, s2;
	s11 =	sor.u32 s15, s20;
	s22 =	sshrl.u32 s13, $0x1  }
0xa: {  	s23 =	sshrl.u32 s14, $0x2;
	s26 =	sadd.s32 $0xA0, s7;
	s19 =	sadd.s32 $0x140, s7  }
0xb: {  	s8 =	sadd.s32 s7, s6;
	s6 =	sadd.s32 $0x1200, s0;
	s21 =	smul.u32 $0xFA0, s11  }
0xc: {  	s11 =	smul.u32 $0xFA00, s11;
	s2 =	sadd.s32 s24, s2;
	s17 =	sshll.u32 s26, $0x7  }
0xd: {  	s7 =	sadd.s32 $0x1E0, s7;
	s10 =	sshll.u32 s8, $0x4;
	s8 =	sshll.u32 s8, $0x1  }
0xe: {  	s18 =	sadd.s32 $0xA0, s2;
	s12 =	sadd.s32 s10, s0;
	s0 =	sadd.s32 s8, s0  }
0xf: {  	s8 =	ssub.s32 s13, s22;
	s11 =	sadd.s32 s9, s11;
	[dreg:$0xd] =	wrdreg s18  }
0x10: {  	s10 =	sshrl.u32 s21, $0x3;
	s13 =	sadd.s32 s17, s3;
	[dreg:$0x8] =	wrdreg s11  }
0x11: {  	s14 =	sshll.u32 s18, $0x4;
	s25 =	sadd.s32 s6, s10;
	[dreg:$0xe] =	wrdreg s13  }
0x12: {  	s21 =	sshll.u32 s7, $0x7;
	s10 =	sadd.s32 s1, s10;
	[dreg:$0x9] =	wrdreg s25  }
0x13: {  	s7 =	sshll.u32 s7, $0x4;
	s14 =	sadd.s32 s14, s9;
	[dreg:$0xa] =	wrdreg s10  }
0x14: {  	s7 =	sadd.s32 s7, s4;
	[dreg:$0x5] =	wrdreg s14  }
0x15: {  	s2 =	sadd.s32 $0x50, s2;
	s24 =	sadd.s32 $0x1FF000, s12;
	[dreg:$0x13] =	wrdreg s7  }
0x16: {  	s20 =	sshll.u32 s2, $0x4;
	s0 =	sadd.s32 $0x24F000, s0;
	[dreg:$0x14] =	wrdreg s24  }
0x17: {  	s9 =	sadd.s32 s20, s9;
	[dreg:$0x15] =	wrdreg s0  }
0x18: {  	s8 =	smax.u32 s8, $0x1;
	[dreg:$0x6] =	wrdreg s9  }
0x19: {  	s13 =	sshll.u32 s19, $0x4;
	s14 =	sadd.s32 s21, s3;
	[dreg:$0x16] =	wrdreg s8  }
0x1a: {  	s10 =	sadd.s32 s23, s3;
	s23 =	sadd.s32 s13, s4;
	[dreg:$0x10] =	wrdreg s14  }
0x1b: {  	s11 =	sadd.s32 $0x1000, s10;
	[dreg:$0x12] =	wrdreg s23  }
0x1c: {  	s25 =	sshrl.u32 s2, $0x3;
	s16 =	sadd.s32 $0x2000, s10;
	[dreg:$0xb] =	wrdreg s11  }
0x1d: {  	s9 =	sadd.s32 s25, s1;
	[dreg:$0xc] =	wrdreg s16  }
0x1e: {  	s28 =	simm.s32 $0x5050;
	s0 =	sadd.s32 s25, s6;
	[dreg:$0x17] =	wrdreg s9  }
0x1f: {  	s29 =	simm.s32 $0x1;
	s12 =	sadd.s32 $0x4000, s10;
	[dreg:$0x18] =	wrdreg s0  }
0x20: {  	s15 =	smul.u32 $0xA000, s15;
	s13 =	sadd.s32 $0x6000, s10;
	[dreg:$0x1a] =	wrdreg s12  }
0x21: {  	s30 =	simm.s32 $0x4;
	s14 =	sadd.s32 $0x7000, s10;
	[dreg:$0x1b] =	wrdreg s13  }
0x22: {  	v0 =	vlaneseq.u32;
	s22 =	sshrl.u32 s15, $0x2;
	s15 =	sadd.s32 $0x8000, s10;
	[dreg:$0x1c] =	wrdreg s14  }
0x23: {  	s31 =	simm.s32 $0x2;
	v0 =	vmul.u32 $0x10, v0;
	s18 =	sadd.s32 $0xB000, s10;
	[dreg:$0x1d] =	wrdreg s15  }
0x24: {  	v1 =	vimm.f32 $0.0e+00;
	s17 =	sadd.s32 s22, s4;
	s20 =	sadd.s32 $0xD000, s10;
	[dreg:$0x1f] =	wrdreg s18  }
0x25: {  	v2 =	vor.u32 $0x100, v0;
	v3 =	vor.u32 $0x200, v0;
	v4 =	vor.u32 $0x300, v0;
	s2 =	simm.s32 $0x5AA0;
	s21 =	sadd.s32 $0xE000, s10;
	[smem:$0x7F7] =	sst s20  }
0x26: {  	v5 =	vor.u32 $0x400, v0;
	v6 =	vor.u32 $0x1, v0;
	v7 =	vor.u32 $0x101, v0;
	s22 =	sadd.s32 $0x10000, s10;
	s23 =	sadd.s32 $0x11000, s10;
	[smem:$0x7F8] =	sst s21  }
0x27: {  	v8 =	vor.u32 $0x201, v0;
	v9 =	vor.u32 $0x301, v0;
	v10 =	vor.u32 $0x401, v0;
	s24 =	sadd.s32 $0x12000, s10;
	s25 =	sadd.s32 $0x13000, s10;
	[smem:$0x7F9] =	sst s22  }
0x28: {  	v11 =	vor.u32 $0x2, v0;
	v12 =	vor.u32 $0x102, v0;
	v13 =	vor.u32 $0x202, v0;
	s16 =	sshll.u32 s19, $0x7;
	s11 =	sshll.u32 s26, $0x4;
	[smem:$0x7FA] =	sst s23  }
0x29: {  	v14 =	vor.u32 $0x302, v0;
	v15 =	vor.u32 $0x402, v0;
	v16 =	vor.u32 $0x3, v0;
	s26 =	simm.s32 $0x5320;
	s19 =	sadd.s32 $0xC000, s10;
	[smem:$0x7FB] =	sst s24  }
0x2a: {  	v17 =	vor.u32 $0x103, v0;
	v18 =	vor.u32 $0x203, v0;
	v19 =	vor.u32 $0x303, v0;
	[smem:$0x7FC] =	sst s25;
	s18 =	sadd.s32 $0xF00, s17;
	s13 =	sadd.s32 $0x1900, s17  }
0x2b: {  	v20 =	vor.u32 $0x403, v0;
	v21 =	vor.u32 $0x4, v0;
	v22 =	vor.u32 $0x104, v0;
	s20 =	simm.s32 $0x5000;
	s21 =	simm.s32 $0x50;
	[dreg:$0x7] =	wrdreg s26  }
0x2c: {  	v23 =	vor.u32 $0x204, v0;
	v24 =	vor.u32 $0x304, v0;
	v25 =	vor.u32 $0x404, v0;
	s22 =	simm.s32 $0x1F400;
	s16 =	sadd.s32 s16, s3;
	[smem:$0x7F6] =	sst s19  }
0x2d: {  	v26 =	vor.u32 $0x5, v0;
	v27 =	vor.u32 $0x105, v0;
	v28 =	vor.u32 $0x205, v0;
	s23 =	simm.s32 $0x5FA0;
	s11 =	sadd.s32 s11, s4;
	[dreg:$0xf] =	wrdreg s16  }
0x2e: {  	v29 =	vor.u32 $0x305, v0;
	v30 =	vor.u32 $0x405, v0;
	v31 =	vor.u32 $0x6, v0;
	s24 =	simm.s32 $0x3;
	s26 =	sadd.s32 $0x500, s17;
	[dreg:$0x11] =	wrdreg s11  }
0x2f: {  	v32 =	vor.u32 $0x106, v0;
	v33 =	vor.u32 $0x206, v0;
	v34 =	vor.u32 $0x306, v0;
	s25 =	simm.s32 $0x2800;
	s11 =	sadd.s32 $0x3000, s10;
	[smem:$0x7FD] =	sst s26  }
0x30: {  	v35 =	vor.u32 $0x406, v0;
	v36 =	vor.u32 $0x7, v0;
	v37 =	vor.u32 $0x107, v0;
	s0 =	simm.s32 $0x0;
	s16 =	sadd.s32 $0x9000, s10;
	[dreg:$0x19] =	wrdreg s11  }
0x31: {  	v38 =	vor.u32 $0x207, v0;
	v39 =	vor.u32 $0x307, v0;
	v40 =	vor.u32 $0x407, v0;
	s19 =	sadd.s32 $0x2300, s17;
	s26 =	simm.s32 $0x55A0;
	[dreg:$0x1e] =	wrdreg s16  }
.LBB2_1:
0x32: {  	s7 =	rddreg [dreg:$0x8]  }
0x33: {  	[tilespmem:s5], [sflag:$0x1] =	stream.linear.gather [hbm4b:s7+s5], $0x2800, $0x38;
	[tilespmem:$0x1D7A0] =	vst v63  }
0x34: {  	s15 =	rddreg [dreg:$0x9]  }
0x35: {  	[tilespmem:s20], [sflag:$0x1] =	stream.linear.gather [hbm4b:s15+s5], $0x50, $0x38;
	[tilespmem:$0x1D7A0] =	vst v63  }
0x36: {  	s16 =	rddreg [dreg:$0xa];
	s8 =	simm.s32 $0x50A0;
	s7 =	simm.s32 $0x0  }
0x37: {  	[tilespmem:s8], [sflag:$0x1] =	stream.strided.gather [hbm4b:s16+s21], $0x280, s22, s21, $0x38;
	[tilespmem:$0x1D7A0] =	vst v63  }
.LBB2_2:
0x38: {  	p0 =	sne.s32 s7, $0x13C0  }
.Ltmp0:
0x39: {  	_ = 	snop;
	(pc) =	sbr.rel @p0 .LBB2_2-.Ltmp0, $4  }
0x3a: {  	_ = 	snop  }
0x3b: {  	s8 =	sshra.s32 s7, $0x2  }
0x3c: {  	[tilespmem:s8+$0x55A0] =	vst v1  }
0x3d: {  	s7 =	sadd.s32 $0x40, s7;
	[tilespmem:s8+$0x5AA0] =	vst v1  }
0x3e: {  	s7 =	simm.s32 $0x5FA0  }
0x3f: {  	s8 =	simm.s32 $0x1;
	[tilespmem:s7+$0x0] =	vst v1  }
.LBB2_4:
0x40: {  	p0 =	sne.s32 s8, $0xFF  }
.Ltmp1:
0x41: {  	_ = 	snop;
	(pc) =	sbr.rel @p0 .LBB2_4-.Ltmp1, $3  }
0x42: {  	_ =	sdelay $0x1  }
0x43: {  	s8 =	sadd.s32 $0x1, s8;
	s7 =	sadd.s32 $0x10, s7  }
0x44: {  	[tilespmem:s7+$0x0] =	vst v1  }
0x45: {  	[spmem:s10] =	stream.linear.scatter [tilespmem:s23], [sflag:$0x3], $0x1000, $0x38;
	[tilespmem:$0x1D7A0] =	vst v63  }
0x46: {  	_ =	swait.ge [sflag:s24], $0x1000  }
0x47: {  	[sflag:s24] =	ssyncset.done $0x0  }
0x48: {  	s7 =	rddreg [dreg:$0xb];
	[sflag:s24] =	ssyncadd.s32 $0xFFFFF000  }
0x49: {  	[spmem:s7] =	stream.linear.scatter [tilespmem:s23], [sflag:$0x3], $0x1000, $0x38;
	[tilespmem:$0x1D7A0] =	vst v63  }
0x4a: {  	_ =	swait.ge [sflag:s24], $0x1000  }
0x4b: {  	[sflag:s24] =	ssyncset.done $0x0  }
0x4c: {  	s16 =	rddreg [dreg:$0xc];
	[sflag:s24] =	ssyncadd.s32 $0xFFFFF000  }
0x4d: {  	[spmem:s16] =	stream.linear.scatter [tilespmem:s23], [sflag:$0x3], $0x1000, $0x38;
	[tilespmem:$0x1D7A0] =	vst v63  }
0x4e: {  	_ =	swait.ge [sflag:s24], $0x1000  }
0x4f: {  	[sflag:s24] =	ssyncset.done $0x0  }
0x50: {  	s8 =	rddreg [dreg:$0x19];
	[sflag:s24] =	ssyncadd.s32 $0xFFFFF000  }
0x51: {  	[spmem:s8] =	stream.linear.scatter [tilespmem:s23], [sflag:$0x3], $0x1000, $0x38;
	[tilespmem:$0x1D7A0] =	vst v63  }
0x52: {  	_ =	swait.ge [sflag:s24], $0x1000  }
0x53: {  	[sflag:s24] =	ssyncset.done $0x0  }
0x54: {  	s9 =	rddreg [dreg:$0x1a];
	[sflag:s24] =	ssyncadd.s32 $0xFFFFF000  }
0x55: {  	[spmem:s9] =	stream.linear.scatter [tilespmem:s23], [sflag:$0x3], $0x1000, $0x38;
	[tilespmem:$0x1D7A0] =	vst v63  }
0x56: {  	_ =	swait.ge [sflag:s24], $0x1000  }
0x57: {  	[sflag:s24] =	ssyncset.done $0x0  }
0x58: {  	s11 =	rddreg [dreg:$0xe];
	[sflag:s24] =	ssyncadd.s32 $0xFFFFF000  }
0x59: {  	[spmem:s11] =	stream.linear.scatter [tilespmem:s23], [sflag:$0x3], $0x1000, $0x38;
	[tilespmem:$0x1D7A0] =	vst v63  }
0x5a: {  	_ =	swait.ge [sflag:s24], $0x1000  }
0x5b: {  	[sflag:s24] =	ssyncset.done $0x0  }
0x5c: {  	s12 =	rddreg [dreg:$0x1b];
	[sflag:s24] =	ssyncadd.s32 $0xFFFFF000  }
0x5d: {  	[spmem:s12] =	stream.linear.scatter [tilespmem:s23], [sflag:$0x3], $0x1000, $0x38;
	[tilespmem:$0x1D7A0] =	vst v63  }
0x5e: {  	_ =	swait.ge [sflag:s24], $0x1000  }
0x5f: {  	[sflag:s24] =	ssyncset.done $0x0  }
0x60: {  	s14 =	rddreg [dreg:$0x1c];
	[sflag:s24] =	ssyncadd.s32 $0xFFFFF000  }
0x61: {  	[spmem:s14] =	stream.linear.scatter [tilespmem:s23], [sflag:$0x3], $0x1000, $0x38;
	[tilespmem:$0x1D7A0] =	vst v63  }
0x62: {  	_ =	swait.ge [sflag:s24], $0x1000  }
0x63: {  	[sflag:s24] =	ssyncset.done $0x0  }
0x64: {  	s15 =	rddreg [dreg:$0x1d];
	[sflag:s24] =	ssyncadd.s32 $0xFFFFF000  }
0x65: {  	[spmem:s15] =	stream.linear.scatter [tilespmem:s23], [sflag:$0x3], $0x1000, $0x38;
	[tilespmem:$0x1D7A0] =	vst v63  }
0x66: {  	_ =	swait.ge [sflag:s24], $0x1000  }
0x67: {  	[sflag:s24] =	ssyncset.done $0x0  }
0x68: {  	s16 =	rddreg [dreg:$0x1e];
	[sflag:s24] =	ssyncadd.s32 $0xFFFFF000  }
0x69: {  	[spmem:s16] =	stream.linear.scatter [tilespmem:s23], [sflag:$0x3], $0x1000, $0x38;
	[tilespmem:$0x1D7A0] =	vst v63  }
0x6a: {  	_ =	swait.ge [sflag:s24], $0x1000  }
0x6b: {  	[sflag:s24] =	ssyncset.done $0x0  }
0x6c: {  	s8 =	rddreg [dreg:$0xf];
	[sflag:s24] =	ssyncadd.s32 $0xFFFFF000  }
0x6d: {  	[spmem:s8] =	stream.linear.scatter [tilespmem:s23], [sflag:$0x3], $0x1000, $0x38;
	[tilespmem:$0x1D7A0] =	vst v63  }
0x6e: {  	_ =	swait.ge [sflag:s24], $0x1000  }
0x6f: {  	[sflag:s24] =	ssyncset.done $0x0  }
0x70: {  	s9 =	rddreg [dreg:$0x1f];
	[sflag:s24] =	ssyncadd.s32 $0xFFFFF000  }
0x71: {  	[spmem:s9] =	stream.linear.scatter [tilespmem:s23], [sflag:$0x3], $0x1000, $0x38;
	[tilespmem:$0x1D7A0] =	vst v63  }
0x72: {  	_ =	swait.ge [sflag:s24], $0x1000  }
0x73: {  	s11 =	sld [smem:$0x7F6]  }
0x74: {  	[sflag:s24] =	ssyncset.done $0x0  }
0x75: {  	[sflag:s24] =	ssyncadd.s32 $0xFFFFF000  }
0x76: {  	[spmem:s11] =	stream.linear.scatter [tilespmem:s23], [sflag:$0x3], $0x1000, $0x38;
	[tilespmem:$0x1D7A0] =	vst v63  }
0x77: {  	_ =	swait.ge [sflag:s24], $0x1000  }
0x78: {  	s12 =	sld [smem:$0x7F7]  }
0x79: {  	[sflag:s24] =	ssyncset.done $0x0  }
0x7a: {  	[sflag:s24] =	ssyncadd.s32 $0xFFFFF000  }
0x7b: {  	[spmem:s12] =	stream.linear.scatter [tilespmem:s23], [sflag:$0x3], $0x1000, $0x38;
	[tilespmem:$0x1D7A0] =	vst v63  }
0x7c: {  	_ =	swait.ge [sflag:s24], $0x1000  }
0x7d: {  	s14 =	sld [smem:$0x7F8]  }
0x7e: {  	[sflag:s24] =	ssyncset.done $0x0  }
0x7f: {  	[sflag:s24] =	ssyncadd.s32 $0xFFFFF000  }
0x80: {  	[spmem:s14] =	stream.linear.scatter [tilespmem:s23], [sflag:$0x3], $0x1000, $0x38;
	[tilespmem:$0x1D7A0] =	vst v63  }
0x81: {  	_ =	swait.ge [sflag:s24], $0x1000  }
0x82: {  	[sflag:s24] =	ssyncset.done $0x0  }
0x83: {  	s15 =	rddreg [dreg:$0x10];
	[sflag:s24] =	ssyncadd.s32 $0xFFFFF000  }
0x84: {  	[spmem:s15] =	stream.linear.scatter [tilespmem:s23], [sflag:$0x3], $0x1000, $0x38;
	[tilespmem:$0x1D7A0] =	vst v63  }
0x85: {  	_ =	swait.ge [sflag:s24], $0x1000  }
0x86: {  	s16 =	sld [smem:$0x7F9]  }
0x87: {  	[sflag:s24] =	ssyncset.done $0x0  }
0x88: {  	[sflag:s24] =	ssyncadd.s32 $0xFFFFF000  }
0x89: {  	[spmem:s16] =	stream.linear.scatter [tilespmem:s23], [sflag:$0x3], $0x1000, $0x38;
	[tilespmem:$0x1D7A0] =	vst v63  }
0x8a: {  	_ =	swait.ge [sflag:s24], $0x1000  }
0x8b: {  	s8 =	sld [smem:$0x7FA]  }
0x8c: {  	[sflag:s24] =	ssyncset.done $0x0  }
0x8d: {  	[sflag:s24] =	ssyncadd.s32 $0xFFFFF000  }
0x8e: {  	[spmem:s8] =	stream.linear.scatter [tilespmem:s23], [sflag:$0x3], $0x1000, $0x38;
	[tilespmem:$0x1D7A0] =	vst v63  }
0x8f: {  	_ =	swait.ge [sflag:s24], $0x1000  }
0x90: {  	s9 =	sld [smem:$0x7FB]  }
0x91: {  	[sflag:s24] =	ssyncset.done $0x0  }
0x92: {  	[sflag:s24] =	ssyncadd.s32 $0xFFFFF000  }
0x93: {  	[spmem:s9] =	stream.linear.scatter [tilespmem:s23], [sflag:$0x3], $0x1000, $0x38;
	[tilespmem:$0x1D7A0] =	vst v63  }
0x94: {  	_ =	swait.ge [sflag:s24], $0x1000  }
0x95: {  	s11 =	sld [smem:$0x7FC]  }
0x96: {  	[sflag:s24] =	ssyncset.done $0x0  }
0x97: {  	[sflag:s24] =	ssyncadd.s32 $0xFFFFF000  }
0x98: {  	[spmem:s11] =	stream.linear.scatter [tilespmem:s23], [sflag:$0x3], $0x1000, $0x38;
	[tilespmem:$0x1D7A0] =	vst v63  }
0x99: {  	_ =	swait.ge [sflag:s24], $0x1000  }
0x9a: {  	[sflag:s24] =	ssyncset.done $0x0  }
0x9b: {  	[sflag:s24] =	ssyncadd.s32 $0xFFFFF000  }
0x9c: {  	[spmem:s17] =	stream.linear.scatter [tilespmem:s26], [sflag:$0x3], $0x500, $0x38;
	[tilespmem:$0x1D7A0] =	vst v63  }
0x9d: {  	_ =	swait.ge [sflag:s24], $0x500  }
0x9e: {  	s12 =	sld [smem:$0x7FD]  }
0x9f: {  	[sflag:s24] =	ssyncset.done $0x0  }
0xa0: {  	[sflag:s24] =	ssyncadd.s32 $0xFFFFFB00  }
0xa1: {  	[spmem:s12] =	stream.linear.scatter [tilespmem:s26], [sflag:$0x3], $0x500, $0x38;
	[tilespmem:$0x1D7A0] =	vst v63  }
0xa2: {  	_ =	swait.ge [sflag:s24], $0x500  }
0xa3: {  	[sflag:s24] =	ssyncset.done $0x0  }
0xa4: {  	s14 =	rddreg [dreg:$0x11];
	[sflag:s24] =	ssyncadd.s32 $0xFFFFFB00  }
0xa5: {  	[spmem:s14] =	stream.linear.scatter [tilespmem:s26], [sflag:$0x3], $0x500, $0x38;
	[tilespmem:$0x1D7A0] =	vst v63  }
0xa6: {  	_ =	swait.ge [sflag:s24], $0x500  }
0xa7: {  	[sflag:s24] =	ssyncset.done $0x0  }
0xa8: {  	[sflag:s24] =	ssyncadd.s32 $0xFFFFFB00  }
0xa9: {  	[spmem:s18] =	stream.linear.scatter [tilespmem:s26], [sflag:$0x3], $0x500, $0x38;
	[tilespmem:$0x1D7A0] =	vst v63  }
0xaa: {  	_ =	swait.ge [sflag:s24], $0x500  }
0xab: {  	[sflag:s24] =	ssyncset.done $0x0  }
0xac: {  	s15 =	rddreg [dreg:$0x12];
	[sflag:s24] =	ssyncadd.s32 $0xFFFFFB00  }
0xad: {  	[spmem:s15] =	stream.linear.scatter [tilespmem:s26], [sflag:$0x3], $0x500, $0x38;
	[tilespmem:$0x1D7A0] =	vst v63  }
0xae: {  	_ =	swait.ge [sflag:s24], $0x500  }
0xaf: {  	[sflag:s24] =	ssyncset.done $0x0  }
0xb0: {  	[sflag:s24] =	ssyncadd.s32 $0xFFFFFB00  }
0xb1: {  	[spmem:s13] =	stream.linear.scatter [tilespmem:s26], [sflag:$0x3], $0x500, $0x38;
	[tilespmem:$0x1D7A0] =	vst v63  }
0xb2: {  	_ =	swait.ge [sflag:s24], $0x500  }
0xb3: {  	[sflag:s24] =	ssyncset.done $0x0  }
0xb4: {  	s16 =	rddreg [dreg:$0x13];
	[sflag:s24] =	ssyncadd.s32 $0xFFFFFB00  }
0xb5: {  	[spmem:s16] =	stream.linear.scatter [tilespmem:s26], [sflag:$0x3], $0x500, $0x38;
	[tilespmem:$0x1D7A0] =	vst v63  }
0xb6: {  	_ =	swait.ge [sflag:s24], $0x500  }
0xb7: {  	[sflag:s24] =	ssyncset.done $0x0  }
0xb8: {  	[sflag:s24] =	ssyncadd.s32 $0xFFFFFB00  }
0xb9: {  	[spmem:s19] =	stream.linear.scatter [tilespmem:s26], [sflag:$0x3], $0x500, $0x38;
	[tilespmem:$0x1D7A0] =	vst v63  }
0xba: {  	_ =	swait.ge [sflag:s24], $0x500  }
0xbb: {  	[sflag:s24] =	ssyncset.done $0x0  }
0xbc: {  	[sflag:s24] =	ssyncadd.s32 $0xFFFFFB00  }
0xbd: {  	[bflag:$0x0] =	sbarrier.arrive $0xFFFF  }
0xbe: {  	s8 =	rddreg [dreg:$0x18]  }
0xbf: {  	s9 =	rddreg [dreg:$0x17]  }
0xc0: {  	s7 =	simm.s32 $0x0;
	s11 =	rddreg [dreg:$0xd]  }
.LBB2_6:
0xc1: {  	s12 =	rddreg [dreg:$0x6]  }
0xc2: {  	s12 =	sadd.s32 s7, s12  }
0xc3: {  	[tilespmem:s25], [sflag:$0x2] =	stream.linear.gather [hbm4b:s12+s5], $0x2800, $0x38;
	[tilespmem:$0x1D7A0] =	vst v63  }
0xc4: {  	_ = 	snop  }
0xc5: {  	[tilespmem:s28], [sflag:$0x2] =	stream.linear.gather [hbm4b:s8+s5], $0x50, $0x38;
	[tilespmem:$0x1D7A0] =	vst v63  }
0xc6: {  	s16 =	rddreg [dreg:$0x7]  }
0xc7: {  	[tilespmem:s16], [sflag:$0x2] =	stream.strided.gather [hbm4b:s9+s21], $0x280, s22, s21, $0x38;
	[tilespmem:$0x1D7A0] =	vst v63  }
0xc8: {  	_ =	swait.ge [sflag:s29], $0x2800  }
0xc9: {  	[sflag:s29] =	ssyncset.done $0x0  }
0xca: {  	[sflag:s29] =	ssyncadd.s32 $0xFFFFD800  }
0xcb: {  	_ =	swait.ge [sflag:s29], $0x50  }
0xcc: {  	[sflag:s29] =	ssyncset.done $0x0  }
0xcd: {  	[sflag:s29] =	ssyncadd.s32 $0xFFFFFFB0  }
0xce: {  	_ =	swait.ge [sflag:s29], $0x280  }
0xcf: {  	[sflag:s29] =	ssyncset.done $0x0  }
0xd0: {  	[sflag:s29] =	ssyncadd.s32 $0xFFFFFD80  }
0xd1: {  	v41 =	vld [tilespmem:$0x50A0];
	_ =	sdelay $0x4  }
0xd2: {  	[tilespmem:v0+s26+$0x0] =	vst.idx.msk $0xffff, v41  }
0xd3: {  	v41 =	vld [tilespmem:$0x50B0];
	_ =	sdelay $0x4  }
0xd4: {  	[tilespmem:v2+s26+$0x0] =	vst.idx.msk $0xffff, v41  }
0xd5: {  	v41 =	vld [tilespmem:$0x50C0];
	_ =	sdelay $0x4  }
0xd6: {  	[tilespmem:v3+s26+$0x0] =	vst.idx.msk $0xffff, v41  }
0xd7: {  	v41 =	vld [tilespmem:$0x50D0];
	_ =	sdelay $0x4  }
0xd8: {  	[tilespmem:v4+s26+$0x0] =	vst.idx.msk $0xffff, v41  }
0xd9: {  	v41 =	vld [tilespmem:$0x50E0];
	_ =	sdelay $0x4  }
0xda: {  	[tilespmem:v5+s26+$0x0] =	vst.idx.msk $0xffff, v41  }
0xdb: {  	v41 =	vld [tilespmem:$0x50F0];
	_ =	sdelay $0x4  }
0xdc: {  	[tilespmem:v6+s26+$0x0] =	vst.idx.msk $0xffff, v41  }
0xdd: {  	v41 =	vld [tilespmem:$0x5100];
	_ =	sdelay $0x4  }
0xde: {  	[tilespmem:v7+s26+$0x0] =	vst.idx.msk $0xffff, v41  }
0xdf: {  	v41 =	vld [tilespmem:$0x5110];
	_ =	sdelay $0x4  }
0xe0: {  	[tilespmem:v8+s26+$0x0] =	vst.idx.msk $0xffff, v41  }
0xe1: {  	v41 =	vld [tilespmem:$0x5120];
	_ =	sdelay $0x4  }
0xe2: {  	[tilespmem:v9+s26+$0x0] =	vst.idx.msk $0xffff, v41  }
0xe3: {  	v41 =	vld [tilespmem:$0x5130];
	_ =	sdelay $0x4  }
0xe4: {  	[tilespmem:v10+s26+$0x0] =	vst.idx.msk $0xffff, v41  }
0xe5: {  	v41 =	vld [tilespmem:$0x5140];
	_ =	sdelay $0x4  }
0xe6: {  	[tilespmem:v11+s26+$0x0] =	vst.idx.msk $0xffff, v41  }
0xe7: {  	v41 =	vld [tilespmem:$0x5150];
	_ =	sdelay $0x4  }
0xe8: {  	[tilespmem:v12+s26+$0x0] =	vst.idx.msk $0xffff, v41  }
0xe9: {  	v41 =	vld [tilespmem:$0x5160];
	_ =	sdelay $0x4  }
0xea: {  	[tilespmem:v13+s26+$0x0] =	vst.idx.msk $0xffff, v41  }
0xeb: {  	v41 =	vld [tilespmem:$0x5170];
	_ =	sdelay $0x4  }
0xec: {  	[tilespmem:v14+s26+$0x0] =	vst.idx.msk $0xffff, v41  }
0xed: {  	v41 =	vld [tilespmem:$0x5180];
	_ =	sdelay $0x4  }
0xee: {  	[tilespmem:v15+s26+$0x0] =	vst.idx.msk $0xffff, v41  }
0xef: {  	v41 =	vld [tilespmem:$0x5190];
	_ =	sdelay $0x4  }
0xf0: {  	[tilespmem:v16+s26+$0x0] =	vst.idx.msk $0xffff, v41  }
0xf1: {  	v41 =	vld [tilespmem:$0x51A0];
	_ =	sdelay $0x4  }
0xf2: {  	[tilespmem:v17+s26+$0x0] =	vst.idx.msk $0xffff, v41  }
0xf3: {  	v41 =	vld [tilespmem:$0x51B0];
	_ =	sdelay $0x4  }
0xf4: {  	[tilespmem:v18+s26+$0x0] =	vst.idx.msk $0xffff, v41  }
0xf5: {  	v41 =	vld [tilespmem:$0x51C0];
	_ =	sdelay $0x4  }
0xf6: {  	[tilespmem:v19+s26+$0x0] =	vst.idx.msk $0xffff, v41  }
0xf7: {  	v41 =	vld [tilespmem:$0x51D0];
	_ =	sdelay $0x4  }
0xf8: {  	[tilespmem:v20+s26+$0x0] =	vst.idx.msk $0xffff, v41  }
0xf9: {  	v41 =	vld [tilespmem:$0x51E0];
	_ =	sdelay $0x4  }
0xfa: {  	[tilespmem:v21+s26+$0x0] =	vst.idx.msk $0xffff, v41  }
0xfb: {  	v41 =	vld [tilespmem:$0x51F0];
	_ =	sdelay $0x4  }
0xfc: {  	[tilespmem:v22+s26+$0x0] =	vst.idx.msk $0xffff, v41  }
0xfd: {  	v41 =	vld [tilespmem:$0x5200];
	_ =	sdelay $0x4  }
0xfe: {  	[tilespmem:v23+s26+$0x0] =	vst.idx.msk $0xffff, v41  }
0xff: {  	v41 =	vld [tilespmem:$0x5210];
	_ =	sdelay $0x4  }
0x100: {  	[tilespmem:v24+s26+$0x0] =	vst.idx.msk $0xffff, v41  }
0x101: {  	v41 =	vld [tilespmem:$0x5220];
	_ =	sdelay $0x4  }
0x102: {  	[tilespmem:v25+s26+$0x0] =	vst.idx.msk $0xffff, v41  }
0x103: {  	v41 =	vld [tilespmem:$0x5230];
	_ =	sdelay $0x4  }
0x104: {  	[tilespmem:v26+s26+$0x0] =	vst.idx.msk $0xffff, v41  }
0x105: {  	v41 =	vld [tilespmem:$0x5240];
	_ =	sdelay $0x4  }
0x106: {  	[tilespmem:v27+s26+$0x0] =	vst.idx.msk $0xffff, v41  }
0x107: {  	v41 =	vld [tilespmem:$0x5250];
	_ =	sdelay $0x4  }
0x108: {  	[tilespmem:v28+s26+$0x0] =	vst.idx.msk $0xffff, v41  }
0x109: {  	v41 =	vld [tilespmem:$0x5260];
	_ =	sdelay $0x4  }
0x10a: {  	[tilespmem:v29+s26+$0x0] =	vst.idx.msk $0xffff, v41  }
0x10b: {  	v41 =	vld [tilespmem:$0x5270];
	_ =	sdelay $0x4  }
0x10c: {  	[tilespmem:v30+s26+$0x0] =	vst.idx.msk $0xffff, v41  }
0x10d: {  	v41 =	vld [tilespmem:$0x5280];
	_ =	sdelay $0x4  }
0x10e: {  	[tilespmem:v31+s26+$0x0] =	vst.idx.msk $0xffff, v41  }
0x10f: {  	v41 =	vld [tilespmem:$0x5290];
	_ =	sdelay $0x4  }
0x110: {  	[tilespmem:v32+s26+$0x0] =	vst.idx.msk $0xffff, v41  }
0x111: {  	v41 =	vld [tilespmem:$0x52A0];
	_ =	sdelay $0x4  }
0x112: {  	[tilespmem:v33+s26+$0x0] =	vst.idx.msk $0xffff, v41  }
0x113: {  	v41 =	vld [tilespmem:$0x52B0];
	_ =	sdelay $0x4  }
0x114: {  	[tilespmem:v34+s26+$0x0] =	vst.idx.msk $0xffff, v41  }
0x115: {  	v41 =	vld [tilespmem:$0x52C0];
	_ =	sdelay $0x4  }
0x116: {  	[tilespmem:v35+s26+$0x0] =	vst.idx.msk $0xffff, v41  }
0x117: {  	v41 =	vld [tilespmem:$0x52D0];
	_ =	sdelay $0x4  }
0x118: {  	[tilespmem:v36+s26+$0x0] =	vst.idx.msk $0xffff, v41  }
0x119: {  	v41 =	vld [tilespmem:$0x52E0];
	_ =	sdelay $0x4  }
0x11a: {  	[tilespmem:v37+s26+$0x0] =	vst.idx.msk $0xffff, v41  }
0x11b: {  	v41 =	vld [tilespmem:$0x52F0];
	_ =	sdelay $0x4  }
0x11c: {  	[tilespmem:v38+s26+$0x0] =	vst.idx.msk $0xffff, v41  }
0x11d: {  	v41 =	vld [tilespmem:$0x5300];
	_ =	sdelay $0x4  }
0x11e: {  	[tilespmem:v39+s26+$0x0] =	vst.idx.msk $0xffff, v41  }
0x11f: {  	v41 =	vld [tilespmem:$0x5310];
	_ =	sdelay $0x4  }
0x120: {  	[tilespmem:v40+s26+$0x0] =	vst.idx.msk $0xffff, v41  }
0x121: {  	[spmem:s3] =	stream.indirect.scatter.add.f32 [tilespmem:s5], [sflag:$0x4], $0x80, s20, s21, $0xb8;
	[tilespmem:$0x1D7A0] =	vst v63  }
0x122: {  	_ =	swait.ge [sflag:s30], $0x2800  }
0x123: {  	[sflag:s30] =	ssyncset.done $0x0  }
0x124: {  	[sflag:s30] =	ssyncadd.s32 $0xFFFFD800  }
0x125: {  	[spmem:s4] =	stream.indirect.scatter.add.f32 [tilespmem:s26], [sflag:$0x4], $0x10, s20, s21, $0xb8;
	[tilespmem:$0x1D7A0] =	vst v63  }
0x126: {  	_ =	swait.ge [sflag:s30], $0x500  }
0x127: {  	p0 =	seq.s32 s7, $0xF000;
	s12 =	rddreg [dreg:$0x5];
	[sflag:s30] =	ssyncset.done $0x0  }
0x128: {  	s14 =	simm.s32 @!p0 $0x0;
	[sflag:s30] =	ssyncadd.s32 $0xFFFFFB00;
	s12 =	sadd.s32 @!p0 s7, s12  }
0x129: {  	[tilespmem:s14], [sflag:$0x1] =	stream.linear.gather @!p0 [hbm4b:s12+s14], $0x2800, $0x38;
	[tilespmem:$0x1D7A0] =	vst v63  }
0x12a: {  	s12 =	sshrl.u32 @!p0 s11, $0x3  }
0x12b: {  	s16 =	simm.s32 @!p0 $0x5000;
	s15 =	sadd.s32 @!p0 s6, s12;
	s12 =	sadd.s32 @!p0 s1, s12  }
0x12c: {  	[tilespmem:s16], [sflag:$0x1] =	stream.linear.gather @!p0 [hbm4b:s15+s14], $0x50, $0x38;
	[tilespmem:$0x1D7A0] =	vst v63  }
0x12d: {  	s14 =	simm.s32 @!p0 $0x50;
	s15 =	simm.s32 @!p0 $0x1F400;
	s16 =	simm.s32 @!p0 $0x50A0  }
0x12e: {  	[tilespmem:s16], [sflag:$0x1] =	stream.strided.gather @!p0 [hbm4b:s12+s14], $0x280, s15, s14, $0x38;
	[tilespmem:$0x1D7A0] =	vst v63  }
0x12f: {  	_ =	swait.ge [sflag:s31], $0x2800  }
0x130: {  	[sflag:s31] =	ssyncset.done $0x0  }
0x131: {  	[sflag:s31] =	ssyncadd.s32 $0xFFFFD800  }
0x132: {  	_ =	swait.ge [sflag:s31], $0x50  }
0x133: {  	[sflag:s31] =	ssyncset.done $0x0  }
0x134: {  	[sflag:s31] =	ssyncadd.s32 $0xFFFFFFB0  }
0x135: {  	_ =	swait.ge [sflag:s31], $0x280  }
0x136: {  	[sflag:s31] =	ssyncset.done $0x0  }
0x137: {  	[sflag:s31] =	ssyncadd.s32 $0xFFFFFD80  }
0x138: {  	v63 =	vld [tilespmem:$0x5320];
	_ =	sdelay $0x4  }
0x139: {  	[tilespmem:v0+s2+$0x0] =	vst.idx.msk $0xffff, v63  }
0x13a: {  	v41 =	vld [tilespmem:$0x5330];
	_ =	sdelay $0x4  }
0x13b: {  	[tilespmem:v2+s2+$0x0] =	vst.idx.msk $0xffff, v41  }
0x13c: {  	v41 =	vld [tilespmem:$0x5340];
	_ =	sdelay $0x4  }
0x13d: {  	[tilespmem:v3+s2+$0x0] =	vst.idx.msk $0xffff, v41  }
0x13e: {  	v41 =	vld [tilespmem:$0x5350];
	_ =	sdelay $0x4  }
0x13f: {  	[tilespmem:v4+s2+$0x0] =	vst.idx.msk $0xffff, v41  }
0x140: {  	v41 =	vld [tilespmem:$0x5360];
	_ =	sdelay $0x4  }
0x141: {  	[tilespmem:v5+s2+$0x0] =	vst.idx.msk $0xffff, v41  }
0x142: {  	v41 =	vld [tilespmem:$0x5370];
	_ =	sdelay $0x4  }
0x143: {  	[tilespmem:v6+s2+$0x0] =	vst.idx.msk $0xffff, v41  }
0x144: {  	v41 =	vld [tilespmem:$0x5380];
	_ =	sdelay $0x4  }
0x145: {  	[tilespmem:v7+s2+$0x0] =	vst.idx.msk $0xffff, v41  }
0x146: {  	v41 =	vld [tilespmem:$0x5390];
	_ =	sdelay $0x4  }
0x147: {  	[tilespmem:v8+s2+$0x0] =	vst.idx.msk $0xffff, v41  }
0x148: {  	v41 =	vld [tilespmem:$0x53A0];
	_ =	sdelay $0x4  }
0x149: {  	[tilespmem:v9+s2+$0x0] =	vst.idx.msk $0xffff, v41  }
0x14a: {  	v41 =	vld [tilespmem:$0x53B0];
	_ =	sdelay $0x4  }
0x14b: {  	[tilespmem:v10+s2+$0x0] =	vst.idx.msk $0xffff, v41  }
0x14c: {  	v41 =	vld [tilespmem:$0x53C0];
	_ =	sdelay $0x4  }
0x14d: {  	[tilespmem:v11+s2+$0x0] =	vst.idx.msk $0xffff, v41  }
0x14e: {  	v41 =	vld [tilespmem:$0x53D0];
	_ =	sdelay $0x4  }
0x14f: {  	[tilespmem:v12+s2+$0x0] =	vst.idx.msk $0xffff, v41  }
0x150: {  	v41 =	vld [tilespmem:$0x53E0];
	_ =	sdelay $0x4  }
0x151: {  	[tilespmem:v13+s2+$0x0] =	vst.idx.msk $0xffff, v41  }
0x152: {  	v41 =	vld [tilespmem:$0x53F0];
	_ =	sdelay $0x4  }
0x153: {  	[tilespmem:v14+s2+$0x0] =	vst.idx.msk $0xffff, v41  }
0x154: {  	v41 =	vld [tilespmem:$0x5400];
	_ =	sdelay $0x4  }
0x155: {  	[tilespmem:v15+s2+$0x0] =	vst.idx.msk $0xffff, v41  }
0x156: {  	v41 =	vld [tilespmem:$0x5410];
	_ =	sdelay $0x4  }
0x157: {  	[tilespmem:v16+s2+$0x0] =	vst.idx.msk $0xffff, v41  }
0x158: {  	v41 =	vld [tilespmem:$0x5420];
	_ =	sdelay $0x4  }
0x159: {  	[tilespmem:v17+s2+$0x0] =	vst.idx.msk $0xffff, v41  }
0x15a: {  	v41 =	vld [tilespmem:$0x5430];
	_ =	sdelay $0x4  }
0x15b: {  	[tilespmem:v18+s2+$0x0] =	vst.idx.msk $0xffff, v41  }
0x15c: {  	v41 =	vld [tilespmem:$0x5440];
	_ =	sdelay $0x4  }
0x15d: {  	[tilespmem:v19+s2+$0x0] =	vst.idx.msk $0xffff, v41  }
0x15e: {  	v41 =	vld [tilespmem:$0x5450];
	_ =	sdelay $0x4  }
0x15f: {  	[tilespmem:v20+s2+$0x0] =	vst.idx.msk $0xffff, v41  }
0x160: {  	v41 =	vld [tilespmem:$0x5460];
	_ =	sdelay $0x4  }
0x161: {  	[tilespmem:v21+s2+$0x0] =	vst.idx.msk $0xffff, v41  }
0x162: {  	v41 =	vld [tilespmem:$0x5470];
	_ =	sdelay $0x4  }
0x163: {  	[tilespmem:v22+s2+$0x0] =	vst.idx.msk $0xffff, v41  }
0x164: {  	v41 =	vld [tilespmem:$0x5480];
	_ =	sdelay $0x4  }
0x165: {  	[tilespmem:v23+s2+$0x0] =	vst.idx.msk $0xffff, v41  }
0x166: {  	v41 =	vld [tilespmem:$0x5490];
	_ =	sdelay $0x4  }
0x167: {  	[tilespmem:v24+s2+$0x0] =	vst.idx.msk $0xffff, v41  }
0x168: {  	v41 =	vld [tilespmem:$0x54A0];
	_ =	sdelay $0x4  }
0x169: {  	[tilespmem:v25+s2+$0x0] =	vst.idx.msk $0xffff, v41  }
0x16a: {  	v41 =	vld [tilespmem:$0x54B0];
	_ =	sdelay $0x4  }
0x16b: {  	[tilespmem:v26+s2+$0x0] =	vst.idx.msk $0xffff, v41  }
0x16c: {  	v41 =	vld [tilespmem:$0x54C0];
	_ =	sdelay $0x4  }
0x16d: {  	[tilespmem:v27+s2+$0x0] =	vst.idx.msk $0xffff, v41  }
0x16e: {  	v41 =	vld [tilespmem:$0x54D0];
	_ =	sdelay $0x4  }
0x16f: {  	[tilespmem:v28+s2+$0x0] =	vst.idx.msk $0xffff, v41  }
0x170: {  	v41 =	vld [tilespmem:$0x54E0];
	_ =	sdelay $0x4  }
0x171: {  	[tilespmem:v29+s2+$0x0] =	vst.idx.msk $0xffff, v41  }
0x172: {  	v41 =	vld [tilespmem:$0x54F0];
	_ =	sdelay $0x4  }
0x173: {  	[tilespmem:v30+s2+$0x0] =	vst.idx.msk $0xffff, v41  }
0x174: {  	v41 =	vld [tilespmem:$0x5500];
	_ =	sdelay $0x4  }
0x175: {  	[tilespmem:v31+s2+$0x0] =	vst.idx.msk $0xffff, v41  }
0x176: {  	v41 =	vld [tilespmem:$0x5510];
	_ =	sdelay $0x4  }
0x177: {  	[tilespmem:v32+s2+$0x0] =	vst.idx.msk $0xffff, v41  }
0x178: {  	v41 =	vld [tilespmem:$0x5520];
	_ =	sdelay $0x4  }
0x179: {  	[tilespmem:v33+s2+$0x0] =	vst.idx.msk $0xffff, v41  }
0x17a: {  	v41 =	vld [tilespmem:$0x5530];
	_ =	sdelay $0x4  }
0x17b: {  	[tilespmem:v34+s2+$0x0] =	vst.idx.msk $0xffff, v41  }
0x17c: {  	v41 =	vld [tilespmem:$0x5540];
	_ =	sdelay $0x4  }
0x17d: {  	[tilespmem:v35+s2+$0x0] =	vst.idx.msk $0xffff, v41  }
0x17e: {  	v41 =	vld [tilespmem:$0x5550];
	_ =	sdelay $0x4  }
0x17f: {  	[tilespmem:v36+s2+$0x0] =	vst.idx.msk $0xffff, v41  }
0x180: {  	v41 =	vld [tilespmem:$0x5560];
	_ =	sdelay $0x4  }
0x181: {  	[tilespmem:v37+s2+$0x0] =	vst.idx.msk $0xffff, v41  }
0x182: {  	v41 =	vld [tilespmem:$0x5570];
	_ =	sdelay $0x4  }
0x183: {  	[tilespmem:v38+s2+$0x0] =	vst.idx.msk $0xffff, v41  }
0x184: {  	v41 =	vld [tilespmem:$0x5580];
	_ =	sdelay $0x4  }
0x185: {  	[tilespmem:v39+s2+$0x0] =	vst.idx.msk $0xffff, v41  }
0x186: {  	v41 =	vld [tilespmem:$0x5590];
	_ =	sdelay $0x4  }
0x187: {  	[tilespmem:v40+s2+$0x0] =	vst.idx.msk $0xffff, v41  }
0x188: {  	[spmem:s3] =	stream.indirect.scatter.add.f32 [tilespmem:s25], [sflag:$0x4], $0x80, s28, s21, $0xb8;
	[tilespmem:$0x1D7A0] =	vst v63  }
0x189: {  	s7 =	sadd.s32 $0xA00, s7;
	_ =	swait.ge [sflag:s30], $0x2800  }
0x18a: {  	p0 =	sne.s32 s7, $0xFA00;
	[sflag:s30] =	ssyncset.done $0x0  }
.Ltmp2:
0x18b: {  	[sflag:s30] =	ssyncadd.s32 $0xFFFFD800;
	(pc) =	sbr.rel @p0 .LBB2_6-.Ltmp2, $4  }
0x18c: {  	[spmem:s4] =	stream.indirect.scatter.add.f32 [tilespmem:s2], [sflag:$0x3], $0x10, s28, s21, $0xb8;
	[tilespmem:$0x1D7A0] =	vst v63  }
0x18d: {  	_ =	swait.ge [sflag:s24], $0x500  }
0x18e: {  	s8 =	sadd.s32 $0x14, s8;
	[sflag:s24] =	ssyncset.done $0x0  }
0x18f: {  	s9 =	sadd.s32 $0x14, s9;
	s11 =	sadd.s32 $0xA0, s11;
	[sflag:s24] =	ssyncadd.s32 $0xFFFFFB00  }
0x190: {  	s7 =	stileid.u32  }
0x191: {  	[bflag:$0x0] =	sbarrier.arrive $0xFFFF;
	s7 =	sshll.u32 s7, $0x6  }
0x192: {  	s8 =	sshrl.u32 s10, $0x3;
	s9 =	rddreg [dreg:$0x14];
	s7 =	sor.u32 $0x1C03, s7  }
0x193: {  	[hbm:s9], [sflag:s7] =	dma.local [spmem:s8], $0x2800  }
0x194: {  	_ =	swait.ge [sflag:s24], $0x2800  }
0x195: {  	[sflag:s24] =	ssyncset.done $0x0  }
0x196: {  	s14 =	sshrl.u32 s17, $0x3;
	s15 =	rddreg [dreg:$0x15];
	[sflag:s24] =	ssyncadd.s32 $0xFFFFD800  }
0x197: {  	[hbm:s15], [sflag:s7] =	dma.local [spmem:s14], $0x500  }
0x198: {  	_ =	swait.ge [sflag:s24], $0x500  }
0x199: {  	s0 =	sadd.s32 $0x1, s0;
	s16 =	rddreg [dreg:$0x16]  }
0x19a: {  	p0 =	sne.s32 s0, s16  }
.Ltmp3:
0x19b: {  	_ = 	snop;
	(pc) =	sbr.rel @p0 .LBB2_1-.Ltmp3, $3  }
0x19c: {  	_ =	sdelay $0x1  }
0x19d: {  	[sflag:s24] =	ssyncset.done $0x0  }
0x19e: {  	[sflag:s24] =	ssyncadd.s32 $0xFFFFFB00  }
0x19f: {  	_ =	sfence.sel $0x180000  }
0x1a0: {  	[bflag:$0x0] =	sbarrier.arrive $0xFFFF  }
0x1a1: {  	_ =	strace $0x90000047  }
0x1a2: {  	s0 =	stileid.u32;
	[bflag:$0x2] =	sbarrier.arrive $0xFFFF  }
0x1a3: {  	p0 =	sne.s32 s0, $0x0;
	s0 =	rddreg [dreg:$0x4]  }
0x1a4: {  	s0 =	sadd.s32 @!p0 $0x100000, s0  }
0x1a5: {  	[sflag:s0] =	ssyncadd.tile.s32 @!p0 $0x1;
	_ =	shalt  }
.Lfunc_end2:
_tile_overlayer_lowered:
.L_overlay_start_2:
0x1a6: {  	(tag) =	ssettag $0x2  }
0x1a7: {  	s0 =	rddreg [dreg:$0x0];
	s2 =	stileid.u32  }
0x1a8: {  	s1 =	rddreg [dreg:$0x1];
	p0 =	sne.s32 s2, $0x0  }
0x1a9: {  	s3 =	rddreg [dreg:$0x2];
	[bflag:$0x3] =	sbarrier.arrive $0xFFFF;
	s2 =	simm.s32 @!p0 $0x1C03  }
0x1aa: {  	[timem:s3], [sflag:s2] =	dma.local @!p0 [hbm:s0], s1  }
0x1ab: {  	s0 =	simm.s32 @!p0 $0x3  }
0x1ac: {  	_ =	swait.ge @!p0 [sflag:s0], s1  }
0x1ad: {  	s1 =	ssub.s32 @!p0 $0x0, s1;
	[sflag:s0] =	ssyncset.done @!p0 $0x0  }
0x1ae: {  	[sflag:s0] =	ssyncadd.s32 @!p0 s1  }
0x1af: {  	[bflag:$0x3] =	sbarrier.arrive $0xFFFF  }
0x1b0: {  	_ =	shalt  }

</sc_bundles>
